<compile_context>
chip_gen: v7x
topology: tpu7x:2x2x1
jax: 0.10.2.dev20260603
libtpu: 0.0.44.dev20260713+nightly
codegen_flags: <defaults>
</compile_context>

<pallas_src>
import functools
import math

import jax
import jax.numpy as jnp
from jax import lax
from jax.experimental import pallas as pl
from jax.experimental.pallas import tpu as pltpu
from jax.experimental.pallas import tpu_sc as plsc

B = 16384
D = 32
NC = 2
NS = 16
NW = NC * NS
BPW = B // NW
CHUNK = 128
NCH = BPW // CHUNK

_mesh = plsc.VectorSubcoreMesh(core_axis_name="c", subcore_axis_name="s")


@functools.partial(
    pl.kernel,
    mesh=_mesh,
    out_type=jax.ShapeDtypeStruct((B,), jnp.float32),
    scratch_types=[
        pltpu.VMEM((BPW,), jnp.int32),
        pltpu.VMEM((2 * BPW,), jnp.int32),
        pltpu.VMEM((BPW,), jnp.int32),
        pltpu.VMEM((BPW,), jnp.int32),
        pltpu.VMEM((BPW,), jnp.int32),
        pltpu.VMEM((2, CHUNK, 128), jnp.float32),
        pltpu.VMEM((2, CHUNK, 128), jnp.float32),
        pltpu.VMEM((2, CHUNK, 128), jnp.float32),
        pltpu.VMEM((16 * BPW,), jnp.float32),
        pltpu.VMEM((BPW,), jnp.float32),
        pltpu.SemaphoreType.DMA,
        pltpu.SemaphoreType.DMA,
        pltpu.SemaphoreType.DMA,
        pltpu.SemaphoreType.DMA,
        pltpu.SemaphoreType.DMA,
        pltpu.SemaphoreType.DMA,
    ],
    compiler_params=pltpu.CompilerParams(needs_layout_passes=False),
)
def _sc_dots(users_hbm, item_idx_hbm, ut_hbm, it_hbm, out_hbm,
             ui_v, ii_v, su_v, sp_v, sn_v, u_v, p_v, n_v, t_v, d_v,
             su0, su1, sp0, sp1, sn0, sn1):
    wid = lax.axis_index("s") * NC + lax.axis_index("c")
    base = wid * BPW
    pltpu.sync_copy(users_hbm.at[pl.ds(base, BPW)], ui_v)
    pltpu.sync_copy(item_idx_hbm.at[pl.ds(2 * base, 2 * BPW)], ii_v)

    def shift_body(k, carry):
        su_v[pl.ds(k * 16, 16)] = lax.shift_right_logical(
            ui_v[pl.ds(k * 16, 16)], 2)
        sp_v[pl.ds(k * 16, 16)] = lax.shift_right_logical(
            ii_v[pl.ds(k * 16, 16)], 2)
        sn_v[pl.ds(k * 16, 16)] = lax.shift_right_logical(
            ii_v[pl.ds(BPW + k * 16, 16)], 2)
        return carry

    lax.fori_loop(0, BPW // 16, shift_body, 0)

    sems = ((su0, sp0, sn0), (su1, sp1, sn1))

    def issue(c):
        pr = c % 2
        cu = pltpu.async_copy(
            ut_hbm.at[su_v.at[pl.ds(c * CHUNK, CHUNK)]], u_v.at[pr],
            sems[pr][0])
        cp = pltpu.async_copy(
            it_hbm.at[sp_v.at[pl.ds(c * CHUNK, CHUNK)]], p_v.at[pr],
            sems[pr][1])
        cn = pltpu.async_copy(
            it_hbm.at[sn_v.at[pl.ds(c * CHUNK, CHUNK)]], n_v.at[pr],
            sems[pr][2])
        return cu, cp, cn

    lane = lax.iota(jnp.int32, 16)
    lane_off = lane * BPW

    def compute_chunk(c):
        pr = c % 2

        def row_body(r, carry):
            blk = r * 16
            gb = c * CHUNK + blk
            quv = (ui_v[pl.ds(gb, 16)] & 3) * D
            qpv = (ii_v[pl.ds(gb, 16)] & 3) * D
            qnv = (ii_v[pl.ds(BPW + gb, 16)] & 3) * D
            for j in range(16):
                i = blk + j
                qu = pl.multiple_of(quv[j], D)
                qp = pl.multiple_of(qpv[j], D)
                qn = pl.multiple_of(qnv[j], D)
                u0 = u_v[pr, i, pl.ds(qu, 16)]
                u1 = u_v[pr, i, pl.ds(qu + 16, 16)]
                p0 = p_v[pr, i, pl.ds(qp, 16)]
                p1 = p_v[pr, i, pl.ds(qp + 16, 16)]
                n0 = n_v[pr, i, pl.ds(qn, 16)]
                n1 = n_v[pr, i, pl.ds(qn + 16, 16)]
                s = u0 * (p0 - n0) + u1 * (p1 - n1)
                plsc.store_scatter(t_v, [lane_off + (gb + j)], s)
            return carry

        lax.fori_loop(0, CHUNK // 16, row_body, 0)

    pending = issue(0)
    for c in range(NCH):
        nxt = issue(c + 1) if c + 1 < NCH else None
        for cp in pending:
            cp.wait()
        compute_chunk(c)
        pending = nxt

    def col_body(cb, carry):
        acc = t_v[pl.ds(cb * 16, 16)]
        for k in range(1, 16):
            acc = acc + t_v[pl.ds(k * BPW + cb * 16, 16)]
        d_v[pl.ds(cb * 16, 16)] = acc
        return carry

    lax.fori_loop(0, BPW // 16, col_body, 0)
    pltpu.sync_copy(d_v, out_hbm.at[pl.ds(base, BPW)])


_INV_LN2 = 1.0 / math.log(2.0)


def _loss_body(x_ref, o_ref):
    x = x_ref[...]
    t = -x
    sp = jnp.maximum(t, 0.0) + jnp.log1p(jnp.exp(-jnp.abs(t)))
    o_ref[0, 0] = jnp.sum(sp) * _INV_LN2


_loss_call = pl.pallas_call(
    _loss_body,
    out_shape=jax.ShapeDtypeStruct((1, 1), jnp.float32),
    out_specs=pl.BlockSpec(memory_space=pltpu.SMEM),
)


@jax.jit
def kernel(users, pos_items, neg_items, user_table, item_table):
    users = users.astype(jnp.int32)
    pos_items = pos_items.astype(jnp.int32)
    neg_items = neg_items.astype(jnp.int32)
    item_idx = jnp.concatenate(
        [pos_items.reshape(NW, BPW), neg_items.reshape(NW, BPW)], axis=1
    ).reshape(2 * B)
    ut = user_table.reshape(-1, 128)
    it = item_table.reshape(-1, 128)
    d = _sc_dots(users, item_idx, ut, it)
    loss = _loss_call(d.reshape(128, 128))
    return loss[0, 0]

# --- scband reference (transcript-rebuilt; emitter-appended) ---
"""Pipeline reference for scband-bpr-12395275616476 (READ-ONLY COPY).

The authoritative reference and input builder live on the scoring server;
editing this copy changes nothing except your own understanding.
"""

import jax, jax.numpy as jnp
import numpy as np

USER_NUM = 1000000
ITEM_NUM = 1000000
DIM = 32
BATCH = 16384

def setup_inputs(seed: int = 0) -> dict:
    key = jax.random.key(seed)
    k1, k2, k3, k4, k5 = jax.random.split(key, 5)
    users = jax.random.randint(k1, (BATCH,), 0, USER_NUM, dtype=jnp.int64) if jax.config.jax_enable_x64 else jax.random.randint(k1, (BATCH,), 0, USER_NUM, dtype=jnp.int32)
    pos_items = jax.random.randint(k2, (BATCH,), 0, ITEM_NUM, dtype=users.dtype)
    neg_items = jax.random.randint(k3, (BATCH,), 0, ITEM_NUM, dtype=users.dtype)
    user_table = jax.random.normal(k4, (USER_NUM, DIM), dtype=jnp.float32) * 0.01
    item_table = jax.random.normal(k5, (ITEM_NUM, DIM), dtype=jnp.float32) * 0.01
    return {"users": users, "pos_items": pos_items, "neg_items": neg_items,
            "user_table": user_table, "item_table": item_table}

def reference(users, pos_items, neg_items, user_table, item_table):
    users_emb = jnp.take(user_table, users, axis=0)
    pos_items_emb = jnp.take(item_table, pos_items, axis=0)
    neg_items_emb = jnp.take(item_table, neg_items, axis=0)
    u_i = jnp.sum(users_emb * pos_items_emb, axis=1)
    u_j = jnp.sum(users_emb * neg_items_emb, axis=1)
    loss = -jnp.sum(jnp.log2(jax.nn.sigmoid(u_i - u_j)))
    return loss

if __name__ == "__main__":
    import jax
    _d = setup_inputs()
    print(jax.jit(kernel)(*tuple(_d.values())))

</pallas_src>

<mosaic_0001>
#map = affine_map<(d0, d1) -> (0)>
#map1 = affine_map<(d0, d1) -> (0, 0)>
module attributes {stable_mosaic.version = 14 : i64} {
  func.func @_sc_dots(%arg0: i32, %arg1: i32, %arg2: memref<16384xi32, #tpu.memory_space<hbm>>, %arg3: memref<32768xi32, #tpu.memory_space<hbm>>, %arg4: memref<250000x128xf32, #tpu.memory_space<hbm>>, %arg5: memref<250000x128xf32, #tpu.memory_space<hbm>>, %arg6: memref<16384xf32, #tpu.memory_space<hbm>>, %arg7: memref<512xi32, #tpu.memory_space<vmem>>, %arg8: memref<1024xi32, #tpu.memory_space<vmem>>, %arg9: memref<512xi32, #tpu.memory_space<vmem>>, %arg10: memref<512xi32, #tpu.memory_space<vmem>>, %arg11: memref<512xi32, #tpu.memory_space<vmem>>, %arg12: memref<2x128x128xf32, #tpu.memory_space<vmem>>, %arg13: memref<2x128x128xf32, #tpu.memory_space<vmem>>, %arg14: memref<2x128x128xf32, #tpu.memory_space<vmem>>, %arg15: memref<8192xf32, #tpu.memory_space<vmem>>, %arg16: memref<512xf32, #tpu.memory_space<vmem>>, %arg17: memref<!tpu.dma_semaphore, #tpu.memory_space<semaphore_mem>>, %arg18: memref<!tpu.dma_semaphore, #tpu.memory_space<semaphore_mem>>, %arg19: memref<!tpu.dma_semaphore, #tpu.memory_space<semaphore_mem>>, %arg20: memref<!tpu.dma_semaphore, #tpu.memory_space<semaphore_mem>>, %arg21: memref<!tpu.dma_semaphore, #tpu.memory_space<semaphore_mem>>, %arg22: memref<!tpu.dma_semaphore, #tpu.memory_space<semaphore_mem>>) attributes {dimension_semantics = [#tpu.dimension_semantics<core_parallel>, #tpu.dimension_semantics<subcore_parallel>], iteration_bounds = array<i64: 2, 16>, scalar_prefetch = 0 : i64, scratch_operands = 16 : i64, tpu.core_type = #tpu.core_type<sc_vector_subcore>, window_params = [{transform_indices = #map}, {transform_indices = #map}, {transform_indices = #map1}, {transform_indices = #map1}, {transform_indices = #map}]} {
    %mul3A = arith.constant 2 : i32
    %mul3A_0 = arith.muli %arg1, %mul3A : i32
    %add3A = arith.addi %mul3A_0, %arg0 : i32
    %mul3A_1 = arith.constant 512 : i32
    %mul3A_2 = arith.muli %add3A, %mul3A_1 : i32
    "tpu.region"() ({
      %run_scoped3A = tpu.sem_alloc : memref<!tpu.dma_semaphore, #tpu.memory_space<semaphore_mem>>
      %dma_start3A_281 = tpu.memref_slice %arg2[%mul3A_2] : memref<16384xi32, #tpu.memory_space<hbm>> -> memref<512xi32, #tpu.memory_space<hbm>>
      %dma_start3A_282 = tpu.memref_slice %arg2[%mul3A_2] : memref<16384xi32, #tpu.memory_space<hbm>> -> memref<512xi32, #tpu.memory_space<hbm>>
      tpu.enqueue_dma source(%dma_start3A_282 : memref<512xi32, #tpu.memory_space<hbm>>) target(%arg7 : memref<512xi32, #tpu.memory_space<vmem>>) target_semaphore(%run_scoped3A : memref<!tpu.dma_semaphore, #tpu.memory_space<semaphore_mem>>)
      %dma_wait3A_283 = tpu.memref_slice %arg2[%mul3A_2] : memref<16384xi32, #tpu.memory_space<hbm>> -> memref<512xi32, #tpu.memory_space<hbm>>
      %dma_wait3A_284 = tpu.memref_slice %arg2[%mul3A_2] : memref<16384xi32, #tpu.memory_space<hbm>> -> memref<512xi32, #tpu.memory_space<hbm>>
      tpu.wait_dma2 semaphore(%run_scoped3A : memref<!tpu.dma_semaphore, #tpu.memory_space<semaphore_mem>>) src(%dma_wait3A_284 : memref<512xi32, #tpu.memory_space<hbm>>) dst(%arg7 : memref<512xi32, #tpu.memory_space<vmem>>)
      tpu.yield
    }) : () -> ()
    %mul3A_3 = arith.constant 2 : i32
    %mul3A_4 = arith.muli %mul3A_3, %mul3A_2 : i32
    "tpu.region"() ({
      %run_scoped3A = tpu.sem_alloc : memref<!tpu.dma_semaphore, #tpu.memory_space<semaphore_mem>>
      %dma_start3A_281 = tpu.memref_slice %arg3[%mul3A_4] : memref<32768xi32, #tpu.memory_space<hbm>> -> memref<1024xi32, #tpu.memory_space<hbm>>
      %dma_start3A_282 = tpu.memref_slice %arg3[%mul3A_4] : memref<32768xi32, #tpu.memory_space<hbm>> -> memref<1024xi32, #tpu.memory_space<hbm>>
      tpu.enqueue_dma source(%dma_start3A_282 : memref<1024xi32, #tpu.memory_space<hbm>>) target(%arg8 : memref<1024xi32, #tpu.memory_space<vmem>>) target_semaphore(%run_scoped3A : memref<!tpu.dma_semaphore, #tpu.memory_space<semaphore_mem>>)
      %dma_wait3A_283 = tpu.memref_slice %arg3[%mul3A_4] : memref<32768xi32, #tpu.memory_space<hbm>> -> memref<1024xi32, #tpu.memory_space<hbm>>
      %dma_wait3A_284 = tpu.memref_slice %arg3[%mul3A_4] : memref<32768xi32, #tpu.memory_space<hbm>> -> memref<1024xi32, #tpu.memory_space<hbm>>
      tpu.wait_dma2 semaphore(%run_scoped3A : memref<!tpu.dma_semaphore, #tpu.memory_space<semaphore_mem>>) src(%dma_wait3A_284 : memref<1024xi32, #tpu.memory_space<hbm>>) dst(%arg8 : memref<1024xi32, #tpu.memory_space<vmem>>)
      tpu.yield
    }) : () -> ()
    %scan3A = arith.constant 0 : i32
    %scan3A_5 = arith.constant 0 : i32
    %scan3A_6 = arith.constant 32 : i32
    %scan3A_7 = arith.addi %scan3A_5, %scan3A_6 : i32
    %scan3A_8 = arith.constant 1 : i32
    scf.for %scan3A_281 = %scan3A_5 to %scan3A_7 step %scan3A_8  : i32 {
      %mul3A_282 = arith.constant 16 : i32
      %mul3A_283 = arith.muli %scan3A_281, %mul3A_282 : i32
      %get3A = arith.index_cast %mul3A_283 : i32 to index
      %get3A_284 = tpu.vector_load %arg7[%get3A] {strides = array<i32>} : memref<512xi32, #tpu.memory_space<vmem>>, vector<16xi32>,
      %shift_right_logical3A = arith.constant 2 : i32
      %shift_right_logical3A_285 = vector.broadcast %shift_right_logical3A : i32 to vector<16xi32>
      %shift_right_logical3A_286 = arith.shrui %get3A_284, %shift_right_logical3A_285 : vector<16xi32>
      %mul3A_287 = arith.constant 16 : i32
      %mul3A_288 = arith.muli %scan3A_281, %mul3A_287 : i32
      %swap3A = arith.index_cast %mul3A_288 : i32 to index
      %swap3A_289 = tpu.vector_load %arg9[%swap3A] {strides = array<i32>} : memref<512xi32, #tpu.memory_space<vmem>>, vector<16xi32>,
      tpu.vector_store %arg9[%swap3A], %shift_right_logical3A_286 {strides = array<i32>} : memref<512xi32, #tpu.memory_space<vmem>>, vector<16xi32>,
      %mul3A_290 = arith.constant 16 : i32
      %mul3A_291 = arith.muli %scan3A_281, %mul3A_290 : i32
      %get3A_292 = arith.index_cast %mul3A_291 : i32 to index
      %get3A_293 = tpu.vector_load %arg8[%get3A_292] {strides = array<i32>} : memref<1024xi32, #tpu.memory_space<vmem>>, vector<16xi32>,
      %shift_right_logical3A_294 = arith.constant 2 : i32
      %shift_right_logical3A_295 = vector.broadcast %shift_right_logical3A_294 : i32 to vector<16xi32>
      %shift_right_logical3A_296 = arith.shrui %get3A_293, %shift_right_logical3A_295 : vector<16xi32>
      %mul3A_297 = arith.constant 16 : i32
      %mul3A_298 = arith.muli %scan3A_281, %mul3A_297 : i32
      %swap3A_299 = arith.index_cast %mul3A_298 : i32 to index
      %swap3A_300 = tpu.vector_load %arg10[%swap3A_299] {strides = array<i32>} : memref<512xi32, #tpu.memory_space<vmem>>, vector<16xi32>,
      tpu.vector_store %arg10[%swap3A_299], %shift_right_logical3A_296 {strides = array<i32>} : memref<512xi32, #tpu.memory_space<vmem>>, vector<16xi32>,
      %mul3A_301 = arith.constant 16 : i32
      %mul3A_302 = arith.muli %scan3A_281, %mul3A_301 : i32
      %add3A_303 = arith.constant 512 : i32
      %add3A_304 = arith.addi %add3A_303, %mul3A_302 : i32
      %get3A_305 = arith.index_cast %add3A_304 : i32 to index
      %get3A_306 = tpu.vector_load %arg8[%get3A_305] {strides = array<i32>} : memref<1024xi32, #tpu.memory_space<vmem>>, vector<16xi32>,
      %shift_right_logical3A_307 = arith.constant 2 : i32
      %shift_right_logical3A_308 = vector.broadcast %shift_right_logical3A_307 : i32 to vector<16xi32>
      %shift_right_logical3A_309 = arith.shrui %get3A_306, %shift_right_logical3A_308 : vector<16xi32>
      %mul3A_310 = arith.constant 16 : i32
      %mul3A_311 = arith.muli %scan3A_281, %mul3A_310 : i32
      %swap3A_312 = arith.index_cast %mul3A_311 : i32 to index
      %swap3A_313 = tpu.vector_load %arg11[%swap3A_312] {strides = array<i32>} : memref<512xi32, #tpu.memory_space<vmem>>, vector<16xi32>,
      tpu.vector_store %arg11[%swap3A_312], %shift_right_logical3A_309 {strides = array<i32>} : memref<512xi32, #tpu.memory_space<vmem>>, vector<16xi32>,
    }
    %scan3A_9 = arith.constant 32 : i32
    %iota3A = tpu.iota {dimensions = array<i32: 0>} : vector<16xi32>
    %mul3A_10 = arith.constant 512 : i32
    %mul3A_11 = vector.broadcast %mul3A_10 : i32 to vector<16xi32>
    %mul3A_12 = arith.muli %iota3A, %mul3A_11 : vector<16xi32>
    %dma_start3A = arith.constant 0 : i32
    %dma_start3A_13 = arith.constant 0 : i32
    %dma_start3A_14 = arith.constant 0 : i32
    %dma_start3A_15 = tpu.memref_slice %arg12[%dma_start3A, %dma_start3A_13, %dma_start3A_14] : memref<2x128x128xf32, #tpu.memory_space<vmem>> -> memref<1x128x128xf32, #tpu.memory_space<vmem>>
    %dma_start3A_16 = tpu.memref_squeeze %dma_start3A_15 : memref<1x128x128xf32, #tpu.memory_space<vmem>> -> memref<128x128xf32, #tpu.memory_space<vmem>>
    %dma_start3A_17 = arith.constant 0 : i32
    %dma_start3A_18 = tpu.memref_slice %arg9[%dma_start3A_17] : memref<512xi32, #tpu.memory_space<vmem>> -> memref<128xi32, #tpu.memory_space<vmem>>
    %dma_start3A_19 = arith.constant 0 : i32
    %dma_start3A_20 = arith.constant 0 : i32
    %dma_start3A_21 = tpu.memref_slice %arg4[%dma_start3A_19, %dma_start3A_20] : memref<250000x128xf32, #tpu.memory_space<hbm>> -> memref<250000x128xf32, #tpu.memory_space<hbm>>
    tpu.enqueue_indirect_dma source(%dma_start3A_21 : memref<250000x128xf32, #tpu.memory_space<hbm>>) target(%dma_start3A_16 : memref<128x128xf32, #tpu.memory_space<vmem>>) offsets(%dma_start3A_18 : memref<128xi32, #tpu.memory_space<vmem>>) semaphore(%arg17 : memref<!tpu.dma_semaphore, #tpu.memory_space<semaphore_mem>>)
    %dma_start3A_22 = arith.constant 0 : i32
    %dma_start3A_23 = arith.constant 0 : i32
    %dma_start3A_24 = arith.constant 0 : i32
    %dma_start3A_25 = tpu.memref_slice %arg13[%dma_start3A_22, %dma_start3A_23, %dma_start3A_24] : memref<2x128x128xf32, #tpu.memory_space<vmem>> -> memref<1x128x128xf32, #tpu.memory_space<vmem>>
    %dma_start3A_26 = tpu.memref_squeeze %dma_start3A_25 : memref<1x128x128xf32, #tpu.memory_space<vmem>> -> memref<128x128xf32, #tpu.memory_space<vmem>>
    %dma_start3A_27 = arith.constant 0 : i32
    %dma_start3A_28 = tpu.memref_slice %arg10[%dma_start3A_27] : memref<512xi32, #tpu.memory_space<vmem>> -> memref<128xi32, #tpu.memory_space<vmem>>
    %dma_start3A_29 = arith.constant 0 : i32
    %dma_start3A_30 = arith.constant 0 : i32
    %dma_start3A_31 = tpu.memref_slice %arg5[%dma_start3A_29, %dma_start3A_30] : memref<250000x128xf32, #tpu.memory_space<hbm>> -> memref<250000x128xf32, #tpu.memory_space<hbm>>
    tpu.enqueue_indirect_dma source(%dma_start3A_31 : memref<250000x128xf32, #tpu.memory_space<hbm>>) target(%dma_start3A_26 : memref<128x128xf32, #tpu.memory_space<vmem>>) offsets(%dma_start3A_28 : memref<128xi32, #tpu.memory_space<vmem>>) semaphore(%arg19 : memref<!tpu.dma_semaphore, #tpu.memory_space<semaphore_mem>>)
    %dma_start3A_32 = arith.constant 0 : i32
    %dma_start3A_33 = arith.constant 0 : i32
    %dma_start3A_34 = arith.constant 0 : i32
    %dma_start3A_35 = tpu.memref_slice %arg14[%dma_start3A_32, %dma_start3A_33, %dma_start3A_34] : memref<2x128x128xf32, #tpu.memory_space<vmem>> -> memref<1x128x128xf32, #tpu.memory_space<vmem>>
    %dma_start3A_36 = tpu.memref_squeeze %dma_start3A_35 : memref<1x128x128xf32, #tpu.memory_space<vmem>> -> memref<128x128xf32, #tpu.memory_space<vmem>>
    %dma_start3A_37 = arith.constant 0 : i32
    %dma_start3A_38 = tpu.memref_slice %arg11[%dma_start3A_37] : memref<512xi32, #tpu.memory_space<vmem>> -> memref<128xi32, #tpu.memory_space<vmem>>
    %dma_start3A_39 = arith.constant 0 : i32
    %dma_start3A_40 = arith.constant 0 : i32
    %dma_start3A_41 = tpu.memref_slice %arg5[%dma_start3A_39, %dma_start3A_40] : memref<250000x128xf32, #tpu.memory_space<hbm>> -> memref<250000x128xf32, #tpu.memory_space<hbm>>
    tpu.enqueue_indirect_dma source(%dma_start3A_41 : memref<250000x128xf32, #tpu.memory_space<hbm>>) target(%dma_start3A_36 : memref<128x128xf32, #tpu.memory_space<vmem>>) offsets(%dma_start3A_38 : memref<128xi32, #tpu.memory_space<vmem>>) semaphore(%arg21 : memref<!tpu.dma_semaphore, #tpu.memory_space<semaphore_mem>>)
    %dma_start3A_42 = arith.constant 1 : i32
    %dma_start3A_43 = arith.constant 0 : i32
    %dma_start3A_44 = arith.constant 0 : i32
    %dma_start3A_45 = tpu.memref_slice %arg12[%dma_start3A_42, %dma_start3A_43, %dma_start3A_44] : memref<2x128x128xf32, #tpu.memory_space<vmem>> -> memref<1x128x128xf32, #tpu.memory_space<vmem>>
    %dma_start3A_46 = tpu.memref_squeeze %dma_start3A_45 : memref<1x128x128xf32, #tpu.memory_space<vmem>> -> memref<128x128xf32, #tpu.memory_space<vmem>>
    %dma_start3A_47 = arith.constant 128 : i32
    %dma_start3A_48 = tpu.memref_slice %arg9[%dma_start3A_47] : memref<512xi32, #tpu.memory_space<vmem>> -> memref<128xi32, #tpu.memory_space<vmem>>
    %dma_start3A_49 = arith.constant 0 : i32
    %dma_start3A_50 = arith.constant 0 : i32
    %dma_start3A_51 = tpu.memref_slice %arg4[%dma_start3A_49, %dma_start3A_50] : memref<250000x128xf32, #tpu.memory_space<hbm>> -> memref<250000x128xf32, #tpu.memory_space<hbm>>
    tpu.enqueue_indirect_dma source(%dma_start3A_51 : memref<250000x128xf32, #tpu.memory_space<hbm>>) target(%dma_start3A_46 : memref<128x128xf32, #tpu.memory_space<vmem>>) offsets(%dma_start3A_48 : memref<128xi32, #tpu.memory_space<vmem>>) semaphore(%arg18 : memref<!tpu.dma_semaphore, #tpu.memory_space<semaphore_mem>>)
    %dma_start3A_52 = arith.constant 1 : i32
    %dma_start3A_53 = arith.constant 0 : i32
    %dma_start3A_54 = arith.constant 0 : i32
    %dma_start3A_55 = tpu.memref_slice %arg13[%dma_start3A_52, %dma_start3A_53, %dma_start3A_54] : memref<2x128x128xf32, #tpu.memory_space<vmem>> -> memref<1x128x128xf32, #tpu.memory_space<vmem>>
    %dma_start3A_56 = tpu.memref_squeeze %dma_start3A_55 : memref<1x128x128xf32, #tpu.memory_space<vmem>> -> memref<128x128xf32, #tpu.memory_space<vmem>>
    %dma_start3A_57 = arith.constant 128 : i32
    %dma_start3A_58 = tpu.memref_slice %arg10[%dma_start3A_57] : memref<512xi32, #tpu.memory_space<vmem>> -> memref<128xi32, #tpu.memory_space<vmem>>
    %dma_start3A_59 = arith.constant 0 : i32
    %dma_start3A_60 = arith.constant 0 : i32
    %dma_start3A_61 = tpu.memref_slice %arg5[%dma_start3A_59, %dma_start3A_60] : memref<250000x128xf32, #tpu.memory_space<hbm>> -> memref<250000x128xf32, #tpu.memory_space<hbm>>
    tpu.enqueue_indirect_dma source(%dma_start3A_61 : memref<250000x128xf32, #tpu.memory_space<hbm>>) target(%dma_start3A_56 : memref<128x128xf32, #tpu.memory_space<vmem>>) offsets(%dma_start3A_58 : memref<128xi32, #tpu.memory_space<vmem>>) semaphore(%arg20 : memref<!tpu.dma_semaphore, #tpu.memory_space<semaphore_mem>>)
    %dma_start3A_62 = arith.constant 1 : i32
    %dma_start3A_63 = arith.constant 0 : i32
    %dma_start3A_64 = arith.constant 0 : i32
    %dma_start3A_65 = tpu.memref_slice %arg14[%dma_start3A_62, %dma_start3A_63, %dma_start3A_64] : memref<2x128x128xf32, #tpu.memory_space<vmem>> -> memref<1x128x128xf32, #tpu.memory_space<vmem>>
    %dma_start3A_66 = tpu.memref_squeeze %dma_start3A_65 : memref<1x128x128xf32, #tpu.memory_space<vmem>> -> memref<128x128xf32, #tpu.memory_space<vmem>>
    %dma_start3A_67 = arith.constant 128 : i32
    %dma_start3A_68 = tpu.memref_slice %arg11[%dma_start3A_67] : memref<512xi32, #tpu.memory_space<vmem>> -> memref<128xi32, #tpu.memory_space<vmem>>
    %dma_start3A_69 = arith.constant 0 : i32
    %dma_start3A_70 = arith.constant 0 : i32
    %dma_start3A_71 = tpu.memref_slice %arg5[%dma_start3A_69, %dma_start3A_70] : memref<250000x128xf32, #tpu.memory_space<hbm>> -> memref<250000x128xf32, #tpu.memory_space<hbm>>
    tpu.enqueue_indirect_dma source(%dma_start3A_71 : memref<250000x128xf32, #tpu.memory_space<hbm>>) target(%dma_start3A_66 : memref<128x128xf32, #tpu.memory_space<vmem>>) offsets(%dma_start3A_68 : memref<128xi32, #tpu.memory_space<vmem>>) semaphore(%arg22 : memref<!tpu.dma_semaphore, #tpu.memory_space<semaphore_mem>>)
    %dma_wait3A = arith.constant 0 : i32
    %dma_wait3A_72 = arith.constant 0 : i32
    %dma_wait3A_73 = arith.constant 0 : i32
    %dma_wait3A_74 = tpu.memref_slice %arg12[%dma_wait3A, %dma_wait3A_72, %dma_wait3A_73] : memref<2x128x128xf32, #tpu.memory_space<vmem>> -> memref<1x128x128xf32, #tpu.memory_space<vmem>>
    %dma_wait3A_75 = tpu.memref_squeeze %dma_wait3A_74 : memref<1x128x128xf32, #tpu.memory_space<vmem>> -> memref<128x128xf32, #tpu.memory_space<vmem>>
    %dma_wait3A_76 = arith.constant 0 : i32
    %dma_wait3A_77 = tpu.memref_slice %arg9[%dma_wait3A_76] : memref<512xi32, #tpu.memory_space<vmem>> -> memref<128xi32, #tpu.memory_space<vmem>>
    %dma_wait3A_78 = arith.constant 0 : i32
    %dma_wait3A_79 = arith.constant 0 : i32
    %dma_wait3A_80 = tpu.memref_slice %arg4[%dma_wait3A_78, %dma_wait3A_79] : memref<250000x128xf32, #tpu.memory_space<hbm>> -> memref<250000x128xf32, #tpu.memory_space<hbm>>
    tpu.wait_indirect_dma semaphore(%arg17 : memref<!tpu.dma_semaphore, #tpu.memory_space<semaphore_mem>>) src(%dma_wait3A_80 : memref<250000x128xf32, #tpu.memory_space<hbm>>) dst(%dma_wait3A_75 : memref<128x128xf32, #tpu.memory_space<vmem>>)
    %dma_wait3A_81 = arith.constant 0 : i32
    %dma_wait3A_82 = arith.constant 0 : i32
    %dma_wait3A_83 = arith.constant 0 : i32
    %dma_wait3A_84 = tpu.memref_slice %arg13[%dma_wait3A_81, %dma_wait3A_82, %dma_wait3A_83] : memref<2x128x128xf32, #tpu.memory_space<vmem>> -> memref<1x128x128xf32, #tpu.memory_space<vmem>>
    %dma_wait3A_85 = tpu.memref_squeeze %dma_wait3A_84 : memref<1x128x128xf32, #tpu.memory_space<vmem>> -> memref<128x128xf32, #tpu.memory_space<vmem>>
    %dma_wait3A_86 = arith.constant 0 : i32
    %dma_wait3A_87 = tpu.memref_slice %arg10[%dma_wait3A_86] : memref<512xi32, #tpu.memory_space<vmem>> -> memref<128xi32, #tpu.memory_space<vmem>>
    %dma_wait3A_88 = arith.constant 0 : i32
    %dma_wait3A_89 = arith.constant 0 : i32
    %dma_wait3A_90 = tpu.memref_slice %arg5[%dma_wait3A_88, %dma_wait3A_89] : memref<250000x128xf32, #tpu.memory_space<hbm>> -> memref<250000x128xf32, #tpu.memory_space<hbm>>
    tpu.wait_indirect_dma semaphore(%arg19 : memref<!tpu.dma_semaphore, #tpu.memory_space<semaphore_mem>>) src(%dma_wait3A_90 : memref<250000x128xf32, #tpu.memory_space<hbm>>) dst(%dma_wait3A_85 : memref<128x128xf32, #tpu.memory_space<vmem>>)
    %dma_wait3A_91 = arith.constant 0 : i32
    %dma_wait3A_92 = arith.constant 0 : i32
    %dma_wait3A_93 = arith.constant 0 : i32
    %dma_wait3A_94 = tpu.memref_slice %arg14[%dma_wait3A_91, %dma_wait3A_92, %dma_wait3A_93] : memref<2x128x128xf32, #tpu.memory_space<vmem>> -> memref<1x128x128xf32, #tpu.memory_space<vmem>>
    %dma_wait3A_95 = tpu.memref_squeeze %dma_wait3A_94 : memref<1x128x128xf32, #tpu.memory_space<vmem>> -> memref<128x128xf32, #tpu.memory_space<vmem>>
    %dma_wait3A_96 = arith.constant 0 : i32
    %dma_wait3A_97 = tpu.memref_slice %arg11[%dma_wait3A_96] : memref<512xi32, #tpu.memory_space<vmem>> -> memref<128xi32, #tpu.memory_space<vmem>>
    %dma_wait3A_98 = arith.constant 0 : i32
    %dma_wait3A_99 = arith.constant 0 : i32
    %dma_wait3A_100 = tpu.memref_slice %arg5[%dma_wait3A_98, %dma_wait3A_99] : memref<250000x128xf32, #tpu.memory_space<hbm>> -> memref<250000x128xf32, #tpu.memory_space<hbm>>
    tpu.wait_indirect_dma semaphore(%arg21 : memref<!tpu.dma_semaphore, #tpu.memory_space<semaphore_mem>>) src(%dma_wait3A_100 : memref<250000x128xf32, #tpu.memory_space<hbm>>) dst(%dma_wait3A_95 : memref<128x128xf32, #tpu.memory_space<vmem>>)
    %scan3A_101 = arith.constant 0 : i32
    %scan3A_102 = arith.constant 0 : i32
    %scan3A_103 = arith.constant 8 : i32
    %scan3A_104 = arith.addi %scan3A_102, %scan3A_103 : i32
    %scan3A_105 = arith.constant 1 : i32
    scf.for %scan3A_281 = %scan3A_102 to %scan3A_104 step %scan3A_105  : i32 {
      %mul3A_282 = arith.constant 16 : i32
      %mul3A_283 = arith.muli %scan3A_281, %mul3A_282 : i32
      %add3A_284 = arith.constant 0 : i32
      %add3A_285 = arith.addi %add3A_284, %mul3A_283 : i32
      %get3A = arith.index_cast %add3A_285 : i32 to index
      %get3A_286 = tpu.vector_load %arg7[%get3A] {strides = array<i32>} : memref<512xi32, #tpu.memory_space<vmem>>, vector<16xi32>,
      %and3A = arith.constant 3 : i32
      %and3A_287 = vector.broadcast %and3A : i32 to vector<16xi32>
      %and3A_288 = arith.andi %get3A_286, %and3A_287 : vector<16xi32>
      %mul3A_289 = arith.constant 32 : i32
      %mul3A_290 = vector.broadcast %mul3A_289 : i32 to vector<16xi32>
      %mul3A_291 = arith.muli %and3A_288, %mul3A_290 : vector<16xi32>
      %get3A_292 = arith.index_cast %add3A_285 : i32 to index
      %get3A_293 = tpu.vector_load %arg8[%get3A_292] {strides = array<i32>} : memref<1024xi32, #tpu.memory_space<vmem>>, vector<16xi32>,
      %and3A_294 = arith.constant 3 : i32
      %and3A_295 = vector.broadcast %and3A_294 : i32 to vector<16xi32>
      %and3A_296 = arith.andi %get3A_293, %and3A_295 : vector<16xi32>
      %mul3A_297 = arith.constant 32 : i32
      %mul3A_298 = vector.broadcast %mul3A_297 : i32 to vector<16xi32>
      %mul3A_299 = arith.muli %and3A_296, %mul3A_298 : vector<16xi32>
      %add3A_300 = arith.constant 512 : i32
      %add3A_301 = arith.addi %add3A_300, %add3A_285 : i32
      %get3A_302 = arith.index_cast %add3A_301 : i32 to index
      %get3A_303 = tpu.vector_load %arg8[%get3A_302] {strides = array<i32>} : memref<1024xi32, #tpu.memory_space<vmem>>, vector<16xi32>,
      %and3A_304 = arith.constant 3 : i32
      %and3A_305 = vector.broadcast %and3A_304 : i32 to vector<16xi32>
      %and3A_306 = arith.andi %get3A_303, %and3A_305 : vector<16xi32>
      %mul3A_307 = arith.constant 32 : i32
      %mul3A_308 = vector.broadcast %mul3A_307 : i32 to vector<16xi32>
      %mul3A_309 = arith.muli %and3A_306, %mul3A_308 : vector<16xi32>
      %add3A_310 = arith.constant 0 : i32
      %add3A_311 = arith.addi %mul3A_283, %add3A_310 : i32
      %slice3A = vector.extract_strided_slice %mul3A_291 {offsets = [0], sizes = [1], strides = [1]} : vector<16xi32> to vector<1xi32>
      %squeeze3A = vector.extract %slice3A[0] : i32 from vector<1xi32>
      %multiple_of3A = tpu.assume_multiple %squeeze3A, 32 : i32
      %slice3A_312 = vector.extract_strided_slice %mul3A_299 {offsets = [0], sizes = [1], strides = [1]} : vector<16xi32> to vector<1xi32>
      %squeeze3A_313 = vector.extract %slice3A_312[0] : i32 from vector<1xi32>
      %multiple_of3A_314 = tpu.assume_multiple %squeeze3A_313, 32 : i32
      %slice3A_315 = vector.extract_strided_slice %mul3A_309 {offsets = [0], sizes = [1], strides = [1]} : vector<16xi32> to vector<1xi32>
      %squeeze3A_316 = vector.extract %slice3A_315[0] : i32 from vector<1xi32>
      %multiple_of3A_317 = tpu.assume_multiple %squeeze3A_316, 32 : i32
      %get3A_318 = arith.constant 0 : i32
      %get3A_319 = arith.index_cast %get3A_318 : i32 to index
      %get3A_320 = arith.index_cast %add3A_311 : i32 to index
      %get3A_321 = arith.index_cast %multiple_of3A : i32 to index
      %get3A_322 = tpu.vector_load %arg12[%get3A_319, %get3A_320, %get3A_321] {strides = array<i32>} : memref<2x128x128xf32, #tpu.memory_space<vmem>>, vector<16xf32>,
      %add3A_323 = arith.constant 16 : i32
      %add3A_324 = arith.addi %multiple_of3A, %add3A_323 : i32
      %get3A_325 = arith.constant 0 : i32
      %get3A_326 = arith.index_cast %get3A_325 : i32 to index
      %get3A_327 = arith.index_cast %add3A_311 : i32 to index
      %get3A_328 = arith.index_cast %add3A_324 : i32 to index
      %get3A_329 = tpu.vector_load %arg12[%get3A_326, %get3A_327, %get3A_328] {strides = array<i32>} : memref<2x128x128xf32, #tpu.memory_space<vmem>>, vector<16xf32>,
      %get3A_330 = arith.constant 0 : i32
      %get3A_331 = arith.index_cast %get3A_330 : i32 to index
      %get3A_332 = arith.index_cast %add3A_311 : i32 to index
      %get3A_333 = arith.index_cast %multiple_of3A_314 : i32 to index
      %get3A_334 = tpu.vector_load %arg13[%get3A_331, %get3A_332, %get3A_333] {strides = array<i32>} : memref<2x128x128xf32, #tpu.memory_space<vmem>>, vector<16xf32>,
      %add3A_335 = arith.constant 16 : i32
      %add3A_336 = arith.addi %multiple_of3A_314, %add3A_335 : i32
      %get3A_337 = arith.constant 0 : i32
      %get3A_338 = arith.index_cast %get3A_337 : i32 to index
      %get3A_339 = arith.index_cast %add3A_311 : i32 to index
      %get3A_340 = arith.index_cast %add3A_336 : i32 to index
      %get3A_341 = tpu.vector_load %arg13[%get3A_338, %get3A_339, %get3A_340] {strides = array<i32>} : memref<2x128x128xf32, #tpu.memory_space<vmem>>, vector<16xf32>,
      %get3A_342 = arith.constant 0 : i32
      %get3A_343 = arith.index_cast %get3A_342 : i32 to index
      %get3A_344 = arith.index_cast %add3A_311 : i32 to index
      %get3A_345 = arith.index_cast %multiple_of3A_317 : i32 to index
      %get3A_346 = tpu.vector_load %arg14[%get3A_343, %get3A_344, %get3A_345] {strides = array<i32>} : memref<2x128x128xf32, #tpu.memory_space<vmem>>, vector<16xf32>,
      %add3A_347 = arith.constant 16 : i32
      %add3A_348 = arith.addi %multiple_of3A_317, %add3A_347 : i32
      %get3A_349 = arith.constant 0 : i32
      %get3A_350 = arith.index_cast %get3A_349 : i32 to index
      %get3A_351 = arith.index_cast %add3A_311 : i32 to index
      %get3A_352 = arith.index_cast %add3A_348 : i32 to index
      %get3A_353 = tpu.vector_load %arg14[%get3A_350, %get3A_351, %get3A_352] {strides = array<i32>} : memref<2x128x128xf32, #tpu.memory_space<vmem>>, vector<16xf32>,
      %sub3A = arith.subf %get3A_334, %get3A_346 : vector<16xf32>
      %mul3A_354 = arith.mulf %get3A_322, %sub3A : vector<16xf32>
      %sub3A_355 = arith.subf %get3A_341, %get3A_353 : vector<16xf32>
      %mul3A_356 = arith.mulf %get3A_329, %sub3A_355 : vector<16xf32>
      %add3A_357 = arith.addf %mul3A_354, %mul3A_356 : vector<16xf32>
      %add3A_358 = arith.constant 0 : i32
      %add3A_359 = arith.addi %add3A_285, %add3A_358 : i32
      %add3A_360 = vector.broadcast %add3A_359 : i32 to vector<16xi32>
      %add3A_361 = arith.addi %mul3A_12, %add3A_360 : vector<16xi32>
      tpu.vector_store_idx %arg15[%add3A_361], %add3A_357 : memref<8192xf32, #tpu.memory_space<vmem>>[vector<16xi32>], vector<16xf32>,
      %add3A_362 = arith.constant 1 : i32
      %add3A_363 = arith.addi %mul3A_283, %add3A_362 : i32
      %slice3A_364 = vector.extract_strided_slice %mul3A_291 {offsets = [1], sizes = [1], strides = [1]} : vector<16xi32> to vector<1xi32>
      %squeeze3A_365 = vector.extract %slice3A_364[0] : i32 from vector<1xi32>
      %multiple_of3A_366 = tpu.assume_multiple %squeeze3A_365, 32 : i32
      %slice3A_367 = vector.extract_strided_slice %mul3A_299 {offsets = [1], sizes = [1], strides = [1]} : vector<16xi32> to vector<1xi32>
      %squeeze3A_368 = vector.extract %slice3A_367[0] : i32 from vector<1xi32>
      %multiple_of3A_369 = tpu.assume_multiple %squeeze3A_368, 32 : i32
      %slice3A_370 = vector.extract_strided_slice %mul3A_309 {offsets = [1], sizes = [1], strides = [1]} : vector<16xi32> to vector<1xi32>
      %squeeze3A_371 = vector.extract %slice3A_370[0] : i32 from vector<1xi32>
      %multiple_of3A_372 = tpu.assume_multiple %squeeze3A_371, 32 : i32
      %get3A_373 = arith.constant 0 : i32
      %get3A_374 = arith.index_cast %get3A_373 : i32 to index
      %get3A_375 = arith.index_cast %add3A_363 : i32 to index
      %get3A_376 = arith.index_cast %multiple_of3A_366 : i32 to index
      %get3A_377 = tpu.vector_load %arg12[%get3A_374, %get3A_375, %get3A_376] {strides = array<i32>} : memref<2x128x128xf32, #tpu.memory_space<vmem>>, vector<16xf32>,
      %add3A_378 = arith.constant 16 : i32
      %add3A_379 = arith.addi %multiple_of3A_366, %add3A_378 : i32
      %get3A_380 = arith.constant 0 : i32
      %get3A_381 = arith.index_cast %get3A_380 : i32 to index
      %get3A_382 = arith.index_cast %add3A_363 : i32 to index
      %get3A_383 = arith.index_cast %add3A_379 : i32 to index
      %get3A_384 = tpu.vector_load %arg12[%get3A_381, %get3A_382, %get3A_383] {strides = array<i32>} : memref<2x128x128xf32, #tpu.memory_space<vmem>>, vector<16xf32>,
      %get3A_385 = arith.constant 0 : i32
      %get3A_386 = arith.index_cast %get3A_385 : i32 to index
      %get3A_387 = arith.index_cast %add3A_363 : i32 to index
      %get3A_388 = arith.index_cast %multiple_of3A_369 : i32 to index
      %get3A_389 = tpu.vector_load %arg13[%get3A_386, %get3A_387, %get3A_388] {strides = array<i32>} : memref<2x128x128xf32, #tpu.memory_space<vmem>>, vector<16xf32>,
      %add3A_390 = arith.constant 16 : i32
      %add3A_391 = arith.addi %multiple_of3A_369, %add3A_390 : i32
      %get3A_392 = arith.constant 0 : i32
      %get3A_393 = arith.index_cast %get3A_392 : i32 to index
      %get3A_394 = arith.index_cast %add3A_363 : i32 to index
      %get3A_395 = arith.index_cast %add3A_391 : i32 to index
      %get3A_396 = tpu.vector_load %arg13[%get3A_393, %get3A_394, %get3A_395] {strides = array<i32>} : memref<2x128x128xf32, #tpu.memory_space<vmem>>, vector<16xf32>,
      %get3A_397 = arith.constant 0 : i32
      %get3A_398 = arith.index_cast %get3A_397 : i32 to index
      %get3A_399 = arith.index_cast %add3A_363 : i32 to index
      %get3A_400 = arith.index_cast %multiple_of3A_372 : i32 to index
      %get3A_401 = tpu.vector_load %arg14[%get3A_398, %get3A_399, %get3A_400] {strides = array<i32>} : memref<2x128x128xf32, #tpu.memory_space<vmem>>, vector<16xf32>,
      %add3A_402 = arith.constant 16 : i32
      %add3A_403 = arith.addi %multiple_of3A_372, %add3A_402 : i32
      %get3A_404 = arith.constant 0 : i32
      %get3A_405 = arith.index_cast %get3A_404 : i32 to index
      %get3A_406 = arith.index_cast %add3A_363 : i32 to index
      %get3A_407 = arith.index_cast %add3A_403 : i32 to index
      %get3A_408 = tpu.vector_load %arg14[%get3A_405, %get3A_406, %get3A_407] {strides = array<i32>} : memref<2x128x128xf32, #tpu.memory_space<vmem>>, vector<16xf32>,
      %sub3A_409 = arith.subf %get3A_389, %get3A_401 : vector<16xf32>
      %mul3A_410 = arith.mulf %get3A_377, %sub3A_409 : vector<16xf32>
      %sub3A_411 = arith.subf %get3A_396, %get3A_408 : vector<16xf32>
      %mul3A_412 = arith.mulf %get3A_384, %sub3A_411 : vector<16xf32>
      %add3A_413 = arith.addf %mul3A_410, %mul3A_412 : vector<16xf32>
      %add3A_414 = arith.constant 1 : i32
      %add3A_415 = arith.addi %add3A_285, %add3A_414 : i32
      %add3A_416 = vector.broadcast %add3A_415 : i32 to vector<16xi32>
      %add3A_417 = arith.addi %mul3A_12, %add3A_416 : vector<16xi32>
      tpu.vector_store_idx %arg15[%add3A_417], %add3A_413 : memref<8192xf32, #tpu.memory_space<vmem>>[vector<16xi32>], vector<16xf32>,
      %add3A_418 = arith.constant 2 : i32
      %add3A_419 = arith.addi %mul3A_283, %add3A_418 : i32
      %slice3A_420 = vector.extract_strided_slice %mul3A_291 {offsets = [2], sizes = [1], strides = [1]} : vector<16xi32> to vector<1xi32>
      %squeeze3A_421 = vector.extract %slice3A_420[0] : i32 from vector<1xi32>
      %multiple_of3A_422 = tpu.assume_multiple %squeeze3A_421, 32 : i32
      %slice3A_423 = vector.extract_strided_slice %mul3A_299 {offsets = [2], sizes = [1], strides = [1]} : vector<16xi32> to vector<1xi32>
      %squeeze3A_424 = vector.extract %slice3A_423[0] : i32 from vector<1xi32>
      %multiple_of3A_425 = tpu.assume_multiple %squeeze3A_424, 32 : i32
      %slice3A_426 = vector.extract_strided_slice %mul3A_309 {offsets = [2], sizes = [1], strides = [1]} : vector<16xi32> to vector<1xi32>
      %squeeze3A_427 = vector.extract %slice3A_426[0] : i32 from vector<1xi32>
      %multiple_of3A_428 = tpu.assume_multiple %squeeze3A_427, 32 : i32
      %get3A_429 = arith.constant 0 : i32
      %get3A_430 = arith.index_cast %get3A_429 : i32 to index
      %get3A_431 = arith.index_cast %add3A_419 : i32 to index
      %get3A_432 = arith.index_cast %multiple_of3A_422 : i32 to index
      %get3A_433 = tpu.vector_load %arg12[%get3A_430, %get3A_431, %get3A_432] {strides = array<i32>} : memref<2x128x128xf32, #tpu.memory_space<vmem>>, vector<16xf32>,
      %add3A_434 = arith.constant 16 : i32
      %add3A_435 = arith.addi %multiple_of3A_422, %add3A_434 : i32
      %get3A_436 = arith.constant 0 : i32
      %get3A_437 = arith.index_cast %get3A_436 : i32 to index
      %get3A_438 = arith.index_cast %add3A_419 : i32 to index
      %get3A_439 = arith.index_cast %add3A_435 : i32 to index
      %get3A_440 = tpu.vector_load %arg12[%get3A_437, %get3A_438, %get3A_439] {strides = array<i32>} : memref<2x128x128xf32, #tpu.memory_space<vmem>>, vector<16xf32>,
      %get3A_441 = arith.constant 0 : i32
      %get3A_442 = arith.index_cast %get3A_441 : i32 to index
      %get3A_443 = arith.index_cast %add3A_419 : i32 to index
      %get3A_444 = arith.index_cast %multiple_of3A_425 : i32 to index
      %get3A_445 = tpu.vector_load %arg13[%get3A_442, %get3A_443, %get3A_444] {strides = array<i32>} : memref<2x128x128xf32, #tpu.memory_space<vmem>>, vector<16xf32>,
      %add3A_446 = arith.constant 16 : i32
      %add3A_447 = arith.addi %multiple_of3A_425, %add3A_446 : i32
      %get3A_448 = arith.constant 0 : i32
      %get3A_449 = arith.index_cast %get3A_448 : i32 to index
      %get3A_450 = arith.index_cast %add3A_419 : i32 to index
      %get3A_451 = arith.index_cast %add3A_447 : i32 to index
      %get3A_452 = tpu.vector_load %arg13[%get3A_449, %get3A_450, %get3A_451] {strides = array<i32>} : memref<2x128x128xf32, #tpu.memory_space<vmem>>, vector<16xf32>,
      %get3A_453 = arith.constant 0 : i32
      %get3A_454 = arith.index_cast %get3A_453 : i32 to index
      %get3A_455 = arith.index_cast %add3A_419 : i32 to index
      %get3A_456 = arith.index_cast %multiple_of3A_428 : i32 to index
      %get3A_457 = tpu.vector_load %arg14[%get3A_454, %get3A_455, %get3A_456] {strides = array<i32>} : memref<2x128x128xf32, #tpu.memory_space<vmem>>, vector<16xf32>,
      %add3A_458 = arith.constant 16 : i32
      %add3A_459 = arith.addi %multiple_of3A_428, %add3A_458 : i32
      %get3A_460 = arith.constant 0 : i32
      %get3A_461 = arith.index_cast %get3A_460 : i32 to index
      %get3A_462 = arith.index_cast %add3A_419 : i32 to index
      %get3A_463 = arith.index_cast %add3A_459 : i32 to index
      %get3A_464 = tpu.vector_load %arg14[%get3A_461, %get3A_462, %get3A_463] {strides = array<i32>} : memref<2x128x128xf32, #tpu.memory_space<vmem>>, vector<16xf32>,
      %sub3A_465 = arith.subf %get3A_445, %get3A_457 : vector<16xf32>
      %mul3A_466 = arith.mulf %get3A_433, %sub3A_465 : vector<16xf32>
      %sub3A_467 = arith.subf %get3A_452, %get3A_464 : vector<16xf32>
      %mul3A_468 = arith.mulf %get3A_440, %sub3A_467 : vector<16xf32>
      %add3A_469 = arith.addf %mul3A_466, %mul3A_468 : vector<16xf32>
      %add3A_470 = arith.constant 2 : i32
      %add3A_471 = arith.addi %add3A_285, %add3A_470 : i32
      %add3A_472 = vector.broadcast %add3A_471 : i32 to vector<16xi32>
      %add3A_473 = arith.addi %mul3A_12, %add3A_472 : vector<16xi32>
      tpu.vector_store_idx %arg15[%add3A_473], %add3A_469 : memref<8192xf32, #tpu.memory_space<vmem>>[vector<16xi32>], vector<16xf32>,
      %add3A_474 = arith.constant 3 : i32
      %add3A_475 = arith.addi %mul3A_283, %add3A_474 : i32
      %slice3A_476 = vector.extract_strided_slice %mul3A_291 {offsets = [3], sizes = [1], strides = [1]} : vector<16xi32> to vector<1xi32>
      %squeeze3A_477 = vector.extract %slice3A_476[0] : i32 from vector<1xi32>
      %multiple_of3A_478 = tpu.assume_multiple %squeeze3A_477, 32 : i32
      %slice3A_479 = vector.extract_strided_slice %mul3A_299 {offsets = [3], sizes = [1], strides = [1]} : vector<16xi32> to vector<1xi32>
      %squeeze3A_480 = vector.extract %slice3A_479[0] : i32 from vector<1xi32>
      %multiple_of3A_481 = tpu.assume_multiple %squeeze3A_480, 32 : i32
      %slice3A_482 = vector.extract_strided_slice %mul3A_309 {offsets = [3], sizes = [1], strides = [1]} : vector<16xi32> to vector<1xi32>
      %squeeze3A_483 = vector.extract %slice3A_482[0] : i32 from vector<1xi32>
      %multiple_of3A_484 = tpu.assume_multiple %squeeze3A_483, 32 : i32
      %get3A_485 = arith.constant 0 : i32
      %get3A_486 = arith.index_cast %get3A_485 : i32 to index
      %get3A_487 = arith.index_cast %add3A_475 : i32 to index
      %get3A_488 = arith.index_cast %multiple_of3A_478 : i32 to index
      %get3A_489 = tpu.vector_load %arg12[%get3A_486, %get3A_487, %get3A_488] {strides = array<i32>} : memref<2x128x128xf32, #tpu.memory_space<vmem>>, vector<16xf32>,
      %add3A_490 = arith.constant 16 : i32
      %add3A_491 = arith.addi %multiple_of3A_478, %add3A_490 : i32
      %get3A_492 = arith.constant 0 : i32
      %get3A_493 = arith.index_cast %get3A_492 : i32 to index
      %get3A_494 = arith.index_cast %add3A_475 : i32 to index
      %get3A_495 = arith.index_cast %add3A_491 : i32 to index
      %get3A_496 = tpu.vector_load %arg12[%get3A_493, %get3A_494, %get3A_495] {strides = array<i32>} : memref<2x128x128xf32, #tpu.memory_space<vmem>>, vector<16xf32>,
      %get3A_497 = arith.constant 0 : i32
      %get3A_498 = arith.index_cast %get3A_497 : i32 to index
      %get3A_499 = arith.index_cast %add3A_475 : i32 to index
      %get3A_500 = arith.index_cast %multiple_of3A_481 : i32 to index
      %get3A_501 = tpu.vector_load %arg13[%get3A_498, %get3A_499, %get3A_500] {strides = array<i32>} : memref<2x128x128xf32, #tpu.memory_space<vmem>>, vector<16xf32>,
      %add3A_502 = arith.constant 16 : i32
      %add3A_503 = arith.addi %multiple_of3A_481, %add3A_502 : i32
      %get3A_504 = arith.constant 0 : i32
      %get3A_505 = arith.index_cast %get3A_504 : i32 to index
      %get3A_506 = arith.index_cast %add3A_475 : i32 to index
      %get3A_507 = arith.index_cast %add3A_503 : i32 to index
      %get3A_508 = tpu.vector_load %arg13[%get3A_505, %get3A_506, %get3A_507] {strides = array<i32>} : memref<2x128x128xf32, #tpu.memory_space<vmem>>, vector<16xf32>,
      %get3A_509 = arith.constant 0 : i32
      %get3A_510 = arith.index_cast %get3A_509 : i32 to index
      %get3A_511 = arith.index_cast %add3A_475 : i32 to index
      %get3A_512 = arith.index_cast %multiple_of3A_484 : i32 to index
      %get3A_513 = tpu.vector_load %arg14[%get3A_510, %get3A_511, %get3A_512] {strides = array<i32>} : memref<2x128x128xf32, #tpu.memory_space<vmem>>, vector<16xf32>,
      %add3A_514 = arith.constant 16 : i32
      %add3A_515 = arith.addi %multiple_of3A_484, %add3A_514 : i32
      %get3A_516 = arith.constant 0 : i32
      %get3A_517 = arith.index_cast %get3A_516 : i32 to index
      %get3A_518 = arith.index_cast %add3A_475 : i32 to index
      %get3A_519 = arith.index_cast %add3A_515 : i32 to index
      %get3A_520 = tpu.vector_load %arg14[%get3A_517, %get3A_518, %get3A_519] {strides = array<i32>} : memref<2x128x128xf32, #tpu.memory_space<vmem>>, vector<16xf32>,
      %sub3A_521 = arith.subf %get3A_501, %get3A_513 : vector<16xf32>
      %mul3A_522 = arith.mulf %get3A_489, %sub3A_521 : vector<16xf32>
      %sub3A_523 = arith.subf %get3A_508, %get3A_520 : vector<16xf32>
      %mul3A_524 = arith.mulf %get3A_496, %sub3A_523 : vector<16xf32>
      %add3A_525 = arith.addf %mul3A_522, %mul3A_524 : vector<16xf32>
      %add3A_526 = arith.constant 3 : i32
      %add3A_527 = arith.addi %add3A_285, %add3A_526 : i32
      %add3A_528 = vector.broadcast %add3A_527 : i32 to vector<16xi32>
      %add3A_529 = arith.addi %mul3A_12, %add3A_528 : vector<16xi32>
      tpu.vector_store_idx %arg15[%add3A_529], %add3A_525 : memref<8192xf32, #tpu.memory_space<vmem>>[vector<16xi32>], vector<16xf32>,
      %add3A_530 = arith.constant 4 : i32
      %add3A_531 = arith.addi %mul3A_283, %add3A_530 : i32
      %slice3A_532 = vector.extract_strided_slice %mul3A_291 {offsets = [4], sizes = [1], strides = [1]} : vector<16xi32> to vector<1xi32>
      %squeeze3A_533 = vector.extract %slice3A_532[0] : i32 from vector<1xi32>
      %multiple_of3A_534 = tpu.assume_multiple %squeeze3A_533, 32 : i32
      %slice3A_535 = vector.extract_strided_slice %mul3A_299 {offsets = [4], sizes = [1], strides = [1]} : vector<16xi32> to vector<1xi32>
      %squeeze3A_536 = vector.extract %slice3A_535[0] : i32 from vector<1xi32>
      %multiple_of3A_537 = tpu.assume_multiple %squeeze3A_536, 32 : i32
      %slice3A_538 = vector.extract_strided_slice %mul3A_309 {offsets = [4], sizes = [1], strides = [1]} : vector<16xi32> to vector<1xi32>
      %squeeze3A_539 = vector.extract %slice3A_538[0] : i32 from vector<1xi32>
      %multiple_of3A_540 = tpu.assume_multiple %squeeze3A_539, 32 : i32
      %get3A_541 = arith.constant 0 : i32
      %get3A_542 = arith.index_cast %get3A_541 : i32 to index
      %get3A_543 = arith.index_cast %add3A_531 : i32 to index
      %get3A_544 = arith.index_cast %multiple_of3A_534 : i32 to index
      %get3A_545 = tpu.vector_load %arg12[%get3A_542, %get3A_543, %get3A_544] {strides = array<i32>} : memref<2x128x128xf32, #tpu.memory_space<vmem>>, vector<16xf32>,
      %add3A_546 = arith.constant 16 : i32
      %add3A_547 = arith.addi %multiple_of3A_534, %add3A_546 : i32
      %get3A_548 = arith.constant 0 : i32
      %get3A_549 = arith.index_cast %get3A_548 : i32 to index
      %get3A_550 = arith.index_cast %add3A_531 : i32 to index
      %get3A_551 = arith.index_cast %add3A_547 : i32 to index
      %get3A_552 = tpu.vector_load %arg12[%get3A_549, %get3A_550, %get3A_551] {strides = array<i32>} : memref<2x128x128xf32, #tpu.memory_space<vmem>>, vector<16xf32>,
      %get3A_553 = arith.constant 0 : i32
      %get3A_554 = arith.index_cast %get3A_553 : i32 to index
      %get3A_555 = arith.index_cast %add3A_531 : i32 to index
      %get3A_556 = arith.index_cast %multiple_of3A_537 : i32 to index
      %get3A_557 = tpu.vector_load %arg13[%get3A_554, %get3A_555, %get3A_556] {strides = array<i32>} : memref<2x128x128xf32, #tpu.memory_space<vmem>>, vector<16xf32>,
      %add3A_558 = arith.constant 16 : i32
      %add3A_559 = arith.addi %multiple_of3A_537, %add3A_558 : i32
      %get3A_560 = arith.constant 0 : i32
      %get3A_561 = arith.index_cast %get3A_560 : i32 to index
      %get3A_562 = arith.index_cast %add3A_531 : i32 to index
      %get3A_563 = arith.index_cast %add3A_559 : i32 to index
      %get3A_564 = tpu.vector_load %arg13[%get3A_561, %get3A_562, %get3A_563] {strides = array<i32>} : memref<2x128x128xf32, #tpu.memory_space<vmem>>, vector<16xf32>,
      %get3A_565 = arith.constant 0 : i32
      %get3A_566 = arith.index_cast %get3A_565 : i32 to index
      %get3A_567 = arith.index_cast %add3A_531 : i32 to index
      %get3A_568 = arith.index_cast %multiple_of3A_540 : i32 to index
      %get3A_569 = tpu.vector_load %arg14[%get3A_566, %get3A_567, %get3A_568] {strides = array<i32>} : memref<2x128x128xf32, #tpu.memory_space<vmem>>, vector<16xf32>,
      %add3A_570 = arith.constant 16 : i32
      %add3A_571 = arith.addi %multiple_of3A_540, %add3A_570 : i32
      %get3A_572 = arith.constant 0 : i32
      %get3A_573 = arith.index_cast %get3A_572 : i32 to index
      %get3A_574 = arith.index_cast %add3A_531 : i32 to index
      %get3A_575 = arith.index_cast %add3A_571 : i32 to index
      %get3A_576 = tpu.vector_load %arg14[%get3A_573, %get3A_574, %get3A_575] {strides = array<i32>} : memref<2x128x128xf32, #tpu.memory_space<vmem>>, vector<16xf32>,
      %sub3A_577 = arith.subf %get3A_557, %get3A_569 : vector<16xf32>
      %mul3A_578 = arith.mulf %get3A_545, %sub3A_577 : vector<16xf32>
      %sub3A_579 = arith.subf %get3A_564, %get3A_576 : vector<16xf32>
      %mul3A_580 = arith.mulf %get3A_552, %sub3A_579 : vector<16xf32>
      %add3A_581 = arith.addf %mul3A_578, %mul3A_580 : vector<16xf32>
      %add3A_582 = arith.constant 4 : i32
      %add3A_583 = arith.addi %add3A_285, %add3A_582 : i32
      %add3A_584 = vector.broadcast %add3A_583 : i32 to vector<16xi32>
      %add3A_585 = arith.addi %mul3A_12, %add3A_584 : vector<16xi32>
      tpu.vector_store_idx %arg15[%add3A_585], %add3A_581 : memref<8192xf32, #tpu.memory_space<vmem>>[vector<16xi32>], vector<16xf32>,
      %add3A_586 = arith.constant 5 : i32
      %add3A_587 = arith.addi %mul3A_283, %add3A_586 : i32
      %slice3A_588 = vector.extract_strided_slice %mul3A_291 {offsets = [5], sizes = [1], strides = [1]} : vector<16xi32> to vector<1xi32>
      %squeeze3A_589 = vector.extract %slice3A_588[0] : i32 from vector<1xi32>
      %multiple_of3A_590 = tpu.assume_multiple %squeeze3A_589, 32 : i32
      %slice3A_591 = vector.extract_strided_slice %mul3A_299 {offsets = [5], sizes = [1], strides = [1]} : vector<16xi32> to vector<1xi32>
      %squeeze3A_592 = vector.extract %slice3A_591[0] : i32 from vector<1xi32>
      %multiple_of3A_593 = tpu.assume_multiple %squeeze3A_592, 32 : i32
      %slice3A_594 = vector.extract_strided_slice %mul3A_309 {offsets = [5], sizes = [1], strides = [1]} : vector<16xi32> to vector<1xi32>
      %squeeze3A_595 = vector.extract %slice3A_594[0] : i32 from vector<1xi32>
      %multiple_of3A_596 = tpu.assume_multiple %squeeze3A_595, 32 : i32
      %get3A_597 = arith.constant 0 : i32
      %get3A_598 = arith.index_cast %get3A_597 : i32 to index
      %get3A_599 = arith.index_cast %add3A_587 : i32 to index
      %get3A_600 = arith.index_cast %multiple_of3A_590 : i32 to index
      %get3A_601 = tpu.vector_load %arg12[%get3A_598, %get3A_599, %get3A_600] {strides = array<i32>} : memref<2x128x128xf32, #tpu.memory_space<vmem>>, vector<16xf32>,
      %add3A_602 = arith.constant 16 : i32
      %add3A_603 = arith.addi %multiple_of3A_590, %add3A_602 : i32
      %get3A_604 = arith.constant 0 : i32
      %get3A_605 = arith.index_cast %get3A_604 : i32 to index
      %get3A_606 = arith.index_cast %add3A_587 : i32 to index
      %get3A_607 = arith.index_cast %add3A_603 : i32 to index
      %get3A_608 = tpu.vector_load %arg12[%get3A_605, %get3A_606, %get3A_607] {strides = array<i32>} : memref<2x128x128xf32, #tpu.memory_space<vmem>>, vector<16xf32>,
      %get3A_609 = arith.constant 0 : i32
      %get3A_610 = arith.index_cast %get3A_609 : i32 to index
      %get3A_611 = arith.index_cast %add3A_587 : i32 to index
      %get3A_612 = arith.index_cast %multiple_of3A_593 : i32 to index
      %get3A_613 = tpu.vector_load %arg13[%get3A_610, %get3A_611, %get3A_612] {strides = array<i32>} : memref<2x128x128xf32, #tpu.memory_space<vmem>>, vector<16xf32>,
      %add3A_614 = arith.constant 16 : i32
      %add3A_615 = arith.addi %multiple_of3A_593, %add3A_614 : i32
      %get3A_616 = arith.constant 0 : i32
      %get3A_617 = arith.index_cast %get3A_616 : i32 to index
      %get3A_618 = arith.index_cast %add3A_587 : i32 to index
      %get3A_619 = arith.index_cast %add3A_615 : i32 to index
      %get3A_620 = tpu.vector_load %arg13[%get3A_617, %get3A_618, %get3A_619] {strides = array<i32>} : memref<2x128x128xf32, #tpu.memory_space<vmem>>, vector<16xf32>,
      %get3A_621 = arith.constant 0 : i32
      %get3A_622 = arith.index_cast %get3A_621 : i32 to index
      %get3A_623 = arith.index_cast %add3A_587 : i32 to index
      %get3A_624 = arith.index_cast %multiple_of3A_596 : i32 to index
      %get3A_625 = tpu.vector_load %arg14[%get3A_622, %get3A_623, %get3A_624] {strides = array<i32>} : memref<2x128x128xf32, #tpu.memory_space<vmem>>, vector<16xf32>,
      %add3A_626 = arith.constant 16 : i32
      %add3A_627 = arith.addi %multiple_of3A_596, %add3A_626 : i32
      %get3A_628 = arith.constant 0 : i32
      %get3A_629 = arith.index_cast %get3A_628 : i32 to index
      %get3A_630 = arith.index_cast %add3A_587 : i32 to index
      %get3A_631 = arith.index_cast %add3A_627 : i32 to index
      %get3A_632 = tpu.vector_load %arg14[%get3A_629, %get3A_630, %get3A_631] {strides = array<i32>} : memref<2x128x128xf32, #tpu.memory_space<vmem>>, vector<16xf32>,
      %sub3A_633 = arith.subf %get3A_613, %get3A_625 : vector<16xf32>
      %mul3A_634 = arith.mulf %get3A_601, %sub3A_633 : vector<16xf32>
      %sub3A_635 = arith.subf %get3A_620, %get3A_632 : vector<16xf32>
      %mul3A_636 = arith.mulf %get3A_608, %sub3A_635 : vector<16xf32>
      %add3A_637 = arith.addf %mul3A_634, %mul3A_636 : vector<16xf32>
      %add3A_638 = arith.constant 5 : i32
      %add3A_639 = arith.addi %add3A_285, %add3A_638 : i32
      %add3A_640 = vector.broadcast %add3A_639 : i32 to vector<16xi32>
      %add3A_641 = arith.addi %mul3A_12, %add3A_640 : vector<16xi32>
      tpu.vector_store_idx %arg15[%add3A_641], %add3A_637 : memref<8192xf32, #tpu.memory_space<vmem>>[vector<16xi32>], vector<16xf32>,
      %add3A_642 = arith.constant 6 : i32
      %add3A_643 = arith.addi %mul3A_283, %add3A_642 : i32
      %slice3A_644 = vector.extract_strided_slice %mul3A_291 {offsets = [6], sizes = [1], strides = [1]} : vector<16xi32> to vector<1xi32>
      %squeeze3A_645 = vector.extract %slice3A_644[0] : i32 from vector<1xi32>
      %multiple_of3A_646 = tpu.assume_multiple %squeeze3A_645, 32 : i32
      %slice3A_647 = vector.extract_strided_slice %mul3A_299 {offsets = [6], sizes = [1], strides = [1]} : vector<16xi32> to vector<1xi32>
      %squeeze3A_648 = vector.extract %slice3A_647[0] : i32 from vector<1xi32>
      %multiple_of3A_649 = tpu.assume_multiple %squeeze3A_648, 32 : i32
      %slice3A_650 = vector.extract_strided_slice %mul3A_309 {offsets = [6], sizes = [1], strides = [1]} : vector<16xi32> to vector<1xi32>
      %squeeze3A_651 = vector.extract %slice3A_650[0] : i32 from vector<1xi32>
      %multiple_of3A_652 = tpu.assume_multiple %squeeze3A_651, 32 : i32
      %get3A_653 = arith.constant 0 : i32
      %get3A_654 = arith.index_cast %get3A_653 : i32 to index
      %get3A_655 = arith.index_cast %add3A_643 : i32 to index
      %get3A_656 = arith.index_cast %multiple_of3A_646 : i32 to index
      %get3A_657 = tpu.vector_load %arg12[%get3A_654, %get3A_655, %get3A_656] {strides = array<i32>} : memref<2x128x128xf32, #tpu.memory_space<vmem>>, vector<16xf32>,
      %add3A_658 = arith.constant 16 : i32
      %add3A_659 = arith.addi %multiple_of3A_646, %add3A_658 : i32
      %get3A_660 = arith.constant 0 : i32
      %get3A_661 = arith.index_cast %get3A_660 : i32 to index
      %get3A_662 = arith.index_cast %add3A_643 : i32 to index
      %get3A_663 = arith.index_cast %add3A_659 : i32 to index
      %get3A_664 = tpu.vector_load %arg12[%get3A_661, %get3A_662, %get3A_663] {strides = array<i32>} : memref<2x128x128xf32, #tpu.memory_space<vmem>>, vector<16xf32>,
      %get3A_665 = arith.constant 0 : i32
      %get3A_666 = arith.index_cast %get3A_665 : i32 to index
      %get3A_667 = arith.index_cast %add3A_643 : i32 to index
      %get3A_668 = arith.index_cast %multiple_of3A_649 : i32 to index
      %get3A_669 = tpu.vector_load %arg13[%get3A_666, %get3A_667, %get3A_668] {strides = array<i32>} : memref<2x128x128xf32, #tpu.memory_space<vmem>>, vector<16xf32>,
      %add3A_670 = arith.constant 16 : i32
      %add3A_671 = arith.addi %multiple_of3A_649, %add3A_670 : i32
      %get3A_672 = arith.constant 0 : i32
      %get3A_673 = arith.index_cast %get3A_672 : i32 to index
      %get3A_674 = arith.index_cast %add3A_643 : i32 to index
      %get3A_675 = arith.index_cast %add3A_671 : i32 to index
      %get3A_676 = tpu.vector_load %arg13[%get3A_673, %get3A_674, %get3A_675] {strides = array<i32>} : memref<2x128x128xf32, #tpu.memory_space<vmem>>, vector<16xf32>,
      %get3A_677 = arith.constant 0 : i32
      %get3A_678 = arith.index_cast %get3A_677 : i32 to index
      %get3A_679 = arith.index_cast %add3A_643 : i32 to index
      %get3A_680 = arith.index_cast %multiple_of3A_652 : i32 to index
      %get3A_681 = tpu.vector_load %arg14[%get3A_678, %get3A_679, %get3A_680] {strides = array<i32>} : memref<2x128x128xf32, #tpu.memory_space<vmem>>, vector<16xf32>,
      %add3A_682 = arith.constant 16 : i32
      %add3A_683 = arith.addi %multiple_of3A_652, %add3A_682 : i32
      %get3A_684 = arith.constant 0 : i32
      %get3A_685 = arith.index_cast %get3A_684 : i32 to index
      %get3A_686 = arith.index_cast %add3A_643 : i32 to index
      %get3A_687 = arith.index_cast %add3A_683 : i32 to index
      %get3A_688 = tpu.vector_load %arg14[%get3A_685, %get3A_686, %get3A_687] {strides = array<i32>} : memref<2x128x128xf32, #tpu.memory_space<vmem>>, vector<16xf32>,
      %sub3A_689 = arith.subf %get3A_669, %get3A_681 : vector<16xf32>
      %mul3A_690 = arith.mulf %get3A_657, %sub3A_689 : vector<16xf32>
      %sub3A_691 = arith.subf %get3A_676, %get3A_688 : vector<16xf32>
      %mul3A_692 = arith.mulf %get3A_664, %sub3A_691 : vector<16xf32>
      %add3A_693 = arith.addf %mul3A_690, %mul3A_692 : vector<16xf32>
      %add3A_694 = arith.constant 6 : i32
      %add3A_695 = arith.addi %add3A_285, %add3A_694 : i32
      %add3A_696 = vector.broadcast %add3A_695 : i32 to vector<16xi32>
      %add3A_697 = arith.addi %mul3A_12, %add3A_696 : vector<16xi32>
      tpu.vector_store_idx %arg15[%add3A_697], %add3A_693 : memref<8192xf32, #tpu.memory_space<vmem>>[vector<16xi32>], vector<16xf32>,
      %add3A_698 = arith.constant 7 : i32
      %add3A_699 = arith.addi %mul3A_283, %add3A_698 : i32
      %slice3A_700 = vector.extract_strided_slice %mul3A_291 {offsets = [7], sizes = [1], strides = [1]} : vector<16xi32> to vector<1xi32>
      %squeeze3A_701 = vector.extract %slice3A_700[0] : i32 from vector<1xi32>
      %multiple_of3A_702 = tpu.assume_multiple %squeeze3A_701, 32 : i32
      %slice3A_703 = vector.extract_strided_slice %mul3A_299 {offsets = [7], sizes = [1], strides = [1]} : vector<16xi32> to vector<1xi32>
      %squeeze3A_704 = vector.extract %slice3A_703[0] : i32 from vector<1xi32>
      %multiple_of3A_705 = tpu.assume_multiple %squeeze3A_704, 32 : i32
      %slice3A_706 = vector.extract_strided_slice %mul3A_309 {offsets = [7], sizes = [1], strides = [1]} : vector<16xi32> to vector<1xi32>
      %squeeze3A_707 = vector.extract %slice3A_706[0] : i32 from vector<1xi32>
      %multiple_of3A_708 = tpu.assume_multiple %squeeze3A_707, 32 : i32
      %get3A_709 = arith.constant 0 : i32
      %get3A_710 = arith.index_cast %get3A_709 : i32 to index
      %get3A_711 = arith.index_cast %add3A_699 : i32 to index
      %get3A_712 = arith.index_cast %multiple_of3A_702 : i32 to index
      %get3A_713 = tpu.vector_load %arg12[%get3A_710, %get3A_711, %get3A_712] {strides = array<i32>} : memref<2x128x128xf32, #tpu.memory_space<vmem>>, vector<16xf32>,
      %add3A_714 = arith.constant 16 : i32
      %add3A_715 = arith.addi %multiple_of3A_702, %add3A_714 : i32
      %get3A_716 = arith.constant 0 : i32
      %get3A_717 = arith.index_cast %get3A_716 : i32 to index
      %get3A_718 = arith.index_cast %add3A_699 : i32 to index
      %get3A_719 = arith.index_cast %add3A_715 : i32 to index
      %get3A_720 = tpu.vector_load %arg12[%get3A_717, %get3A_718, %get3A_719] {strides = array<i32>} : memref<2x128x128xf32, #tpu.memory_space<vmem>>, vector<16xf32>,
      %get3A_721 = arith.constant 0 : i32
      %get3A_722 = arith.index_cast %get3A_721 : i32 to index
      %get3A_723 = arith.index_cast %add3A_699 : i32 to index
      %get3A_724 = arith.index_cast %multiple_of3A_705 : i32 to index
      %get3A_725 = tpu.vector_load %arg13[%get3A_722, %get3A_723, %get3A_724] {strides = array<i32>} : memref<2x128x128xf32, #tpu.memory_space<vmem>>, vector<16xf32>,
      %add3A_726 = arith.constant 16 : i32
      %add3A_727 = arith.addi %multiple_of3A_705, %add3A_726 : i32
      %get3A_728 = arith.constant 0 : i32
      %get3A_729 = arith.index_cast %get3A_728 : i32 to index
      %get3A_730 = arith.index_cast %add3A_699 : i32 to index
      %get3A_731 = arith.index_cast %add3A_727 : i32 to index
      %get3A_732 = tpu.vector_load %arg13[%get3A_729, %get3A_730, %get3A_731] {strides = array<i32>} : memref<2x128x128xf32, #tpu.memory_space<vmem>>, vector<16xf32>,
      %get3A_733 = arith.constant 0 : i32
      %get3A_734 = arith.index_cast %get3A_733 : i32 to index
      %get3A_735 = arith.index_cast %add3A_699 : i32 to index
      %get3A_736 = arith.index_cast %multiple_of3A_708 : i32 to index
      %get3A_737 = tpu.vector_load %arg14[%get3A_734, %get3A_735, %get3A_736] {strides = array<i32>} : memref<2x128x128xf32, #tpu.memory_space<vmem>>, vector<16xf32>,
      %add3A_738 = arith.constant 16 : i32
      %add3A_739 = arith.addi %multiple_of3A_708, %add3A_738 : i32
      %get3A_740 = arith.constant 0 : i32
      %get3A_741 = arith.index_cast %get3A_740 : i32 to index
      %get3A_742 = arith.index_cast %add3A_699 : i32 to index
      %get3A_743 = arith.index_cast %add3A_739 : i32 to index
      %get3A_744 = tpu.vector_load %arg14[%get3A_741, %get3A_742, %get3A_743] {strides = array<i32>} : memref<2x128x128xf32, #tpu.memory_space<vmem>>, vector<16xf32>,
      %sub3A_745 = arith.subf %get3A_725, %get3A_737 : vector<16xf32>
      %mul3A_746 = arith.mulf %get3A_713, %sub3A_745 : vector<16xf32>
      %sub3A_747 = arith.subf %get3A_732, %get3A_744 : vector<16xf32>
      %mul3A_748 = arith.mulf %get3A_720, %sub3A_747 : vector<16xf32>
      %add3A_749 = arith.addf %mul3A_746, %mul3A_748 : vector<16xf32>
      %add3A_750 = arith.constant 7 : i32
      %add3A_751 = arith.addi %add3A_285, %add3A_750 : i32
      %add3A_752 = vector.broadcast %add3A_751 : i32 to vector<16xi32>
      %add3A_753 = arith.addi %mul3A_12, %add3A_752 : vector<16xi32>
      tpu.vector_store_idx %arg15[%add3A_753], %add3A_749 : memref<8192xf32, #tpu.memory_space<vmem>>[vector<16xi32>], vector<16xf32>,
      %add3A_754 = arith.constant 8 : i32
      %add3A_755 = arith.addi %mul3A_283, %add3A_754 : i32
      %slice3A_756 = vector.extract_strided_slice %mul3A_291 {offsets = [8], sizes = [1], strides = [1]} : vector<16xi32> to vector<1xi32>
      %squeeze3A_757 = vector.extract %slice3A_756[0] : i32 from vector<1xi32>
      %multiple_of3A_758 = tpu.assume_multiple %squeeze3A_757, 32 : i32
      %slice3A_759 = vector.extract_strided_slice %mul3A_299 {offsets = [8], sizes = [1], strides = [1]} : vector<16xi32> to vector<1xi32>
      %squeeze3A_760 = vector.extract %slice3A_759[0] : i32 from vector<1xi32>
      %multiple_of3A_761 = tpu.assume_multiple %squeeze3A_760, 32 : i32
      %slice3A_762 = vector.extract_strided_slice %mul3A_309 {offsets = [8], sizes = [1], strides = [1]} : vector<16xi32> to vector<1xi32>
      %squeeze3A_763 = vector.extract %slice3A_762[0] : i32 from vector<1xi32>
      %multiple_of3A_764 = tpu.assume_multiple %squeeze3A_763, 32 : i32
      %get3A_765 = arith.constant 0 : i32
      %get3A_766 = arith.index_cast %get3A_765 : i32 to index
      %get3A_767 = arith.index_cast %add3A_755 : i32 to index
      %get3A_768 = arith.index_cast %multiple_of3A_758 : i32 to index
      %get3A_769 = tpu.vector_load %arg12[%get3A_766, %get3A_767, %get3A_768] {strides = array<i32>} : memref<2x128x128xf32, #tpu.memory_space<vmem>>, vector<16xf32>,
      %add3A_770 = arith.constant 16 : i32
      %add3A_771 = arith.addi %multiple_of3A_758, %add3A_770 : i32
      %get3A_772 = arith.constant 0 : i32
      %get3A_773 = arith.index_cast %get3A_772 : i32 to index
      %get3A_774 = arith.index_cast %add3A_755 : i32 to index
      %get3A_775 = arith.index_cast %add3A_771 : i32 to index
      %get3A_776 = tpu.vector_load %arg12[%get3A_773, %get3A_774, %get3A_775] {strides = array<i32>} : memref<2x128x128xf32, #tpu.memory_space<vmem>>, vector<16xf32>,
      %get3A_777 = arith.constant 0 : i32
      %get3A_778 = arith.index_cast %get3A_777 : i32 to index
      %get3A_779 = arith.index_cast %add3A_755 : i32 to index
      %get3A_780 = arith.index_cast %multiple_of3A_761 : i32 to index
      %get3A_781 = tpu.vector_load %arg13[%get3A_778, %get3A_779, %get3A_780] {strides = array<i32>} : memref<2x128x128xf32, #tpu.memory_space<vmem>>, vector<16xf32>,
      %add3A_782 = arith.constant 16 : i32
      %add3A_783 = arith.addi %multiple_of3A_761, %add3A_782 : i32
      %get3A_784 = arith.constant 0 : i32
      %get3A_785 = arith.index_cast %get3A_784 : i32 to index
      %get3A_786 = arith.index_cast %add3A_755 : i32 to index
      %get3A_787 = arith.index_cast %add3A_783 : i32 to index
      %get3A_788 = tpu.vector_load %arg13[%get3A_785, %get3A_786, %get3A_787] {strides = array<i32>} : memref<2x128x128xf32, #tpu.memory_space<vmem>>, vector<16xf32>,
      %get3A_789 = arith.constant 0 : i32
      %get3A_790 = arith.index_cast %get3A_789 : i32 to index
      %get3A_791 = arith.index_cast %add3A_755 : i32 to index
      %get3A_792 = arith.index_cast %multiple_of3A_764 : i32 to index
      %get3A_793 = tpu.vector_load %arg14[%get3A_790, %get3A_791, %get3A_792] {strides = array<i32>} : memref<2x128x128xf32, #tpu.memory_space<vmem>>, vector<16xf32>,
      %add3A_794 = arith.constant 16 : i32
      %add3A_795 = arith.addi %multiple_of3A_764, %add3A_794 : i32
      %get3A_796 = arith.constant 0 : i32
      %get3A_797 = arith.index_cast %get3A_796 : i32 to index
      %get3A_798 = arith.index_cast %add3A_755 : i32 to index
      %get3A_799 = arith.index_cast %add3A_795 : i32 to index
      %get3A_800 = tpu.vector_load %arg14[%get3A_797, %get3A_798, %get3A_799] {strides = array<i32>} : memref<2x128x128xf32, #tpu.memory_space<vmem>>, vector<16xf32>,
      %sub3A_801 = arith.subf %get3A_781, %get3A_793 : vector<16xf32>
      %mul3A_802 = arith.mulf %get3A_769, %sub3A_801 : vector<16xf32>
      %sub3A_803 = arith.subf %get3A_788, %get3A_800 : vector<16xf32>
      %mul3A_804 = arith.mulf %get3A_776, %sub3A_803 : vector<16xf32>
      %add3A_805 = arith.addf %mul3A_802, %mul3A_804 : vector<16xf32>
      %add3A_806 = arith.constant 8 : i32
      %add3A_807 = arith.addi %add3A_285, %add3A_806 : i32
      %add3A_808 = vector.broadcast %add3A_807 : i32 to vector<16xi32>
      %add3A_809 = arith.addi %mul3A_12, %add3A_808 : vector<16xi32>
      tpu.vector_store_idx %arg15[%add3A_809], %add3A_805 : memref<8192xf32, #tpu.memory_space<vmem>>[vector<16xi32>], vector<16xf32>,
      %add3A_810 = arith.constant 9 : i32
      %add3A_811 = arith.addi %mul3A_283, %add3A_810 : i32
      %slice3A_812 = vector.extract_strided_slice %mul3A_291 {offsets = [9], sizes = [1], strides = [1]} : vector<16xi32> to vector<1xi32>
      %squeeze3A_813 = vector.extract %slice3A_812[0] : i32 from vector<1xi32>
      %multiple_of3A_814 = tpu.assume_multiple %squeeze3A_813, 32 : i32
      %slice3A_815 = vector.extract_strided_slice %mul3A_299 {offsets = [9], sizes = [1], strides = [1]} : vector<16xi32> to vector<1xi32>
      %squeeze3A_816 = vector.extract %slice3A_815[0] : i32 from vector<1xi32>
      %multiple_of3A_817 = tpu.assume_multiple %squeeze3A_816, 32 : i32
      %slice3A_818 = vector.extract_strided_slice %mul3A_309 {offsets = [9], sizes = [1], strides = [1]} : vector<16xi32> to vector<1xi32>
      %squeeze3A_819 = vector.extract %slice3A_818[0] : i32 from vector<1xi32>
      %multiple_of3A_820 = tpu.assume_multiple %squeeze3A_819, 32 : i32
      %get3A_821 = arith.constant 0 : i32
      %get3A_822 = arith.index_cast %get3A_821 : i32 to index
      %get3A_823 = arith.index_cast %add3A_811 : i32 to index
      %get3A_824 = arith.index_cast %multiple_of3A_814 : i32 to index
      %get3A_825 = tpu.vector_load %arg12[%get3A_822, %get3A_823, %get3A_824] {strides = array<i32>} : memref<2x128x128xf32, #tpu.memory_space<vmem>>, vector<16xf32>,
      %add3A_826 = arith.constant 16 : i32
      %add3A_827 = arith.addi %multiple_of3A_814, %add3A_826 : i32
      %get3A_828 = arith.constant 0 : i32
      %get3A_829 = arith.index_cast %get3A_828 : i32 to index
      %get3A_830 = arith.index_cast %add3A_811 : i32 to index
      %get3A_831 = arith.index_cast %add3A_827 : i32 to index
      %get3A_832 = tpu.vector_load %arg12[%get3A_829, %get3A_830, %get3A_831] {strides = array<i32>} : memref<2x128x128xf32, #tpu.memory_space<vmem>>, vector<16xf32>,
      %get3A_833 = arith.constant 0 : i32
      %get3A_834 = arith.index_cast %get3A_833 : i32 to index
      %get3A_835 = arith.index_cast %add3A_811 : i32 to index
      %get3A_836 = arith.index_cast %multiple_of3A_817 : i32 to index
      %get3A_837 = tpu.vector_load %arg13[%get3A_834, %get3A_835, %get3A_836] {strides = array<i32>} : memref<2x128x128xf32, #tpu.memory_space<vmem>>, vector<16xf32>,
      %add3A_838 = arith.constant 16 : i32
      %add3A_839 = arith.addi %multiple_of3A_817, %add3A_838 : i32
      %get3A_840 = arith.constant 0 : i32
      %get3A_841 = arith.index_cast %get3A_840 : i32 to index
      %get3A_842 = arith.index_cast %add3A_811 : i32 to index
      %get3A_843 = arith.index_cast %add3A_839 : i32 to index
      %get3A_844 = tpu.vector_load %arg13[%get3A_841, %get3A_842, %get3A_843] {strides = array<i32>} : memref<2x128x128xf32, #tpu.memory_space<vmem>>, vector<16xf32>,
      %get3A_845 = arith.constant 0 : i32
      %get3A_846 = arith.index_cast %get3A_845 : i32 to index
      %get3A_847 = arith.index_cast %add3A_811 : i32 to index
      %get3A_848 = arith.index_cast %multiple_of3A_820 : i32 to index
      %get3A_849 = tpu.vector_load %arg14[%get3A_846, %get3A_847, %get3A_848] {strides = array<i32>} : memref<2x128x128xf32, #tpu.memory_space<vmem>>, vector<16xf32>,
      %add3A_850 = arith.constant 16 : i32
      %add3A_851 = arith.addi %multiple_of3A_820, %add3A_850 : i32
      %get3A_852 = arith.constant 0 : i32
      %get3A_853 = arith.index_cast %get3A_852 : i32 to index
      %get3A_854 = arith.index_cast %add3A_811 : i32 to index
      %get3A_855 = arith.index_cast %add3A_851 : i32 to index
      %get3A_856 = tpu.vector_load %arg14[%get3A_853, %get3A_854, %get3A_855] {strides = array<i32>} : memref<2x128x128xf32, #tpu.memory_space<vmem>>, vector<16xf32>,
      %sub3A_857 = arith.subf %get3A_837, %get3A_849 : vector<16xf32>
      %mul3A_858 = arith.mulf %get3A_825, %sub3A_857 : vector<16xf32>
      %sub3A_859 = arith.subf %get3A_844, %get3A_856 : vector<16xf32>
      %mul3A_860 = arith.mulf %get3A_832, %sub3A_859 : vector<16xf32>
      %add3A_861 = arith.addf %mul3A_858, %mul3A_860 : vector<16xf32>
      %add3A_862 = arith.constant 9 : i32
      %add3A_863 = arith.addi %add3A_285, %add3A_862 : i32
      %add3A_864 = vector.broadcast %add3A_863 : i32 to vector<16xi32>
      %add3A_865 = arith.addi %mul3A_12, %add3A_864 : vector<16xi32>
      tpu.vector_store_idx %arg15[%add3A_865], %add3A_861 : memref<8192xf32, #tpu.memory_space<vmem>>[vector<16xi32>], vector<16xf32>,
      %add3A_866 = arith.constant 10 : i32
      %add3A_867 = arith.addi %mul3A_283, %add3A_866 : i32
      %slice3A_868 = vector.extract_strided_slice %mul3A_291 {offsets = [10], sizes = [1], strides = [1]} : vector<16xi32> to vector<1xi32>
      %squeeze3A_869 = vector.extract %slice3A_868[0] : i32 from vector<1xi32>
      %multiple_of3A_870 = tpu.assume_multiple %squeeze3A_869, 32 : i32
      %slice3A_871 = vector.extract_strided_slice %mul3A_299 {offsets = [10], sizes = [1], strides = [1]} : vector<16xi32> to vector<1xi32>
      %squeeze3A_872 = vector.extract %slice3A_871[0] : i32 from vector<1xi32>
      %multiple_of3A_873 = tpu.assume_multiple %squeeze3A_872, 32 : i32
      %slice3A_874 = vector.extract_strided_slice %mul3A_309 {offsets = [10], sizes = [1], strides = [1]} : vector<16xi32> to vector<1xi32>
      %squeeze3A_875 = vector.extract %slice3A_874[0] : i32 from vector<1xi32>
      %multiple_of3A_876 = tpu.assume_multiple %squeeze3A_875, 32 : i32
      %get3A_877 = arith.constant 0 : i32
      %get3A_878 = arith.index_cast %get3A_877 : i32 to index
      %get3A_879 = arith.index_cast %add3A_867 : i32 to index
      %get3A_880 = arith.index_cast %multiple_of3A_870 : i32 to index
      %get3A_881 = tpu.vector_load %arg12[%get3A_878, %get3A_879, %get3A_880] {strides = array<i32>} : memref<2x128x128xf32, #tpu.memory_space<vmem>>, vector<16xf32>,
      %add3A_882 = arith.constant 16 : i32
      %add3A_883 = arith.addi %multiple_of3A_870, %add3A_882 : i32
      %get3A_884 = arith.constant 0 : i32
      %get3A_885 = arith.index_cast %get3A_884 : i32 to index
      %get3A_886 = arith.index_cast %add3A_867 : i32 to index
      %get3A_887 = arith.index_cast %add3A_883 : i32 to index
      %get3A_888 = tpu.vector_load %arg12[%get3A_885, %get3A_886, %get3A_887] {strides = array<i32>} : memref<2x128x128xf32, #tpu.memory_space<vmem>>, vector<16xf32>,
      %get3A_889 = arith.constant 0 : i32
      %get3A_890 = arith.index_cast %get3A_889 : i32 to index
      %get3A_891 = arith.index_cast %add3A_867 : i32 to index
      %get3A_892 = arith.index_cast %multiple_of3A_873 : i32 to index
      %get3A_893 = tpu.vector_load %arg13[%get3A_890, %get3A_891, %get3A_892] {strides = array<i32>} : memref<2x128x128xf32, #tpu.memory_space<vmem>>, vector<16xf32>,
      %add3A_894 = arith.constant 16 : i32
      %add3A_895 = arith.addi %multiple_of3A_873, %add3A_894 : i32
      %get3A_896 = arith.constant 0 : i32
      %get3A_897 = arith.index_cast %get3A_896 : i32 to index
      %get3A_898 = arith.index_cast %add3A_867 : i32 to index
      %get3A_899 = arith.index_cast %add3A_895 : i32 to index
      %get3A_900 = tpu.vector_load %arg13[%get3A_897, %get3A_898, %get3A_899] {strides = array<i32>} : memref<2x128x128xf32, #tpu.memory_space<vmem>>, vector<16xf32>,
      %get3A_901 = arith.constant 0 : i32
      %get3A_902 = arith.index_cast %get3A_901 : i32 to index
      %get3A_903 = arith.index_cast %add3A_867 : i32 to index
      %get3A_904 = arith.index_cast %multiple_of3A_876 : i32 to index
      %get3A_905 = tpu.vector_load %arg14[%get3A_902, %get3A_903, %get3A_904] {strides = array<i32>} : memref<2x128x128xf32, #tpu.memory_space<vmem>>, vector<16xf32>,
      %add3A_906 = arith.constant 16 : i32
      %add3A_907 = arith.addi %multiple_of3A_876, %add3A_906 : i32
      %get3A_908 = arith.constant 0 : i32
      %get3A_909 = arith.index_cast %get3A_908 : i32 to index
      %get3A_910 = arith.index_cast %add3A_867 : i32 to index
      %get3A_911 = arith.index_cast %add3A_907 : i32 to index
      %get3A_912 = tpu.vector_load %arg14[%get3A_909, %get3A_910, %get3A_911] {strides = array<i32>} : memref<2x128x128xf32, #tpu.memory_space<vmem>>, vector<16xf32>,
      %sub3A_913 = arith.subf %get3A_893, %get3A_905 : vector<16xf32>
      %mul3A_914 = arith.mulf %get3A_881, %sub3A_913 : vector<16xf32>
      %sub3A_915 = arith.subf %get3A_900, %get3A_912 : vector<16xf32>
      %mul3A_916 = arith.mulf %get3A_888, %sub3A_915 : vector<16xf32>
      %add3A_917 = arith.addf %mul3A_914, %mul3A_916 : vector<16xf32>
      %add3A_918 = arith.constant 10 : i32
      %add3A_919 = arith.addi %add3A_285, %add3A_918 : i32
      %add3A_920 = vector.broadcast %add3A_919 : i32 to vector<16xi32>
      %add3A_921 = arith.addi %mul3A_12, %add3A_920 : vector<16xi32>
      tpu.vector_store_idx %arg15[%add3A_921], %add3A_917 : memref<8192xf32, #tpu.memory_space<vmem>>[vector<16xi32>], vector<16xf32>,
      %add3A_922 = arith.constant 11 : i32
      %add3A_923 = arith.addi %mul3A_283, %add3A_922 : i32
      %slice3A_924 = vector.extract_strided_slice %mul3A_291 {offsets = [11], sizes = [1], strides = [1]} : vector<16xi32> to vector<1xi32>
      %squeeze3A_925 = vector.extract %slice3A_924[0] : i32 from vector<1xi32>
      %multiple_of3A_926 = tpu.assume_multiple %squeeze3A_925, 32 : i32
      %slice3A_927 = vector.extract_strided_slice %mul3A_299 {offsets = [11], sizes = [1], strides = [1]} : vector<16xi32> to vector<1xi32>
      %squeeze3A_928 = vector.extract %slice3A_927[0] : i32 from vector<1xi32>
      %multiple_of3A_929 = tpu.assume_multiple %squeeze3A_928, 32 : i32
      %slice3A_930 = vector.extract_strided_slice %mul3A_309 {offsets = [11], sizes = [1], strides = [1]} : vector<16xi32> to vector<1xi32>
      %squeeze3A_931 = vector.extract %slice3A_930[0] : i32 from vector<1xi32>
      %multiple_of3A_932 = tpu.assume_multiple %squeeze3A_931, 32 : i32
      %get3A_933 = arith.constant 0 : i32
      %get3A_934 = arith.index_cast %get3A_933 : i32 to index
      %get3A_935 = arith.index_cast %add3A_923 : i32 to index
      %get3A_936 = arith.index_cast %multiple_of3A_926 : i32 to index
      %get3A_937 = tpu.vector_load %arg12[%get3A_934, %get3A_935, %get3A_936] {strides = array<i32>} : memref<2x128x128xf32, #tpu.memory_space<vmem>>, vector<16xf32>,
      %add3A_938 = arith.constant 16 : i32
      %add3A_939 = arith.addi %multiple_of3A_926, %add3A_938 : i32
      %get3A_940 = arith.constant 0 : i32
      %get3A_941 = arith.index_cast %get3A_940 : i32 to index
      %get3A_942 = arith.index_cast %add3A_923 : i32 to index
      %get3A_943 = arith.index_cast %add3A_939 : i32 to index
      %get3A_944 = tpu.vector_load %arg12[%get3A_941, %get3A_942, %get3A_943] {strides = array<i32>} : memref<2x128x128xf32, #tpu.memory_space<vmem>>, vector<16xf32>,
      %get3A_945 = arith.constant 0 : i32
      %get3A_946 = arith.index_cast %get3A_945 : i32 to index
      %get3A_947 = arith.index_cast %add3A_923 : i32 to index
      %get3A_948 = arith.index_cast %multiple_of3A_929 : i32 to index
      %get3A_949 = tpu.vector_load %arg13[%get3A_946, %get3A_947, %get3A_948] {strides = array<i32>} : memref<2x128x128xf32, #tpu.memory_space<vmem>>, vector<16xf32>,
      %add3A_950 = arith.constant 16 : i32
      %add3A_951 = arith.addi %multiple_of3A_929, %add3A_950 : i32
      %get3A_952 = arith.constant 0 : i32
      %get3A_953 = arith.index_cast %get3A_952 : i32 to index
      %get3A_954 = arith.index_cast %add3A_923 : i32 to index
      %get3A_955 = arith.index_cast %add3A_951 : i32 to index
      %get3A_956 = tpu.vector_load %arg13[%get3A_953, %get3A_954, %get3A_955] {strides = array<i32>} : memref<2x128x128xf32, #tpu.memory_space<vmem>>, vector<16xf32>,
      %get3A_957 = arith.constant 0 : i32
      %get3A_958 = arith.index_cast %get3A_957 : i32 to index
      %get3A_959 = arith.index_cast %add3A_923 : i32 to index
      %get3A_960 = arith.index_cast %multiple_of3A_932 : i32 to index
      %get3A_961 = tpu.vector_load %arg14[%get3A_958, %get3A_959, %get3A_960] {strides = array<i32>} : memref<2x128x128xf32, #tpu.memory_space<vmem>>, vector<16xf32>,
      %add3A_962 = arith.constant 16 : i32
      %add3A_963 = arith.addi %multiple_of3A_932, %add3A_962 : i32
      %get3A_964 = arith.constant 0 : i32
      %get3A_965 = arith.index_cast %get3A_964 : i32 to index
      %get3A_966 = arith.index_cast %add3A_923 : i32 to index
      %get3A_967 = arith.index_cast %add3A_963 : i32 to index
      %get3A_968 = tpu.vector_load %arg14[%get3A_965, %get3A_966, %get3A_967] {strides = array<i32>} : memref<2x128x128xf32, #tpu.memory_space<vmem>>, vector<16xf32>,
      %sub3A_969 = arith.subf %get3A_949, %get3A_961 : vector<16xf32>
      %mul3A_970 = arith.mulf %get3A_937, %sub3A_969 : vector<16xf32>
      %sub3A_971 = arith.subf %get3A_956, %get3A_968 : vector<16xf32>
      %mul3A_972 = arith.mulf %get3A_944, %sub3A_971 : vector<16xf32>
      %add3A_973 = arith.addf %mul3A_970, %mul3A_972 : vector<16xf32>
      %add3A_974 = arith.constant 11 : i32
      %add3A_975 = arith.addi %add3A_285, %add3A_974 : i32
      %add3A_976 = vector.broadcast %add3A_975 : i32 to vector<16xi32>
      %add3A_977 = arith.addi %mul3A_12, %add3A_976 : vector<16xi32>
      tpu.vector_store_idx %arg15[%add3A_977], %add3A_973 : memref<8192xf32, #tpu.memory_space<vmem>>[vector<16xi32>], vector<16xf32>,
      %add3A_978 = arith.constant 12 : i32
      %add3A_979 = arith.addi %mul3A_283, %add3A_978 : i32
      %slice3A_980 = vector.extract_strided_slice %mul3A_291 {offsets = [12], sizes = [1], strides = [1]} : vector<16xi32> to vector<1xi32>
      %squeeze3A_981 = vector.extract %slice3A_980[0] : i32 from vector<1xi32>
      %multiple_of3A_982 = tpu.assume_multiple %squeeze3A_981, 32 : i32
      %slice3A_983 = vector.extract_strided_slice %mul3A_299 {offsets = [12], sizes = [1], strides = [1]} : vector<16xi32> to vector<1xi32>
      %squeeze3A_984 = vector.extract %slice3A_983[0] : i32 from vector<1xi32>
      %multiple_of3A_985 = tpu.assume_multiple %squeeze3A_984, 32 : i32
      %slice3A_986 = vector.extract_strided_slice %mul3A_309 {offsets = [12], sizes = [1], strides = [1]} : vector<16xi32> to vector<1xi32>
      %squeeze3A_987 = vector.extract %slice3A_986[0] : i32 from vector<1xi32>
      %multiple_of3A_988 = tpu.assume_multiple %squeeze3A_987, 32 : i32
      %get3A_989 = arith.constant 0 : i32
      %get3A_990 = arith.index_cast %get3A_989 : i32 to index
      %get3A_991 = arith.index_cast %add3A_979 : i32 to index
      %get3A_992 = arith.index_cast %multiple_of3A_982 : i32 to index
      %get3A_993 = tpu.vector_load %arg12[%get3A_990, %get3A_991, %get3A_992] {strides = array<i32>} : memref<2x128x128xf32, #tpu.memory_space<vmem>>, vector<16xf32>,
      %add3A_994 = arith.constant 16 : i32
      %add3A_995 = arith.addi %multiple_of3A_982, %add3A_994 : i32
      %get3A_996 = arith.constant 0 : i32
      %get3A_997 = arith.index_cast %get3A_996 : i32 to index
      %get3A_998 = arith.index_cast %add3A_979 : i32 to index
      %get3A_999 = arith.index_cast %add3A_995 : i32 to index
      %get3A_1000 = tpu.vector_load %arg12[%get3A_997, %get3A_998, %get3A_999] {strides = array<i32>} : memref<2x128x128xf32, #tpu.memory_space<vmem>>, vector<16xf32>,
      %get3A_1001 = arith.constant 0 : i32
      %get3A_1002 = arith.index_cast %get3A_1001 : i32 to index
      %get3A_1003 = arith.index_cast %add3A_979 : i32 to index
      %get3A_1004 = arith.index_cast %multiple_of3A_985 : i32 to index
      %get3A_1005 = tpu.vector_load %arg13[%get3A_1002, %get3A_1003, %get3A_1004] {strides = array<i32>} : memref<2x128x128xf32, #tpu.memory_space<vmem>>, vector<16xf32>,
      %add3A_1006 = arith.constant 16 : i32
      %add3A_1007 = arith.addi %multiple_of3A_985, %add3A_1006 : i32
      %get3A_1008 = arith.constant 0 : i32
      %get3A_1009 = arith.index_cast %get3A_1008 : i32 to index
      %get3A_1010 = arith.index_cast %add3A_979 : i32 to index
      %get3A_1011 = arith.index_cast %add3A_1007 : i32 to index
      %get3A_1012 = tpu.vector_load %arg13[%get3A_1009, %get3A_1010, %get3A_1011] {strides = array<i32>} : memref<2x128x128xf32, #tpu.memory_space<vmem>>, vector<16xf32>,
      %get3A_1013 = arith.constant 0 : i32
      %get3A_1014 = arith.index_cast %get3A_1013 : i32 to index
      %get3A_1015 = arith.index_cast %add3A_979 : i32 to index
      %get3A_1016 = arith.index_cast %multiple_of3A_988 : i32 to index
      %get3A_1017 = tpu.vector_load %arg14[%get3A_1014, %get3A_1015, %get3A_1016] {strides = array<i32>} : memref<2x128x128xf32, #tpu.memory_space<vmem>>, vector<16xf32>,
      %add3A_1018 = arith.constant 16 : i32
      %add3A_1019 = arith.addi %multiple_of3A_988, %add3A_1018 : i32
      %get3A_1020 = arith.constant 0 : i32
      %get3A_1021 = arith.index_cast %get3A_1020 : i32 to index
      %get3A_1022 = arith.index_cast %add3A_979 : i32 to index
      %get3A_1023 = arith.index_cast %add3A_1019 : i32 to index
      %get3A_1024 = tpu.vector_load %arg14[%get3A_1021, %get3A_1022, %get3A_1023] {strides = array<i32>} : memref<2x128x128xf32, #tpu.memory_space<vmem>>, vector<16xf32>,
      %sub3A_1025 = arith.subf %get3A_1005, %get3A_1017 : vector<16xf32>
      %mul3A_1026 = arith.mulf %get3A_993, %sub3A_1025 : vector<16xf32>
      %sub3A_1027 = arith.subf %get3A_1012, %get3A_1024 : vector<16xf32>
      %mul3A_1028 = arith.mulf %get3A_1000, %sub3A_1027 : vector<16xf32>
      %add3A_1029 = arith.addf %mul3A_1026, %mul3A_1028 : vector<16xf32>
      %add3A_1030 = arith.constant 12 : i32
      %add3A_1031 = arith.addi %add3A_285, %add3A_1030 : i32
      %add3A_1032 = vector.broadcast %add3A_1031 : i32 to vector<16xi32>
      %add3A_1033 = arith.addi %mul3A_12, %add3A_1032 : vector<16xi32>
      tpu.vector_store_idx %arg15[%add3A_1033], %add3A_1029 : memref<8192xf32, #tpu.memory_space<vmem>>[vector<16xi32>], vector<16xf32>,
      %add3A_1034 = arith.constant 13 : i32
      %add3A_1035 = arith.addi %mul3A_283, %add3A_1034 : i32
      %slice3A_1036 = vector.extract_strided_slice %mul3A_291 {offsets = [13], sizes = [1], strides = [1]} : vector<16xi32> to vector<1xi32>
      %squeeze3A_1037 = vector.extract %slice3A_1036[0] : i32 from vector<1xi32>
      %multiple_of3A_1038 = tpu.assume_multiple %squeeze3A_1037, 32 : i32
      %slice3A_1039 = vector.extract_strided_slice %mul3A_299 {offsets = [13], sizes = [1], strides = [1]} : vector<16xi32> to vector<1xi32>
      %squeeze3A_1040 = vector.extract %slice3A_1039[0] : i32 from vector<1xi32>
      %multiple_of3A_1041 = tpu.assume_multiple %squeeze3A_1040, 32 : i32
      %slice3A_1042 = vector.extract_strided_slice %mul3A_309 {offsets = [13], sizes = [1], strides = [1]} : vector<16xi32> to vector<1xi32>
      %squeeze3A_1043 = vector.extract %slice3A_1042[0] : i32 from vector<1xi32>
      %multiple_of3A_1044 = tpu.assume_multiple %squeeze3A_1043, 32 : i32
      %get3A_1045 = arith.constant 0 : i32
      %get3A_1046 = arith.index_cast %get3A_1045 : i32 to index
      %get3A_1047 = arith.index_cast %add3A_1035 : i32 to index
      %get3A_1048 = arith.index_cast %multiple_of3A_1038 : i32 to index
      %get3A_1049 = tpu.vector_load %arg12[%get3A_1046, %get3A_1047, %get3A_1048] {strides = array<i32>} : memref<2x128x128xf32, #tpu.memory_space<vmem>>, vector<16xf32>,
      %add3A_1050 = arith.constant 16 : i32
      %add3A_1051 = arith.addi %multiple_of3A_1038, %add3A_1050 : i32
      %get3A_1052 = arith.constant 0 : i32
      %get3A_1053 = arith.index_cast %get3A_1052 : i32 to index
      %get3A_1054 = arith.index_cast %add3A_1035 : i32 to index
      %get3A_1055 = arith.index_cast %add3A_1051 : i32 to index
      %get3A_1056 = tpu.vector_load %arg12[%get3A_1053, %get3A_1054, %get3A_1055] {strides = array<i32>} : memref<2x128x128xf32, #tpu.memory_space<vmem>>, vector<16xf32>,
      %get3A_1057 = arith.constant 0 : i32
      %get3A_1058 = arith.index_cast %get3A_1057 : i32 to index
      %get3A_1059 = arith.index_cast %add3A_1035 : i32 to index
      %get3A_1060 = arith.index_cast %multiple_of3A_1041 : i32 to index
      %get3A_1061 = tpu.vector_load %arg13[%get3A_1058, %get3A_1059, %get3A_1060] {strides = array<i32>} : memref<2x128x128xf32, #tpu.memory_space<vmem>>, vector<16xf32>,
      %add3A_1062 = arith.constant 16 : i32
      %add3A_1063 = arith.addi %multiple_of3A_1041, %add3A_1062 : i32
      %get3A_1064 = arith.constant 0 : i32
      %get3A_1065 = arith.index_cast %get3A_1064 : i32 to index
      %get3A_1066 = arith.index_cast %add3A_1035 : i32 to index
      %get3A_1067 = arith.index_cast %add3A_1063 : i32 to index
      %get3A_1068 = tpu.vector_load %arg13[%get3A_1065, %get3A_1066, %get3A_1067] {strides = array<i32>} : memref<2x128x128xf32, #tpu.memory_space<vmem>>, vector<16xf32>,
      %get3A_1069 = arith.constant 0 : i32
      %get3A_1070 = arith.index_cast %get3A_1069 : i32 to index
      %get3A_1071 = arith.index_cast %add3A_1035 : i32 to index
      %get3A_1072 = arith.index_cast %multiple_of3A_1044 : i32 to index
      %get3A_1073 = tpu.vector_load %arg14[%get3A_1070, %get3A_1071, %get3A_1072] {strides = array<i32>} : memref<2x128x128xf32, #tpu.memory_space<vmem>>, vector<16xf32>,
      %add3A_1074 = arith.constant 16 : i32
      %add3A_1075 = arith.addi %multiple_of3A_1044, %add3A_1074 : i32
      %get3A_1076 = arith.constant 0 : i32
      %get3A_1077 = arith.index_cast %get3A_1076 : i32 to index
      %get3A_1078 = arith.index_cast %add3A_1035 : i32 to index
      %get3A_1079 = arith.index_cast %add3A_1075 : i32 to index
      %get3A_1080 = tpu.vector_load %arg14[%get3A_1077, %get3A_1078, %get3A_1079] {strides = array<i32>} : memref<2x128x128xf32, #tpu.memory_space<vmem>>, vector<16xf32>,
      %sub3A_1081 = arith.subf %get3A_1061, %get3A_1073 : vector<16xf32>
      %mul3A_1082 = arith.mulf %get3A_1049, %sub3A_1081 : vector<16xf32>
      %sub3A_1083 = arith.subf %get3A_1068, %get3A_1080 : vector<16xf32>
      %mul3A_1084 = arith.mulf %get3A_1056, %sub3A_1083 : vector<16xf32>
      %add3A_1085 = arith.addf %mul3A_1082, %mul3A_1084 : vector<16xf32>
      %add3A_1086 = arith.constant 13 : i32
      %add3A_1087 = arith.addi %add3A_285, %add3A_1086 : i32
      %add3A_1088 = vector.broadcast %add3A_1087 : i32 to vector<16xi32>
      %add3A_1089 = arith.addi %mul3A_12, %add3A_1088 : vector<16xi32>
      tpu.vector_store_idx %arg15[%add3A_1089], %add3A_1085 : memref<8192xf32, #tpu.memory_space<vmem>>[vector<16xi32>], vector<16xf32>,
      %add3A_1090 = arith.constant 14 : i32
      %add3A_1091 = arith.addi %mul3A_283, %add3A_1090 : i32
      %slice3A_1092 = vector.extract_strided_slice %mul3A_291 {offsets = [14], sizes = [1], strides = [1]} : vector<16xi32> to vector<1xi32>
      %squeeze3A_1093 = vector.extract %slice3A_1092[0] : i32 from vector<1xi32>
      %multiple_of3A_1094 = tpu.assume_multiple %squeeze3A_1093, 32 : i32
      %slice3A_1095 = vector.extract_strided_slice %mul3A_299 {offsets = [14], sizes = [1], strides = [1]} : vector<16xi32> to vector<1xi32>
      %squeeze3A_1096 = vector.extract %slice3A_1095[0] : i32 from vector<1xi32>
      %multiple_of3A_1097 = tpu.assume_multiple %squeeze3A_1096, 32 : i32
      %slice3A_1098 = vector.extract_strided_slice %mul3A_309 {offsets = [14], sizes = [1], strides = [1]} : vector<16xi32> to vector<1xi32>
      %squeeze3A_1099 = vector.extract %slice3A_1098[0] : i32 from vector<1xi32>
      %multiple_of3A_1100 = tpu.assume_multiple %squeeze3A_1099, 32 : i32
      %get3A_1101 = arith.constant 0 : i32
      %get3A_1102 = arith.index_cast %get3A_1101 : i32 to index
      %get3A_1103 = arith.index_cast %add3A_1091 : i32 to index
      %get3A_1104 = arith.index_cast %multiple_of3A_1094 : i32 to index
      %get3A_1105 = tpu.vector_load %arg12[%get3A_1102, %get3A_1103, %get3A_1104] {strides = array<i32>} : memref<2x128x128xf32, #tpu.memory_space<vmem>>, vector<16xf32>,
      %add3A_1106 = arith.constant 16 : i32
      %add3A_1107 = arith.addi %multiple_of3A_1094, %add3A_1106 : i32
      %get3A_1108 = arith.constant 0 : i32
      %get3A_1109 = arith.index_cast %get3A_1108 : i32 to index
      %get3A_1110 = arith.index_cast %add3A_1091 : i32 to index
      %get3A_1111 = arith.index_cast %add3A_1107 : i32 to index
      %get3A_1112 = tpu.vector_load %arg12[%get3A_1109, %get3A_1110, %get3A_1111] {strides = array<i32>} : memref<2x128x128xf32, #tpu.memory_space<vmem>>, vector<16xf32>,
      %get3A_1113 = arith.constant 0 : i32
      %get3A_1114 = arith.index_cast %get3A_1113 : i32 to index
      %get3A_1115 = arith.index_cast %add3A_1091 : i32 to index
      %get3A_1116 = arith.index_cast %multiple_of3A_1097 : i32 to index
      %get3A_1117 = tpu.vector_load %arg13[%get3A_1114, %get3A_1115, %get3A_1116] {strides = array<i32>} : memref<2x128x128xf32, #tpu.memory_space<vmem>>, vector<16xf32>,
      %add3A_1118 = arith.constant 16 : i32
      %add3A_1119 = arith.addi %multiple_of3A_1097, %add3A_1118 : i32
      %get3A_1120 = arith.constant 0 : i32
      %get3A_1121 = arith.index_cast %get3A_1120 : i32 to index
      %get3A_1122 = arith.index_cast %add3A_1091 : i32 to index
      %get3A_1123 = arith.index_cast %add3A_1119 : i32 to index
      %get3A_1124 = tpu.vector_load %arg13[%get3A_1121, %get3A_1122, %get3A_1123] {strides = array<i32>} : memref<2x128x128xf32, #tpu.memory_space<vmem>>, vector<16xf32>,
      %get3A_1125 = arith.constant 0 : i32
      %get3A_1126 = arith.index_cast %get3A_1125 : i32 to index
      %get3A_1127 = arith.index_cast %add3A_1091 : i32 to index
      %get3A_1128 = arith.index_cast %multiple_of3A_1100 : i32 to index
      %get3A_1129 = tpu.vector_load %arg14[%get3A_1126, %get3A_1127, %get3A_1128] {strides = array<i32>} : memref<2x128x128xf32, #tpu.memory_space<vmem>>, vector<16xf32>,
      %add3A_1130 = arith.constant 16 : i32
      %add3A_1131 = arith.addi %multiple_of3A_1100, %add3A_1130 : i32
      %get3A_1132 = arith.constant 0 : i32
      %get3A_1133 = arith.index_cast %get3A_1132 : i32 to index
      %get3A_1134 = arith.index_cast %add3A_1091 : i32 to index
      %get3A_1135 = arith.index_cast %add3A_1131 : i32 to index
      %get3A_1136 = tpu.vector_load %arg14[%get3A_1133, %get3A_1134, %get3A_1135] {strides = array<i32>} : memref<2x128x128xf32, #tpu.memory_space<vmem>>, vector<16xf32>,
      %sub3A_1137 = arith.subf %get3A_1117, %get3A_1129 : vector<16xf32>
      %mul3A_1138 = arith.mulf %get3A_1105, %sub3A_1137 : vector<16xf32>
      %sub3A_1139 = arith.subf %get3A_1124, %get3A_1136 : vector<16xf32>
      %mul3A_1140 = arith.mulf %get3A_1112, %sub3A_1139 : vector<16xf32>
      %add3A_1141 = arith.addf %mul3A_1138, %mul3A_1140 : vector<16xf32>
      %add3A_1142 = arith.constant 14 : i32
      %add3A_1143 = arith.addi %add3A_285, %add3A_1142 : i32
      %add3A_1144 = vector.broadcast %add3A_1143 : i32 to vector<16xi32>
      %add3A_1145 = arith.addi %mul3A_12, %add3A_1144 : vector<16xi32>
      tpu.vector_store_idx %arg15[%add3A_1145], %add3A_1141 : memref<8192xf32, #tpu.memory_space<vmem>>[vector<16xi32>], vector<16xf32>,
      %add3A_1146 = arith.constant 15 : i32
      %add3A_1147 = arith.addi %mul3A_283, %add3A_1146 : i32
      %slice3A_1148 = vector.extract_strided_slice %mul3A_291 {offsets = [15], sizes = [1], strides = [1]} : vector<16xi32> to vector<1xi32>
      %squeeze3A_1149 = vector.extract %slice3A_1148[0] : i32 from vector<1xi32>
      %multiple_of3A_1150 = tpu.assume_multiple %squeeze3A_1149, 32 : i32
      %slice3A_1151 = vector.extract_strided_slice %mul3A_299 {offsets = [15], sizes = [1], strides = [1]} : vector<16xi32> to vector<1xi32>
      %squeeze3A_1152 = vector.extract %slice3A_1151[0] : i32 from vector<1xi32>
      %multiple_of3A_1153 = tpu.assume_multiple %squeeze3A_1152, 32 : i32
      %slice3A_1154 = vector.extract_strided_slice %mul3A_309 {offsets = [15], sizes = [1], strides = [1]} : vector<16xi32> to vector<1xi32>
      %squeeze3A_1155 = vector.extract %slice3A_1154[0] : i32 from vector<1xi32>
      %multiple_of3A_1156 = tpu.assume_multiple %squeeze3A_1155, 32 : i32
      %get3A_1157 = arith.constant 0 : i32
      %get3A_1158 = arith.index_cast %get3A_1157 : i32 to index
      %get3A_1159 = arith.index_cast %add3A_1147 : i32 to index
      %get3A_1160 = arith.index_cast %multiple_of3A_1150 : i32 to index
      %get3A_1161 = tpu.vector_load %arg12[%get3A_1158, %get3A_1159, %get3A_1160] {strides = array<i32>} : memref<2x128x128xf32, #tpu.memory_space<vmem>>, vector<16xf32>,
      %add3A_1162 = arith.constant 16 : i32
      %add3A_1163 = arith.addi %multiple_of3A_1150, %add3A_1162 : i32
      %get3A_1164 = arith.constant 0 : i32
      %get3A_1165 = arith.index_cast %get3A_1164 : i32 to index
      %get3A_1166 = arith.index_cast %add3A_1147 : i32 to index
      %get3A_1167 = arith.index_cast %add3A_1163 : i32 to index
      %get3A_1168 = tpu.vector_load %arg12[%get3A_1165, %get3A_1166, %get3A_1167] {strides = array<i32>} : memref<2x128x128xf32, #tpu.memory_space<vmem>>, vector<16xf32>,
      %get3A_1169 = arith.constant 0 : i32
      %get3A_1170 = arith.index_cast %get3A_1169 : i32 to index
      %get3A_1171 = arith.index_cast %add3A_1147 : i32 to index
      %get3A_1172 = arith.index_cast %multiple_of3A_1153 : i32 to index
      %get3A_1173 = tpu.vector_load %arg13[%get3A_1170, %get3A_1171, %get3A_1172] {strides = array<i32>} : memref<2x128x128xf32, #tpu.memory_space<vmem>>, vector<16xf32>,
      %add3A_1174 = arith.constant 16 : i32
      %add3A_1175 = arith.addi %multiple_of3A_1153, %add3A_1174 : i32
      %get3A_1176 = arith.constant 0 : i32
      %get3A_1177 = arith.index_cast %get3A_1176 : i32 to index
      %get3A_1178 = arith.index_cast %add3A_1147 : i32 to index
      %get3A_1179 = arith.index_cast %add3A_1175 : i32 to index
      %get3A_1180 = tpu.vector_load %arg13[%get3A_1177, %get3A_1178, %get3A_1179] {strides = array<i32>} : memref<2x128x128xf32, #tpu.memory_space<vmem>>, vector<16xf32>,
      %get3A_1181 = arith.constant 0 : i32
      %get3A_1182 = arith.index_cast %get3A_1181 : i32 to index
      %get3A_1183 = arith.index_cast %add3A_1147 : i32 to index
      %get3A_1184 = arith.index_cast %multiple_of3A_1156 : i32 to index
      %get3A_1185 = tpu.vector_load %arg14[%get3A_1182, %get3A_1183, %get3A_1184] {strides = array<i32>} : memref<2x128x128xf32, #tpu.memory_space<vmem>>, vector<16xf32>,
      %add3A_1186 = arith.constant 16 : i32
      %add3A_1187 = arith.addi %multiple_of3A_1156, %add3A_1186 : i32
      %get3A_1188 = arith.constant 0 : i32
      %get3A_1189 = arith.index_cast %get3A_1188 : i32 to index
      %get3A_1190 = arith.index_cast %add3A_1147 : i32 to index
      %get3A_1191 = arith.index_cast %add3A_1187 : i32 to index
      %get3A_1192 = tpu.vector_load %arg14[%get3A_1189, %get3A_1190, %get3A_1191] {strides = array<i32>} : memref<2x128x128xf32, #tpu.memory_space<vmem>>, vector<16xf32>,
      %sub3A_1193 = arith.subf %get3A_1173, %get3A_1185 : vector<16xf32>
      %mul3A_1194 = arith.mulf %get3A_1161, %sub3A_1193 : vector<16xf32>
      %sub3A_1195 = arith.subf %get3A_1180, %get3A_1192 : vector<16xf32>
      %mul3A_1196 = arith.mulf %get3A_1168, %sub3A_1195 : vector<16xf32>
      %add3A_1197 = arith.addf %mul3A_1194, %mul3A_1196 : vector<16xf32>
      %add3A_1198 = arith.constant 15 : i32
      %add3A_1199 = arith.addi %add3A_285, %add3A_1198 : i32
      %add3A_1200 = vector.broadcast %add3A_1199 : i32 to vector<16xi32>
      %add3A_1201 = arith.addi %mul3A_12, %add3A_1200 : vector<16xi32>
      tpu.vector_store_idx %arg15[%add3A_1201], %add3A_1197 : memref<8192xf32, #tpu.memory_space<vmem>>[vector<16xi32>], vector<16xf32>,
    }
    %scan3A_106 = arith.constant 8 : i32
    %dma_start3A_107 = arith.constant 0 : i32
    %dma_start3A_108 = arith.constant 0 : i32
    %dma_start3A_109 = arith.constant 0 : i32
    %dma_start3A_110 = tpu.memref_slice %arg12[%dma_start3A_107, %dma_start3A_108, %dma_start3A_109] : memref<2x128x128xf32, #tpu.memory_space<vmem>> -> memref<1x128x128xf32, #tpu.memory_space<vmem>>
    %dma_start3A_111 = tpu.memref_squeeze %dma_start3A_110 : memref<1x128x128xf32, #tpu.memory_space<vmem>> -> memref<128x128xf32, #tpu.memory_space<vmem>>
    %dma_start3A_112 = arith.constant 256 : i32
    %dma_start3A_113 = tpu.memref_slice %arg9[%dma_start3A_112] : memref<512xi32, #tpu.memory_space<vmem>> -> memref<128xi32, #tpu.memory_space<vmem>>
    %dma_start3A_114 = arith.constant 0 : i32
    %dma_start3A_115 = arith.constant 0 : i32
    %dma_start3A_116 = tpu.memref_slice %arg4[%dma_start3A_114, %dma_start3A_115] : memref<250000x128xf32, #tpu.memory_space<hbm>> -> memref<250000x128xf32, #tpu.memory_space<hbm>>
    tpu.enqueue_indirect_dma source(%dma_start3A_116 : memref<250000x128xf32, #tpu.memory_space<hbm>>) target(%dma_start3A_111 : memref<128x128xf32, #tpu.memory_space<vmem>>) offsets(%dma_start3A_113 : memref<128xi32, #tpu.memory_space<vmem>>) semaphore(%arg17 : memref<!tpu.dma_semaphore, #tpu.memory_space<semaphore_mem>>)
    %dma_start3A_117 = arith.constant 0 : i32
    %dma_start3A_118 = arith.constant 0 : i32
    %dma_start3A_119 = arith.constant 0 : i32
    %dma_start3A_120 = tpu.memref_slice %arg13[%dma_start3A_117, %dma_start3A_118, %dma_start3A_119] : memref<2x128x128xf32, #tpu.memory_space<vmem>> -> memref<1x128x128xf32, #tpu.memory_space<vmem>>
    %dma_start3A_121 = tpu.memref_squeeze %dma_start3A_120 : memref<1x128x128xf32, #tpu.memory_space<vmem>> -> memref<128x128xf32, #tpu.memory_space<vmem>>
    %dma_start3A_122 = arith.constant 256 : i32
    %dma_start3A_123 = tpu.memref_slice %arg10[%dma_start3A_122] : memref<512xi32, #tpu.memory_space<vmem>> -> memref<128xi32, #tpu.memory_space<vmem>>
    %dma_start3A_124 = arith.constant 0 : i32
    %dma_start3A_125 = arith.constant 0 : i32
    %dma_start3A_126 = tpu.memref_slice %arg5[%dma_start3A_124, %dma_start3A_125] : memref<250000x128xf32, #tpu.memory_space<hbm>> -> memref<250000x128xf32, #tpu.memory_space<hbm>>
    tpu.enqueue_indirect_dma source(%dma_start3A_126 : memref<250000x128xf32, #tpu.memory_space<hbm>>) target(%dma_start3A_121 : memref<128x128xf32, #tpu.memory_space<vmem>>) offsets(%dma_start3A_123 : memref<128xi32, #tpu.memory_space<vmem>>) semaphore(%arg19 : memref<!tpu.dma_semaphore, #tpu.memory_space<semaphore_mem>>)
    %dma_start3A_127 = arith.constant 0 : i32
    %dma_start3A_128 = arith.constant 0 : i32
    %dma_start3A_129 = arith.constant 0 : i32
    %dma_start3A_130 = tpu.memref_slice %arg14[%dma_start3A_127, %dma_start3A_128, %dma_start3A_129] : memref<2x128x128xf32, #tpu.memory_space<vmem>> -> memref<1x128x128xf32, #tpu.memory_space<vmem>>
    %dma_start3A_131 = tpu.memref_squeeze %dma_start3A_130 : memref<1x128x128xf32, #tpu.memory_space<vmem>> -> memref<128x128xf32, #tpu.memory_space<vmem>>
    %dma_start3A_132 = arith.constant 256 : i32
    %dma_start3A_133 = tpu.memref_slice %arg11[%dma_start3A_132] : memref<512xi32, #tpu.memory_space<vmem>> -> memref<128xi32, #tpu.memory_space<vmem>>
    %dma_start3A_134 = arith.constant 0 : i32
    %dma_start3A_135 = arith.constant 0 : i32
    %dma_start3A_136 = tpu.memref_slice %arg5[%dma_start3A_134, %dma_start3A_135] : memref<250000x128xf32, #tpu.memory_space<hbm>> -> memref<250000x128xf32, #tpu.memory_space<hbm>>
    tpu.enqueue_indirect_dma source(%dma_start3A_136 : memref<250000x128xf32, #tpu.memory_space<hbm>>) target(%dma_start3A_131 : memref<128x128xf32, #tpu.memory_space<vmem>>) offsets(%dma_start3A_133 : memref<128xi32, #tpu.memory_space<vmem>>) semaphore(%arg21 : memref<!tpu.dma_semaphore, #tpu.memory_space<semaphore_mem>>)
    %dma_wait3A_137 = arith.constant 1 : i32
    %dma_wait3A_138 = arith.constant 0 : i32
    %dma_wait3A_139 = arith.constant 0 : i32
    %dma_wait3A_140 = tpu.memref_slice %arg12[%dma_wait3A_137, %dma_wait3A_138, %dma_wait3A_139] : memref<2x128x128xf32, #tpu.memory_space<vmem>> -> memref<1x128x128xf32, #tpu.memory_space<vmem>>
    %dma_wait3A_141 = tpu.memref_squeeze %dma_wait3A_140 : memref<1x128x128xf32, #tpu.memory_space<vmem>> -> memref<128x128xf32, #tpu.memory_space<vmem>>
    %dma_wait3A_142 = arith.constant 128 : i32
    %dma_wait3A_143 = tpu.memref_slice %arg9[%dma_wait3A_142] : memref<512xi32, #tpu.memory_space<vmem>> -> memref<128xi32, #tpu.memory_space<vmem>>
    %dma_wait3A_144 = arith.constant 0 : i32
    %dma_wait3A_145 = arith.constant 0 : i32
    %dma_wait3A_146 = tpu.memref_slice %arg4[%dma_wait3A_144, %dma_wait3A_145] : memref<250000x128xf32, #tpu.memory_space<hbm>> -> memref<250000x128xf32, #tpu.memory_space<hbm>>
    tpu.wait_indirect_dma semaphore(%arg18 : memref<!tpu.dma_semaphore, #tpu.memory_space<semaphore_mem>>) src(%dma_wait3A_146 : memref<250000x128xf32, #tpu.memory_space<hbm>>) dst(%dma_wait3A_141 : memref<128x128xf32, #tpu.memory_space<vmem>>)
    %dma_wait3A_147 = arith.constant 1 : i32
    %dma_wait3A_148 = arith.constant 0 : i32
    %dma_wait3A_149 = arith.constant 0 : i32
    %dma_wait3A_150 = tpu.memref_slice %arg13[%dma_wait3A_147, %dma_wait3A_148, %dma_wait3A_149] : memref<2x128x128xf32, #tpu.memory_space<vmem>> -> memref<1x128x128xf32, #tpu.memory_space<vmem>>
    %dma_wait3A_151 = tpu.memref_squeeze %dma_wait3A_150 : memref<1x128x128xf32, #tpu.memory_space<vmem>> -> memref<128x128xf32, #tpu.memory_space<vmem>>
    %dma_wait3A_152 = arith.constant 128 : i32
    %dma_wait3A_153 = tpu.memref_slice %arg10[%dma_wait3A_152] : memref<512xi32, #tpu.memory_space<vmem>> -> memref<128xi32, #tpu.memory_space<vmem>>
    %dma_wait3A_154 = arith.constant 0 : i32
    %dma_wait3A_155 = arith.constant 0 : i32
    %dma_wait3A_156 = tpu.memref_slice %arg5[%dma_wait3A_154, %dma_wait3A_155] : memref<250000x128xf32, #tpu.memory_space<hbm>> -> memref<250000x128xf32, #tpu.memory_space<hbm>>
    tpu.wait_indirect_dma semaphore(%arg20 : memref<!tpu.dma_semaphore, #tpu.memory_space<semaphore_mem>>) src(%dma_wait3A_156 : memref<250000x128xf32, #tpu.memory_space<hbm>>) dst(%dma_wait3A_151 : memref<128x128xf32, #tpu.memory_space<vmem>>)
    %dma_wait3A_157 = arith.constant 1 : i32
    %dma_wait3A_158 = arith.constant 0 : i32
    %dma_wait3A_159 = arith.constant 0 : i32
    %dma_wait3A_160 = tpu.memref_slice %arg14[%dma_wait3A_157, %dma_wait3A_158, %dma_wait3A_159] : memref<2x128x128xf32, #tpu.memory_space<vmem>> -> memref<1x128x128xf32, #tpu.memory_space<vmem>>
    %dma_wait3A_161 = tpu.memref_squeeze %dma_wait3A_160 : memref<1x128x128xf32, #tpu.memory_space<vmem>> -> memref<128x128xf32, #tpu.memory_space<vmem>>
    %dma_wait3A_162 = arith.constant 128 : i32
    %dma_wait3A_163 = tpu.memref_slice %arg11[%dma_wait3A_162] : memref<512xi32, #tpu.memory_space<vmem>> -> memref<128xi32, #tpu.memory_space<vmem>>
    %dma_wait3A_164 = arith.constant 0 : i32
    %dma_wait3A_165 = arith.constant 0 : i32
    %dma_wait3A_166 = tpu.memref_slice %arg5[%dma_wait3A_164, %dma_wait3A_165] : memref<250000x128xf32, #tpu.memory_space<hbm>> -> memref<250000x128xf32, #tpu.memory_space<hbm>>
    tpu.wait_indirect_dma semaphore(%arg22 : memref<!tpu.dma_semaphore, #tpu.memory_space<semaphore_mem>>) src(%dma_wait3A_166 : memref<250000x128xf32, #tpu.memory_space<hbm>>) dst(%dma_wait3A_161 : memref<128x128xf32, #tpu.memory_space<vmem>>)
    %scan3A_167 = arith.constant 0 : i32
    %scan3A_168 = arith.constant 0 : i32
    %scan3A_169 = arith.constant 8 : i32
    %scan3A_170 = arith.addi %scan3A_168, %scan3A_169 : i32
    %scan3A_171 = arith.constant 1 : i32
    scf.for %scan3A_281 = %scan3A_168 to %scan3A_170 step %scan3A_171  : i32 {
      %mul3A_282 = arith.constant 16 : i32
      %mul3A_283 = arith.muli %scan3A_281, %mul3A_282 : i32
      %add3A_284 = arith.constant 128 : i32
      %add3A_285 = arith.addi %add3A_284, %mul3A_283 : i32
      %get3A = arith.index_cast %add3A_285 : i32 to index
      %get3A_286 = tpu.vector_load %arg7[%get3A] {strides = array<i32>} : memref<512xi32, #tpu.memory_space<vmem>>, vector<16xi32>,
      %and3A = arith.constant 3 : i32
      %and3A_287 = vector.broadcast %and3A : i32 to vector<16xi32>
      %and3A_288 = arith.andi %get3A_286, %and3A_287 : vector<16xi32>
      %mul3A_289 = arith.constant 32 : i32
      %mul3A_290 = vector.broadcast %mul3A_289 : i32 to vector<16xi32>
      %mul3A_291 = arith.muli %and3A_288, %mul3A_290 : vector<16xi32>
      %get3A_292 = arith.index_cast %add3A_285 : i32 to index
      %get3A_293 = tpu.vector_load %arg8[%get3A_292] {strides = array<i32>} : memref<1024xi32, #tpu.memory_space<vmem>>, vector<16xi32>,
      %and3A_294 = arith.constant 3 : i32
      %and3A_295 = vector.broadcast %and3A_294 : i32 to vector<16xi32>
      %and3A_296 = arith.andi %get3A_293, %and3A_295 : vector<16xi32>
      %mul3A_297 = arith.constant 32 : i32
      %mul3A_298 = vector.broadcast %mul3A_297 : i32 to vector<16xi32>
      %mul3A_299 = arith.muli %and3A_296, %mul3A_298 : vector<16xi32>
      %add3A_300 = arith.constant 512 : i32
      %add3A_301 = arith.addi %add3A_300, %add3A_285 : i32
      %get3A_302 = arith.index_cast %add3A_301 : i32 to index
      %get3A_303 = tpu.vector_load %arg8[%get3A_302] {strides = array<i32>} : memref<1024xi32, #tpu.memory_space<vmem>>, vector<16xi32>,
      %and3A_304 = arith.constant 3 : i32
      %and3A_305 = vector.broadcast %and3A_304 : i32 to vector<16xi32>
      %and3A_306 = arith.andi %get3A_303, %and3A_305 : vector<16xi32>
      %mul3A_307 = arith.constant 32 : i32
      %mul3A_308 = vector.broadcast %mul3A_307 : i32 to vector<16xi32>
      %mul3A_309 = arith.muli %and3A_306, %mul3A_308 : vector<16xi32>
      %add3A_310 = arith.constant 0 : i32
      %add3A_311 = arith.addi %mul3A_283, %add3A_310 : i32
      %slice3A = vector.extract_strided_slice %mul3A_291 {offsets = [0], sizes = [1], strides = [1]} : vector<16xi32> to vector<1xi32>
      %squeeze3A = vector.extract %slice3A[0] : i32 from vector<1xi32>
      %multiple_of3A = tpu.assume_multiple %squeeze3A, 32 : i32
      %slice3A_312 = vector.extract_strided_slice %mul3A_299 {offsets = [0], sizes = [1], strides = [1]} : vector<16xi32> to vector<1xi32>
      %squeeze3A_313 = vector.extract %slice3A_312[0] : i32 from vector<1xi32>
      %multiple_of3A_314 = tpu.assume_multiple %squeeze3A_313, 32 : i32
      %slice3A_315 = vector.extract_strided_slice %mul3A_309 {offsets = [0], sizes = [1], strides = [1]} : vector<16xi32> to vector<1xi32>
      %squeeze3A_316 = vector.extract %slice3A_315[0] : i32 from vector<1xi32>
      %multiple_of3A_317 = tpu.assume_multiple %squeeze3A_316, 32 : i32
      %get3A_318 = arith.constant 1 : i32
      %get3A_319 = arith.index_cast %get3A_318 : i32 to index
      %get3A_320 = arith.index_cast %add3A_311 : i32 to index
      %get3A_321 = arith.index_cast %multiple_of3A : i32 to index
      %get3A_322 = tpu.vector_load %arg12[%get3A_319, %get3A_320, %get3A_321] {strides = array<i32>} : memref<2x128x128xf32, #tpu.memory_space<vmem>>, vector<16xf32>,
      %add3A_323 = arith.constant 16 : i32
      %add3A_324 = arith.addi %multiple_of3A, %add3A_323 : i32
      %get3A_325 = arith.constant 1 : i32
      %get3A_326 = arith.index_cast %get3A_325 : i32 to index
      %get3A_327 = arith.index_cast %add3A_311 : i32 to index
      %get3A_328 = arith.index_cast %add3A_324 : i32 to index
      %get3A_329 = tpu.vector_load %arg12[%get3A_326, %get3A_327, %get3A_328] {strides = array<i32>} : memref<2x128x128xf32, #tpu.memory_space<vmem>>, vector<16xf32>,
      %get3A_330 = arith.constant 1 : i32
      %get3A_331 = arith.index_cast %get3A_330 : i32 to index
      %get3A_332 = arith.index_cast %add3A_311 : i32 to index
      %get3A_333 = arith.index_cast %multiple_of3A_314 : i32 to index
      %get3A_334 = tpu.vector_load %arg13[%get3A_331, %get3A_332, %get3A_333] {strides = array<i32>} : memref<2x128x128xf32, #tpu.memory_space<vmem>>, vector<16xf32>,
      %add3A_335 = arith.constant 16 : i32
      %add3A_336 = arith.addi %multiple_of3A_314, %add3A_335 : i32
      %get3A_337 = arith.constant 1 : i32
      %get3A_338 = arith.index_cast %get3A_337 : i32 to index
      %get3A_339 = arith.index_cast %add3A_311 : i32 to index
      %get3A_340 = arith.index_cast %add3A_336 : i32 to index
      %get3A_341 = tpu.vector_load %arg13[%get3A_338, %get3A_339, %get3A_340] {strides = array<i32>} : memref<2x128x128xf32, #tpu.memory_space<vmem>>, vector<16xf32>,
      %get3A_342 = arith.constant 1 : i32
      %get3A_343 = arith.index_cast %get3A_342 : i32 to index
      %get3A_344 = arith.index_cast %add3A_311 : i32 to index
      %get3A_345 = arith.index_cast %multiple_of3A_317 : i32 to index
      %get3A_346 = tpu.vector_load %arg14[%get3A_343, %get3A_344, %get3A_345] {strides = array<i32>} : memref<2x128x128xf32, #tpu.memory_space<vmem>>, vector<16xf32>,
      %add3A_347 = arith.constant 16 : i32
      %add3A_348 = arith.addi %multiple_of3A_317, %add3A_347 : i32
      %get3A_349 = arith.constant 1 : i32
      %get3A_350 = arith.index_cast %get3A_349 : i32 to index
      %get3A_351 = arith.index_cast %add3A_311 : i32 to index
      %get3A_352 = arith.index_cast %add3A_348 : i32 to index
      %get3A_353 = tpu.vector_load %arg14[%get3A_350, %get3A_351, %get3A_352] {strides = array<i32>} : memref<2x128x128xf32, #tpu.memory_space<vmem>>, vector<16xf32>,
      %sub3A = arith.subf %get3A_334, %get3A_346 : vector<16xf32>
      %mul3A_354 = arith.mulf %get3A_322, %sub3A : vector<16xf32>
      %sub3A_355 = arith.subf %get3A_341, %get3A_353 : vector<16xf32>
      %mul3A_356 = arith.mulf %get3A_329, %sub3A_355 : vector<16xf32>
      %add3A_357 = arith.addf %mul3A_354, %mul3A_356 : vector<16xf32>
      %add3A_358 = arith.constant 0 : i32
      %add3A_359 = arith.addi %add3A_285, %add3A_358 : i32
      %add3A_360 = vector.broadcast %add3A_359 : i32 to vector<16xi32>
      %add3A_361 = arith.addi %mul3A_12, %add3A_360 : vector<16xi32>
      tpu.vector_store_idx %arg15[%add3A_361], %add3A_357 : memref<8192xf32, #tpu.memory_space<vmem>>[vector<16xi32>], vector<16xf32>,
      %add3A_362 = arith.constant 1 : i32
      %add3A_363 = arith.addi %mul3A_283, %add3A_362 : i32
      %slice3A_364 = vector.extract_strided_slice %mul3A_291 {offsets = [1], sizes = [1], strides = [1]} : vector<16xi32> to vector<1xi32>
      %squeeze3A_365 = vector.extract %slice3A_364[0] : i32 from vector<1xi32>
      %multiple_of3A_366 = tpu.assume_multiple %squeeze3A_365, 32 : i32
      %slice3A_367 = vector.extract_strided_slice %mul3A_299 {offsets = [1], sizes = [1], strides = [1]} : vector<16xi32> to vector<1xi32>
      %squeeze3A_368 = vector.extract %slice3A_367[0] : i32 from vector<1xi32>
      %multiple_of3A_369 = tpu.assume_multiple %squeeze3A_368, 32 : i32
      %slice3A_370 = vector.extract_strided_slice %mul3A_309 {offsets = [1], sizes = [1], strides = [1]} : vector<16xi32> to vector<1xi32>
      %squeeze3A_371 = vector.extract %slice3A_370[0] : i32 from vector<1xi32>
      %multiple_of3A_372 = tpu.assume_multiple %squeeze3A_371, 32 : i32
      %get3A_373 = arith.constant 1 : i32
      %get3A_374 = arith.index_cast %get3A_373 : i32 to index
      %get3A_375 = arith.index_cast %add3A_363 : i32 to index
      %get3A_376 = arith.index_cast %multiple_of3A_366 : i32 to index
      %get3A_377 = tpu.vector_load %arg12[%get3A_374, %get3A_375, %get3A_376] {strides = array<i32>} : memref<2x128x128xf32, #tpu.memory_space<vmem>>, vector<16xf32>,
      %add3A_378 = arith.constant 16 : i32
      %add3A_379 = arith.addi %multiple_of3A_366, %add3A_378 : i32
      %get3A_380 = arith.constant 1 : i32
      %get3A_381 = arith.index_cast %get3A_380 : i32 to index
      %get3A_382 = arith.index_cast %add3A_363 : i32 to index
      %get3A_383 = arith.index_cast %add3A_379 : i32 to index
      %get3A_384 = tpu.vector_load %arg12[%get3A_381, %get3A_382, %get3A_383] {strides = array<i32>} : memref<2x128x128xf32, #tpu.memory_space<vmem>>, vector<16xf32>,
      %get3A_385 = arith.constant 1 : i32
      %get3A_386 = arith.index_cast %get3A_385 : i32 to index
      %get3A_387 = arith.index_cast %add3A_363 : i32 to index
      %get3A_388 = arith.index_cast %multiple_of3A_369 : i32 to index
      %get3A_389 = tpu.vector_load %arg13[%get3A_386, %get3A_387, %get3A_388] {strides = array<i32>} : memref<2x128x128xf32, #tpu.memory_space<vmem>>, vector<16xf32>,
      %add3A_390 = arith.constant 16 : i32
      %add3A_391 = arith.addi %multiple_of3A_369, %add3A_390 : i32
      %get3A_392 = arith.constant 1 : i32
      %get3A_393 = arith.index_cast %get3A_392 : i32 to index
      %get3A_394 = arith.index_cast %add3A_363 : i32 to index
      %get3A_395 = arith.index_cast %add3A_391 : i32 to index
      %get3A_396 = tpu.vector_load %arg13[%get3A_393, %get3A_394, %get3A_395] {strides = array<i32>} : memref<2x128x128xf32, #tpu.memory_space<vmem>>, vector<16xf32>,
      %get3A_397 = arith.constant 1 : i32
      %get3A_398 = arith.index_cast %get3A_397 : i32 to index
      %get3A_399 = arith.index_cast %add3A_363 : i32 to index
      %get3A_400 = arith.index_cast %multiple_of3A_372 : i32 to index
      %get3A_401 = tpu.vector_load %arg14[%get3A_398, %get3A_399, %get3A_400] {strides = array<i32>} : memref<2x128x128xf32, #tpu.memory_space<vmem>>, vector<16xf32>,
      %add3A_402 = arith.constant 16 : i32
      %add3A_403 = arith.addi %multiple_of3A_372, %add3A_402 : i32
      %get3A_404 = arith.constant 1 : i32
      %get3A_405 = arith.index_cast %get3A_404 : i32 to index
      %get3A_406 = arith.index_cast %add3A_363 : i32 to index
      %get3A_407 = arith.index_cast %add3A_403 : i32 to index
      %get3A_408 = tpu.vector_load %arg14[%get3A_405, %get3A_406, %get3A_407] {strides = array<i32>} : memref<2x128x128xf32, #tpu.memory_space<vmem>>, vector<16xf32>,
      %sub3A_409 = arith.subf %get3A_389, %get3A_401 : vector<16xf32>
      %mul3A_410 = arith.mulf %get3A_377, %sub3A_409 : vector<16xf32>
      %sub3A_411 = arith.subf %get3A_396, %get3A_408 : vector<16xf32>
      %mul3A_412 = arith.mulf %get3A_384, %sub3A_411 : vector<16xf32>
      %add3A_413 = arith.addf %mul3A_410, %mul3A_412 : vector<16xf32>
      %add3A_414 = arith.constant 1 : i32
      %add3A_415 = arith.addi %add3A_285, %add3A_414 : i32
      %add3A_416 = vector.broadcast %add3A_415 : i32 to vector<16xi32>
      %add3A_417 = arith.addi %mul3A_12, %add3A_416 : vector<16xi32>
      tpu.vector_store_idx %arg15[%add3A_417], %add3A_413 : memref<8192xf32, #tpu.memory_space<vmem>>[vector<16xi32>], vector<16xf32>,
      %add3A_418 = arith.constant 2 : i32
      %add3A_419 = arith.addi %mul3A_283, %add3A_418 : i32
      %slice3A_420 = vector.extract_strided_slice %mul3A_291 {offsets = [2], sizes = [1], strides = [1]} : vector<16xi32> to vector<1xi32>
      %squeeze3A_421 = vector.extract %slice3A_420[0] : i32 from vector<1xi32>
      %multiple_of3A_422 = tpu.assume_multiple %squeeze3A_421, 32 : i32
      %slice3A_423 = vector.extract_strided_slice %mul3A_299 {offsets = [2], sizes = [1], strides = [1]} : vector<16xi32> to vector<1xi32>
      %squeeze3A_424 = vector.extract %slice3A_423[0] : i32 from vector<1xi32>
      %multiple_of3A_425 = tpu.assume_multiple %squeeze3A_424, 32 : i32
      %slice3A_426 = vector.extract_strided_slice %mul3A_309 {offsets = [2], sizes = [1], strides = [1]} : vector<16xi32> to vector<1xi32>
      %squeeze3A_427 = vector.extract %slice3A_426[0] : i32 from vector<1xi32>
      %multiple_of3A_428 = tpu.assume_multiple %squeeze3A_427, 32 : i32
      %get3A_429 = arith.constant 1 : i32
      %get3A_430 = arith.index_cast %get3A_429 : i32 to index
      %get3A_431 = arith.index_cast %add3A_419 : i32 to index
      %get3A_432 = arith.index_cast %multiple_of3A_422 : i32 to index
      %get3A_433 = tpu.vector_load %arg12[%get3A_430, %get3A_431, %get3A_432] {strides = array<i32>} : memref<2x128x128xf32, #tpu.memory_space<vmem>>, vector<16xf32>,
      %add3A_434 = arith.constant 16 : i32
      %add3A_435 = arith.addi %multiple_of3A_422, %add3A_434 : i32
      %get3A_436 = arith.constant 1 : i32
      %get3A_437 = arith.index_cast %get3A_436 : i32 to index
      %get3A_438 = arith.index_cast %add3A_419 : i32 to index
      %get3A_439 = arith.index_cast %add3A_435 : i32 to index
      %get3A_440 = tpu.vector_load %arg12[%get3A_437, %get3A_438, %get3A_439] {strides = array<i32>} : memref<2x128x128xf32, #tpu.memory_space<vmem>>, vector<16xf32>,
      %get3A_441 = arith.constant 1 : i32
      %get3A_442 = arith.index_cast %get3A_441 : i32 to index
      %get3A_443 = arith.index_cast %add3A_419 : i32 to index
      %get3A_444 = arith.index_cast %multiple_of3A_425 : i32 to index
      %get3A_445 = tpu.vector_load %arg13[%get3A_442, %get3A_443, %get3A_444] {strides = array<i32>} : memref<2x128x128xf32, #tpu.memory_space<vmem>>, vector<16xf32>,
      %add3A_446 = arith.constant 16 : i32
      %add3A_447 = arith.addi %multiple_of3A_425, %add3A_446 : i32
      %get3A_448 = arith.constant 1 : i32
      %get3A_449 = arith.index_cast %get3A_448 : i32 to index
      %get3A_450 = arith.index_cast %add3A_419 : i32 to index
      %get3A_451 = arith.index_cast %add3A_447 : i32 to index
      %get3A_452 = tpu.vector_load %arg13[%get3A_449, %get3A_450, %get3A_451] {strides = array<i32>} : memref<2x128x128xf32, #tpu.memory_space<vmem>>, vector<16xf32>,
      %get3A_453 = arith.constant 1 : i32
      %get3A_454 = arith.index_cast %get3A_453 : i32 to index
      %get3A_455 = arith.index_cast %add3A_419 : i32 to index
      %get3A_456 = arith.index_cast %multiple_of3A_428 : i32 to index
      %get3A_457 = tpu.vector_load %arg14[%get3A_454, %get3A_455, %get3A_456] {strides = array<i32>} : memref<2x128x128xf32, #tpu.memory_space<vmem>>, vector<16xf32>,
      %add3A_458 = arith.constant 16 : i32
      %add3A_459 = arith.addi %multiple_of3A_428, %add3A_458 : i32
      %get3A_460 = arith.constant 1 : i32
      %get3A_461 = arith.index_cast %get3A_460 : i32 to index
      %get3A_462 = arith.index_cast %add3A_419 : i32 to index
      %get3A_463 = arith.index_cast %add3A_459 : i32 to index
      %get3A_464 = tpu.vector_load %arg14[%get3A_461, %get3A_462, %get3A_463] {strides = array<i32>} : memref<2x128x128xf32, #tpu.memory_space<vmem>>, vector<16xf32>,
      %sub3A_465 = arith.subf %get3A_445, %get3A_457 : vector<16xf32>
      %mul3A_466 = arith.mulf %get3A_433, %sub3A_465 : vector<16xf32>
      %sub3A_467 = arith.subf %get3A_452, %get3A_464 : vector<16xf32>
      %mul3A_468 = arith.mulf %get3A_440, %sub3A_467 : vector<16xf32>
      %add3A_469 = arith.addf %mul3A_466, %mul3A_468 : vector<16xf32>
      %add3A_470 = arith.constant 2 : i32
      %add3A_471 = arith.addi %add3A_285, %add3A_470 : i32
      %add3A_472 = vector.broadcast %add3A_471 : i32 to vector<16xi32>
      %add3A_473 = arith.addi %mul3A_12, %add3A_472 : vector<16xi32>
      tpu.vector_store_idx %arg15[%add3A_473], %add3A_469 : memref<8192xf32, #tpu.memory_space<vmem>>[vector<16xi32>], vector<16xf32>,
      %add3A_474 = arith.constant 3 : i32
      %add3A_475 = arith.addi %mul3A_283, %add3A_474 : i32
      %slice3A_476 = vector.extract_strided_slice %mul3A_291 {offsets = [3], sizes = [1], strides = [1]} : vector<16xi32> to vector<1xi32>
      %squeeze3A_477 = vector.extract %slice3A_476[0] : i32 from vector<1xi32>
      %multiple_of3A_478 = tpu.assume_multiple %squeeze3A_477, 32 : i32
      %slice3A_479 = vector.extract_strided_slice %mul3A_299 {offsets = [3], sizes = [1], strides = [1]} : vector<16xi32> to vector<1xi32>
      %squeeze3A_480 = vector.extract %slice3A_479[0] : i32 from vector<1xi32>
      %multiple_of3A_481 = tpu.assume_multiple %squeeze3A_480, 32 : i32
      %slice3A_482 = vector.extract_strided_slice %mul3A_309 {offsets = [3], sizes = [1], strides = [1]} : vector<16xi32> to vector<1xi32>
      %squeeze3A_483 = vector.extract %slice3A_482[0] : i32 from vector<1xi32>
      %multiple_of3A_484 = tpu.assume_multiple %squeeze3A_483, 32 : i32
      %get3A_485 = arith.constant 1 : i32
      %get3A_486 = arith.index_cast %get3A_485 : i32 to index
      %get3A_487 = arith.index_cast %add3A_475 : i32 to index
      %get3A_488 = arith.index_cast %multiple_of3A_478 : i32 to index
      %get3A_489 = tpu.vector_load %arg12[%get3A_486, %get3A_487, %get3A_488] {strides = array<i32>} : memref<2x128x128xf32, #tpu.memory_space<vmem>>, vector<16xf32>,
      %add3A_490 = arith.constant 16 : i32
      %add3A_491 = arith.addi %multiple_of3A_478, %add3A_490 : i32
      %get3A_492 = arith.constant 1 : i32
      %get3A_493 = arith.index_cast %get3A_492 : i32 to index
      %get3A_494 = arith.index_cast %add3A_475 : i32 to index
      %get3A_495 = arith.index_cast %add3A_491 : i32 to index
      %get3A_496 = tpu.vector_load %arg12[%get3A_493, %get3A_494, %get3A_495] {strides = array<i32>} : memref<2x128x128xf32, #tpu.memory_space<vmem>>, vector<16xf32>,
      %get3A_497 = arith.constant 1 : i32
      %get3A_498 = arith.index_cast %get3A_497 : i32 to index
      %get3A_499 = arith.index_cast %add3A_475 : i32 to index
      %get3A_500 = arith.index_cast %multiple_of3A_481 : i32 to index
      %get3A_501 = tpu.vector_load %arg13[%get3A_498, %get3A_499, %get3A_500] {strides = array<i32>} : memref<2x128x128xf32, #tpu.memory_space<vmem>>, vector<16xf32>,
      %add3A_502 = arith.constant 16 : i32
      %add3A_503 = arith.addi %multiple_of3A_481, %add3A_502 : i32
      %get3A_504 = arith.constant 1 : i32
      %get3A_505 = arith.index_cast %get3A_504 : i32 to index
      %get3A_506 = arith.index_cast %add3A_475 : i32 to index
      %get3A_507 = arith.index_cast %add3A_503 : i32 to index
      %get3A_508 = tpu.vector_load %arg13[%get3A_505, %get3A_506, %get3A_507] {strides = array<i32>} : memref<2x128x128xf32, #tpu.memory_space<vmem>>, vector<16xf32>,
      %get3A_509 = arith.constant 1 : i32
      %get3A_510 = arith.index_cast %get3A_509 : i32 to index
      %get3A_511 = arith.index_cast %add3A_475 : i32 to index
      %get3A_512 = arith.index_cast %multiple_of3A_484 : i32 to index
      %get3A_513 = tpu.vector_load %arg14[%get3A_510, %get3A_511, %get3A_512] {strides = array<i32>} : memref<2x128x128xf32, #tpu.memory_space<vmem>>, vector<16xf32>,
      %add3A_514 = arith.constant 16 : i32
      %add3A_515 = arith.addi %multiple_of3A_484, %add3A_514 : i32
      %get3A_516 = arith.constant 1 : i32
      %get3A_517 = arith.index_cast %get3A_516 : i32 to index
      %get3A_518 = arith.index_cast %add3A_475 : i32 to index
      %get3A_519 = arith.index_cast %add3A_515 : i32 to index
      %get3A_520 = tpu.vector_load %arg14[%get3A_517, %get3A_518, %get3A_519] {strides = array<i32>} : memref<2x128x128xf32, #tpu.memory_space<vmem>>, vector<16xf32>,
      %sub3A_521 = arith.subf %get3A_501, %get3A_513 : vector<16xf32>
      %mul3A_522 = arith.mulf %get3A_489, %sub3A_521 : vector<16xf32>
      %sub3A_523 = arith.subf %get3A_508, %get3A_520 : vector<16xf32>
      %mul3A_524 = arith.mulf %get3A_496, %sub3A_523 : vector<16xf32>
      %add3A_525 = arith.addf %mul3A_522, %mul3A_524 : vector<16xf32>
      %add3A_526 = arith.constant 3 : i32
      %add3A_527 = arith.addi %add3A_285, %add3A_526 : i32
      %add3A_528 = vector.broadcast %add3A_527 : i32 to vector<16xi32>
      %add3A_529 = arith.addi %mul3A_12, %add3A_528 : vector<16xi32>
      tpu.vector_store_idx %arg15[%add3A_529], %add3A_525 : memref<8192xf32, #tpu.memory_space<vmem>>[vector<16xi32>], vector<16xf32>,
      %add3A_530 = arith.constant 4 : i32
      %add3A_531 = arith.addi %mul3A_283, %add3A_530 : i32
      %slice3A_532 = vector.extract_strided_slice %mul3A_291 {offsets = [4], sizes = [1], strides = [1]} : vector<16xi32> to vector<1xi32>
      %squeeze3A_533 = vector.extract %slice3A_532[0] : i32 from vector<1xi32>
      %multiple_of3A_534 = tpu.assume_multiple %squeeze3A_533, 32 : i32
      %slice3A_535 = vector.extract_strided_slice %mul3A_299 {offsets = [4], sizes = [1], strides = [1]} : vector<16xi32> to vector<1xi32>
      %squeeze3A_536 = vector.extract %slice3A_535[0] : i32 from vector<1xi32>
      %multiple_of3A_537 = tpu.assume_multiple %squeeze3A_536, 32 : i32
      %slice3A_538 = vector.extract_strided_slice %mul3A_309 {offsets = [4], sizes = [1], strides = [1]} : vector<16xi32> to vector<1xi32>
      %squeeze3A_539 = vector.extract %slice3A_538[0] : i32 from vector<1xi32>
      %multiple_of3A_540 = tpu.assume_multiple %squeeze3A_539, 32 : i32
      %get3A_541 = arith.constant 1 : i32
      %get3A_542 = arith.index_cast %get3A_541 : i32 to index
      %get3A_543 = arith.index_cast %add3A_531 : i32 to index
      %get3A_544 = arith.index_cast %multiple_of3A_534 : i32 to index
      %get3A_545 = tpu.vector_load %arg12[%get3A_542, %get3A_543, %get3A_544] {strides = array<i32>} : memref<2x128x128xf32, #tpu.memory_space<vmem>>, vector<16xf32>,
      %add3A_546 = arith.constant 16 : i32
      %add3A_547 = arith.addi %multiple_of3A_534, %add3A_546 : i32
      %get3A_548 = arith.constant 1 : i32
      %get3A_549 = arith.index_cast %get3A_548 : i32 to index
      %get3A_550 = arith.index_cast %add3A_531 : i32 to index
      %get3A_551 = arith.index_cast %add3A_547 : i32 to index
      %get3A_552 = tpu.vector_load %arg12[%get3A_549, %get3A_550, %get3A_551] {strides = array<i32>} : memref<2x128x128xf32, #tpu.memory_space<vmem>>, vector<16xf32>,
      %get3A_553 = arith.constant 1 : i32
      %get3A_554 = arith.index_cast %get3A_553 : i32 to index
      %get3A_555 = arith.index_cast %add3A_531 : i32 to index
      %get3A_556 = arith.index_cast %multiple_of3A_537 : i32 to index
      %get3A_557 = tpu.vector_load %arg13[%get3A_554, %get3A_555, %get3A_556] {strides = array<i32>} : memref<2x128x128xf32, #tpu.memory_space<vmem>>, vector<16xf32>,
      %add3A_558 = arith.constant 16 : i32
      %add3A_559 = arith.addi %multiple_of3A_537, %add3A_558 : i32
      %get3A_560 = arith.constant 1 : i32
      %get3A_561 = arith.index_cast %get3A_560 : i32 to index
      %get3A_562 = arith.index_cast %add3A_531 : i32 to index
      %get3A_563 = arith.index_cast %add3A_559 : i32 to index
      %get3A_564 = tpu.vector_load %arg13[%get3A_561, %get3A_562, %get3A_563] {strides = array<i32>} : memref<2x128x128xf32, #tpu.memory_space<vmem>>, vector<16xf32>,
      %get3A_565 = arith.constant 1 : i32
      %get3A_566 = arith.index_cast %get3A_565 : i32 to index
      %get3A_567 = arith.index_cast %add3A_531 : i32 to index
      %get3A_568 = arith.index_cast %multiple_of3A_540 : i32 to index
      %get3A_569 = tpu.vector_load %arg14[%get3A_566, %get3A_567, %get3A_568] {strides = array<i32>} : memref<2x128x128xf32, #tpu.memory_space<vmem>>, vector<16xf32>,
      %add3A_570 = arith.constant 16 : i32
      %add3A_571 = arith.addi %multiple_of3A_540, %add3A_570 : i32
      %get3A_572 = arith.constant 1 : i32
      %get3A_573 = arith.index_cast %get3A_572 : i32 to index
      %get3A_574 = arith.index_cast %add3A_531 : i32 to index
      %get3A_575 = arith.index_cast %add3A_571 : i32 to index
      %get3A_576 = tpu.vector_load %arg14[%get3A_573, %get3A_574, %get3A_575] {strides = array<i32>} : memref<2x128x128xf32, #tpu.memory_space<vmem>>, vector<16xf32>,
      %sub3A_577 = arith.subf %get3A_557, %get3A_569 : vector<16xf32>
      %mul3A_578 = arith.mulf %get3A_545, %sub3A_577 : vector<16xf32>
      %sub3A_579 = arith.subf %get3A_564, %get3A_576 : vector<16xf32>
      %mul3A_580 = arith.mulf %get3A_552, %sub3A_579 : vector<16xf32>
      %add3A_581 = arith.addf %mul3A_578, %mul3A_580 : vector<16xf32>
      %add3A_582 = arith.constant 4 : i32
      %add3A_583 = arith.addi %add3A_285, %add3A_582 : i32
      %add3A_584 = vector.broadcast %add3A_583 : i32 to vector<16xi32>
      %add3A_585 = arith.addi %mul3A_12, %add3A_584 : vector<16xi32>
      tpu.vector_store_idx %arg15[%add3A_585], %add3A_581 : memref<8192xf32, #tpu.memory_space<vmem>>[vector<16xi32>], vector<16xf32>,
      %add3A_586 = arith.constant 5 : i32
      %add3A_587 = arith.addi %mul3A_283, %add3A_586 : i32
      %slice3A_588 = vector.extract_strided_slice %mul3A_291 {offsets = [5], sizes = [1], strides = [1]} : vector<16xi32> to vector<1xi32>
      %squeeze3A_589 = vector.extract %slice3A_588[0] : i32 from vector<1xi32>
      %multiple_of3A_590 = tpu.assume_multiple %squeeze3A_589, 32 : i32
      %slice3A_591 = vector.extract_strided_slice %mul3A_299 {offsets = [5], sizes = [1], strides = [1]} : vector<16xi32> to vector<1xi32>
      %squeeze3A_592 = vector.extract %slice3A_591[0] : i32 from vector<1xi32>
      %multiple_of3A_593 = tpu.assume_multiple %squeeze3A_592, 32 : i32
      %slice3A_594 = vector.extract_strided_slice %mul3A_309 {offsets = [5], sizes = [1], strides = [1]} : vector<16xi32> to vector<1xi32>
      %squeeze3A_595 = vector.extract %slice3A_594[0] : i32 from vector<1xi32>
      %multiple_of3A_596 = tpu.assume_multiple %squeeze3A_595, 32 : i32
      %get3A_597 = arith.constant 1 : i32
      %get3A_598 = arith.index_cast %get3A_597 : i32 to index
      %get3A_599 = arith.index_cast %add3A_587 : i32 to index
      %get3A_600 = arith.index_cast %multiple_of3A_590 : i32 to index
      %get3A_601 = tpu.vector_load %arg12[%get3A_598, %get3A_599, %get3A_600] {strides = array<i32>} : memref<2x128x128xf32, #tpu.memory_space<vmem>>, vector<16xf32>,
      %add3A_602 = arith.constant 16 : i32
      %add3A_603 = arith.addi %multiple_of3A_590, %add3A_602 : i32
      %get3A_604 = arith.constant 1 : i32
      %get3A_605 = arith.index_cast %get3A_604 : i32 to index
      %get3A_606 = arith.index_cast %add3A_587 : i32 to index
      %get3A_607 = arith.index_cast %add3A_603 : i32 to index
      %get3A_608 = tpu.vector_load %arg12[%get3A_605, %get3A_606, %get3A_607] {strides = array<i32>} : memref<2x128x128xf32, #tpu.memory_space<vmem>>, vector<16xf32>,
      %get3A_609 = arith.constant 1 : i32
      %get3A_610 = arith.index_cast %get3A_609 : i32 to index
      %get3A_611 = arith.index_cast %add3A_587 : i32 to index
      %get3A_612 = arith.index_cast %multiple_of3A_593 : i32 to index
      %get3A_613 = tpu.vector_load %arg13[%get3A_610, %get3A_611, %get3A_612] {strides = array<i32>} : memref<2x128x128xf32, #tpu.memory_space<vmem>>, vector<16xf32>,
      %add3A_614 = arith.constant 16 : i32
      %add3A_615 = arith.addi %multiple_of3A_593, %add3A_614 : i32
      %get3A_616 = arith.constant 1 : i32
      %get3A_617 = arith.index_cast %get3A_616 : i32 to index
      %get3A_618 = arith.index_cast %add3A_587 : i32 to index
      %get3A_619 = arith.index_cast %add3A_615 : i32 to index
      %get3A_620 = tpu.vector_load %arg13[%get3A_617, %get3A_618, %get3A_619] {strides = array<i32>} : memref<2x128x128xf32, #tpu.memory_space<vmem>>, vector<16xf32>,
      %get3A_621 = arith.constant 1 : i32
      %get3A_622 = arith.index_cast %get3A_621 : i32 to index
      %get3A_623 = arith.index_cast %add3A_587 : i32 to index
      %get3A_624 = arith.index_cast %multiple_of3A_596 : i32 to index
      %get3A_625 = tpu.vector_load %arg14[%get3A_622, %get3A_623, %get3A_624] {strides = array<i32>} : memref<2x128x128xf32, #tpu.memory_space<vmem>>, vector<16xf32>,
      %add3A_626 = arith.constant 16 : i32
      %add3A_627 = arith.addi %multiple_of3A_596, %add3A_626 : i32
      %get3A_628 = arith.constant 1 : i32
      %get3A_629 = arith.index_cast %get3A_628 : i32 to index
      %get3A_630 = arith.index_cast %add3A_587 : i32 to index
      %get3A_631 = arith.index_cast %add3A_627 : i32 to index
      %get3A_632 = tpu.vector_load %arg14[%get3A_629, %get3A_630, %get3A_631] {strides = array<i32>} : memref<2x128x128xf32, #tpu.memory_space<vmem>>, vector<16xf32>,
      %sub3A_633 = arith.subf %get3A_613, %get3A_625 : vector<16xf32>
      %mul3A_634 = arith.mulf %get3A_601, %sub3A_633 : vector<16xf32>
      %sub3A_635 = arith.subf %get3A_620, %get3A_632 : vector<16xf32>
      %mul3A_636 = arith.mulf %get3A_608, %sub3A_635 : vector<16xf32>
      %add3A_637 = arith.addf %mul3A_634, %mul3A_636 : vector<16xf32>
      %add3A_638 = arith.constant 5 : i32
      %add3A_639 = arith.addi %add3A_285, %add3A_638 : i32
      %add3A_640 = vector.broadcast %add3A_639 : i32 to vector<16xi32>
      %add3A_641 = arith.addi %mul3A_12, %add3A_640 : vector<16xi32>
      tpu.vector_store_idx %arg15[%add3A_641], %add3A_637 : memref<8192xf32, #tpu.memory_space<vmem>>[vector<16xi32>], vector<16xf32>,
      %add3A_642 = arith.constant 6 : i32
      %add3A_643 = arith.addi %mul3A_283, %add3A_642 : i32
      %slice3A_644 = vector.extract_strided_slice %mul3A_291 {offsets = [6], sizes = [1], strides = [1]} : vector<16xi32> to vector<1xi32>
      %squeeze3A_645 = vector.extract %slice3A_644[0] : i32 from vector<1xi32>
      %multiple_of3A_646 = tpu.assume_multiple %squeeze3A_645, 32 : i32
      %slice3A_647 = vector.extract_strided_slice %mul3A_299 {offsets = [6], sizes = [1], strides = [1]} : vector<16xi32> to vector<1xi32>
      %squeeze3A_648 = vector.extract %slice3A_647[0] : i32 from vector<1xi32>
      %multiple_of3A_649 = tpu.assume_multiple %squeeze3A_648, 32 : i32
      %slice3A_650 = vector.extract_strided_slice %mul3A_309 {offsets = [6], sizes = [1], strides = [1]} : vector<16xi32> to vector<1xi32>
      %squeeze3A_651 = vector.extract %slice3A_650[0] : i32 from vector<1xi32>
      %multiple_of3A_652 = tpu.assume_multiple %squeeze3A_651, 32 : i32
      %get3A_653 = arith.constant 1 : i32
      %get3A_654 = arith.index_cast %get3A_653 : i32 to index
      %get3A_655 = arith.index_cast %add3A_643 : i32 to index
      %get3A_656 = arith.index_cast %multiple_of3A_646 : i32 to index
      %get3A_657 = tpu.vector_load %arg12[%get3A_654, %get3A_655, %get3A_656] {strides = array<i32>} : memref<2x128x128xf32, #tpu.memory_space<vmem>>, vector<16xf32>,
      %add3A_658 = arith.constant 16 : i32
      %add3A_659 = arith.addi %multiple_of3A_646, %add3A_658 : i32
      %get3A_660 = arith.constant 1 : i32
      %get3A_661 = arith.index_cast %get3A_660 : i32 to index
      %get3A_662 = arith.index_cast %add3A_643 : i32 to index
      %get3A_663 = arith.index_cast %add3A_659 : i32 to index
      %get3A_664 = tpu.vector_load %arg12[%get3A_661, %get3A_662, %get3A_663] {strides = array<i32>} : memref<2x128x128xf32, #tpu.memory_space<vmem>>, vector<16xf32>,
      %get3A_665 = arith.constant 1 : i32
      %get3A_666 = arith.index_cast %get3A_665 : i32 to index
      %get3A_667 = arith.index_cast %add3A_643 : i32 to index
      %get3A_668 = arith.index_cast %multiple_of3A_649 : i32 to index
      %get3A_669 = tpu.vector_load %arg13[%get3A_666, %get3A_667, %get3A_668] {strides = array<i32>} : memref<2x128x128xf32, #tpu.memory_space<vmem>>, vector<16xf32>,
      %add3A_670 = arith.constant 16 : i32
      %add3A_671 = arith.addi %multiple_of3A_649, %add3A_670 : i32
      %get3A_672 = arith.constant 1 : i32
      %get3A_673 = arith.index_cast %get3A_672 : i32 to index
      %get3A_674 = arith.index_cast %add3A_643 : i32 to index
      %get3A_675 = arith.index_cast %add3A_671 : i32 to index
      %get3A_676 = tpu.vector_load %arg13[%get3A_673, %get3A_674, %get3A_675] {strides = array<i32>} : memref<2x128x128xf32, #tpu.memory_space<vmem>>, vector<16xf32>,
      %get3A_677 = arith.constant 1 : i32
      %get3A_678 = arith.index_cast %get3A_677 : i32 to index
      %get3A_679 = arith.index_cast %add3A_643 : i32 to index
      %get3A_680 = arith.index_cast %multiple_of3A_652 : i32 to index
      %get3A_681 = tpu.vector_load %arg14[%get3A_678, %get3A_679, %get3A_680] {strides = array<i32>} : memref<2x128x128xf32, #tpu.memory_space<vmem>>, vector<16xf32>,
      %add3A_682 = arith.constant 16 : i32
      %add3A_683 = arith.addi %multiple_of3A_652, %add3A_682 : i32
      %get3A_684 = arith.constant 1 : i32
      %get3A_685 = arith.index_cast %get3A_684 : i32 to index
      %get3A_686 = arith.index_cast %add3A_643 : i32 to index
      %get3A_687 = arith.index_cast %add3A_683 : i32 to index
      %get3A_688 = tpu.vector_load %arg14[%get3A_685, %get3A_686, %get3A_687] {strides = array<i32>} : memref<2x128x128xf32, #tpu.memory_space<vmem>>, vector<16xf32>,
      %sub3A_689 = arith.subf %get3A_669, %get3A_681 : vector<16xf32>
      %mul3A_690 = arith.mulf %get3A_657, %sub3A_689 : vector<16xf32>
      %sub3A_691 = arith.subf %get3A_676, %get3A_688 : vector<16xf32>
      %mul3A_692 = arith.mulf %get3A_664, %sub3A_691 : vector<16xf32>
      %add3A_693 = arith.addf %mul3A_690, %mul3A_692 : vector<16xf32>
      %add3A_694 = arith.constant 6 : i32
      %add3A_695 = arith.addi %add3A_285, %add3A_694 : i32
      %add3A_696 = vector.broadcast %add3A_695 : i32 to vector<16xi32>
      %add3A_697 = arith.addi %mul3A_12, %add3A_696 : vector<16xi32>
      tpu.vector_store_idx %arg15[%add3A_697], %add3A_693 : memref<8192xf32, #tpu.memory_space<vmem>>[vector<16xi32>], vector<16xf32>,
      %add3A_698 = arith.constant 7 : i32
      %add3A_699 = arith.addi %mul3A_283, %add3A_698 : i32
      %slice3A_700 = vector.extract_strided_slice %mul3A_291 {offsets = [7], sizes = [1], strides = [1]} : vector<16xi32> to vector<1xi32>
      %squeeze3A_701 = vector.extract %slice3A_700[0] : i32 from vector<1xi32>
      %multiple_of3A_702 = tpu.assume_multiple %squeeze3A_701, 32 : i32
      %slice3A_703 = vector.extract_strided_slice %mul3A_299 {offsets = [7], sizes = [1], strides = [1]} : vector<16xi32> to vector<1xi32>
      %squeeze3A_704 = vector.extract %slice3A_703[0] : i32 from vector<1xi32>
      %multiple_of3A_705 = tpu.assume_multiple %squeeze3A_704, 32 : i32
      %slice3A_706 = vector.extract_strided_slice %mul3A_309 {offsets = [7], sizes = [1], strides = [1]} : vector<16xi32> to vector<1xi32>
      %squeeze3A_707 = vector.extract %slice3A_706[0] : i32 from vector<1xi32>
      %multiple_of3A_708 = tpu.assume_multiple %squeeze3A_707, 32 : i32
      %get3A_709 = arith.constant 1 : i32
      %get3A_710 = arith.index_cast %get3A_709 : i32 to index
      %get3A_711 = arith.index_cast %add3A_699 : i32 to index
      %get3A_712 = arith.index_cast %multiple_of3A_702 : i32 to index
      %get3A_713 = tpu.vector_load %arg12[%get3A_710, %get3A_711, %get3A_712] {strides = array<i32>} : memref<2x128x128xf32, #tpu.memory_space<vmem>>, vector<16xf32>,
      %add3A_714 = arith.constant 16 : i32
      %add3A_715 = arith.addi %multiple_of3A_702, %add3A_714 : i32
      %get3A_716 = arith.constant 1 : i32
      %get3A_717 = arith.index_cast %get3A_716 : i32 to index
      %get3A_718 = arith.index_cast %add3A_699 : i32 to index
      %get3A_719 = arith.index_cast %add3A_715 : i32 to index
      %get3A_720 = tpu.vector_load %arg12[%get3A_717, %get3A_718, %get3A_719] {strides = array<i32>} : memref<2x128x128xf32, #tpu.memory_space<vmem>>, vector<16xf32>,
      %get3A_721 = arith.constant 1 : i32
      %get3A_722 = arith.index_cast %get3A_721 : i32 to index
      %get3A_723 = arith.index_cast %add3A_699 : i32 to index
      %get3A_724 = arith.index_cast %multiple_of3A_705 : i32 to index
      %get3A_725 = tpu.vector_load %arg13[%get3A_722, %get3A_723, %get3A_724] {strides = array<i32>} : memref<2x128x128xf32, #tpu.memory_space<vmem>>, vector<16xf32>,
      %add3A_726 = arith.constant 16 : i32
      %add3A_727 = arith.addi %multiple_of3A_705, %add3A_726 : i32
      %get3A_728 = arith.constant 1 : i32
      %get3A_729 = arith.index_cast %get3A_728 : i32 to index
      %get3A_730 = arith.index_cast %add3A_699 : i32 to index
      %get3A_731 = arith.index_cast %add3A_727 : i32 to index
      %get3A_732 = tpu.vector_load %arg13[%get3A_729, %get3A_730, %get3A_731] {strides = array<i32>} : memref<2x128x128xf32, #tpu.memory_space<vmem>>, vector<16xf32>,
      %get3A_733 = arith.constant 1 : i32
      %get3A_734 = arith.index_cast %get3A_733 : i32 to index
      %get3A_735 = arith.index_cast %add3A_699 : i32 to index
      %get3A_736 = arith.index_cast %multiple_of3A_708 : i32 to index
      %get3A_737 = tpu.vector_load %arg14[%get3A_734, %get3A_735, %get3A_736] {strides = array<i32>} : memref<2x128x128xf32, #tpu.memory_space<vmem>>, vector<16xf32>,
      %add3A_738 = arith.constant 16 : i32
      %add3A_739 = arith.addi %multiple_of3A_708, %add3A_738 : i32
      %get3A_740 = arith.constant 1 : i32
      %get3A_741 = arith.index_cast %get3A_740 : i32 to index
      %get3A_742 = arith.index_cast %add3A_699 : i32 to index
      %get3A_743 = arith.index_cast %add3A_739 : i32 to index
      %get3A_744 = tpu.vector_load %arg14[%get3A_741, %get3A_742, %get3A_743] {strides = array<i32>} : memref<2x128x128xf32, #tpu.memory_space<vmem>>, vector<16xf32>,
      %sub3A_745 = arith.subf %get3A_725, %get3A_737 : vector<16xf32>
      %mul3A_746 = arith.mulf %get3A_713, %sub3A_745 : vector<16xf32>
      %sub3A_747 = arith.subf %get3A_732, %get3A_744 : vector<16xf32>
      %mul3A_748 = arith.mulf %get3A_720, %sub3A_747 : vector<16xf32>
      %add3A_749 = arith.addf %mul3A_746, %mul3A_748 : vector<16xf32>
      %add3A_750 = arith.constant 7 : i32
      %add3A_751 = arith.addi %add3A_285, %add3A_750 : i32
      %add3A_752 = vector.broadcast %add3A_751 : i32 to vector<16xi32>
      %add3A_753 = arith.addi %mul3A_12, %add3A_752 : vector<16xi32>
      tpu.vector_store_idx %arg15[%add3A_753], %add3A_749 : memref<8192xf32, #tpu.memory_space<vmem>>[vector<16xi32>], vector<16xf32>,
      %add3A_754 = arith.constant 8 : i32
      %add3A_755 = arith.addi %mul3A_283, %add3A_754 : i32
      %slice3A_756 = vector.extract_strided_slice %mul3A_291 {offsets = [8], sizes = [1], strides = [1]} : vector<16xi32> to vector<1xi32>
      %squeeze3A_757 = vector.extract %slice3A_756[0] : i32 from vector<1xi32>
      %multiple_of3A_758 = tpu.assume_multiple %squeeze3A_757, 32 : i32
      %slice3A_759 = vector.extract_strided_slice %mul3A_299 {offsets = [8], sizes = [1], strides = [1]} : vector<16xi32> to vector<1xi32>
      %squeeze3A_760 = vector.extract %slice3A_759[0] : i32 from vector<1xi32>
      %multiple_of3A_761 = tpu.assume_multiple %squeeze3A_760, 32 : i32
      %slice3A_762 = vector.extract_strided_slice %mul3A_309 {offsets = [8], sizes = [1], strides = [1]} : vector<16xi32> to vector<1xi32>
      %squeeze3A_763 = vector.extract %slice3A_762[0] : i32 from vector<1xi32>
      %multiple_of3A_764 = tpu.assume_multiple %squeeze3A_763, 32 : i32
      %get3A_765 = arith.constant 1 : i32
      %get3A_766 = arith.index_cast %get3A_765 : i32 to index
      %get3A_767 = arith.index_cast %add3A_755 : i32 to index
      %get3A_768 = arith.index_cast %multiple_of3A_758 : i32 to index
      %get3A_769 = tpu.vector_load %arg12[%get3A_766, %get3A_767, %get3A_768] {strides = array<i32>} : memref<2x128x128xf32, #tpu.memory_space<vmem>>, vector<16xf32>,
      %add3A_770 = arith.constant 16 : i32
      %add3A_771 = arith.addi %multiple_of3A_758, %add3A_770 : i32
      %get3A_772 = arith.constant 1 : i32
      %get3A_773 = arith.index_cast %get3A_772 : i32 to index
      %get3A_774 = arith.index_cast %add3A_755 : i32 to index
      %get3A_775 = arith.index_cast %add3A_771 : i32 to index
      %get3A_776 = tpu.vector_load %arg12[%get3A_773, %get3A_774, %get3A_775] {strides = array<i32>} : memref<2x128x128xf32, #tpu.memory_space<vmem>>, vector<16xf32>,
      %get3A_777 = arith.constant 1 : i32
      %get3A_778 = arith.index_cast %get3A_777 : i32 to index
      %get3A_779 = arith.index_cast %add3A_755 : i32 to index
      %get3A_780 = arith.index_cast %multiple_of3A_761 : i32 to index
      %get3A_781 = tpu.vector_load %arg13[%get3A_778, %get3A_779, %get3A_780] {strides = array<i32>} : memref<2x128x128xf32, #tpu.memory_space<vmem>>, vector<16xf32>,
      %add3A_782 = arith.constant 16 : i32
      %add3A_783 = arith.addi %multiple_of3A_761, %add3A_782 : i32
      %get3A_784 = arith.constant 1 : i32
      %get3A_785 = arith.index_cast %get3A_784 : i32 to index
      %get3A_786 = arith.index_cast %add3A_755 : i32 to index
      %get3A_787 = arith.index_cast %add3A_783 : i32 to index
      %get3A_788 = tpu.vector_load %arg13[%get3A_785, %get3A_786, %get3A_787] {strides = array<i32>} : memref<2x128x128xf32, #tpu.memory_space<vmem>>, vector<16xf32>,
      %get3A_789 = arith.constant 1 : i32
      %get3A_790 = arith.index_cast %get3A_789 : i32 to index
      %get3A_791 = arith.index_cast %add3A_755 : i32 to index
      %get3A_792 = arith.index_cast %multiple_of3A_764 : i32 to index
      %get3A_793 = tpu.vector_load %arg14[%get3A_790, %get3A_791, %get3A_792] {strides = array<i32>} : memref<2x128x128xf32, #tpu.memory_space<vmem>>, vector<16xf32>,
      %add3A_794 = arith.constant 16 : i32
      %add3A_795 = arith.addi %multiple_of3A_764, %add3A_794 : i32
      %get3A_796 = arith.constant 1 : i32
      %get3A_797 = arith.index_cast %get3A_796 : i32 to index
      %get3A_798 = arith.index_cast %add3A_755 : i32 to index
      %get3A_799 = arith.index_cast %add3A_795 : i32 to index
      %get3A_800 = tpu.vector_load %arg14[%get3A_797, %get3A_798, %get3A_799] {strides = array<i32>} : memref<2x128x128xf32, #tpu.memory_space<vmem>>, vector<16xf32>,
      %sub3A_801 = arith.subf %get3A_781, %get3A_793 : vector<16xf32>
      %mul3A_802 = arith.mulf %get3A_769, %sub3A_801 : vector<16xf32>
      %sub3A_803 = arith.subf %get3A_788, %get3A_800 : vector<16xf32>
      %mul3A_804 = arith.mulf %get3A_776, %sub3A_803 : vector<16xf32>
      %add3A_805 = arith.addf %mul3A_802, %mul3A_804 : vector<16xf32>
      %add3A_806 = arith.constant 8 : i32
      %add3A_807 = arith.addi %add3A_285, %add3A_806 : i32
      %add3A_808 = vector.broadcast %add3A_807 : i32 to vector<16xi32>
      %add3A_809 = arith.addi %mul3A_12, %add3A_808 : vector<16xi32>
      tpu.vector_store_idx %arg15[%add3A_809], %add3A_805 : memref<8192xf32, #tpu.memory_space<vmem>>[vector<16xi32>], vector<16xf32>,
      %add3A_810 = arith.constant 9 : i32
      %add3A_811 = arith.addi %mul3A_283, %add3A_810 : i32
      %slice3A_812 = vector.extract_strided_slice %mul3A_291 {offsets = [9], sizes = [1], strides = [1]} : vector<16xi32> to vector<1xi32>
      %squeeze3A_813 = vector.extract %slice3A_812[0] : i32 from vector<1xi32>
      %multiple_of3A_814 = tpu.assume_multiple %squeeze3A_813, 32 : i32
      %slice3A_815 = vector.extract_strided_slice %mul3A_299 {offsets = [9], sizes = [1], strides = [1]} : vector<16xi32> to vector<1xi32>
      %squeeze3A_816 = vector.extract %slice3A_815[0] : i32 from vector<1xi32>
      %multiple_of3A_817 = tpu.assume_multiple %squeeze3A_816, 32 : i32
      %slice3A_818 = vector.extract_strided_slice %mul3A_309 {offsets = [9], sizes = [1], strides = [1]} : vector<16xi32> to vector<1xi32>
      %squeeze3A_819 = vector.extract %slice3A_818[0] : i32 from vector<1xi32>
      %multiple_of3A_820 = tpu.assume_multiple %squeeze3A_819, 32 : i32
      %get3A_821 = arith.constant 1 : i32
      %get3A_822 = arith.index_cast %get3A_821 : i32 to index
      %get3A_823 = arith.index_cast %add3A_811 : i32 to index
      %get3A_824 = arith.index_cast %multiple_of3A_814 : i32 to index
      %get3A_825 = tpu.vector_load %arg12[%get3A_822, %get3A_823, %get3A_824] {strides = array<i32>} : memref<2x128x128xf32, #tpu.memory_space<vmem>>, vector<16xf32>,
      %add3A_826 = arith.constant 16 : i32
      %add3A_827 = arith.addi %multiple_of3A_814, %add3A_826 : i32
      %get3A_828 = arith.constant 1 : i32
      %get3A_829 = arith.index_cast %get3A_828 : i32 to index
      %get3A_830 = arith.index_cast %add3A_811 : i32 to index
      %get3A_831 = arith.index_cast %add3A_827 : i32 to index
      %get3A_832 = tpu.vector_load %arg12[%get3A_829, %get3A_830, %get3A_831] {strides = array<i32>} : memref<2x128x128xf32, #tpu.memory_space<vmem>>, vector<16xf32>,
      %get3A_833 = arith.constant 1 : i32
      %get3A_834 = arith.index_cast %get3A_833 : i32 to index
      %get3A_835 = arith.index_cast %add3A_811 : i32 to index
      %get3A_836 = arith.index_cast %multiple_of3A_817 : i32 to index
      %get3A_837 = tpu.vector_load %arg13[%get3A_834, %get3A_835, %get3A_836] {strides = array<i32>} : memref<2x128x128xf32, #tpu.memory_space<vmem>>, vector<16xf32>,
      %add3A_838 = arith.constant 16 : i32
      %add3A_839 = arith.addi %multiple_of3A_817, %add3A_838 : i32
      %get3A_840 = arith.constant 1 : i32
      %get3A_841 = arith.index_cast %get3A_840 : i32 to index
      %get3A_842 = arith.index_cast %add3A_811 : i32 to index
      %get3A_843 = arith.index_cast %add3A_839 : i32 to index
      %get3A_844 = tpu.vector_load %arg13[%get3A_841, %get3A_842, %get3A_843] {strides = array<i32>} : memref<2x128x128xf32, #tpu.memory_space<vmem>>, vector<16xf32>,
      %get3A_845 = arith.constant 1 : i32
      %get3A_846 = arith.index_cast %get3A_845 : i32 to index
      %get3A_847 = arith.index_cast %add3A_811 : i32 to index
      %get3A_848 = arith.index_cast %multiple_of3A_820 : i32 to index
      %get3A_849 = tpu.vector_load %arg14[%get3A_846, %get3A_847, %get3A_848] {strides = array<i32>} : memref<2x128x128xf32, #tpu.memory_space<vmem>>, vector<16xf32>,
      %add3A_850 = arith.constant 16 : i32
      %add3A_851 = arith.addi %multiple_of3A_820, %add3A_850 : i32
      %get3A_852 = arith.constant 1 : i32
      %get3A_853 = arith.index_cast %get3A_852 : i32 to index
      %get3A_854 = arith.index_cast %add3A_811 : i32 to index
      %get3A_855 = arith.index_cast %add3A_851 : i32 to index
      %get3A_856 = tpu.vector_load %arg14[%get3A_853, %get3A_854, %get3A_855] {strides = array<i32>} : memref<2x128x128xf32, #tpu.memory_space<vmem>>, vector<16xf32>,
      %sub3A_857 = arith.subf %get3A_837, %get3A_849 : vector<16xf32>
      %mul3A_858 = arith.mulf %get3A_825, %sub3A_857 : vector<16xf32>
      %sub3A_859 = arith.subf %get3A_844, %get3A_856 : vector<16xf32>
      %mul3A_860 = arith.mulf %get3A_832, %sub3A_859 : vector<16xf32>
      %add3A_861 = arith.addf %mul3A_858, %mul3A_860 : vector<16xf32>
      %add3A_862 = arith.constant 9 : i32
      %add3A_863 = arith.addi %add3A_285, %add3A_862 : i32
      %add3A_864 = vector.broadcast %add3A_863 : i32 to vector<16xi32>
      %add3A_865 = arith.addi %mul3A_12, %add3A_864 : vector<16xi32>
      tpu.vector_store_idx %arg15[%add3A_865], %add3A_861 : memref<8192xf32, #tpu.memory_space<vmem>>[vector<16xi32>], vector<16xf32>,
      %add3A_866 = arith.constant 10 : i32
      %add3A_867 = arith.addi %mul3A_283, %add3A_866 : i32
      %slice3A_868 = vector.extract_strided_slice %mul3A_291 {offsets = [10], sizes = [1], strides = [1]} : vector<16xi32> to vector<1xi32>
      %squeeze3A_869 = vector.extract %slice3A_868[0] : i32 from vector<1xi32>
      %multiple_of3A_870 = tpu.assume_multiple %squeeze3A_869, 32 : i32
      %slice3A_871 = vector.extract_strided_slice %mul3A_299 {offsets = [10], sizes = [1], strides = [1]} : vector<16xi32> to vector<1xi32>
      %squeeze3A_872 = vector.extract %slice3A_871[0] : i32 from vector<1xi32>
      %multiple_of3A_873 = tpu.assume_multiple %squeeze3A_872, 32 : i32
      %slice3A_874 = vector.extract_strided_slice %mul3A_309 {offsets = [10], sizes = [1], strides = [1]} : vector<16xi32> to vector<1xi32>
      %squeeze3A_875 = vector.extract %slice3A_874[0] : i32 from vector<1xi32>
      %multiple_of3A_876 = tpu.assume_multiple %squeeze3A_875, 32 : i32
      %get3A_877 = arith.constant 1 : i32
      %get3A_878 = arith.index_cast %get3A_877 : i32 to index
      %get3A_879 = arith.index_cast %add3A_867 : i32 to index
      %get3A_880 = arith.index_cast %multiple_of3A_870 : i32 to index
      %get3A_881 = tpu.vector_load %arg12[%get3A_878, %get3A_879, %get3A_880] {strides = array<i32>} : memref<2x128x128xf32, #tpu.memory_space<vmem>>, vector<16xf32>,
      %add3A_882 = arith.constant 16 : i32
      %add3A_883 = arith.addi %multiple_of3A_870, %add3A_882 : i32
      %get3A_884 = arith.constant 1 : i32
      %get3A_885 = arith.index_cast %get3A_884 : i32 to index
      %get3A_886 = arith.index_cast %add3A_867 : i32 to index
      %get3A_887 = arith.index_cast %add3A_883 : i32 to index
      %get3A_888 = tpu.vector_load %arg12[%get3A_885, %get3A_886, %get3A_887] {strides = array<i32>} : memref<2x128x128xf32, #tpu.memory_space<vmem>>, vector<16xf32>,
      %get3A_889 = arith.constant 1 : i32
      %get3A_890 = arith.index_cast %get3A_889 : i32 to index
      %get3A_891 = arith.index_cast %add3A_867 : i32 to index
      %get3A_892 = arith.index_cast %multiple_of3A_873 : i32 to index
      %get3A_893 = tpu.vector_load %arg13[%get3A_890, %get3A_891, %get3A_892] {strides = array<i32>} : memref<2x128x128xf32, #tpu.memory_space<vmem>>, vector<16xf32>,
      %add3A_894 = arith.constant 16 : i32
      %add3A_895 = arith.addi %multiple_of3A_873, %add3A_894 : i32
      %get3A_896 = arith.constant 1 : i32
      %get3A_897 = arith.index_cast %get3A_896 : i32 to index
      %get3A_898 = arith.index_cast %add3A_867 : i32 to index
      %get3A_899 = arith.index_cast %add3A_895 : i32 to index
      %get3A_900 = tpu.vector_load %arg13[%get3A_897, %get3A_898, %get3A_899] {strides = array<i32>} : memref<2x128x128xf32, #tpu.memory_space<vmem>>, vector<16xf32>,
      %get3A_901 = arith.constant 1 : i32
      %get3A_902 = arith.index_cast %get3A_901 : i32 to index
      %get3A_903 = arith.index_cast %add3A_867 : i32 to index
      %get3A_904 = arith.index_cast %multiple_of3A_876 : i32 to index
      %get3A_905 = tpu.vector_load %arg14[%get3A_902, %get3A_903, %get3A_904] {strides = array<i32>} : memref<2x128x128xf32, #tpu.memory_space<vmem>>, vector<16xf32>,
      %add3A_906 = arith.constant 16 : i32
      %add3A_907 = arith.addi %multiple_of3A_876, %add3A_906 : i32
      %get3A_908 = arith.constant 1 : i32
      %get3A_909 = arith.index_cast %get3A_908 : i32 to index
      %get3A_910 = arith.index_cast %add3A_867 : i32 to index
      %get3A_911 = arith.index_cast %add3A_907 : i32 to index
      %get3A_912 = tpu.vector_load %arg14[%get3A_909, %get3A_910, %get3A_911] {strides = array<i32>} : memref<2x128x128xf32, #tpu.memory_space<vmem>>, vector<16xf32>,
      %sub3A_913 = arith.subf %get3A_893, %get3A_905 : vector<16xf32>
      %mul3A_914 = arith.mulf %get3A_881, %sub3A_913 : vector<16xf32>
      %sub3A_915 = arith.subf %get3A_900, %get3A_912 : vector<16xf32>
      %mul3A_916 = arith.mulf %get3A_888, %sub3A_915 : vector<16xf32>
      %add3A_917 = arith.addf %mul3A_914, %mul3A_916 : vector<16xf32>
      %add3A_918 = arith.constant 10 : i32
      %add3A_919 = arith.addi %add3A_285, %add3A_918 : i32
      %add3A_920 = vector.broadcast %add3A_919 : i32 to vector<16xi32>
      %add3A_921 = arith.addi %mul3A_12, %add3A_920 : vector<16xi32>
      tpu.vector_store_idx %arg15[%add3A_921], %add3A_917 : memref<8192xf32, #tpu.memory_space<vmem>>[vector<16xi32>], vector<16xf32>,
      %add3A_922 = arith.constant 11 : i32
      %add3A_923 = arith.addi %mul3A_283, %add3A_922 : i32
      %slice3A_924 = vector.extract_strided_slice %mul3A_291 {offsets = [11], sizes = [1], strides = [1]} : vector<16xi32> to vector<1xi32>
      %squeeze3A_925 = vector.extract %slice3A_924[0] : i32 from vector<1xi32>
      %multiple_of3A_926 = tpu.assume_multiple %squeeze3A_925, 32 : i32
      %slice3A_927 = vector.extract_strided_slice %mul3A_299 {offsets = [11], sizes = [1], strides = [1]} : vector<16xi32> to vector<1xi32>
      %squeeze3A_928 = vector.extract %slice3A_927[0] : i32 from vector<1xi32>
      %multiple_of3A_929 = tpu.assume_multiple %squeeze3A_928, 32 : i32
      %slice3A_930 = vector.extract_strided_slice %mul3A_309 {offsets = [11], sizes = [1], strides = [1]} : vector<16xi32> to vector<1xi32>
      %squeeze3A_931 = vector.extract %slice3A_930[0] : i32 from vector<1xi32>
      %multiple_of3A_932 = tpu.assume_multiple %squeeze3A_931, 32 : i32
      %get3A_933 = arith.constant 1 : i32
      %get3A_934 = arith.index_cast %get3A_933 : i32 to index
      %get3A_935 = arith.index_cast %add3A_923 : i32 to index
      %get3A_936 = arith.index_cast %multiple_of3A_926 : i32 to index
      %get3A_937 = tpu.vector_load %arg12[%get3A_934, %get3A_935, %get3A_936] {strides = array<i32>} : memref<2x128x128xf32, #tpu.memory_space<vmem>>, vector<16xf32>,
      %add3A_938 = arith.constant 16 : i32
      %add3A_939 = arith.addi %multiple_of3A_926, %add3A_938 : i32
      %get3A_940 = arith.constant 1 : i32
      %get3A_941 = arith.index_cast %get3A_940 : i32 to index
      %get3A_942 = arith.index_cast %add3A_923 : i32 to index
      %get3A_943 = arith.index_cast %add3A_939 : i32 to index
      %get3A_944 = tpu.vector_load %arg12[%get3A_941, %get3A_942, %get3A_943] {strides = array<i32>} : memref<2x128x128xf32, #tpu.memory_space<vmem>>, vector<16xf32>,
      %get3A_945 = arith.constant 1 : i32
      %get3A_946 = arith.index_cast %get3A_945 : i32 to index
      %get3A_947 = arith.index_cast %add3A_923 : i32 to index
      %get3A_948 = arith.index_cast %multiple_of3A_929 : i32 to index
      %get3A_949 = tpu.vector_load %arg13[%get3A_946, %get3A_947, %get3A_948] {strides = array<i32>} : memref<2x128x128xf32, #tpu.memory_space<vmem>>, vector<16xf32>,
      %add3A_950 = arith.constant 16 : i32
      %add3A_951 = arith.addi %multiple_of3A_929, %add3A_950 : i32
      %get3A_952 = arith.constant 1 : i32
      %get3A_953 = arith.index_cast %get3A_952 : i32 to index
      %get3A_954 = arith.index_cast %add3A_923 : i32 to index
      %get3A_955 = arith.index_cast %add3A_951 : i32 to index
      %get3A_956 = tpu.vector_load %arg13[%get3A_953, %get3A_954, %get3A_955] {strides = array<i32>} : memref<2x128x128xf32, #tpu.memory_space<vmem>>, vector<16xf32>,
      %get3A_957 = arith.constant 1 : i32
      %get3A_958 = arith.index_cast %get3A_957 : i32 to index
      %get3A_959 = arith.index_cast %add3A_923 : i32 to index
      %get3A_960 = arith.index_cast %multiple_of3A_932 : i32 to index
      %get3A_961 = tpu.vector_load %arg14[%get3A_958, %get3A_959, %get3A_960] {strides = array<i32>} : memref<2x128x128xf32, #tpu.memory_space<vmem>>, vector<16xf32>,
      %add3A_962 = arith.constant 16 : i32
      %add3A_963 = arith.addi %multiple_of3A_932, %add3A_962 : i32
      %get3A_964 = arith.constant 1 : i32
      %get3A_965 = arith.index_cast %get3A_964 : i32 to index
      %get3A_966 = arith.index_cast %add3A_923 : i32 to index
      %get3A_967 = arith.index_cast %add3A_963 : i32 to index
      %get3A_968 = tpu.vector_load %arg14[%get3A_965, %get3A_966, %get3A_967] {strides = array<i32>} : memref<2x128x128xf32, #tpu.memory_space<vmem>>, vector<16xf32>,
      %sub3A_969 = arith.subf %get3A_949, %get3A_961 : vector<16xf32>
      %mul3A_970 = arith.mulf %get3A_937, %sub3A_969 : vector<16xf32>
      %sub3A_971 = arith.subf %get3A_956, %get3A_968 : vector<16xf32>
      %mul3A_972 = arith.mulf %get3A_944, %sub3A_971 : vector<16xf32>
      %add3A_973 = arith.addf %mul3A_970, %mul3A_972 : vector<16xf32>
      %add3A_974 = arith.constant 11 : i32
      %add3A_975 = arith.addi %add3A_285, %add3A_974 : i32
      %add3A_976 = vector.broadcast %add3A_975 : i32 to vector<16xi32>
      %add3A_977 = arith.addi %mul3A_12, %add3A_976 : vector<16xi32>
      tpu.vector_store_idx %arg15[%add3A_977], %add3A_973 : memref<8192xf32, #tpu.memory_space<vmem>>[vector<16xi32>], vector<16xf32>,
      %add3A_978 = arith.constant 12 : i32
      %add3A_979 = arith.addi %mul3A_283, %add3A_978 : i32
      %slice3A_980 = vector.extract_strided_slice %mul3A_291 {offsets = [12], sizes = [1], strides = [1]} : vector<16xi32> to vector<1xi32>
      %squeeze3A_981 = vector.extract %slice3A_980[0] : i32 from vector<1xi32>
      %multiple_of3A_982 = tpu.assume_multiple %squeeze3A_981, 32 : i32
      %slice3A_983 = vector.extract_strided_slice %mul3A_299 {offsets = [12], sizes = [1], strides = [1]} : vector<16xi32> to vector<1xi32>
      %squeeze3A_984 = vector.extract %slice3A_983[0] : i32 from vector<1xi32>
      %multiple_of3A_985 = tpu.assume_multiple %squeeze3A_984, 32 : i32
      %slice3A_986 = vector.extract_strided_slice %mul3A_309 {offsets = [12], sizes = [1], strides = [1]} : vector<16xi32> to vector<1xi32>
      %squeeze3A_987 = vector.extract %slice3A_986[0] : i32 from vector<1xi32>
      %multiple_of3A_988 = tpu.assume_multiple %squeeze3A_987, 32 : i32
      %get3A_989 = arith.constant 1 : i32
      %get3A_990 = arith.index_cast %get3A_989 : i32 to index
      %get3A_991 = arith.index_cast %add3A_979 : i32 to index
      %get3A_992 = arith.index_cast %multiple_of3A_982 : i32 to index
      %get3A_993 = tpu.vector_load %arg12[%get3A_990, %get3A_991, %get3A_992] {strides = array<i32>} : memref<2x128x128xf32, #tpu.memory_space<vmem>>, vector<16xf32>,
      %add3A_994 = arith.constant 16 : i32
      %add3A_995 = arith.addi %multiple_of3A_982, %add3A_994 : i32
      %get3A_996 = arith.constant 1 : i32
      %get3A_997 = arith.index_cast %get3A_996 : i32 to index
      %get3A_998 = arith.index_cast %add3A_979 : i32 to index
      %get3A_999 = arith.index_cast %add3A_995 : i32 to index
      %get3A_1000 = tpu.vector_load %arg12[%get3A_997, %get3A_998, %get3A_999] {strides = array<i32>} : memref<2x128x128xf32, #tpu.memory_space<vmem>>, vector<16xf32>,
      %get3A_1001 = arith.constant 1 : i32
      %get3A_1002 = arith.index_cast %get3A_1001 : i32 to index
      %get3A_1003 = arith.index_cast %add3A_979 : i32 to index
      %get3A_1004 = arith.index_cast %multiple_of3A_985 : i32 to index
      %get3A_1005 = tpu.vector_load %arg13[%get3A_1002, %get3A_1003, %get3A_1004] {strides = array<i32>} : memref<2x128x128xf32, #tpu.memory_space<vmem>>, vector<16xf32>,
      %add3A_1006 = arith.constant 16 : i32
      %add3A_1007 = arith.addi %multiple_of3A_985, %add3A_1006 : i32
      %get3A_1008 = arith.constant 1 : i32
      %get3A_1009 = arith.index_cast %get3A_1008 : i32 to index
      %get3A_1010 = arith.index_cast %add3A_979 : i32 to index
      %get3A_1011 = arith.index_cast %add3A_1007 : i32 to index
      %get3A_1012 = tpu.vector_load %arg13[%get3A_1009, %get3A_1010, %get3A_1011] {strides = array<i32>} : memref<2x128x128xf32, #tpu.memory_space<vmem>>, vector<16xf32>,
      %get3A_1013 = arith.constant 1 : i32
      %get3A_1014 = arith.index_cast %get3A_1013 : i32 to index
      %get3A_1015 = arith.index_cast %add3A_979 : i32 to index
      %get3A_1016 = arith.index_cast %multiple_of3A_988 : i32 to index
      %get3A_1017 = tpu.vector_load %arg14[%get3A_1014, %get3A_1015, %get3A_1016] {strides = array<i32>} : memref<2x128x128xf32, #tpu.memory_space<vmem>>, vector<16xf32>,
      %add3A_1018 = arith.constant 16 : i32
      %add3A_1019 = arith.addi %multiple_of3A_988, %add3A_1018 : i32
      %get3A_1020 = arith.constant 1 : i32
      %get3A_1021 = arith.index_cast %get3A_1020 : i32 to index
      %get3A_1022 = arith.index_cast %add3A_979 : i32 to index
      %get3A_1023 = arith.index_cast %add3A_1019 : i32 to index
      %get3A_1024 = tpu.vector_load %arg14[%get3A_1021, %get3A_1022, %get3A_1023] {strides = array<i32>} : memref<2x128x128xf32, #tpu.memory_space<vmem>>, vector<16xf32>,
      %sub3A_1025 = arith.subf %get3A_1005, %get3A_1017 : vector<16xf32>
      %mul3A_1026 = arith.mulf %get3A_993, %sub3A_1025 : vector<16xf32>
      %sub3A_1027 = arith.subf %get3A_1012, %get3A_1024 : vector<16xf32>
      %mul3A_1028 = arith.mulf %get3A_1000, %sub3A_1027 : vector<16xf32>
      %add3A_1029 = arith.addf %mul3A_1026, %mul3A_1028 : vector<16xf32>
      %add3A_1030 = arith.constant 12 : i32
      %add3A_1031 = arith.addi %add3A_285, %add3A_1030 : i32
      %add3A_1032 = vector.broadcast %add3A_1031 : i32 to vector<16xi32>
      %add3A_1033 = arith.addi %mul3A_12, %add3A_1032 : vector<16xi32>
      tpu.vector_store_idx %arg15[%add3A_1033], %add3A_1029 : memref<8192xf32, #tpu.memory_space<vmem>>[vector<16xi32>], vector<16xf32>,
      %add3A_1034 = arith.constant 13 : i32
      %add3A_1035 = arith.addi %mul3A_283, %add3A_1034 : i32
      %slice3A_1036 = vector.extract_strided_slice %mul3A_291 {offsets = [13], sizes = [1], strides = [1]} : vector<16xi32> to vector<1xi32>
      %squeeze3A_1037 = vector.extract %slice3A_1036[0] : i32 from vector<1xi32>
      %multiple_of3A_1038 = tpu.assume_multiple %squeeze3A_1037, 32 : i32
      %slice3A_1039 = vector.extract_strided_slice %mul3A_299 {offsets = [13], sizes = [1], strides = [1]} : vector<16xi32> to vector<1xi32>
      %squeeze3A_1040 = vector.extract %slice3A_1039[0] : i32 from vector<1xi32>
      %multiple_of3A_1041 = tpu.assume_multiple %squeeze3A_1040, 32 : i32
      %slice3A_1042 = vector.extract_strided_slice %mul3A_309 {offsets = [13], sizes = [1], strides = [1]} : vector<16xi32> to vector<1xi32>
      %squeeze3A_1043 = vector.extract %slice3A_1042[0] : i32 from vector<1xi32>
      %multiple_of3A_1044 = tpu.assume_multiple %squeeze3A_1043, 32 : i32
      %get3A_1045 = arith.constant 1 : i32
      %get3A_1046 = arith.index_cast %get3A_1045 : i32 to index
      %get3A_1047 = arith.index_cast %add3A_1035 : i32 to index
      %get3A_1048 = arith.index_cast %multiple_of3A_1038 : i32 to index
      %get3A_1049 = tpu.vector_load %arg12[%get3A_1046, %get3A_1047, %get3A_1048] {strides = array<i32>} : memref<2x128x128xf32, #tpu.memory_space<vmem>>, vector<16xf32>,
      %add3A_1050 = arith.constant 16 : i32
      %add3A_1051 = arith.addi %multiple_of3A_1038, %add3A_1050 : i32
      %get3A_1052 = arith.constant 1 : i32
      %get3A_1053 = arith.index_cast %get3A_1052 : i32 to index
      %get3A_1054 = arith.index_cast %add3A_1035 : i32 to index
      %get3A_1055 = arith.index_cast %add3A_1051 : i32 to index
      %get3A_1056 = tpu.vector_load %arg12[%get3A_1053, %get3A_1054, %get3A_1055] {strides = array<i32>} : memref<2x128x128xf32, #tpu.memory_space<vmem>>, vector<16xf32>,
      %get3A_1057 = arith.constant 1 : i32
      %get3A_1058 = arith.index_cast %get3A_1057 : i32 to index
      %get3A_1059 = arith.index_cast %add3A_1035 : i32 to index
      %get3A_1060 = arith.index_cast %multiple_of3A_1041 : i32 to index
      %get3A_1061 = tpu.vector_load %arg13[%get3A_1058, %get3A_1059, %get3A_1060] {strides = array<i32>} : memref<2x128x128xf32, #tpu.memory_space<vmem>>, vector<16xf32>,
      %add3A_1062 = arith.constant 16 : i32
      %add3A_1063 = arith.addi %multiple_of3A_1041, %add3A_1062 : i32
      %get3A_1064 = arith.constant 1 : i32
      %get3A_1065 = arith.index_cast %get3A_1064 : i32 to index
      %get3A_1066 = arith.index_cast %add3A_1035 : i32 to index
      %get3A_1067 = arith.index_cast %add3A_1063 : i32 to index
      %get3A_1068 = tpu.vector_load %arg13[%get3A_1065, %get3A_1066, %get3A_1067] {strides = array<i32>} : memref<2x128x128xf32, #tpu.memory_space<vmem>>, vector<16xf32>,
      %get3A_1069 = arith.constant 1 : i32
      %get3A_1070 = arith.index_cast %get3A_1069 : i32 to index
      %get3A_1071 = arith.index_cast %add3A_1035 : i32 to index
      %get3A_1072 = arith.index_cast %multiple_of3A_1044 : i32 to index
      %get3A_1073 = tpu.vector_load %arg14[%get3A_1070, %get3A_1071, %get3A_1072] {strides = array<i32>} : memref<2x128x128xf32, #tpu.memory_space<vmem>>, vector<16xf32>,
      %add3A_1074 = arith.constant 16 : i32
      %add3A_1075 = arith.addi %multiple_of3A_1044, %add3A_1074 : i32
      %get3A_1076 = arith.constant 1 : i32
      %get3A_1077 = arith.index_cast %get3A_1076 : i32 to index
      %get3A_1078 = arith.index_cast %add3A_1035 : i32 to index
      %get3A_1079 = arith.index_cast %add3A_1075 : i32 to index
      %get3A_1080 = tpu.vector_load %arg14[%get3A_1077, %get3A_1078, %get3A_1079] {strides = array<i32>} : memref<2x128x128xf32, #tpu.memory_space<vmem>>, vector<16xf32>,
      %sub3A_1081 = arith.subf %get3A_1061, %get3A_1073 : vector<16xf32>
      %mul3A_1082 = arith.mulf %get3A_1049, %sub3A_1081 : vector<16xf32>
      %sub3A_1083 = arith.subf %get3A_1068, %get3A_1080 : vector<16xf32>
      %mul3A_1084 = arith.mulf %get3A_1056, %sub3A_1083 : vector<16xf32>
      %add3A_1085 = arith.addf %mul3A_1082, %mul3A_1084 : vector<16xf32>
      %add3A_1086 = arith.constant 13 : i32
      %add3A_1087 = arith.addi %add3A_285, %add3A_1086 : i32
      %add3A_1088 = vector.broadcast %add3A_1087 : i32 to vector<16xi32>
      %add3A_1089 = arith.addi %mul3A_12, %add3A_1088 : vector<16xi32>
      tpu.vector_store_idx %arg15[%add3A_1089], %add3A_1085 : memref<8192xf32, #tpu.memory_space<vmem>>[vector<16xi32>], vector<16xf32>,
      %add3A_1090 = arith.constant 14 : i32
      %add3A_1091 = arith.addi %mul3A_283, %add3A_1090 : i32
      %slice3A_1092 = vector.extract_strided_slice %mul3A_291 {offsets = [14], sizes = [1], strides = [1]} : vector<16xi32> to vector<1xi32>
      %squeeze3A_1093 = vector.extract %slice3A_1092[0] : i32 from vector<1xi32>
      %multiple_of3A_1094 = tpu.assume_multiple %squeeze3A_1093, 32 : i32
      %slice3A_1095 = vector.extract_strided_slice %mul3A_299 {offsets = [14], sizes = [1], strides = [1]} : vector<16xi32> to vector<1xi32>
      %squeeze3A_1096 = vector.extract %slice3A_1095[0] : i32 from vector<1xi32>
      %multiple_of3A_1097 = tpu.assume_multiple %squeeze3A_1096, 32 : i32
      %slice3A_1098 = vector.extract_strided_slice %mul3A_309 {offsets = [14], sizes = [1], strides = [1]} : vector<16xi32> to vector<1xi32>
      %squeeze3A_1099 = vector.extract %slice3A_1098[0] : i32 from vector<1xi32>
      %multiple_of3A_1100 = tpu.assume_multiple %squeeze3A_1099, 32 : i32
      %get3A_1101 = arith.constant 1 : i32
      %get3A_1102 = arith.index_cast %get3A_1101 : i32 to index
      %get3A_1103 = arith.index_cast %add3A_1091 : i32 to index
      %get3A_1104 = arith.index_cast %multiple_of3A_1094 : i32 to index
      %get3A_1105 = tpu.vector_load %arg12[%get3A_1102, %get3A_1103, %get3A_1104] {strides = array<i32>} : memref<2x128x128xf32, #tpu.memory_space<vmem>>, vector<16xf32>,
      %add3A_1106 = arith.constant 16 : i32
      %add3A_1107 = arith.addi %multiple_of3A_1094, %add3A_1106 : i32
      %get3A_1108 = arith.constant 1 : i32
      %get3A_1109 = arith.index_cast %get3A_1108 : i32 to index
      %get3A_1110 = arith.index_cast %add3A_1091 : i32 to index
      %get3A_1111 = arith.index_cast %add3A_1107 : i32 to index
      %get3A_1112 = tpu.vector_load %arg12[%get3A_1109, %get3A_1110, %get3A_1111] {strides = array<i32>} : memref<2x128x128xf32, #tpu.memory_space<vmem>>, vector<16xf32>,
      %get3A_1113 = arith.constant 1 : i32
      %get3A_1114 = arith.index_cast %get3A_1113 : i32 to index
      %get3A_1115 = arith.index_cast %add3A_1091 : i32 to index
      %get3A_1116 = arith.index_cast %multiple_of3A_1097 : i32 to index
      %get3A_1117 = tpu.vector_load %arg13[%get3A_1114, %get3A_1115, %get3A_1116] {strides = array<i32>} : memref<2x128x128xf32, #tpu.memory_space<vmem>>, vector<16xf32>,
      %add3A_1118 = arith.constant 16 : i32
      %add3A_1119 = arith.addi %multiple_of3A_1097, %add3A_1118 : i32
      %get3A_1120 = arith.constant 1 : i32
      %get3A_1121 = arith.index_cast %get3A_1120 : i32 to index
      %get3A_1122 = arith.index_cast %add3A_1091 : i32 to index
      %get3A_1123 = arith.index_cast %add3A_1119 : i32 to index
      %get3A_1124 = tpu.vector_load %arg13[%get3A_1121, %get3A_1122, %get3A_1123] {strides = array<i32>} : memref<2x128x128xf32, #tpu.memory_space<vmem>>, vector<16xf32>,
      %get3A_1125 = arith.constant 1 : i32
      %get3A_1126 = arith.index_cast %get3A_1125 : i32 to index
      %get3A_1127 = arith.index_cast %add3A_1091 : i32 to index
      %get3A_1128 = arith.index_cast %multiple_of3A_1100 : i32 to index
      %get3A_1129 = tpu.vector_load %arg14[%get3A_1126, %get3A_1127, %get3A_1128] {strides = array<i32>} : memref<2x128x128xf32, #tpu.memory_space<vmem>>, vector<16xf32>,
      %add3A_1130 = arith.constant 16 : i32
      %add3A_1131 = arith.addi %multiple_of3A_1100, %add3A_1130 : i32
      %get3A_1132 = arith.constant 1 : i32
      %get3A_1133 = arith.index_cast %get3A_1132 : i32 to index
      %get3A_1134 = arith.index_cast %add3A_1091 : i32 to index
      %get3A_1135 = arith.index_cast %add3A_1131 : i32 to index
      %get3A_1136 = tpu.vector_load %arg14[%get3A_1133, %get3A_1134, %get3A_1135] {strides = array<i32>} : memref<2x128x128xf32, #tpu.memory_space<vmem>>, vector<16xf32>,
      %sub3A_1137 = arith.subf %get3A_1117, %get3A_1129 : vector<16xf32>
      %mul3A_1138 = arith.mulf %get3A_1105, %sub3A_1137 : vector<16xf32>
      %sub3A_1139 = arith.subf %get3A_1124, %get3A_1136 : vector<16xf32>
      %mul3A_1140 = arith.mulf %get3A_1112, %sub3A_1139 : vector<16xf32>
      %add3A_1141 = arith.addf %mul3A_1138, %mul3A_1140 : vector<16xf32>
      %add3A_1142 = arith.constant 14 : i32
      %add3A_1143 = arith.addi %add3A_285, %add3A_1142 : i32
      %add3A_1144 = vector.broadcast %add3A_1143 : i32 to vector<16xi32>
      %add3A_1145 = arith.addi %mul3A_12, %add3A_1144 : vector<16xi32>
      tpu.vector_store_idx %arg15[%add3A_1145], %add3A_1141 : memref<8192xf32, #tpu.memory_space<vmem>>[vector<16xi32>], vector<16xf32>,
      %add3A_1146 = arith.constant 15 : i32
      %add3A_1147 = arith.addi %mul3A_283, %add3A_1146 : i32
      %slice3A_1148 = vector.extract_strided_slice %mul3A_291 {offsets = [15], sizes = [1], strides = [1]} : vector<16xi32> to vector<1xi32>
      %squeeze3A_1149 = vector.extract %slice3A_1148[0] : i32 from vector<1xi32>
      %multiple_of3A_1150 = tpu.assume_multiple %squeeze3A_1149, 32 : i32
      %slice3A_1151 = vector.extract_strided_slice %mul3A_299 {offsets = [15], sizes = [1], strides = [1]} : vector<16xi32> to vector<1xi32>
      %squeeze3A_1152 = vector.extract %slice3A_1151[0] : i32 from vector<1xi32>
      %multiple_of3A_1153 = tpu.assume_multiple %squeeze3A_1152, 32 : i32
      %slice3A_1154 = vector.extract_strided_slice %mul3A_309 {offsets = [15], sizes = [1], strides = [1]} : vector<16xi32> to vector<1xi32>
      %squeeze3A_1155 = vector.extract %slice3A_1154[0] : i32 from vector<1xi32>
      %multiple_of3A_1156 = tpu.assume_multiple %squeeze3A_1155, 32 : i32
      %get3A_1157 = arith.constant 1 : i32
      %get3A_1158 = arith.index_cast %get3A_1157 : i32 to index
      %get3A_1159 = arith.index_cast %add3A_1147 : i32 to index
      %get3A_1160 = arith.index_cast %multiple_of3A_1150 : i32 to index
      %get3A_1161 = tpu.vector_load %arg12[%get3A_1158, %get3A_1159, %get3A_1160] {strides = array<i32>} : memref<2x128x128xf32, #tpu.memory_space<vmem>>, vector<16xf32>,
      %add3A_1162 = arith.constant 16 : i32
      %add3A_1163 = arith.addi %multiple_of3A_1150, %add3A_1162 : i32
      %get3A_1164 = arith.constant 1 : i32
      %get3A_1165 = arith.index_cast %get3A_1164 : i32 to index
      %get3A_1166 = arith.index_cast %add3A_1147 : i32 to index
      %get3A_1167 = arith.index_cast %add3A_1163 : i32 to index
      %get3A_1168 = tpu.vector_load %arg12[%get3A_1165, %get3A_1166, %get3A_1167] {strides = array<i32>} : memref<2x128x128xf32, #tpu.memory_space<vmem>>, vector<16xf32>,
      %get3A_1169 = arith.constant 1 : i32
      %get3A_1170 = arith.index_cast %get3A_1169 : i32 to index
      %get3A_1171 = arith.index_cast %add3A_1147 : i32 to index
      %get3A_1172 = arith.index_cast %multiple_of3A_1153 : i32 to index
      %get3A_1173 = tpu.vector_load %arg13[%get3A_1170, %get3A_1171, %get3A_1172] {strides = array<i32>} : memref<2x128x128xf32, #tpu.memory_space<vmem>>, vector<16xf32>,
      %add3A_1174 = arith.constant 16 : i32
      %add3A_1175 = arith.addi %multiple_of3A_1153, %add3A_1174 : i32
      %get3A_1176 = arith.constant 1 : i32
      %get3A_1177 = arith.index_cast %get3A_1176 : i32 to index
      %get3A_1178 = arith.index_cast %add3A_1147 : i32 to index
      %get3A_1179 = arith.index_cast %add3A_1175 : i32 to index
      %get3A_1180 = tpu.vector_load %arg13[%get3A_1177, %get3A_1178, %get3A_1179] {strides = array<i32>} : memref<2x128x128xf32, #tpu.memory_space<vmem>>, vector<16xf32>,
      %get3A_1181 = arith.constant 1 : i32
      %get3A_1182 = arith.index_cast %get3A_1181 : i32 to index
      %get3A_1183 = arith.index_cast %add3A_1147 : i32 to index
      %get3A_1184 = arith.index_cast %multiple_of3A_1156 : i32 to index
      %get3A_1185 = tpu.vector_load %arg14[%get3A_1182, %get3A_1183, %get3A_1184] {strides = array<i32>} : memref<2x128x128xf32, #tpu.memory_space<vmem>>, vector<16xf32>,
      %add3A_1186 = arith.constant 16 : i32
      %add3A_1187 = arith.addi %multiple_of3A_1156, %add3A_1186 : i32
      %get3A_1188 = arith.constant 1 : i32
      %get3A_1189 = arith.index_cast %get3A_1188 : i32 to index
      %get3A_1190 = arith.index_cast %add3A_1147 : i32 to index
      %get3A_1191 = arith.index_cast %add3A_1187 : i32 to index
      %get3A_1192 = tpu.vector_load %arg14[%get3A_1189, %get3A_1190, %get3A_1191] {strides = array<i32>} : memref<2x128x128xf32, #tpu.memory_space<vmem>>, vector<16xf32>,
      %sub3A_1193 = arith.subf %get3A_1173, %get3A_1185 : vector<16xf32>
      %mul3A_1194 = arith.mulf %get3A_1161, %sub3A_1193 : vector<16xf32>
      %sub3A_1195 = arith.subf %get3A_1180, %get3A_1192 : vector<16xf32>
      %mul3A_1196 = arith.mulf %get3A_1168, %sub3A_1195 : vector<16xf32>
      %add3A_1197 = arith.addf %mul3A_1194, %mul3A_1196 : vector<16xf32>
      %add3A_1198 = arith.constant 15 : i32
      %add3A_1199 = arith.addi %add3A_285, %add3A_1198 : i32
      %add3A_1200 = vector.broadcast %add3A_1199 : i32 to vector<16xi32>
      %add3A_1201 = arith.addi %mul3A_12, %add3A_1200 : vector<16xi32>
      tpu.vector_store_idx %arg15[%add3A_1201], %add3A_1197 : memref<8192xf32, #tpu.memory_space<vmem>>[vector<16xi32>], vector<16xf32>,
    }
    %scan3A_172 = arith.constant 8 : i32
    %dma_start3A_173 = arith.constant 1 : i32
    %dma_start3A_174 = arith.constant 0 : i32
    %dma_start3A_175 = arith.constant 0 : i32
    %dma_start3A_176 = tpu.memref_slice %arg12[%dma_start3A_173, %dma_start3A_174, %dma_start3A_175] : memref<2x128x128xf32, #tpu.memory_space<vmem>> -> memref<1x128x128xf32, #tpu.memory_space<vmem>>
    %dma_start3A_177 = tpu.memref_squeeze %dma_start3A_176 : memref<1x128x128xf32, #tpu.memory_space<vmem>> -> memref<128x128xf32, #tpu.memory_space<vmem>>
    %dma_start3A_178 = arith.constant 384 : i32
    %dma_start3A_179 = tpu.memref_slice %arg9[%dma_start3A_178] : memref<512xi32, #tpu.memory_space<vmem>> -> memref<128xi32, #tpu.memory_space<vmem>>
    %dma_start3A_180 = arith.constant 0 : i32
    %dma_start3A_181 = arith.constant 0 : i32
    %dma_start3A_182 = tpu.memref_slice %arg4[%dma_start3A_180, %dma_start3A_181] : memref<250000x128xf32, #tpu.memory_space<hbm>> -> memref<250000x128xf32, #tpu.memory_space<hbm>>
    tpu.enqueue_indirect_dma source(%dma_start3A_182 : memref<250000x128xf32, #tpu.memory_space<hbm>>) target(%dma_start3A_177 : memref<128x128xf32, #tpu.memory_space<vmem>>) offsets(%dma_start3A_179 : memref<128xi32, #tpu.memory_space<vmem>>) semaphore(%arg18 : memref<!tpu.dma_semaphore, #tpu.memory_space<semaphore_mem>>)
    %dma_start3A_183 = arith.constant 1 : i32
    %dma_start3A_184 = arith.constant 0 : i32
    %dma_start3A_185 = arith.constant 0 : i32
    %dma_start3A_186 = tpu.memref_slice %arg13[%dma_start3A_183, %dma_start3A_184, %dma_start3A_185] : memref<2x128x128xf32, #tpu.memory_space<vmem>> -> memref<1x128x128xf32, #tpu.memory_space<vmem>>
    %dma_start3A_187 = tpu.memref_squeeze %dma_start3A_186 : memref<1x128x128xf32, #tpu.memory_space<vmem>> -> memref<128x128xf32, #tpu.memory_space<vmem>>
    %dma_start3A_188 = arith.constant 384 : i32
    %dma_start3A_189 = tpu.memref_slice %arg10[%dma_start3A_188] : memref<512xi32, #tpu.memory_space<vmem>> -> memref<128xi32, #tpu.memory_space<vmem>>
    %dma_start3A_190 = arith.constant 0 : i32
    %dma_start3A_191 = arith.constant 0 : i32
    %dma_start3A_192 = tpu.memref_slice %arg5[%dma_start3A_190, %dma_start3A_191] : memref<250000x128xf32, #tpu.memory_space<hbm>> -> memref<250000x128xf32, #tpu.memory_space<hbm>>
    tpu.enqueue_indirect_dma source(%dma_start3A_192 : memref<250000x128xf32, #tpu.memory_space<hbm>>) target(%dma_start3A_187 : memref<128x128xf32, #tpu.memory_space<vmem>>) offsets(%dma_start3A_189 : memref<128xi32, #tpu.memory_space<vmem>>) semaphore(%arg20 : memref<!tpu.dma_semaphore, #tpu.memory_space<semaphore_mem>>)
    %dma_start3A_193 = arith.constant 1 : i32
    %dma_start3A_194 = arith.constant 0 : i32
    %dma_start3A_195 = arith.constant 0 : i32
    %dma_start3A_196 = tpu.memref_slice %arg14[%dma_start3A_193, %dma_start3A_194, %dma_start3A_195] : memref<2x128x128xf32, #tpu.memory_space<vmem>> -> memref<1x128x128xf32, #tpu.memory_space<vmem>>
    %dma_start3A_197 = tpu.memref_squeeze %dma_start3A_196 : memref<1x128x128xf32, #tpu.memory_space<vmem>> -> memref<128x128xf32, #tpu.memory_space<vmem>>
    %dma_start3A_198 = arith.constant 384 : i32
    %dma_start3A_199 = tpu.memref_slice %arg11[%dma_start3A_198] : memref<512xi32, #tpu.memory_space<vmem>> -> memref<128xi32, #tpu.memory_space<vmem>>
    %dma_start3A_200 = arith.constant 0 : i32
    %dma_start3A_201 = arith.constant 0 : i32
    %dma_start3A_202 = tpu.memref_slice %arg5[%dma_start3A_200, %dma_start3A_201] : memref<250000x128xf32, #tpu.memory_space<hbm>> -> memref<250000x128xf32, #tpu.memory_space<hbm>>
    tpu.enqueue_indirect_dma source(%dma_start3A_202 : memref<250000x128xf32, #tpu.memory_space<hbm>>) target(%dma_start3A_197 : memref<128x128xf32, #tpu.memory_space<vmem>>) offsets(%dma_start3A_199 : memref<128xi32, #tpu.memory_space<vmem>>) semaphore(%arg22 : memref<!tpu.dma_semaphore, #tpu.memory_space<semaphore_mem>>)
    %dma_wait3A_203 = arith.constant 0 : i32
    %dma_wait3A_204 = arith.constant 0 : i32
    %dma_wait3A_205 = arith.constant 0 : i32
    %dma_wait3A_206 = tpu.memref_slice %arg12[%dma_wait3A_203, %dma_wait3A_204, %dma_wait3A_205] : memref<2x128x128xf32, #tpu.memory_space<vmem>> -> memref<1x128x128xf32, #tpu.memory_space<vmem>>
    %dma_wait3A_207 = tpu.memref_squeeze %dma_wait3A_206 : memref<1x128x128xf32, #tpu.memory_space<vmem>> -> memref<128x128xf32, #tpu.memory_space<vmem>>
    %dma_wait3A_208 = arith.constant 256 : i32
    %dma_wait3A_209 = tpu.memref_slice %arg9[%dma_wait3A_208] : memref<512xi32, #tpu.memory_space<vmem>> -> memref<128xi32, #tpu.memory_space<vmem>>
    %dma_wait3A_210 = arith.constant 0 : i32
    %dma_wait3A_211 = arith.constant 0 : i32
    %dma_wait3A_212 = tpu.memref_slice %arg4[%dma_wait3A_210, %dma_wait3A_211] : memref<250000x128xf32, #tpu.memory_space<hbm>> -> memref<250000x128xf32, #tpu.memory_space<hbm>>
    tpu.wait_indirect_dma semaphore(%arg17 : memref<!tpu.dma_semaphore, #tpu.memory_space<semaphore_mem>>) src(%dma_wait3A_212 : memref<250000x128xf32, #tpu.memory_space<hbm>>) dst(%dma_wait3A_207 : memref<128x128xf32, #tpu.memory_space<vmem>>)
    %dma_wait3A_213 = arith.constant 0 : i32
    %dma_wait3A_214 = arith.constant 0 : i32
    %dma_wait3A_215 = arith.constant 0 : i32
    %dma_wait3A_216 = tpu.memref_slice %arg13[%dma_wait3A_213, %dma_wait3A_214, %dma_wait3A_215] : memref<2x128x128xf32, #tpu.memory_space<vmem>> -> memref<1x128x128xf32, #tpu.memory_space<vmem>>
    %dma_wait3A_217 = tpu.memref_squeeze %dma_wait3A_216 : memref<1x128x128xf32, #tpu.memory_space<vmem>> -> memref<128x128xf32, #tpu.memory_space<vmem>>
    %dma_wait3A_218 = arith.constant 256 : i32
    %dma_wait3A_219 = tpu.memref_slice %arg10[%dma_wait3A_218] : memref<512xi32, #tpu.memory_space<vmem>> -> memref<128xi32, #tpu.memory_space<vmem>>
    %dma_wait3A_220 = arith.constant 0 : i32
    %dma_wait3A_221 = arith.constant 0 : i32
    %dma_wait3A_222 = tpu.memref_slice %arg5[%dma_wait3A_220, %dma_wait3A_221] : memref<250000x128xf32, #tpu.memory_space<hbm>> -> memref<250000x128xf32, #tpu.memory_space<hbm>>
    tpu.wait_indirect_dma semaphore(%arg19 : memref<!tpu.dma_semaphore, #tpu.memory_space<semaphore_mem>>) src(%dma_wait3A_222 : memref<250000x128xf32, #tpu.memory_space<hbm>>) dst(%dma_wait3A_217 : memref<128x128xf32, #tpu.memory_space<vmem>>)
    %dma_wait3A_223 = arith.constant 0 : i32
    %dma_wait3A_224 = arith.constant 0 : i32
    %dma_wait3A_225 = arith.constant 0 : i32
    %dma_wait3A_226 = tpu.memref_slice %arg14[%dma_wait3A_223, %dma_wait3A_224, %dma_wait3A_225] : memref<2x128x128xf32, #tpu.memory_space<vmem>> -> memref<1x128x128xf32, #tpu.memory_space<vmem>>
    %dma_wait3A_227 = tpu.memref_squeeze %dma_wait3A_226 : memref<1x128x128xf32, #tpu.memory_space<vmem>> -> memref<128x128xf32, #tpu.memory_space<vmem>>
    %dma_wait3A_228 = arith.constant 256 : i32
    %dma_wait3A_229 = tpu.memref_slice %arg11[%dma_wait3A_228] : memref<512xi32, #tpu.memory_space<vmem>> -> memref<128xi32, #tpu.memory_space<vmem>>
    %dma_wait3A_230 = arith.constant 0 : i32
    %dma_wait3A_231 = arith.constant 0 : i32
    %dma_wait3A_232 = tpu.memref_slice %arg5[%dma_wait3A_230, %dma_wait3A_231] : memref<250000x128xf32, #tpu.memory_space<hbm>> -> memref<250000x128xf32, #tpu.memory_space<hbm>>
    tpu.wait_indirect_dma semaphore(%arg21 : memref<!tpu.dma_semaphore, #tpu.memory_space<semaphore_mem>>) src(%dma_wait3A_232 : memref<250000x128xf32, #tpu.memory_space<hbm>>) dst(%dma_wait3A_227 : memref<128x128xf32, #tpu.memory_space<vmem>>)
    %scan3A_233 = arith.constant 0 : i32
    %scan3A_234 = arith.constant 0 : i32
    %scan3A_235 = arith.constant 8 : i32
    %scan3A_236 = arith.addi %scan3A_234, %scan3A_235 : i32
    %scan3A_237 = arith.constant 1 : i32
    scf.for %scan3A_281 = %scan3A_234 to %scan3A_236 step %scan3A_237  : i32 {
      %mul3A_282 = arith.constant 16 : i32
      %mul3A_283 = arith.muli %scan3A_281, %mul3A_282 : i32
      %add3A_284 = arith.constant 256 : i32
      %add3A_285 = arith.addi %add3A_284, %mul3A_283 : i32
      %get3A = arith.index_cast %add3A_285 : i32 to index
      %get3A_286 = tpu.vector_load %arg7[%get3A] {strides = array<i32>} : memref<512xi32, #tpu.memory_space<vmem>>, vector<16xi32>,
      %and3A = arith.constant 3 : i32
      %and3A_287 = vector.broadcast %and3A : i32 to vector<16xi32>
      %and3A_288 = arith.andi %get3A_286, %and3A_287 : vector<16xi32>
      %mul3A_289 = arith.constant 32 : i32
      %mul3A_290 = vector.broadcast %mul3A_289 : i32 to vector<16xi32>
      %mul3A_291 = arith.muli %and3A_288, %mul3A_290 : vector<16xi32>
      %get3A_292 = arith.index_cast %add3A_285 : i32 to index
      %get3A_293 = tpu.vector_load %arg8[%get3A_292] {strides = array<i32>} : memref<1024xi32, #tpu.memory_space<vmem>>, vector<16xi32>,
      %and3A_294 = arith.constant 3 : i32
      %and3A_295 = vector.broadcast %and3A_294 : i32 to vector<16xi32>
      %and3A_296 = arith.andi %get3A_293, %and3A_295 : vector<16xi32>
      %mul3A_297 = arith.constant 32 : i32
      %mul3A_298 = vector.broadcast %mul3A_297 : i32 to vector<16xi32>
      %mul3A_299 = arith.muli %and3A_296, %mul3A_298 : vector<16xi32>
      %add3A_300 = arith.constant 512 : i32
      %add3A_301 = arith.addi %add3A_300, %add3A_285 : i32
      %get3A_302 = arith.index_cast %add3A_301 : i32 to index
      %get3A_303 = tpu.vector_load %arg8[%get3A_302] {strides = array<i32>} : memref<1024xi32, #tpu.memory_space<vmem>>, vector<16xi32>,
      %and3A_304 = arith.constant 3 : i32
      %and3A_305 = vector.broadcast %and3A_304 : i32 to vector<16xi32>
      %and3A_306 = arith.andi %get3A_303, %and3A_305 : vector<16xi32>
      %mul3A_307 = arith.constant 32 : i32
      %mul3A_308 = vector.broadcast %mul3A_307 : i32 to vector<16xi32>
      %mul3A_309 = arith.muli %and3A_306, %mul3A_308 : vector<16xi32>
      %add3A_310 = arith.constant 0 : i32
      %add3A_311 = arith.addi %mul3A_283, %add3A_310 : i32
      %slice3A = vector.extract_strided_slice %mul3A_291 {offsets = [0], sizes = [1], strides = [1]} : vector<16xi32> to vector<1xi32>
      %squeeze3A = vector.extract %slice3A[0] : i32 from vector<1xi32>
      %multiple_of3A = tpu.assume_multiple %squeeze3A, 32 : i32
      %slice3A_312 = vector.extract_strided_slice %mul3A_299 {offsets = [0], sizes = [1], strides = [1]} : vector<16xi32> to vector<1xi32>
      %squeeze3A_313 = vector.extract %slice3A_312[0] : i32 from vector<1xi32>
      %multiple_of3A_314 = tpu.assume_multiple %squeeze3A_313, 32 : i32
      %slice3A_315 = vector.extract_strided_slice %mul3A_309 {offsets = [0], sizes = [1], strides = [1]} : vector<16xi32> to vector<1xi32>
      %squeeze3A_316 = vector.extract %slice3A_315[0] : i32 from vector<1xi32>
      %multiple_of3A_317 = tpu.assume_multiple %squeeze3A_316, 32 : i32
      %get3A_318 = arith.constant 0 : i32
      %get3A_319 = arith.index_cast %get3A_318 : i32 to index
      %get3A_320 = arith.index_cast %add3A_311 : i32 to index
      %get3A_321 = arith.index_cast %multiple_of3A : i32 to index
      %get3A_322 = tpu.vector_load %arg12[%get3A_319, %get3A_320, %get3A_321] {strides = array<i32>} : memref<2x128x128xf32, #tpu.memory_space<vmem>>, vector<16xf32>,
      %add3A_323 = arith.constant 16 : i32
      %add3A_324 = arith.addi %multiple_of3A, %add3A_323 : i32
      %get3A_325 = arith.constant 0 : i32
      %get3A_326 = arith.index_cast %get3A_325 : i32 to index
      %get3A_327 = arith.index_cast %add3A_311 : i32 to index
      %get3A_328 = arith.index_cast %add3A_324 : i32 to index
      %get3A_329 = tpu.vector_load %arg12[%get3A_326, %get3A_327, %get3A_328] {strides = array<i32>} : memref<2x128x128xf32, #tpu.memory_space<vmem>>, vector<16xf32>,
      %get3A_330 = arith.constant 0 : i32
      %get3A_331 = arith.index_cast %get3A_330 : i32 to index
      %get3A_332 = arith.index_cast %add3A_311 : i32 to index
      %get3A_333 = arith.index_cast %multiple_of3A_314 : i32 to index
      %get3A_334 = tpu.vector_load %arg13[%get3A_331, %get3A_332, %get3A_333] {strides = array<i32>} : memref<2x128x128xf32, #tpu.memory_space<vmem>>, vector<16xf32>,
      %add3A_335 = arith.constant 16 : i32
      %add3A_336 = arith.addi %multiple_of3A_314, %add3A_335 : i32
      %get3A_337 = arith.constant 0 : i32
      %get3A_338 = arith.index_cast %get3A_337 : i32 to index
      %get3A_339 = arith.index_cast %add3A_311 : i32 to index
      %get3A_340 = arith.index_cast %add3A_336 : i32 to index
      %get3A_341 = tpu.vector_load %arg13[%get3A_338, %get3A_339, %get3A_340] {strides = array<i32>} : memref<2x128x128xf32, #tpu.memory_space<vmem>>, vector<16xf32>,
      %get3A_342 = arith.constant 0 : i32
      %get3A_343 = arith.index_cast %get3A_342 : i32 to index
      %get3A_344 = arith.index_cast %add3A_311 : i32 to index
      %get3A_345 = arith.index_cast %multiple_of3A_317 : i32 to index
      %get3A_346 = tpu.vector_load %arg14[%get3A_343, %get3A_344, %get3A_345] {strides = array<i32>} : memref<2x128x128xf32, #tpu.memory_space<vmem>>, vector<16xf32>,
      %add3A_347 = arith.constant 16 : i32
      %add3A_348 = arith.addi %multiple_of3A_317, %add3A_347 : i32
      %get3A_349 = arith.constant 0 : i32
      %get3A_350 = arith.index_cast %get3A_349 : i32 to index
      %get3A_351 = arith.index_cast %add3A_311 : i32 to index
      %get3A_352 = arith.index_cast %add3A_348 : i32 to index
      %get3A_353 = tpu.vector_load %arg14[%get3A_350, %get3A_351, %get3A_352] {strides = array<i32>} : memref<2x128x128xf32, #tpu.memory_space<vmem>>, vector<16xf32>,
      %sub3A = arith.subf %get3A_334, %get3A_346 : vector<16xf32>
      %mul3A_354 = arith.mulf %get3A_322, %sub3A : vector<16xf32>
      %sub3A_355 = arith.subf %get3A_341, %get3A_353 : vector<16xf32>
      %mul3A_356 = arith.mulf %get3A_329, %sub3A_355 : vector<16xf32>
      %add3A_357 = arith.addf %mul3A_354, %mul3A_356 : vector<16xf32>
      %add3A_358 = arith.constant 0 : i32
      %add3A_359 = arith.addi %add3A_285, %add3A_358 : i32
      %add3A_360 = vector.broadcast %add3A_359 : i32 to vector<16xi32>
      %add3A_361 = arith.addi %mul3A_12, %add3A_360 : vector<16xi32>
      tpu.vector_store_idx %arg15[%add3A_361], %add3A_357 : memref<8192xf32, #tpu.memory_space<vmem>>[vector<16xi32>], vector<16xf32>,
      %add3A_362 = arith.constant 1 : i32
      %add3A_363 = arith.addi %mul3A_283, %add3A_362 : i32
      %slice3A_364 = vector.extract_strided_slice %mul3A_291 {offsets = [1], sizes = [1], strides = [1]} : vector<16xi32> to vector<1xi32>
      %squeeze3A_365 = vector.extract %slice3A_364[0] : i32 from vector<1xi32>
      %multiple_of3A_366 = tpu.assume_multiple %squeeze3A_365, 32 : i32
      %slice3A_367 = vector.extract_strided_slice %mul3A_299 {offsets = [1], sizes = [1], strides = [1]} : vector<16xi32> to vector<1xi32>
      %squeeze3A_368 = vector.extract %slice3A_367[0] : i32 from vector<1xi32>
      %multiple_of3A_369 = tpu.assume_multiple %squeeze3A_368, 32 : i32
      %slice3A_370 = vector.extract_strided_slice %mul3A_309 {offsets = [1], sizes = [1], strides = [1]} : vector<16xi32> to vector<1xi32>
      %squeeze3A_371 = vector.extract %slice3A_370[0] : i32 from vector<1xi32>
      %multiple_of3A_372 = tpu.assume_multiple %squeeze3A_371, 32 : i32
      %get3A_373 = arith.constant 0 : i32
      %get3A_374 = arith.index_cast %get3A_373 : i32 to index
      %get3A_375 = arith.index_cast %add3A_363 : i32 to index
      %get3A_376 = arith.index_cast %multiple_of3A_366 : i32 to index
      %get3A_377 = tpu.vector_load %arg12[%get3A_374, %get3A_375, %get3A_376] {strides = array<i32>} : memref<2x128x128xf32, #tpu.memory_space<vmem>>, vector<16xf32>,
      %add3A_378 = arith.constant 16 : i32
      %add3A_379 = arith.addi %multiple_of3A_366, %add3A_378 : i32
      %get3A_380 = arith.constant 0 : i32
      %get3A_381 = arith.index_cast %get3A_380 : i32 to index
      %get3A_382 = arith.index_cast %add3A_363 : i32 to index
      %get3A_383 = arith.index_cast %add3A_379 : i32 to index
      %get3A_384 = tpu.vector_load %arg12[%get3A_381, %get3A_382, %get3A_383] {strides = array<i32>} : memref<2x128x128xf32, #tpu.memory_space<vmem>>, vector<16xf32>,
      %get3A_385 = arith.constant 0 : i32
      %get3A_386 = arith.index_cast %get3A_385 : i32 to index
      %get3A_387 = arith.index_cast %add3A_363 : i32 to index
      %get3A_388 = arith.index_cast %multiple_of3A_369 : i32 to index
      %get3A_389 = tpu.vector_load %arg13[%get3A_386, %get3A_387, %get3A_388] {strides = array<i32>} : memref<2x128x128xf32, #tpu.memory_space<vmem>>, vector<16xf32>,
      %add3A_390 = arith.constant 16 : i32
      %add3A_391 = arith.addi %multiple_of3A_369, %add3A_390 : i32
      %get3A_392 = arith.constant 0 : i32
      %get3A_393 = arith.index_cast %get3A_392 : i32 to index
      %get3A_394 = arith.index_cast %add3A_363 : i32 to index
      %get3A_395 = arith.index_cast %add3A_391 : i32 to index
      %get3A_396 = tpu.vector_load %arg13[%get3A_393, %get3A_394, %get3A_395] {strides = array<i32>} : memref<2x128x128xf32, #tpu.memory_space<vmem>>, vector<16xf32>,
      %get3A_397 = arith.constant 0 : i32
      %get3A_398 = arith.index_cast %get3A_397 : i32 to index
      %get3A_399 = arith.index_cast %add3A_363 : i32 to index
      %get3A_400 = arith.index_cast %multiple_of3A_372 : i32 to index
      %get3A_401 = tpu.vector_load %arg14[%get3A_398, %get3A_399, %get3A_400] {strides = array<i32>} : memref<2x128x128xf32, #tpu.memory_space<vmem>>, vector<16xf32>,
      %add3A_402 = arith.constant 16 : i32
      %add3A_403 = arith.addi %multiple_of3A_372, %add3A_402 : i32
      %get3A_404 = arith.constant 0 : i32
      %get3A_405 = arith.index_cast %get3A_404 : i32 to index
      %get3A_406 = arith.index_cast %add3A_363 : i32 to index
      %get3A_407 = arith.index_cast %add3A_403 : i32 to index
      %get3A_408 = tpu.vector_load %arg14[%get3A_405, %get3A_406, %get3A_407] {strides = array<i32>} : memref<2x128x128xf32, #tpu.memory_space<vmem>>, vector<16xf32>,
      %sub3A_409 = arith.subf %get3A_389, %get3A_401 : vector<16xf32>
      %mul3A_410 = arith.mulf %get3A_377, %sub3A_409 : vector<16xf32>
      %sub3A_411 = arith.subf %get3A_396, %get3A_408 : vector<16xf32>
      %mul3A_412 = arith.mulf %get3A_384, %sub3A_411 : vector<16xf32>
      %add3A_413 = arith.addf %mul3A_410, %mul3A_412 : vector<16xf32>
      %add3A_414 = arith.constant 1 : i32
      %add3A_415 = arith.addi %add3A_285, %add3A_414 : i32
      %add3A_416 = vector.broadcast %add3A_415 : i32 to vector<16xi32>
      %add3A_417 = arith.addi %mul3A_12, %add3A_416 : vector<16xi32>
      tpu.vector_store_idx %arg15[%add3A_417], %add3A_413 : memref<8192xf32, #tpu.memory_space<vmem>>[vector<16xi32>], vector<16xf32>,
      %add3A_418 = arith.constant 2 : i32
      %add3A_419 = arith.addi %mul3A_283, %add3A_418 : i32
      %slice3A_420 = vector.extract_strided_slice %mul3A_291 {offsets = [2], sizes = [1], strides = [1]} : vector<16xi32> to vector<1xi32>
      %squeeze3A_421 = vector.extract %slice3A_420[0] : i32 from vector<1xi32>
      %multiple_of3A_422 = tpu.assume_multiple %squeeze3A_421, 32 : i32
      %slice3A_423 = vector.extract_strided_slice %mul3A_299 {offsets = [2], sizes = [1], strides = [1]} : vector<16xi32> to vector<1xi32>
      %squeeze3A_424 = vector.extract %slice3A_423[0] : i32 from vector<1xi32>
      %multiple_of3A_425 = tpu.assume_multiple %squeeze3A_424, 32 : i32
      %slice3A_426 = vector.extract_strided_slice %mul3A_309 {offsets = [2], sizes = [1], strides = [1]} : vector<16xi32> to vector<1xi32>
      %squeeze3A_427 = vector.extract %slice3A_426[0] : i32 from vector<1xi32>
      %multiple_of3A_428 = tpu.assume_multiple %squeeze3A_427, 32 : i32
      %get3A_429 = arith.constant 0 : i32
      %get3A_430 = arith.index_cast %get3A_429 : i32 to index
      %get3A_431 = arith.index_cast %add3A_419 : i32 to index
      %get3A_432 = arith.index_cast %multiple_of3A_422 : i32 to index
      %get3A_433 = tpu.vector_load %arg12[%get3A_430, %get3A_431, %get3A_432] {strides = array<i32>} : memref<2x128x128xf32, #tpu.memory_space<vmem>>, vector<16xf32>,
      %add3A_434 = arith.constant 16 : i32
      %add3A_435 = arith.addi %multiple_of3A_422, %add3A_434 : i32
      %get3A_436 = arith.constant 0 : i32
      %get3A_437 = arith.index_cast %get3A_436 : i32 to index
      %get3A_438 = arith.index_cast %add3A_419 : i32 to index
      %get3A_439 = arith.index_cast %add3A_435 : i32 to index
      %get3A_440 = tpu.vector_load %arg12[%get3A_437, %get3A_438, %get3A_439] {strides = array<i32>} : memref<2x128x128xf32, #tpu.memory_space<vmem>>, vector<16xf32>,
      %get3A_441 = arith.constant 0 : i32
      %get3A_442 = arith.index_cast %get3A_441 : i32 to index
      %get3A_443 = arith.index_cast %add3A_419 : i32 to index
      %get3A_444 = arith.index_cast %multiple_of3A_425 : i32 to index
      %get3A_445 = tpu.vector_load %arg13[%get3A_442, %get3A_443, %get3A_444] {strides = array<i32>} : memref<2x128x128xf32, #tpu.memory_space<vmem>>, vector<16xf32>,
      %add3A_446 = arith.constant 16 : i32
      %add3A_447 = arith.addi %multiple_of3A_425, %add3A_446 : i32
      %get3A_448 = arith.constant 0 : i32
      %get3A_449 = arith.index_cast %get3A_448 : i32 to index
      %get3A_450 = arith.index_cast %add3A_419 : i32 to index
      %get3A_451 = arith.index_cast %add3A_447 : i32 to index
      %get3A_452 = tpu.vector_load %arg13[%get3A_449, %get3A_450, %get3A_451] {strides = array<i32>} : memref<2x128x128xf32, #tpu.memory_space<vmem>>, vector<16xf32>,
      %get3A_453 = arith.constant 0 : i32
      %get3A_454 = arith.index_cast %get3A_453 : i32 to index
      %get3A_455 = arith.index_cast %add3A_419 : i32 to index
      %get3A_456 = arith.index_cast %multiple_of3A_428 : i32 to index
      %get3A_457 = tpu.vector_load %arg14[%get3A_454, %get3A_455, %get3A_456] {strides = array<i32>} : memref<2x128x128xf32, #tpu.memory_space<vmem>>, vector<16xf32>,
      %add3A_458 = arith.constant 16 : i32
      %add3A_459 = arith.addi %multiple_of3A_428, %add3A_458 : i32
      %get3A_460 = arith.constant 0 : i32
      %get3A_461 = arith.index_cast %get3A_460 : i32 to index
      %get3A_462 = arith.index_cast %add3A_419 : i32 to index
      %get3A_463 = arith.index_cast %add3A_459 : i32 to index
      %get3A_464 = tpu.vector_load %arg14[%get3A_461, %get3A_462, %get3A_463] {strides = array<i32>} : memref<2x128x128xf32, #tpu.memory_space<vmem>>, vector<16xf32>,
      %sub3A_465 = arith.subf %get3A_445, %get3A_457 : vector<16xf32>
      %mul3A_466 = arith.mulf %get3A_433, %sub3A_465 : vector<16xf32>
      %sub3A_467 = arith.subf %get3A_452, %get3A_464 : vector<16xf32>
      %mul3A_468 = arith.mulf %get3A_440, %sub3A_467 : vector<16xf32>
      %add3A_469 = arith.addf %mul3A_466, %mul3A_468 : vector<16xf32>
      %add3A_470 = arith.constant 2 : i32
      %add3A_471 = arith.addi %add3A_285, %add3A_470 : i32
      %add3A_472 = vector.broadcast %add3A_471 : i32 to vector<16xi32>
      %add3A_473 = arith.addi %mul3A_12, %add3A_472 : vector<16xi32>
      tpu.vector_store_idx %arg15[%add3A_473], %add3A_469 : memref<8192xf32, #tpu.memory_space<vmem>>[vector<16xi32>], vector<16xf32>,
      %add3A_474 = arith.constant 3 : i32
      %add3A_475 = arith.addi %mul3A_283, %add3A_474 : i32
      %slice3A_476 = vector.extract_strided_slice %mul3A_291 {offsets = [3], sizes = [1], strides = [1]} : vector<16xi32> to vector<1xi32>
      %squeeze3A_477 = vector.extract %slice3A_476[0] : i32 from vector<1xi32>
      %multiple_of3A_478 = tpu.assume_multiple %squeeze3A_477, 32 : i32
      %slice3A_479 = vector.extract_strided_slice %mul3A_299 {offsets = [3], sizes = [1], strides = [1]} : vector<16xi32> to vector<1xi32>
      %squeeze3A_480 = vector.extract %slice3A_479[0] : i32 from vector<1xi32>
      %multiple_of3A_481 = tpu.assume_multiple %squeeze3A_480, 32 : i32
      %slice3A_482 = vector.extract_strided_slice %mul3A_309 {offsets = [3], sizes = [1], strides = [1]} : vector<16xi32> to vector<1xi32>
      %squeeze3A_483 = vector.extract %slice3A_482[0] : i32 from vector<1xi32>
      %multiple_of3A_484 = tpu.assume_multiple %squeeze3A_483, 32 : i32
      %get3A_485 = arith.constant 0 : i32
      %get3A_486 = arith.index_cast %get3A_485 : i32 to index
      %get3A_487 = arith.index_cast %add3A_475 : i32 to index
      %get3A_488 = arith.index_cast %multiple_of3A_478 : i32 to index
      %get3A_489 = tpu.vector_load %arg12[%get3A_486, %get3A_487, %get3A_488] {strides = array<i32>} : memref<2x128x128xf32, #tpu.memory_space<vmem>>, vector<16xf32>,
      %add3A_490 = arith.constant 16 : i32
      %add3A_491 = arith.addi %multiple_of3A_478, %add3A_490 : i32
      %get3A_492 = arith.constant 0 : i32
      %get3A_493 = arith.index_cast %get3A_492 : i32 to index
      %get3A_494 = arith.index_cast %add3A_475 : i32 to index
      %get3A_495 = arith.index_cast %add3A_491 : i32 to index
      %get3A_496 = tpu.vector_load %arg12[%get3A_493, %get3A_494, %get3A_495] {strides = array<i32>} : memref<2x128x128xf32, #tpu.memory_space<vmem>>, vector<16xf32>,
      %get3A_497 = arith.constant 0 : i32
      %get3A_498 = arith.index_cast %get3A_497 : i32 to index
      %get3A_499 = arith.index_cast %add3A_475 : i32 to index
      %get3A_500 = arith.index_cast %multiple_of3A_481 : i32 to index
      %get3A_501 = tpu.vector_load %arg13[%get3A_498, %get3A_499, %get3A_500] {strides = array<i32>} : memref<2x128x128xf32, #tpu.memory_space<vmem>>, vector<16xf32>,
      %add3A_502 = arith.constant 16 : i32
      %add3A_503 = arith.addi %multiple_of3A_481, %add3A_502 : i32
      %get3A_504 = arith.constant 0 : i32
      %get3A_505 = arith.index_cast %get3A_504 : i32 to index
      %get3A_506 = arith.index_cast %add3A_475 : i32 to index
      %get3A_507 = arith.index_cast %add3A_503 : i32 to index
      %get3A_508 = tpu.vector_load %arg13[%get3A_505, %get3A_506, %get3A_507] {strides = array<i32>} : memref<2x128x128xf32, #tpu.memory_space<vmem>>, vector<16xf32>,
      %get3A_509 = arith.constant 0 : i32
      %get3A_510 = arith.index_cast %get3A_509 : i32 to index
      %get3A_511 = arith.index_cast %add3A_475 : i32 to index
      %get3A_512 = arith.index_cast %multiple_of3A_484 : i32 to index
      %get3A_513 = tpu.vector_load %arg14[%get3A_510, %get3A_511, %get3A_512] {strides = array<i32>} : memref<2x128x128xf32, #tpu.memory_space<vmem>>, vector<16xf32>,
      %add3A_514 = arith.constant 16 : i32
      %add3A_515 = arith.addi %multiple_of3A_484, %add3A_514 : i32
      %get3A_516 = arith.constant 0 : i32
      %get3A_517 = arith.index_cast %get3A_516 : i32 to index
      %get3A_518 = arith.index_cast %add3A_475 : i32 to index
      %get3A_519 = arith.index_cast %add3A_515 : i32 to index
      %get3A_520 = tpu.vector_load %arg14[%get3A_517, %get3A_518, %get3A_519] {strides = array<i32>} : memref<2x128x128xf32, #tpu.memory_space<vmem>>, vector<16xf32>,
      %sub3A_521 = arith.subf %get3A_501, %get3A_513 : vector<16xf32>
      %mul3A_522 = arith.mulf %get3A_489, %sub3A_521 : vector<16xf32>
      %sub3A_523 = arith.subf %get3A_508, %get3A_520 : vector<16xf32>
      %mul3A_524 = arith.mulf %get3A_496, %sub3A_523 : vector<16xf32>
      %add3A_525 = arith.addf %mul3A_522, %mul3A_524 : vector<16xf32>
      %add3A_526 = arith.constant 3 : i32
      %add3A_527 = arith.addi %add3A_285, %add3A_526 : i32
      %add3A_528 = vector.broadcast %add3A_527 : i32 to vector<16xi32>
      %add3A_529 = arith.addi %mul3A_12, %add3A_528 : vector<16xi32>
      tpu.vector_store_idx %arg15[%add3A_529], %add3A_525 : memref<8192xf32, #tpu.memory_space<vmem>>[vector<16xi32>], vector<16xf32>,
      %add3A_530 = arith.constant 4 : i32
      %add3A_531 = arith.addi %mul3A_283, %add3A_530 : i32
      %slice3A_532 = vector.extract_strided_slice %mul3A_291 {offsets = [4], sizes = [1], strides = [1]} : vector<16xi32> to vector<1xi32>
      %squeeze3A_533 = vector.extract %slice3A_532[0] : i32 from vector<1xi32>
      %multiple_of3A_534 = tpu.assume_multiple %squeeze3A_533, 32 : i32
      %slice3A_535 = vector.extract_strided_slice %mul3A_299 {offsets = [4], sizes = [1], strides = [1]} : vector<16xi32> to vector<1xi32>
      %squeeze3A_536 = vector.extract %slice3A_535[0] : i32 from vector<1xi32>
      %multiple_of3A_537 = tpu.assume_multiple %squeeze3A_536, 32 : i32
      %slice3A_538 = vector.extract_strided_slice %mul3A_309 {offsets = [4], sizes = [1], strides = [1]} : vector<16xi32> to vector<1xi32>
      %squeeze3A_539 = vector.extract %slice3A_538[0] : i32 from vector<1xi32>
      %multiple_of3A_540 = tpu.assume_multiple %squeeze3A_539, 32 : i32
      %get3A_541 = arith.constant 0 : i32
      %get3A_542 = arith.index_cast %get3A_541 : i32 to index
      %get3A_543 = arith.index_cast %add3A_531 : i32 to index
      %get3A_544 = arith.index_cast %multiple_of3A_534 : i32 to index
      %get3A_545 = tpu.vector_load %arg12[%get3A_542, %get3A_543, %get3A_544] {strides = array<i32>} : memref<2x128x128xf32, #tpu.memory_space<vmem>>, vector<16xf32>,
      %add3A_546 = arith.constant 16 : i32
      %add3A_547 = arith.addi %multiple_of3A_534, %add3A_546 : i32
      %get3A_548 = arith.constant 0 : i32
      %get3A_549 = arith.index_cast %get3A_548 : i32 to index
      %get3A_550 = arith.index_cast %add3A_531 : i32 to index
      %get3A_551 = arith.index_cast %add3A_547 : i32 to index
      %get3A_552 = tpu.vector_load %arg12[%get3A_549, %get3A_550, %get3A_551] {strides = array<i32>} : memref<2x128x128xf32, #tpu.memory_space<vmem>>, vector<16xf32>,
      %get3A_553 = arith.constant 0 : i32
      %get3A_554 = arith.index_cast %get3A_553 : i32 to index
      %get3A_555 = arith.index_cast %add3A_531 : i32 to index
      %get3A_556 = arith.index_cast %multiple_of3A_537 : i32 to index
      %get3A_557 = tpu.vector_load %arg13[%get3A_554, %get3A_555, %get3A_556] {strides = array<i32>} : memref<2x128x128xf32, #tpu.memory_space<vmem>>, vector<16xf32>,
      %add3A_558 = arith.constant 16 : i32
      %add3A_559 = arith.addi %multiple_of3A_537, %add3A_558 : i32
      %get3A_560 = arith.constant 0 : i32
      %get3A_561 = arith.index_cast %get3A_560 : i32 to index
      %get3A_562 = arith.index_cast %add3A_531 : i32 to index
      %get3A_563 = arith.index_cast %add3A_559 : i32 to index
      %get3A_564 = tpu.vector_load %arg13[%get3A_561, %get3A_562, %get3A_563] {strides = array<i32>} : memref<2x128x128xf32, #tpu.memory_space<vmem>>, vector<16xf32>,
      %get3A_565 = arith.constant 0 : i32
      %get3A_566 = arith.index_cast %get3A_565 : i32 to index
      %get3A_567 = arith.index_cast %add3A_531 : i32 to index
      %get3A_568 = arith.index_cast %multiple_of3A_540 : i32 to index
      %get3A_569 = tpu.vector_load %arg14[%get3A_566, %get3A_567, %get3A_568] {strides = array<i32>} : memref<2x128x128xf32, #tpu.memory_space<vmem>>, vector<16xf32>,
      %add3A_570 = arith.constant 16 : i32
      %add3A_571 = arith.addi %multiple_of3A_540, %add3A_570 : i32
      %get3A_572 = arith.constant 0 : i32
      %get3A_573 = arith.index_cast %get3A_572 : i32 to index
      %get3A_574 = arith.index_cast %add3A_531 : i32 to index
      %get3A_575 = arith.index_cast %add3A_571 : i32 to index
      %get3A_576 = tpu.vector_load %arg14[%get3A_573, %get3A_574, %get3A_575] {strides = array<i32>} : memref<2x128x128xf32, #tpu.memory_space<vmem>>, vector<16xf32>,
      %sub3A_577 = arith.subf %get3A_557, %get3A_569 : vector<16xf32>
      %mul3A_578 = arith.mulf %get3A_545, %sub3A_577 : vector<16xf32>
      %sub3A_579 = arith.subf %get3A_564, %get3A_576 : vector<16xf32>
      %mul3A_580 = arith.mulf %get3A_552, %sub3A_579 : vector<16xf32>
      %add3A_581 = arith.addf %mul3A_578, %mul3A_580 : vector<16xf32>
      %add3A_582 = arith.constant 4 : i32
      %add3A_583 = arith.addi %add3A_285, %add3A_582 : i32
      %add3A_584 = vector.broadcast %add3A_583 : i32 to vector<16xi32>
      %add3A_585 = arith.addi %mul3A_12, %add3A_584 : vector<16xi32>
      tpu.vector_store_idx %arg15[%add3A_585], %add3A_581 : memref<8192xf32, #tpu.memory_space<vmem>>[vector<16xi32>], vector<16xf32>,
      %add3A_586 = arith.constant 5 : i32
      %add3A_587 = arith.addi %mul3A_283, %add3A_586 : i32
      %slice3A_588 = vector.extract_strided_slice %mul3A_291 {offsets = [5], sizes = [1], strides = [1]} : vector<16xi32> to vector<1xi32>
      %squeeze3A_589 = vector.extract %slice3A_588[0] : i32 from vector<1xi32>
      %multiple_of3A_590 = tpu.assume_multiple %squeeze3A_589, 32 : i32
      %slice3A_591 = vector.extract_strided_slice %mul3A_299 {offsets = [5], sizes = [1], strides = [1]} : vector<16xi32> to vector<1xi32>
      %squeeze3A_592 = vector.extract %slice3A_591[0] : i32 from vector<1xi32>
      %multiple_of3A_593 = tpu.assume_multiple %squeeze3A_592, 32 : i32
      %slice3A_594 = vector.extract_strided_slice %mul3A_309 {offsets = [5], sizes = [1], strides = [1]} : vector<16xi32> to vector<1xi32>
      %squeeze3A_595 = vector.extract %slice3A_594[0] : i32 from vector<1xi32>
      %multiple_of3A_596 = tpu.assume_multiple %squeeze3A_595, 32 : i32
      %get3A_597 = arith.constant 0 : i32
      %get3A_598 = arith.index_cast %get3A_597 : i32 to index
      %get3A_599 = arith.index_cast %add3A_587 : i32 to index
      %get3A_600 = arith.index_cast %multiple_of3A_590 : i32 to index
      %get3A_601 = tpu.vector_load %arg12[%get3A_598, %get3A_599, %get3A_600] {strides = array<i32>} : memref<2x128x128xf32, #tpu.memory_space<vmem>>, vector<16xf32>,
      %add3A_602 = arith.constant 16 : i32
      %add3A_603 = arith.addi %multiple_of3A_590, %add3A_602 : i32
      %get3A_604 = arith.constant 0 : i32
      %get3A_605 = arith.index_cast %get3A_604 : i32 to index
      %get3A_606 = arith.index_cast %add3A_587 : i32 to index
      %get3A_607 = arith.index_cast %add3A_603 : i32 to index
      %get3A_608 = tpu.vector_load %arg12[%get3A_605, %get3A_606, %get3A_607] {strides = array<i32>} : memref<2x128x128xf32, #tpu.memory_space<vmem>>, vector<16xf32>,
      %get3A_609 = arith.constant 0 : i32
      %get3A_610 = arith.index_cast %get3A_609 : i32 to index
      %get3A_611 = arith.index_cast %add3A_587 : i32 to index
      %get3A_612 = arith.index_cast %multiple_of3A_593 : i32 to index
      %get3A_613 = tpu.vector_load %arg13[%get3A_610, %get3A_611, %get3A_612] {strides = array<i32>} : memref<2x128x128xf32, #tpu.memory_space<vmem>>, vector<16xf32>,
      %add3A_614 = arith.constant 16 : i32
      %add3A_615 = arith.addi %multiple_of3A_593, %add3A_614 : i32
      %get3A_616 = arith.constant 0 : i32
      %get3A_617 = arith.index_cast %get3A_616 : i32 to index
      %get3A_618 = arith.index_cast %add3A_587 : i32 to index
      %get3A_619 = arith.index_cast %add3A_615 : i32 to index
      %get3A_620 = tpu.vector_load %arg13[%get3A_617, %get3A_618, %get3A_619] {strides = array<i32>} : memref<2x128x128xf32, #tpu.memory_space<vmem>>, vector<16xf32>,
      %get3A_621 = arith.constant 0 : i32
      %get3A_622 = arith.index_cast %get3A_621 : i32 to index
      %get3A_623 = arith.index_cast %add3A_587 : i32 to index
      %get3A_624 = arith.index_cast %multiple_of3A_596 : i32 to index
      %get3A_625 = tpu.vector_load %arg14[%get3A_622, %get3A_623, %get3A_624] {strides = array<i32>} : memref<2x128x128xf32, #tpu.memory_space<vmem>>, vector<16xf32>,
      %add3A_626 = arith.constant 16 : i32
      %add3A_627 = arith.addi %multiple_of3A_596, %add3A_626 : i32
      %get3A_628 = arith.constant 0 : i32
      %get3A_629 = arith.index_cast %get3A_628 : i32 to index
      %get3A_630 = arith.index_cast %add3A_587 : i32 to index
      %get3A_631 = arith.index_cast %add3A_627 : i32 to index
      %get3A_632 = tpu.vector_load %arg14[%get3A_629, %get3A_630, %get3A_631] {strides = array<i32>} : memref<2x128x128xf32, #tpu.memory_space<vmem>>, vector<16xf32>,
      %sub3A_633 = arith.subf %get3A_613, %get3A_625 : vector<16xf32>
      %mul3A_634 = arith.mulf %get3A_601, %sub3A_633 : vector<16xf32>
      %sub3A_635 = arith.subf %get3A_620, %get3A_632 : vector<16xf32>
      %mul3A_636 = arith.mulf %get3A_608, %sub3A_635 : vector<16xf32>
      %add3A_637 = arith.addf %mul3A_634, %mul3A_636 : vector<16xf32>
      %add3A_638 = arith.constant 5 : i32
      %add3A_639 = arith.addi %add3A_285, %add3A_638 : i32
      %add3A_640 = vector.broadcast %add3A_639 : i32 to vector<16xi32>
      %add3A_641 = arith.addi %mul3A_12, %add3A_640 : vector<16xi32>
      tpu.vector_store_idx %arg15[%add3A_641], %add3A_637 : memref<8192xf32, #tpu.memory_space<vmem>>[vector<16xi32>], vector<16xf32>,
      %add3A_642 = arith.constant 6 : i32
      %add3A_643 = arith.addi %mul3A_283, %add3A_642 : i32
      %slice3A_644 = vector.extract_strided_slice %mul3A_291 {offsets = [6], sizes = [1], strides = [1]} : vector<16xi32> to vector<1xi32>
      %squeeze3A_645 = vector.extract %slice3A_644[0] : i32 from vector<1xi32>
      %multiple_of3A_646 = tpu.assume_multiple %squeeze3A_645, 32 : i32
      %slice3A_647 = vector.extract_strided_slice %mul3A_299 {offsets = [6], sizes = [1], strides = [1]} : vector<16xi32> to vector<1xi32>
      %squeeze3A_648 = vector.extract %slice3A_647[0] : i32 from vector<1xi32>
      %multiple_of3A_649 = tpu.assume_multiple %squeeze3A_648, 32 : i32
      %slice3A_650 = vector.extract_strided_slice %mul3A_309 {offsets = [6], sizes = [1], strides = [1]} : vector<16xi32> to vector<1xi32>
      %squeeze3A_651 = vector.extract %slice3A_650[0] : i32 from vector<1xi32>
      %multiple_of3A_652 = tpu.assume_multiple %squeeze3A_651, 32 : i32
      %get3A_653 = arith.constant 0 : i32
      %get3A_654 = arith.index_cast %get3A_653 : i32 to index
      %get3A_655 = arith.index_cast %add3A_643 : i32 to index
      %get3A_656 = arith.index_cast %multiple_of3A_646 : i32 to index
      %get3A_657 = tpu.vector_load %arg12[%get3A_654, %get3A_655, %get3A_656] {strides = array<i32>} : memref<2x128x128xf32, #tpu.memory_space<vmem>>, vector<16xf32>,
      %add3A_658 = arith.constant 16 : i32
      %add3A_659 = arith.addi %multiple_of3A_646, %add3A_658 : i32
      %get3A_660 = arith.constant 0 : i32
      %get3A_661 = arith.index_cast %get3A_660 : i32 to index
      %get3A_662 = arith.index_cast %add3A_643 : i32 to index
      %get3A_663 = arith.index_cast %add3A_659 : i32 to index
      %get3A_664 = tpu.vector_load %arg12[%get3A_661, %get3A_662, %get3A_663] {strides = array<i32>} : memref<2x128x128xf32, #tpu.memory_space<vmem>>, vector<16xf32>,
      %get3A_665 = arith.constant 0 : i32
      %get3A_666 = arith.index_cast %get3A_665 : i32 to index
      %get3A_667 = arith.index_cast %add3A_643 : i32 to index
      %get3A_668 = arith.index_cast %multiple_of3A_649 : i32 to index
      %get3A_669 = tpu.vector_load %arg13[%get3A_666, %get3A_667, %get3A_668] {strides = array<i32>} : memref<2x128x128xf32, #tpu.memory_space<vmem>>, vector<16xf32>,
      %add3A_670 = arith.constant 16 : i32
      %add3A_671 = arith.addi %multiple_of3A_649, %add3A_670 : i32
      %get3A_672 = arith.constant 0 : i32
      %get3A_673 = arith.index_cast %get3A_672 : i32 to index
      %get3A_674 = arith.index_cast %add3A_643 : i32 to index
      %get3A_675 = arith.index_cast %add3A_671 : i32 to index
      %get3A_676 = tpu.vector_load %arg13[%get3A_673, %get3A_674, %get3A_675] {strides = array<i32>} : memref<2x128x128xf32, #tpu.memory_space<vmem>>, vector<16xf32>,
      %get3A_677 = arith.constant 0 : i32
      %get3A_678 = arith.index_cast %get3A_677 : i32 to index
      %get3A_679 = arith.index_cast %add3A_643 : i32 to index
      %get3A_680 = arith.index_cast %multiple_of3A_652 : i32 to index
      %get3A_681 = tpu.vector_load %arg14[%get3A_678, %get3A_679, %get3A_680] {strides = array<i32>} : memref<2x128x128xf32, #tpu.memory_space<vmem>>, vector<16xf32>,
      %add3A_682 = arith.constant 16 : i32
      %add3A_683 = arith.addi %multiple_of3A_652, %add3A_682 : i32
      %get3A_684 = arith.constant 0 : i32
      %get3A_685 = arith.index_cast %get3A_684 : i32 to index
      %get3A_686 = arith.index_cast %add3A_643 : i32 to index
      %get3A_687 = arith.index_cast %add3A_683 : i32 to index
      %get3A_688 = tpu.vector_load %arg14[%get3A_685, %get3A_686, %get3A_687] {strides = array<i32>} : memref<2x128x128xf32, #tpu.memory_space<vmem>>, vector<16xf32>,
      %sub3A_689 = arith.subf %get3A_669, %get3A_681 : vector<16xf32>
      %mul3A_690 = arith.mulf %get3A_657, %sub3A_689 : vector<16xf32>
      %sub3A_691 = arith.subf %get3A_676, %get3A_688 : vector<16xf32>
      %mul3A_692 = arith.mulf %get3A_664, %sub3A_691 : vector<16xf32>
      %add3A_693 = arith.addf %mul3A_690, %mul3A_692 : vector<16xf32>
      %add3A_694 = arith.constant 6 : i32
      %add3A_695 = arith.addi %add3A_285, %add3A_694 : i32
      %add3A_696 = vector.broadcast %add3A_695 : i32 to vector<16xi32>
      %add3A_697 = arith.addi %mul3A_12, %add3A_696 : vector<16xi32>
      tpu.vector_store_idx %arg15[%add3A_697], %add3A_693 : memref<8192xf32, #tpu.memory_space<vmem>>[vector<16xi32>], vector<16xf32>,
      %add3A_698 = arith.constant 7 : i32
      %add3A_699 = arith.addi %mul3A_283, %add3A_698 : i32
      %slice3A_700 = vector.extract_strided_slice %mul3A_291 {offsets = [7], sizes = [1], strides = [1]} : vector<16xi32> to vector<1xi32>
      %squeeze3A_701 = vector.extract %slice3A_700[0] : i32 from vector<1xi32>
      %multiple_of3A_702 = tpu.assume_multiple %squeeze3A_701, 32 : i32
      %slice3A_703 = vector.extract_strided_slice %mul3A_299 {offsets = [7], sizes = [1], strides = [1]} : vector<16xi32> to vector<1xi32>
      %squeeze3A_704 = vector.extract %slice3A_703[0] : i32 from vector<1xi32>
      %multiple_of3A_705 = tpu.assume_multiple %squeeze3A_704, 32 : i32
      %slice3A_706 = vector.extract_strided_slice %mul3A_309 {offsets = [7], sizes = [1], strides = [1]} : vector<16xi32> to vector<1xi32>
      %squeeze3A_707 = vector.extract %slice3A_706[0] : i32 from vector<1xi32>
      %multiple_of3A_708 = tpu.assume_multiple %squeeze3A_707, 32 : i32
      %get3A_709 = arith.constant 0 : i32
      %get3A_710 = arith.index_cast %get3A_709 : i32 to index
      %get3A_711 = arith.index_cast %add3A_699 : i32 to index
      %get3A_712 = arith.index_cast %multiple_of3A_702 : i32 to index
      %get3A_713 = tpu.vector_load %arg12[%get3A_710, %get3A_711, %get3A_712] {strides = array<i32>} : memref<2x128x128xf32, #tpu.memory_space<vmem>>, vector<16xf32>,
      %add3A_714 = arith.constant 16 : i32
      %add3A_715 = arith.addi %multiple_of3A_702, %add3A_714 : i32
      %get3A_716 = arith.constant 0 : i32
      %get3A_717 = arith.index_cast %get3A_716 : i32 to index
      %get3A_718 = arith.index_cast %add3A_699 : i32 to index
      %get3A_719 = arith.index_cast %add3A_715 : i32 to index
      %get3A_720 = tpu.vector_load %arg12[%get3A_717, %get3A_718, %get3A_719] {strides = array<i32>} : memref<2x128x128xf32, #tpu.memory_space<vmem>>, vector<16xf32>,
      %get3A_721 = arith.constant 0 : i32
      %get3A_722 = arith.index_cast %get3A_721 : i32 to index
      %get3A_723 = arith.index_cast %add3A_699 : i32 to index
      %get3A_724 = arith.index_cast %multiple_of3A_705 : i32 to index
      %get3A_725 = tpu.vector_load %arg13[%get3A_722, %get3A_723, %get3A_724] {strides = array<i32>} : memref<2x128x128xf32, #tpu.memory_space<vmem>>, vector<16xf32>,
      %add3A_726 = arith.constant 16 : i32
      %add3A_727 = arith.addi %multiple_of3A_705, %add3A_726 : i32
      %get3A_728 = arith.constant 0 : i32
      %get3A_729 = arith.index_cast %get3A_728 : i32 to index
      %get3A_730 = arith.index_cast %add3A_699 : i32 to index
      %get3A_731 = arith.index_cast %add3A_727 : i32 to index
      %get3A_732 = tpu.vector_load %arg13[%get3A_729, %get3A_730, %get3A_731] {strides = array<i32>} : memref<2x128x128xf32, #tpu.memory_space<vmem>>, vector<16xf32>,
      %get3A_733 = arith.constant 0 : i32
      %get3A_734 = arith.index_cast %get3A_733 : i32 to index
      %get3A_735 = arith.index_cast %add3A_699 : i32 to index
      %get3A_736 = arith.index_cast %multiple_of3A_708 : i32 to index
      %get3A_737 = tpu.vector_load %arg14[%get3A_734, %get3A_735, %get3A_736] {strides = array<i32>} : memref<2x128x128xf32, #tpu.memory_space<vmem>>, vector<16xf32>,
      %add3A_738 = arith.constant 16 : i32
      %add3A_739 = arith.addi %multiple_of3A_708, %add3A_738 : i32
      %get3A_740 = arith.constant 0 : i32
      %get3A_741 = arith.index_cast %get3A_740 : i32 to index
      %get3A_742 = arith.index_cast %add3A_699 : i32 to index
      %get3A_743 = arith.index_cast %add3A_739 : i32 to index
      %get3A_744 = tpu.vector_load %arg14[%get3A_741, %get3A_742, %get3A_743] {strides = array<i32>} : memref<2x128x128xf32, #tpu.memory_space<vmem>>, vector<16xf32>,
      %sub3A_745 = arith.subf %get3A_725, %get3A_737 : vector<16xf32>
      %mul3A_746 = arith.mulf %get3A_713, %sub3A_745 : vector<16xf32>
      %sub3A_747 = arith.subf %get3A_732, %get3A_744 : vector<16xf32>
      %mul3A_748 = arith.mulf %get3A_720, %sub3A_747 : vector<16xf32>
      %add3A_749 = arith.addf %mul3A_746, %mul3A_748 : vector<16xf32>
      %add3A_750 = arith.constant 7 : i32
      %add3A_751 = arith.addi %add3A_285, %add3A_750 : i32
      %add3A_752 = vector.broadcast %add3A_751 : i32 to vector<16xi32>
      %add3A_753 = arith.addi %mul3A_12, %add3A_752 : vector<16xi32>
      tpu.vector_store_idx %arg15[%add3A_753], %add3A_749 : memref<8192xf32, #tpu.memory_space<vmem>>[vector<16xi32>], vector<16xf32>,
      %add3A_754 = arith.constant 8 : i32
      %add3A_755 = arith.addi %mul3A_283, %add3A_754 : i32
      %slice3A_756 = vector.extract_strided_slice %mul3A_291 {offsets = [8], sizes = [1], strides = [1]} : vector<16xi32> to vector<1xi32>
      %squeeze3A_757 = vector.extract %slice3A_756[0] : i32 from vector<1xi32>
      %multiple_of3A_758 = tpu.assume_multiple %squeeze3A_757, 32 : i32
      %slice3A_759 = vector.extract_strided_slice %mul3A_299 {offsets = [8], sizes = [1], strides = [1]} : vector<16xi32> to vector<1xi32>
      %squeeze3A_760 = vector.extract %slice3A_759[0] : i32 from vector<1xi32>
      %multiple_of3A_761 = tpu.assume_multiple %squeeze3A_760, 32 : i32
      %slice3A_762 = vector.extract_strided_slice %mul3A_309 {offsets = [8], sizes = [1], strides = [1]} : vector<16xi32> to vector<1xi32>
      %squeeze3A_763 = vector.extract %slice3A_762[0] : i32 from vector<1xi32>
      %multiple_of3A_764 = tpu.assume_multiple %squeeze3A_763, 32 : i32
      %get3A_765 = arith.constant 0 : i32
      %get3A_766 = arith.index_cast %get3A_765 : i32 to index
      %get3A_767 = arith.index_cast %add3A_755 : i32 to index
      %get3A_768 = arith.index_cast %multiple_of3A_758 : i32 to index
      %get3A_769 = tpu.vector_load %arg12[%get3A_766, %get3A_767, %get3A_768] {strides = array<i32>} : memref<2x128x128xf32, #tpu.memory_space<vmem>>, vector<16xf32>,
      %add3A_770 = arith.constant 16 : i32
      %add3A_771 = arith.addi %multiple_of3A_758, %add3A_770 : i32
      %get3A_772 = arith.constant 0 : i32
      %get3A_773 = arith.index_cast %get3A_772 : i32 to index
      %get3A_774 = arith.index_cast %add3A_755 : i32 to index
      %get3A_775 = arith.index_cast %add3A_771 : i32 to index
      %get3A_776 = tpu.vector_load %arg12[%get3A_773, %get3A_774, %get3A_775] {strides = array<i32>} : memref<2x128x128xf32, #tpu.memory_space<vmem>>, vector<16xf32>,
      %get3A_777 = arith.constant 0 : i32
      %get3A_778 = arith.index_cast %get3A_777 : i32 to index
      %get3A_779 = arith.index_cast %add3A_755 : i32 to index
      %get3A_780 = arith.index_cast %multiple_of3A_761 : i32 to index
      %get3A_781 = tpu.vector_load %arg13[%get3A_778, %get3A_779, %get3A_780] {strides = array<i32>} : memref<2x128x128xf32, #tpu.memory_space<vmem>>, vector<16xf32>,
      %add3A_782 = arith.constant 16 : i32
      %add3A_783 = arith.addi %multiple_of3A_761, %add3A_782 : i32
      %get3A_784 = arith.constant 0 : i32
      %get3A_785 = arith.index_cast %get3A_784 : i32 to index
      %get3A_786 = arith.index_cast %add3A_755 : i32 to index
      %get3A_787 = arith.index_cast %add3A_783 : i32 to index
      %get3A_788 = tpu.vector_load %arg13[%get3A_785, %get3A_786, %get3A_787] {strides = array<i32>} : memref<2x128x128xf32, #tpu.memory_space<vmem>>, vector<16xf32>,
      %get3A_789 = arith.constant 0 : i32
      %get3A_790 = arith.index_cast %get3A_789 : i32 to index
      %get3A_791 = arith.index_cast %add3A_755 : i32 to index
      %get3A_792 = arith.index_cast %multiple_of3A_764 : i32 to index
      %get3A_793 = tpu.vector_load %arg14[%get3A_790, %get3A_791, %get3A_792] {strides = array<i32>} : memref<2x128x128xf32, #tpu.memory_space<vmem>>, vector<16xf32>,
      %add3A_794 = arith.constant 16 : i32
      %add3A_795 = arith.addi %multiple_of3A_764, %add3A_794 : i32
      %get3A_796 = arith.constant 0 : i32
      %get3A_797 = arith.index_cast %get3A_796 : i32 to index
      %get3A_798 = arith.index_cast %add3A_755 : i32 to index
      %get3A_799 = arith.index_cast %add3A_795 : i32 to index
      %get3A_800 = tpu.vector_load %arg14[%get3A_797, %get3A_798, %get3A_799] {strides = array<i32>} : memref<2x128x128xf32, #tpu.memory_space<vmem>>, vector<16xf32>,
      %sub3A_801 = arith.subf %get3A_781, %get3A_793 : vector<16xf32>
      %mul3A_802 = arith.mulf %get3A_769, %sub3A_801 : vector<16xf32>
      %sub3A_803 = arith.subf %get3A_788, %get3A_800 : vector<16xf32>
      %mul3A_804 = arith.mulf %get3A_776, %sub3A_803 : vector<16xf32>
      %add3A_805 = arith.addf %mul3A_802, %mul3A_804 : vector<16xf32>
      %add3A_806 = arith.constant 8 : i32
      %add3A_807 = arith.addi %add3A_285, %add3A_806 : i32
      %add3A_808 = vector.broadcast %add3A_807 : i32 to vector<16xi32>
      %add3A_809 = arith.addi %mul3A_12, %add3A_808 : vector<16xi32>
      tpu.vector_store_idx %arg15[%add3A_809], %add3A_805 : memref<8192xf32, #tpu.memory_space<vmem>>[vector<16xi32>], vector<16xf32>,
      %add3A_810 = arith.constant 9 : i32
      %add3A_811 = arith.addi %mul3A_283, %add3A_810 : i32
      %slice3A_812 = vector.extract_strided_slice %mul3A_291 {offsets = [9], sizes = [1], strides = [1]} : vector<16xi32> to vector<1xi32>
      %squeeze3A_813 = vector.extract %slice3A_812[0] : i32 from vector<1xi32>
      %multiple_of3A_814 = tpu.assume_multiple %squeeze3A_813, 32 : i32
      %slice3A_815 = vector.extract_strided_slice %mul3A_299 {offsets = [9], sizes = [1], strides = [1]} : vector<16xi32> to vector<1xi32>
      %squeeze3A_816 = vector.extract %slice3A_815[0] : i32 from vector<1xi32>
      %multiple_of3A_817 = tpu.assume_multiple %squeeze3A_816, 32 : i32
      %slice3A_818 = vector.extract_strided_slice %mul3A_309 {offsets = [9], sizes = [1], strides = [1]} : vector<16xi32> to vector<1xi32>
      %squeeze3A_819 = vector.extract %slice3A_818[0] : i32 from vector<1xi32>
      %multiple_of3A_820 = tpu.assume_multiple %squeeze3A_819, 32 : i32
      %get3A_821 = arith.constant 0 : i32
      %get3A_822 = arith.index_cast %get3A_821 : i32 to index
      %get3A_823 = arith.index_cast %add3A_811 : i32 to index
      %get3A_824 = arith.index_cast %multiple_of3A_814 : i32 to index
      %get3A_825 = tpu.vector_load %arg12[%get3A_822, %get3A_823, %get3A_824] {strides = array<i32>} : memref<2x128x128xf32, #tpu.memory_space<vmem>>, vector<16xf32>,
      %add3A_826 = arith.constant 16 : i32
      %add3A_827 = arith.addi %multiple_of3A_814, %add3A_826 : i32
      %get3A_828 = arith.constant 0 : i32
      %get3A_829 = arith.index_cast %get3A_828 : i32 to index
      %get3A_830 = arith.index_cast %add3A_811 : i32 to index
      %get3A_831 = arith.index_cast %add3A_827 : i32 to index
      %get3A_832 = tpu.vector_load %arg12[%get3A_829, %get3A_830, %get3A_831] {strides = array<i32>} : memref<2x128x128xf32, #tpu.memory_space<vmem>>, vector<16xf32>,
      %get3A_833 = arith.constant 0 : i32
      %get3A_834 = arith.index_cast %get3A_833 : i32 to index
      %get3A_835 = arith.index_cast %add3A_811 : i32 to index
      %get3A_836 = arith.index_cast %multiple_of3A_817 : i32 to index
      %get3A_837 = tpu.vector_load %arg13[%get3A_834, %get3A_835, %get3A_836] {strides = array<i32>} : memref<2x128x128xf32, #tpu.memory_space<vmem>>, vector<16xf32>,
      %add3A_838 = arith.constant 16 : i32
      %add3A_839 = arith.addi %multiple_of3A_817, %add3A_838 : i32
      %get3A_840 = arith.constant 0 : i32
      %get3A_841 = arith.index_cast %get3A_840 : i32 to index
      %get3A_842 = arith.index_cast %add3A_811 : i32 to index
      %get3A_843 = arith.index_cast %add3A_839 : i32 to index
      %get3A_844 = tpu.vector_load %arg13[%get3A_841, %get3A_842, %get3A_843] {strides = array<i32>} : memref<2x128x128xf32, #tpu.memory_space<vmem>>, vector<16xf32>,
      %get3A_845 = arith.constant 0 : i32
      %get3A_846 = arith.index_cast %get3A_845 : i32 to index
      %get3A_847 = arith.index_cast %add3A_811 : i32 to index
      %get3A_848 = arith.index_cast %multiple_of3A_820 : i32 to index
      %get3A_849 = tpu.vector_load %arg14[%get3A_846, %get3A_847, %get3A_848] {strides = array<i32>} : memref<2x128x128xf32, #tpu.memory_space<vmem>>, vector<16xf32>,
      %add3A_850 = arith.constant 16 : i32
      %add3A_851 = arith.addi %multiple_of3A_820, %add3A_850 : i32
      %get3A_852 = arith.constant 0 : i32
      %get3A_853 = arith.index_cast %get3A_852 : i32 to index
      %get3A_854 = arith.index_cast %add3A_811 : i32 to index
      %get3A_855 = arith.index_cast %add3A_851 : i32 to index
      %get3A_856 = tpu.vector_load %arg14[%get3A_853, %get3A_854, %get3A_855] {strides = array<i32>} : memref<2x128x128xf32, #tpu.memory_space<vmem>>, vector<16xf32>,
      %sub3A_857 = arith.subf %get3A_837, %get3A_849 : vector<16xf32>
      %mul3A_858 = arith.mulf %get3A_825, %sub3A_857 : vector<16xf32>
      %sub3A_859 = arith.subf %get3A_844, %get3A_856 : vector<16xf32>
      %mul3A_860 = arith.mulf %get3A_832, %sub3A_859 : vector<16xf32>
      %add3A_861 = arith.addf %mul3A_858, %mul3A_860 : vector<16xf32>
      %add3A_862 = arith.constant 9 : i32
      %add3A_863 = arith.addi %add3A_285, %add3A_862 : i32
      %add3A_864 = vector.broadcast %add3A_863 : i32 to vector<16xi32>
      %add3A_865 = arith.addi %mul3A_12, %add3A_864 : vector<16xi32>
      tpu.vector_store_idx %arg15[%add3A_865], %add3A_861 : memref<8192xf32, #tpu.memory_space<vmem>>[vector<16xi32>], vector<16xf32>,
      %add3A_866 = arith.constant 10 : i32
      %add3A_867 = arith.addi %mul3A_283, %add3A_866 : i32
      %slice3A_868 = vector.extract_strided_slice %mul3A_291 {offsets = [10], sizes = [1], strides = [1]} : vector<16xi32> to vector<1xi32>
      %squeeze3A_869 = vector.extract %slice3A_868[0] : i32 from vector<1xi32>
      %multiple_of3A_870 = tpu.assume_multiple %squeeze3A_869, 32 : i32
      %slice3A_871 = vector.extract_strided_slice %mul3A_299 {offsets = [10], sizes = [1], strides = [1]} : vector<16xi32> to vector<1xi32>
      %squeeze3A_872 = vector.extract %slice3A_871[0] : i32 from vector<1xi32>
      %multiple_of3A_873 = tpu.assume_multiple %squeeze3A_872, 32 : i32
      %slice3A_874 = vector.extract_strided_slice %mul3A_309 {offsets = [10], sizes = [1], strides = [1]} : vector<16xi32> to vector<1xi32>
      %squeeze3A_875 = vector.extract %slice3A_874[0] : i32 from vector<1xi32>
      %multiple_of3A_876 = tpu.assume_multiple %squeeze3A_875, 32 : i32
      %get3A_877 = arith.constant 0 : i32
      %get3A_878 = arith.index_cast %get3A_877 : i32 to index
      %get3A_879 = arith.index_cast %add3A_867 : i32 to index
      %get3A_880 = arith.index_cast %multiple_of3A_870 : i32 to index
      %get3A_881 = tpu.vector_load %arg12[%get3A_878, %get3A_879, %get3A_880] {strides = array<i32>} : memref<2x128x128xf32, #tpu.memory_space<vmem>>, vector<16xf32>,
      %add3A_882 = arith.constant 16 : i32
      %add3A_883 = arith.addi %multiple_of3A_870, %add3A_882 : i32
      %get3A_884 = arith.constant 0 : i32
      %get3A_885 = arith.index_cast %get3A_884 : i32 to index
      %get3A_886 = arith.index_cast %add3A_867 : i32 to index
      %get3A_887 = arith.index_cast %add3A_883 : i32 to index
      %get3A_888 = tpu.vector_load %arg12[%get3A_885, %get3A_886, %get3A_887] {strides = array<i32>} : memref<2x128x128xf32, #tpu.memory_space<vmem>>, vector<16xf32>,
      %get3A_889 = arith.constant 0 : i32
      %get3A_890 = arith.index_cast %get3A_889 : i32 to index
      %get3A_891 = arith.index_cast %add3A_867 : i32 to index
      %get3A_892 = arith.index_cast %multiple_of3A_873 : i32 to index
      %get3A_893 = tpu.vector_load %arg13[%get3A_890, %get3A_891, %get3A_892] {strides = array<i32>} : memref<2x128x128xf32, #tpu.memory_space<vmem>>, vector<16xf32>,
      %add3A_894 = arith.constant 16 : i32
      %add3A_895 = arith.addi %multiple_of3A_873, %add3A_894 : i32
      %get3A_896 = arith.constant 0 : i32
      %get3A_897 = arith.index_cast %get3A_896 : i32 to index
      %get3A_898 = arith.index_cast %add3A_867 : i32 to index
      %get3A_899 = arith.index_cast %add3A_895 : i32 to index
      %get3A_900 = tpu.vector_load %arg13[%get3A_897, %get3A_898, %get3A_899] {strides = array<i32>} : memref<2x128x128xf32, #tpu.memory_space<vmem>>, vector<16xf32>,
      %get3A_901 = arith.constant 0 : i32
      %get3A_902 = arith.index_cast %get3A_901 : i32 to index
      %get3A_903 = arith.index_cast %add3A_867 : i32 to index
      %get3A_904 = arith.index_cast %multiple_of3A_876 : i32 to index
      %get3A_905 = tpu.vector_load %arg14[%get3A_902, %get3A_903, %get3A_904] {strides = array<i32>} : memref<2x128x128xf32, #tpu.memory_space<vmem>>, vector<16xf32>,
      %add3A_906 = arith.constant 16 : i32
      %add3A_907 = arith.addi %multiple_of3A_876, %add3A_906 : i32
      %get3A_908 = arith.constant 0 : i32
      %get3A_909 = arith.index_cast %get3A_908 : i32 to index
      %get3A_910 = arith.index_cast %add3A_867 : i32 to index
      %get3A_911 = arith.index_cast %add3A_907 : i32 to index
      %get3A_912 = tpu.vector_load %arg14[%get3A_909, %get3A_910, %get3A_911] {strides = array<i32>} : memref<2x128x128xf32, #tpu.memory_space<vmem>>, vector<16xf32>,
      %sub3A_913 = arith.subf %get3A_893, %get3A_905 : vector<16xf32>
      %mul3A_914 = arith.mulf %get3A_881, %sub3A_913 : vector<16xf32>
      %sub3A_915 = arith.subf %get3A_900, %get3A_912 : vector<16xf32>
      %mul3A_916 = arith.mulf %get3A_888, %sub3A_915 : vector<16xf32>
      %add3A_917 = arith.addf %mul3A_914, %mul3A_916 : vector<16xf32>
      %add3A_918 = arith.constant 10 : i32
      %add3A_919 = arith.addi %add3A_285, %add3A_918 : i32
      %add3A_920 = vector.broadcast %add3A_919 : i32 to vector<16xi32>
      %add3A_921 = arith.addi %mul3A_12, %add3A_920 : vector<16xi32>
      tpu.vector_store_idx %arg15[%add3A_921], %add3A_917 : memref<8192xf32, #tpu.memory_space<vmem>>[vector<16xi32>], vector<16xf32>,
      %add3A_922 = arith.constant 11 : i32
      %add3A_923 = arith.addi %mul3A_283, %add3A_922 : i32
      %slice3A_924 = vector.extract_strided_slice %mul3A_291 {offsets = [11], sizes = [1], strides = [1]} : vector<16xi32> to vector<1xi32>
      %squeeze3A_925 = vector.extract %slice3A_924[0] : i32 from vector<1xi32>
      %multiple_of3A_926 = tpu.assume_multiple %squeeze3A_925, 32 : i32
      %slice3A_927 = vector.extract_strided_slice %mul3A_299 {offsets = [11], sizes = [1], strides = [1]} : vector<16xi32> to vector<1xi32>
      %squeeze3A_928 = vector.extract %slice3A_927[0] : i32 from vector<1xi32>
      %multiple_of3A_929 = tpu.assume_multiple %squeeze3A_928, 32 : i32
      %slice3A_930 = vector.extract_strided_slice %mul3A_309 {offsets = [11], sizes = [1], strides = [1]} : vector<16xi32> to vector<1xi32>
      %squeeze3A_931 = vector.extract %slice3A_930[0] : i32 from vector<1xi32>
      %multiple_of3A_932 = tpu.assume_multiple %squeeze3A_931, 32 : i32
      %get3A_933 = arith.constant 0 : i32
      %get3A_934 = arith.index_cast %get3A_933 : i32 to index
      %get3A_935 = arith.index_cast %add3A_923 : i32 to index
      %get3A_936 = arith.index_cast %multiple_of3A_926 : i32 to index
      %get3A_937 = tpu.vector_load %arg12[%get3A_934, %get3A_935, %get3A_936] {strides = array<i32>} : memref<2x128x128xf32, #tpu.memory_space<vmem>>, vector<16xf32>,
      %add3A_938 = arith.constant 16 : i32
      %add3A_939 = arith.addi %multiple_of3A_926, %add3A_938 : i32
      %get3A_940 = arith.constant 0 : i32
      %get3A_941 = arith.index_cast %get3A_940 : i32 to index
      %get3A_942 = arith.index_cast %add3A_923 : i32 to index
      %get3A_943 = arith.index_cast %add3A_939 : i32 to index
      %get3A_944 = tpu.vector_load %arg12[%get3A_941, %get3A_942, %get3A_943] {strides = array<i32>} : memref<2x128x128xf32, #tpu.memory_space<vmem>>, vector<16xf32>,
      %get3A_945 = arith.constant 0 : i32
      %get3A_946 = arith.index_cast %get3A_945 : i32 to index
      %get3A_947 = arith.index_cast %add3A_923 : i32 to index
      %get3A_948 = arith.index_cast %multiple_of3A_929 : i32 to index
      %get3A_949 = tpu.vector_load %arg13[%get3A_946, %get3A_947, %get3A_948] {strides = array<i32>} : memref<2x128x128xf32, #tpu.memory_space<vmem>>, vector<16xf32>,
      %add3A_950 = arith.constant 16 : i32
      %add3A_951 = arith.addi %multiple_of3A_929, %add3A_950 : i32
      %get3A_952 = arith.constant 0 : i32
      %get3A_953 = arith.index_cast %get3A_952 : i32 to index
      %get3A_954 = arith.index_cast %add3A_923 : i32 to index
      %get3A_955 = arith.index_cast %add3A_951 : i32 to index
      %get3A_956 = tpu.vector_load %arg13[%get3A_953, %get3A_954, %get3A_955] {strides = array<i32>} : memref<2x128x128xf32, #tpu.memory_space<vmem>>, vector<16xf32>,
      %get3A_957 = arith.constant 0 : i32
      %get3A_958 = arith.index_cast %get3A_957 : i32 to index
      %get3A_959 = arith.index_cast %add3A_923 : i32 to index
      %get3A_960 = arith.index_cast %multiple_of3A_932 : i32 to index
      %get3A_961 = tpu.vector_load %arg14[%get3A_958, %get3A_959, %get3A_960] {strides = array<i32>} : memref<2x128x128xf32, #tpu.memory_space<vmem>>, vector<16xf32>,
      %add3A_962 = arith.constant 16 : i32
      %add3A_963 = arith.addi %multiple_of3A_932, %add3A_962 : i32
      %get3A_964 = arith.constant 0 : i32
      %get3A_965 = arith.index_cast %get3A_964 : i32 to index
      %get3A_966 = arith.index_cast %add3A_923 : i32 to index
      %get3A_967 = arith.index_cast %add3A_963 : i32 to index
      %get3A_968 = tpu.vector_load %arg14[%get3A_965, %get3A_966, %get3A_967] {strides = array<i32>} : memref<2x128x128xf32, #tpu.memory_space<vmem>>, vector<16xf32>,
      %sub3A_969 = arith.subf %get3A_949, %get3A_961 : vector<16xf32>
      %mul3A_970 = arith.mulf %get3A_937, %sub3A_969 : vector<16xf32>
      %sub3A_971 = arith.subf %get3A_956, %get3A_968 : vector<16xf32>
      %mul3A_972 = arith.mulf %get3A_944, %sub3A_971 : vector<16xf32>
      %add3A_973 = arith.addf %mul3A_970, %mul3A_972 : vector<16xf32>
      %add3A_974 = arith.constant 11 : i32
      %add3A_975 = arith.addi %add3A_285, %add3A_974 : i32
      %add3A_976 = vector.broadcast %add3A_975 : i32 to vector<16xi32>
      %add3A_977 = arith.addi %mul3A_12, %add3A_976 : vector<16xi32>
      tpu.vector_store_idx %arg15[%add3A_977], %add3A_973 : memref<8192xf32, #tpu.memory_space<vmem>>[vector<16xi32>], vector<16xf32>,
      %add3A_978 = arith.constant 12 : i32
      %add3A_979 = arith.addi %mul3A_283, %add3A_978 : i32
      %slice3A_980 = vector.extract_strided_slice %mul3A_291 {offsets = [12], sizes = [1], strides = [1]} : vector<16xi32> to vector<1xi32>
      %squeeze3A_981 = vector.extract %slice3A_980[0] : i32 from vector<1xi32>
      %multiple_of3A_982 = tpu.assume_multiple %squeeze3A_981, 32 : i32
      %slice3A_983 = vector.extract_strided_slice %mul3A_299 {offsets = [12], sizes = [1], strides = [1]} : vector<16xi32> to vector<1xi32>
      %squeeze3A_984 = vector.extract %slice3A_983[0] : i32 from vector<1xi32>
      %multiple_of3A_985 = tpu.assume_multiple %squeeze3A_984, 32 : i32
      %slice3A_986 = vector.extract_strided_slice %mul3A_309 {offsets = [12], sizes = [1], strides = [1]} : vector<16xi32> to vector<1xi32>
      %squeeze3A_987 = vector.extract %slice3A_986[0] : i32 from vector<1xi32>
      %multiple_of3A_988 = tpu.assume_multiple %squeeze3A_987, 32 : i32
      %get3A_989 = arith.constant 0 : i32
      %get3A_990 = arith.index_cast %get3A_989 : i32 to index
      %get3A_991 = arith.index_cast %add3A_979 : i32 to index
      %get3A_992 = arith.index_cast %multiple_of3A_982 : i32 to index
      %get3A_993 = tpu.vector_load %arg12[%get3A_990, %get3A_991, %get3A_992] {strides = array<i32>} : memref<2x128x128xf32, #tpu.memory_space<vmem>>, vector<16xf32>,
      %add3A_994 = arith.constant 16 : i32
      %add3A_995 = arith.addi %multiple_of3A_982, %add3A_994 : i32
      %get3A_996 = arith.constant 0 : i32
      %get3A_997 = arith.index_cast %get3A_996 : i32 to index
      %get3A_998 = arith.index_cast %add3A_979 : i32 to index
      %get3A_999 = arith.index_cast %add3A_995 : i32 to index
      %get3A_1000 = tpu.vector_load %arg12[%get3A_997, %get3A_998, %get3A_999] {strides = array<i32>} : memref<2x128x128xf32, #tpu.memory_space<vmem>>, vector<16xf32>,
      %get3A_1001 = arith.constant 0 : i32
      %get3A_1002 = arith.index_cast %get3A_1001 : i32 to index
      %get3A_1003 = arith.index_cast %add3A_979 : i32 to index
      %get3A_1004 = arith.index_cast %multiple_of3A_985 : i32 to index
      %get3A_1005 = tpu.vector_load %arg13[%get3A_1002, %get3A_1003, %get3A_1004] {strides = array<i32>} : memref<2x128x128xf32, #tpu.memory_space<vmem>>, vector<16xf32>,
      %add3A_1006 = arith.constant 16 : i32
      %add3A_1007 = arith.addi %multiple_of3A_985, %add3A_1006 : i32
      %get3A_1008 = arith.constant 0 : i32
      %get3A_1009 = arith.index_cast %get3A_1008 : i32 to index
      %get3A_1010 = arith.index_cast %add3A_979 : i32 to index
      %get3A_1011 = arith.index_cast %add3A_1007 : i32 to index
      %get3A_1012 = tpu.vector_load %arg13[%get3A_1009, %get3A_1010, %get3A_1011] {strides = array<i32>} : memref<2x128x128xf32, #tpu.memory_space<vmem>>, vector<16xf32>,
      %get3A_1013 = arith.constant 0 : i32
      %get3A_1014 = arith.index_cast %get3A_1013 : i32 to index
      %get3A_1015 = arith.index_cast %add3A_979 : i32 to index
      %get3A_1016 = arith.index_cast %multiple_of3A_988 : i32 to index
      %get3A_1017 = tpu.vector_load %arg14[%get3A_1014, %get3A_1015, %get3A_1016] {strides = array<i32>} : memref<2x128x128xf32, #tpu.memory_space<vmem>>, vector<16xf32>,
      %add3A_1018 = arith.constant 16 : i32
      %add3A_1019 = arith.addi %multiple_of3A_988, %add3A_1018 : i32
      %get3A_1020 = arith.constant 0 : i32
      %get3A_1021 = arith.index_cast %get3A_1020 : i32 to index
      %get3A_1022 = arith.index_cast %add3A_979 : i32 to index
      %get3A_1023 = arith.index_cast %add3A_1019 : i32 to index
      %get3A_1024 = tpu.vector_load %arg14[%get3A_1021, %get3A_1022, %get3A_1023] {strides = array<i32>} : memref<2x128x128xf32, #tpu.memory_space<vmem>>, vector<16xf32>,
      %sub3A_1025 = arith.subf %get3A_1005, %get3A_1017 : vector<16xf32>
      %mul3A_1026 = arith.mulf %get3A_993, %sub3A_1025 : vector<16xf32>
      %sub3A_1027 = arith.subf %get3A_1012, %get3A_1024 : vector<16xf32>
      %mul3A_1028 = arith.mulf %get3A_1000, %sub3A_1027 : vector<16xf32>
      %add3A_1029 = arith.addf %mul3A_1026, %mul3A_1028 : vector<16xf32>
      %add3A_1030 = arith.constant 12 : i32
      %add3A_1031 = arith.addi %add3A_285, %add3A_1030 : i32
      %add3A_1032 = vector.broadcast %add3A_1031 : i32 to vector<16xi32>
      %add3A_1033 = arith.addi %mul3A_12, %add3A_1032 : vector<16xi32>
      tpu.vector_store_idx %arg15[%add3A_1033], %add3A_1029 : memref<8192xf32, #tpu.memory_space<vmem>>[vector<16xi32>], vector<16xf32>,
      %add3A_1034 = arith.constant 13 : i32
      %add3A_1035 = arith.addi %mul3A_283, %add3A_1034 : i32
      %slice3A_1036 = vector.extract_strided_slice %mul3A_291 {offsets = [13], sizes = [1], strides = [1]} : vector<16xi32> to vector<1xi32>
      %squeeze3A_1037 = vector.extract %slice3A_1036[0] : i32 from vector<1xi32>
      %multiple_of3A_1038 = tpu.assume_multiple %squeeze3A_1037, 32 : i32
      %slice3A_1039 = vector.extract_strided_slice %mul3A_299 {offsets = [13], sizes = [1], strides = [1]} : vector<16xi32> to vector<1xi32>
      %squeeze3A_1040 = vector.extract %slice3A_1039[0] : i32 from vector<1xi32>
      %multiple_of3A_1041 = tpu.assume_multiple %squeeze3A_1040, 32 : i32
      %slice3A_1042 = vector.extract_strided_slice %mul3A_309 {offsets = [13], sizes = [1], strides = [1]} : vector<16xi32> to vector<1xi32>
      %squeeze3A_1043 = vector.extract %slice3A_1042[0] : i32 from vector<1xi32>
      %multiple_of3A_1044 = tpu.assume_multiple %squeeze3A_1043, 32 : i32
      %get3A_1045 = arith.constant 0 : i32
      %get3A_1046 = arith.index_cast %get3A_1045 : i32 to index
      %get3A_1047 = arith.index_cast %add3A_1035 : i32 to index
      %get3A_1048 = arith.index_cast %multiple_of3A_1038 : i32 to index
      %get3A_1049 = tpu.vector_load %arg12[%get3A_1046, %get3A_1047, %get3A_1048] {strides = array<i32>} : memref<2x128x128xf32, #tpu.memory_space<vmem>>, vector<16xf32>,
      %add3A_1050 = arith.constant 16 : i32
      %add3A_1051 = arith.addi %multiple_of3A_1038, %add3A_1050 : i32
      %get3A_1052 = arith.constant 0 : i32
      %get3A_1053 = arith.index_cast %get3A_1052 : i32 to index
      %get3A_1054 = arith.index_cast %add3A_1035 : i32 to index
      %get3A_1055 = arith.index_cast %add3A_1051 : i32 to index
      %get3A_1056 = tpu.vector_load %arg12[%get3A_1053, %get3A_1054, %get3A_1055] {strides = array<i32>} : memref<2x128x128xf32, #tpu.memory_space<vmem>>, vector<16xf32>,
      %get3A_1057 = arith.constant 0 : i32
      %get3A_1058 = arith.index_cast %get3A_1057 : i32 to index
      %get3A_1059 = arith.index_cast %add3A_1035 : i32 to index
      %get3A_1060 = arith.index_cast %multiple_of3A_1041 : i32 to index
      %get3A_1061 = tpu.vector_load %arg13[%get3A_1058, %get3A_1059, %get3A_1060] {strides = array<i32>} : memref<2x128x128xf32, #tpu.memory_space<vmem>>, vector<16xf32>,
      %add3A_1062 = arith.constant 16 : i32
      %add3A_1063 = arith.addi %multiple_of3A_1041, %add3A_1062 : i32
      %get3A_1064 = arith.constant 0 : i32
      %get3A_1065 = arith.index_cast %get3A_1064 : i32 to index
      %get3A_1066 = arith.index_cast %add3A_1035 : i32 to index
      %get3A_1067 = arith.index_cast %add3A_1063 : i32 to index
      %get3A_1068 = tpu.vector_load %arg13[%get3A_1065, %get3A_1066, %get3A_1067] {strides = array<i32>} : memref<2x128x128xf32, #tpu.memory_space<vmem>>, vector<16xf32>,
      %get3A_1069 = arith.constant 0 : i32
      %get3A_1070 = arith.index_cast %get3A_1069 : i32 to index
      %get3A_1071 = arith.index_cast %add3A_1035 : i32 to index
      %get3A_1072 = arith.index_cast %multiple_of3A_1044 : i32 to index
      %get3A_1073 = tpu.vector_load %arg14[%get3A_1070, %get3A_1071, %get3A_1072] {strides = array<i32>} : memref<2x128x128xf32, #tpu.memory_space<vmem>>, vector<16xf32>,
      %add3A_1074 = arith.constant 16 : i32
      %add3A_1075 = arith.addi %multiple_of3A_1044, %add3A_1074 : i32
      %get3A_1076 = arith.constant 0 : i32
      %get3A_1077 = arith.index_cast %get3A_1076 : i32 to index
      %get3A_1078 = arith.index_cast %add3A_1035 : i32 to index
      %get3A_1079 = arith.index_cast %add3A_1075 : i32 to index
      %get3A_1080 = tpu.vector_load %arg14[%get3A_1077, %get3A_1078, %get3A_1079] {strides = array<i32>} : memref<2x128x128xf32, #tpu.memory_space<vmem>>, vector<16xf32>,
      %sub3A_1081 = arith.subf %get3A_1061, %get3A_1073 : vector<16xf32>
      %mul3A_1082 = arith.mulf %get3A_1049, %sub3A_1081 : vector<16xf32>
      %sub3A_1083 = arith.subf %get3A_1068, %get3A_1080 : vector<16xf32>
      %mul3A_1084 = arith.mulf %get3A_1056, %sub3A_1083 : vector<16xf32>
      %add3A_1085 = arith.addf %mul3A_1082, %mul3A_1084 : vector<16xf32>
      %add3A_1086 = arith.constant 13 : i32
      %add3A_1087 = arith.addi %add3A_285, %add3A_1086 : i32
      %add3A_1088 = vector.broadcast %add3A_1087 : i32 to vector<16xi32>
      %add3A_1089 = arith.addi %mul3A_12, %add3A_1088 : vector<16xi32>
      tpu.vector_store_idx %arg15[%add3A_1089], %add3A_1085 : memref<8192xf32, #tpu.memory_space<vmem>>[vector<16xi32>], vector<16xf32>,
      %add3A_1090 = arith.constant 14 : i32
      %add3A_1091 = arith.addi %mul3A_283, %add3A_1090 : i32
      %slice3A_1092 = vector.extract_strided_slice %mul3A_291 {offsets = [14], sizes = [1], strides = [1]} : vector<16xi32> to vector<1xi32>
      %squeeze3A_1093 = vector.extract %slice3A_1092[0] : i32 from vector<1xi32>
      %multiple_of3A_1094 = tpu.assume_multiple %squeeze3A_1093, 32 : i32
      %slice3A_1095 = vector.extract_strided_slice %mul3A_299 {offsets = [14], sizes = [1], strides = [1]} : vector<16xi32> to vector<1xi32>
      %squeeze3A_1096 = vector.extract %slice3A_1095[0] : i32 from vector<1xi32>
      %multiple_of3A_1097 = tpu.assume_multiple %squeeze3A_1096, 32 : i32
      %slice3A_1098 = vector.extract_strided_slice %mul3A_309 {offsets = [14], sizes = [1], strides = [1]} : vector<16xi32> to vector<1xi32>
      %squeeze3A_1099 = vector.extract %slice3A_1098[0] : i32 from vector<1xi32>
      %multiple_of3A_1100 = tpu.assume_multiple %squeeze3A_1099, 32 : i32
      %get3A_1101 = arith.constant 0 : i32
      %get3A_1102 = arith.index_cast %get3A_1101 : i32 to index
      %get3A_1103 = arith.index_cast %add3A_1091 : i32 to index
      %get3A_1104 = arith.index_cast %multiple_of3A_1094 : i32 to index
      %get3A_1105 = tpu.vector_load %arg12[%get3A_1102, %get3A_1103, %get3A_1104] {strides = array<i32>} : memref<2x128x128xf32, #tpu.memory_space<vmem>>, vector<16xf32>,
      %add3A_1106 = arith.constant 16 : i32
      %add3A_1107 = arith.addi %multiple_of3A_1094, %add3A_1106 : i32
      %get3A_1108 = arith.constant 0 : i32
      %get3A_1109 = arith.index_cast %get3A_1108 : i32 to index
      %get3A_1110 = arith.index_cast %add3A_1091 : i32 to index
      %get3A_1111 = arith.index_cast %add3A_1107 : i32 to index
      %get3A_1112 = tpu.vector_load %arg12[%get3A_1109, %get3A_1110, %get3A_1111] {strides = array<i32>} : memref<2x128x128xf32, #tpu.memory_space<vmem>>, vector<16xf32>,
      %get3A_1113 = arith.constant 0 : i32
      %get3A_1114 = arith.index_cast %get3A_1113 : i32 to index
      %get3A_1115 = arith.index_cast %add3A_1091 : i32 to index
      %get3A_1116 = arith.index_cast %multiple_of3A_1097 : i32 to index
      %get3A_1117 = tpu.vector_load %arg13[%get3A_1114, %get3A_1115, %get3A_1116] {strides = array<i32>} : memref<2x128x128xf32, #tpu.memory_space<vmem>>, vector<16xf32>,
      %add3A_1118 = arith.constant 16 : i32
      %add3A_1119 = arith.addi %multiple_of3A_1097, %add3A_1118 : i32
      %get3A_1120 = arith.constant 0 : i32
      %get3A_1121 = arith.index_cast %get3A_1120 : i32 to index
      %get3A_1122 = arith.index_cast %add3A_1091 : i32 to index
      %get3A_1123 = arith.index_cast %add3A_1119 : i32 to index
      %get3A_1124 = tpu.vector_load %arg13[%get3A_1121, %get3A_1122, %get3A_1123] {strides = array<i32>} : memref<2x128x128xf32, #tpu.memory_space<vmem>>, vector<16xf32>,
      %get3A_1125 = arith.constant 0 : i32
      %get3A_1126 = arith.index_cast %get3A_1125 : i32 to index
      %get3A_1127 = arith.index_cast %add3A_1091 : i32 to index
      %get3A_1128 = arith.index_cast %multiple_of3A_1100 : i32 to index
      %get3A_1129 = tpu.vector_load %arg14[%get3A_1126, %get3A_1127, %get3A_1128] {strides = array<i32>} : memref<2x128x128xf32, #tpu.memory_space<vmem>>, vector<16xf32>,
      %add3A_1130 = arith.constant 16 : i32
      %add3A_1131 = arith.addi %multiple_of3A_1100, %add3A_1130 : i32
      %get3A_1132 = arith.constant 0 : i32
      %get3A_1133 = arith.index_cast %get3A_1132 : i32 to index
      %get3A_1134 = arith.index_cast %add3A_1091 : i32 to index
      %get3A_1135 = arith.index_cast %add3A_1131 : i32 to index
      %get3A_1136 = tpu.vector_load %arg14[%get3A_1133, %get3A_1134, %get3A_1135] {strides = array<i32>} : memref<2x128x128xf32, #tpu.memory_space<vmem>>, vector<16xf32>,
      %sub3A_1137 = arith.subf %get3A_1117, %get3A_1129 : vector<16xf32>
      %mul3A_1138 = arith.mulf %get3A_1105, %sub3A_1137 : vector<16xf32>
      %sub3A_1139 = arith.subf %get3A_1124, %get3A_1136 : vector<16xf32>
      %mul3A_1140 = arith.mulf %get3A_1112, %sub3A_1139 : vector<16xf32>
      %add3A_1141 = arith.addf %mul3A_1138, %mul3A_1140 : vector<16xf32>
      %add3A_1142 = arith.constant 14 : i32
      %add3A_1143 = arith.addi %add3A_285, %add3A_1142 : i32
      %add3A_1144 = vector.broadcast %add3A_1143 : i32 to vector<16xi32>
      %add3A_1145 = arith.addi %mul3A_12, %add3A_1144 : vector<16xi32>
      tpu.vector_store_idx %arg15[%add3A_1145], %add3A_1141 : memref<8192xf32, #tpu.memory_space<vmem>>[vector<16xi32>], vector<16xf32>,
      %add3A_1146 = arith.constant 15 : i32
      %add3A_1147 = arith.addi %mul3A_283, %add3A_1146 : i32
      %slice3A_1148 = vector.extract_strided_slice %mul3A_291 {offsets = [15], sizes = [1], strides = [1]} : vector<16xi32> to vector<1xi32>
      %squeeze3A_1149 = vector.extract %slice3A_1148[0] : i32 from vector<1xi32>
      %multiple_of3A_1150 = tpu.assume_multiple %squeeze3A_1149, 32 : i32
      %slice3A_1151 = vector.extract_strided_slice %mul3A_299 {offsets = [15], sizes = [1], strides = [1]} : vector<16xi32> to vector<1xi32>
      %squeeze3A_1152 = vector.extract %slice3A_1151[0] : i32 from vector<1xi32>
      %multiple_of3A_1153 = tpu.assume_multiple %squeeze3A_1152, 32 : i32
      %slice3A_1154 = vector.extract_strided_slice %mul3A_309 {offsets = [15], sizes = [1], strides = [1]} : vector<16xi32> to vector<1xi32>
      %squeeze3A_1155 = vector.extract %slice3A_1154[0] : i32 from vector<1xi32>
      %multiple_of3A_1156 = tpu.assume_multiple %squeeze3A_1155, 32 : i32
      %get3A_1157 = arith.constant 0 : i32
      %get3A_1158 = arith.index_cast %get3A_1157 : i32 to index
      %get3A_1159 = arith.index_cast %add3A_1147 : i32 to index
      %get3A_1160 = arith.index_cast %multiple_of3A_1150 : i32 to index
      %get3A_1161 = tpu.vector_load %arg12[%get3A_1158, %get3A_1159, %get3A_1160] {strides = array<i32>} : memref<2x128x128xf32, #tpu.memory_space<vmem>>, vector<16xf32>,
      %add3A_1162 = arith.constant 16 : i32
      %add3A_1163 = arith.addi %multiple_of3A_1150, %add3A_1162 : i32
      %get3A_1164 = arith.constant 0 : i32
      %get3A_1165 = arith.index_cast %get3A_1164 : i32 to index
      %get3A_1166 = arith.index_cast %add3A_1147 : i32 to index
      %get3A_1167 = arith.index_cast %add3A_1163 : i32 to index
      %get3A_1168 = tpu.vector_load %arg12[%get3A_1165, %get3A_1166, %get3A_1167] {strides = array<i32>} : memref<2x128x128xf32, #tpu.memory_space<vmem>>, vector<16xf32>,
      %get3A_1169 = arith.constant 0 : i32
      %get3A_1170 = arith.index_cast %get3A_1169 : i32 to index
      %get3A_1171 = arith.index_cast %add3A_1147 : i32 to index
      %get3A_1172 = arith.index_cast %multiple_of3A_1153 : i32 to index
      %get3A_1173 = tpu.vector_load %arg13[%get3A_1170, %get3A_1171, %get3A_1172] {strides = array<i32>} : memref<2x128x128xf32, #tpu.memory_space<vmem>>, vector<16xf32>,
      %add3A_1174 = arith.constant 16 : i32
      %add3A_1175 = arith.addi %multiple_of3A_1153, %add3A_1174 : i32
      %get3A_1176 = arith.constant 0 : i32
      %get3A_1177 = arith.index_cast %get3A_1176 : i32 to index
      %get3A_1178 = arith.index_cast %add3A_1147 : i32 to index
      %get3A_1179 = arith.index_cast %add3A_1175 : i32 to index
      %get3A_1180 = tpu.vector_load %arg13[%get3A_1177, %get3A_1178, %get3A_1179] {strides = array<i32>} : memref<2x128x128xf32, #tpu.memory_space<vmem>>, vector<16xf32>,
      %get3A_1181 = arith.constant 0 : i32
      %get3A_1182 = arith.index_cast %get3A_1181 : i32 to index
      %get3A_1183 = arith.index_cast %add3A_1147 : i32 to index
      %get3A_1184 = arith.index_cast %multiple_of3A_1156 : i32 to index
      %get3A_1185 = tpu.vector_load %arg14[%get3A_1182, %get3A_1183, %get3A_1184] {strides = array<i32>} : memref<2x128x128xf32, #tpu.memory_space<vmem>>, vector<16xf32>,
      %add3A_1186 = arith.constant 16 : i32
      %add3A_1187 = arith.addi %multiple_of3A_1156, %add3A_1186 : i32
      %get3A_1188 = arith.constant 0 : i32
      %get3A_1189 = arith.index_cast %get3A_1188 : i32 to index
      %get3A_1190 = arith.index_cast %add3A_1147 : i32 to index
      %get3A_1191 = arith.index_cast %add3A_1187 : i32 to index
      %get3A_1192 = tpu.vector_load %arg14[%get3A_1189, %get3A_1190, %get3A_1191] {strides = array<i32>} : memref<2x128x128xf32, #tpu.memory_space<vmem>>, vector<16xf32>,
      %sub3A_1193 = arith.subf %get3A_1173, %get3A_1185 : vector<16xf32>
      %mul3A_1194 = arith.mulf %get3A_1161, %sub3A_1193 : vector<16xf32>
      %sub3A_1195 = arith.subf %get3A_1180, %get3A_1192 : vector<16xf32>
      %mul3A_1196 = arith.mulf %get3A_1168, %sub3A_1195 : vector<16xf32>
      %add3A_1197 = arith.addf %mul3A_1194, %mul3A_1196 : vector<16xf32>
      %add3A_1198 = arith.constant 15 : i32
      %add3A_1199 = arith.addi %add3A_285, %add3A_1198 : i32
      %add3A_1200 = vector.broadcast %add3A_1199 : i32 to vector<16xi32>
      %add3A_1201 = arith.addi %mul3A_12, %add3A_1200 : vector<16xi32>
      tpu.vector_store_idx %arg15[%add3A_1201], %add3A_1197 : memref<8192xf32, #tpu.memory_space<vmem>>[vector<16xi32>], vector<16xf32>,
    }
    %scan3A_238 = arith.constant 8 : i32
    %dma_wait3A_239 = arith.constant 1 : i32
    %dma_wait3A_240 = arith.constant 0 : i32
    %dma_wait3A_241 = arith.constant 0 : i32
    %dma_wait3A_242 = tpu.memref_slice %arg12[%dma_wait3A_239, %dma_wait3A_240, %dma_wait3A_241] : memref<2x128x128xf32, #tpu.memory_space<vmem>> -> memref<1x128x128xf32, #tpu.memory_space<vmem>>
    %dma_wait3A_243 = tpu.memref_squeeze %dma_wait3A_242 : memref<1x128x128xf32, #tpu.memory_space<vmem>> -> memref<128x128xf32, #tpu.memory_space<vmem>>
    %dma_wait3A_244 = arith.constant 384 : i32
    %dma_wait3A_245 = tpu.memref_slice %arg9[%dma_wait3A_244] : memref<512xi32, #tpu.memory_space<vmem>> -> memref<128xi32, #tpu.memory_space<vmem>>
    %dma_wait3A_246 = arith.constant 0 : i32
    %dma_wait3A_247 = arith.constant 0 : i32
    %dma_wait3A_248 = tpu.memref_slice %arg4[%dma_wait3A_246, %dma_wait3A_247] : memref<250000x128xf32, #tpu.memory_space<hbm>> -> memref<250000x128xf32, #tpu.memory_space<hbm>>
    tpu.wait_indirect_dma semaphore(%arg18 : memref<!tpu.dma_semaphore, #tpu.memory_space<semaphore_mem>>) src(%dma_wait3A_248 : memref<250000x128xf32, #tpu.memory_space<hbm>>) dst(%dma_wait3A_243 : memref<128x128xf32, #tpu.memory_space<vmem>>)
    %dma_wait3A_249 = arith.constant 1 : i32
    %dma_wait3A_250 = arith.constant 0 : i32
    %dma_wait3A_251 = arith.constant 0 : i32
    %dma_wait3A_252 = tpu.memref_slice %arg13[%dma_wait3A_249, %dma_wait3A_250, %dma_wait3A_251] : memref<2x128x128xf32, #tpu.memory_space<vmem>> -> memref<1x128x128xf32, #tpu.memory_space<vmem>>
    %dma_wait3A_253 = tpu.memref_squeeze %dma_wait3A_252 : memref<1x128x128xf32, #tpu.memory_space<vmem>> -> memref<128x128xf32, #tpu.memory_space<vmem>>
    %dma_wait3A_254 = arith.constant 384 : i32
    %dma_wait3A_255 = tpu.memref_slice %arg10[%dma_wait3A_254] : memref<512xi32, #tpu.memory_space<vmem>> -> memref<128xi32, #tpu.memory_space<vmem>>
    %dma_wait3A_256 = arith.constant 0 : i32
    %dma_wait3A_257 = arith.constant 0 : i32
    %dma_wait3A_258 = tpu.memref_slice %arg5[%dma_wait3A_256, %dma_wait3A_257] : memref<250000x128xf32, #tpu.memory_space<hbm>> -> memref<250000x128xf32, #tpu.memory_space<hbm>>
    tpu.wait_indirect_dma semaphore(%arg20 : memref<!tpu.dma_semaphore, #tpu.memory_space<semaphore_mem>>) src(%dma_wait3A_258 : memref<250000x128xf32, #tpu.memory_space<hbm>>) dst(%dma_wait3A_253 : memref<128x128xf32, #tpu.memory_space<vmem>>)
    %dma_wait3A_259 = arith.constant 1 : i32
    %dma_wait3A_260 = arith.constant 0 : i32
    %dma_wait3A_261 = arith.constant 0 : i32
    %dma_wait3A_262 = tpu.memref_slice %arg14[%dma_wait3A_259, %dma_wait3A_260, %dma_wait3A_261] : memref<2x128x128xf32, #tpu.memory_space<vmem>> -> memref<1x128x128xf32, #tpu.memory_space<vmem>>
    %dma_wait3A_263 = tpu.memref_squeeze %dma_wait3A_262 : memref<1x128x128xf32, #tpu.memory_space<vmem>> -> memref<128x128xf32, #tpu.memory_space<vmem>>
    %dma_wait3A_264 = arith.constant 384 : i32
    %dma_wait3A_265 = tpu.memref_slice %arg11[%dma_wait3A_264] : memref<512xi32, #tpu.memory_space<vmem>> -> memref<128xi32, #tpu.memory_space<vmem>>
    %dma_wait3A_266 = arith.constant 0 : i32
    %dma_wait3A_267 = arith.constant 0 : i32
    %dma_wait3A_268 = tpu.memref_slice %arg5[%dma_wait3A_266, %dma_wait3A_267] : memref<250000x128xf32, #tpu.memory_space<hbm>> -> memref<250000x128xf32, #tpu.memory_space<hbm>>
    tpu.wait_indirect_dma semaphore(%arg22 : memref<!tpu.dma_semaphore, #tpu.memory_space<semaphore_mem>>) src(%dma_wait3A_268 : memref<250000x128xf32, #tpu.memory_space<hbm>>) dst(%dma_wait3A_263 : memref<128x128xf32, #tpu.memory_space<vmem>>)
    %scan3A_269 = arith.constant 0 : i32
    %scan3A_270 = arith.constant 0 : i32
    %scan3A_271 = arith.constant 8 : i32
    %scan3A_272 = arith.addi %scan3A_270, %scan3A_271 : i32
    %scan3A_273 = arith.constant 1 : i32
    scf.for %scan3A_281 = %scan3A_270 to %scan3A_272 step %scan3A_273  : i32 {
      %mul3A_282 = arith.constant 16 : i32
      %mul3A_283 = arith.muli %scan3A_281, %mul3A_282 : i32
      %add3A_284 = arith.constant 384 : i32
      %add3A_285 = arith.addi %add3A_284, %mul3A_283 : i32
      %get3A = arith.index_cast %add3A_285 : i32 to index
      %get3A_286 = tpu.vector_load %arg7[%get3A] {strides = array<i32>} : memref<512xi32, #tpu.memory_space<vmem>>, vector<16xi32>,
      %and3A = arith.constant 3 : i32
      %and3A_287 = vector.broadcast %and3A : i32 to vector<16xi32>
      %and3A_288 = arith.andi %get3A_286, %and3A_287 : vector<16xi32>
      %mul3A_289 = arith.constant 32 : i32
      %mul3A_290 = vector.broadcast %mul3A_289 : i32 to vector<16xi32>
      %mul3A_291 = arith.muli %and3A_288, %mul3A_290 : vector<16xi32>
      %get3A_292 = arith.index_cast %add3A_285 : i32 to index
      %get3A_293 = tpu.vector_load %arg8[%get3A_292] {strides = array<i32>} : memref<1024xi32, #tpu.memory_space<vmem>>, vector<16xi32>,
      %and3A_294 = arith.constant 3 : i32
      %and3A_295 = vector.broadcast %and3A_294 : i32 to vector<16xi32>
      %and3A_296 = arith.andi %get3A_293, %and3A_295 : vector<16xi32>
      %mul3A_297 = arith.constant 32 : i32
      %mul3A_298 = vector.broadcast %mul3A_297 : i32 to vector<16xi32>
      %mul3A_299 = arith.muli %and3A_296, %mul3A_298 : vector<16xi32>
      %add3A_300 = arith.constant 512 : i32
      %add3A_301 = arith.addi %add3A_300, %add3A_285 : i32
      %get3A_302 = arith.index_cast %add3A_301 : i32 to index
      %get3A_303 = tpu.vector_load %arg8[%get3A_302] {strides = array<i32>} : memref<1024xi32, #tpu.memory_space<vmem>>, vector<16xi32>,
      %and3A_304 = arith.constant 3 : i32
      %and3A_305 = vector.broadcast %and3A_304 : i32 to vector<16xi32>
      %and3A_306 = arith.andi %get3A_303, %and3A_305 : vector<16xi32>
      %mul3A_307 = arith.constant 32 : i32
      %mul3A_308 = vector.broadcast %mul3A_307 : i32 to vector<16xi32>
      %mul3A_309 = arith.muli %and3A_306, %mul3A_308 : vector<16xi32>
      %add3A_310 = arith.constant 0 : i32
      %add3A_311 = arith.addi %mul3A_283, %add3A_310 : i32
      %slice3A = vector.extract_strided_slice %mul3A_291 {offsets = [0], sizes = [1], strides = [1]} : vector<16xi32> to vector<1xi32>
      %squeeze3A = vector.extract %slice3A[0] : i32 from vector<1xi32>
      %multiple_of3A = tpu.assume_multiple %squeeze3A, 32 : i32
      %slice3A_312 = vector.extract_strided_slice %mul3A_299 {offsets = [0], sizes = [1], strides = [1]} : vector<16xi32> to vector<1xi32>
      %squeeze3A_313 = vector.extract %slice3A_312[0] : i32 from vector<1xi32>
      %multiple_of3A_314 = tpu.assume_multiple %squeeze3A_313, 32 : i32
      %slice3A_315 = vector.extract_strided_slice %mul3A_309 {offsets = [0], sizes = [1], strides = [1]} : vector<16xi32> to vector<1xi32>
      %squeeze3A_316 = vector.extract %slice3A_315[0] : i32 from vector<1xi32>
      %multiple_of3A_317 = tpu.assume_multiple %squeeze3A_316, 32 : i32
      %get3A_318 = arith.constant 1 : i32
      %get3A_319 = arith.index_cast %get3A_318 : i32 to index
      %get3A_320 = arith.index_cast %add3A_311 : i32 to index
      %get3A_321 = arith.index_cast %multiple_of3A : i32 to index
      %get3A_322 = tpu.vector_load %arg12[%get3A_319, %get3A_320, %get3A_321] {strides = array<i32>} : memref<2x128x128xf32, #tpu.memory_space<vmem>>, vector<16xf32>,
      %add3A_323 = arith.constant 16 : i32
      %add3A_324 = arith.addi %multiple_of3A, %add3A_323 : i32
      %get3A_325 = arith.constant 1 : i32
      %get3A_326 = arith.index_cast %get3A_325 : i32 to index
      %get3A_327 = arith.index_cast %add3A_311 : i32 to index
      %get3A_328 = arith.index_cast %add3A_324 : i32 to index
      %get3A_329 = tpu.vector_load %arg12[%get3A_326, %get3A_327, %get3A_328] {strides = array<i32>} : memref<2x128x128xf32, #tpu.memory_space<vmem>>, vector<16xf32>,
      %get3A_330 = arith.constant 1 : i32
      %get3A_331 = arith.index_cast %get3A_330 : i32 to index
      %get3A_332 = arith.index_cast %add3A_311 : i32 to index
      %get3A_333 = arith.index_cast %multiple_of3A_314 : i32 to index
      %get3A_334 = tpu.vector_load %arg13[%get3A_331, %get3A_332, %get3A_333] {strides = array<i32>} : memref<2x128x128xf32, #tpu.memory_space<vmem>>, vector<16xf32>,
      %add3A_335 = arith.constant 16 : i32
      %add3A_336 = arith.addi %multiple_of3A_314, %add3A_335 : i32
      %get3A_337 = arith.constant 1 : i32
      %get3A_338 = arith.index_cast %get3A_337 : i32 to index
      %get3A_339 = arith.index_cast %add3A_311 : i32 to index
      %get3A_340 = arith.index_cast %add3A_336 : i32 to index
      %get3A_341 = tpu.vector_load %arg13[%get3A_338, %get3A_339, %get3A_340] {strides = array<i32>} : memref<2x128x128xf32, #tpu.memory_space<vmem>>, vector<16xf32>,
      %get3A_342 = arith.constant 1 : i32
      %get3A_343 = arith.index_cast %get3A_342 : i32 to index
      %get3A_344 = arith.index_cast %add3A_311 : i32 to index
      %get3A_345 = arith.index_cast %multiple_of3A_317 : i32 to index
      %get3A_346 = tpu.vector_load %arg14[%get3A_343, %get3A_344, %get3A_345] {strides = array<i32>} : memref<2x128x128xf32, #tpu.memory_space<vmem>>, vector<16xf32>,
      %add3A_347 = arith.constant 16 : i32
      %add3A_348 = arith.addi %multiple_of3A_317, %add3A_347 : i32
      %get3A_349 = arith.constant 1 : i32
      %get3A_350 = arith.index_cast %get3A_349 : i32 to index
      %get3A_351 = arith.index_cast %add3A_311 : i32 to index
      %get3A_352 = arith.index_cast %add3A_348 : i32 to index
      %get3A_353 = tpu.vector_load %arg14[%get3A_350, %get3A_351, %get3A_352] {strides = array<i32>} : memref<2x128x128xf32, #tpu.memory_space<vmem>>, vector<16xf32>,
      %sub3A = arith.subf %get3A_334, %get3A_346 : vector<16xf32>
      %mul3A_354 = arith.mulf %get3A_322, %sub3A : vector<16xf32>
      %sub3A_355 = arith.subf %get3A_341, %get3A_353 : vector<16xf32>
      %mul3A_356 = arith.mulf %get3A_329, %sub3A_355 : vector<16xf32>
      %add3A_357 = arith.addf %mul3A_354, %mul3A_356 : vector<16xf32>
      %add3A_358 = arith.constant 0 : i32
      %add3A_359 = arith.addi %add3A_285, %add3A_358 : i32
      %add3A_360 = vector.broadcast %add3A_359 : i32 to vector<16xi32>
      %add3A_361 = arith.addi %mul3A_12, %add3A_360 : vector<16xi32>
      tpu.vector_store_idx %arg15[%add3A_361], %add3A_357 : memref<8192xf32, #tpu.memory_space<vmem>>[vector<16xi32>], vector<16xf32>,
      %add3A_362 = arith.constant 1 : i32
      %add3A_363 = arith.addi %mul3A_283, %add3A_362 : i32
      %slice3A_364 = vector.extract_strided_slice %mul3A_291 {offsets = [1], sizes = [1], strides = [1]} : vector<16xi32> to vector<1xi32>
      %squeeze3A_365 = vector.extract %slice3A_364[0] : i32 from vector<1xi32>
      %multiple_of3A_366 = tpu.assume_multiple %squeeze3A_365, 32 : i32
      %slice3A_367 = vector.extract_strided_slice %mul3A_299 {offsets = [1], sizes = [1], strides = [1]} : vector<16xi32> to vector<1xi32>
      %squeeze3A_368 = vector.extract %slice3A_367[0] : i32 from vector<1xi32>
      %multiple_of3A_369 = tpu.assume_multiple %squeeze3A_368, 32 : i32
      %slice3A_370 = vector.extract_strided_slice %mul3A_309 {offsets = [1], sizes = [1], strides = [1]} : vector<16xi32> to vector<1xi32>
      %squeeze3A_371 = vector.extract %slice3A_370[0] : i32 from vector<1xi32>
      %multiple_of3A_372 = tpu.assume_multiple %squeeze3A_371, 32 : i32
      %get3A_373 = arith.constant 1 : i32
      %get3A_374 = arith.index_cast %get3A_373 : i32 to index
      %get3A_375 = arith.index_cast %add3A_363 : i32 to index
      %get3A_376 = arith.index_cast %multiple_of3A_366 : i32 to index
      %get3A_377 = tpu.vector_load %arg12[%get3A_374, %get3A_375, %get3A_376] {strides = array<i32>} : memref<2x128x128xf32, #tpu.memory_space<vmem>>, vector<16xf32>,
      %add3A_378 = arith.constant 16 : i32
      %add3A_379 = arith.addi %multiple_of3A_366, %add3A_378 : i32
      %get3A_380 = arith.constant 1 : i32
      %get3A_381 = arith.index_cast %get3A_380 : i32 to index
      %get3A_382 = arith.index_cast %add3A_363 : i32 to index
      %get3A_383 = arith.index_cast %add3A_379 : i32 to index
      %get3A_384 = tpu.vector_load %arg12[%get3A_381, %get3A_382, %get3A_383] {strides = array<i32>} : memref<2x128x128xf32, #tpu.memory_space<vmem>>, vector<16xf32>,
      %get3A_385 = arith.constant 1 : i32
      %get3A_386 = arith.index_cast %get3A_385 : i32 to index
      %get3A_387 = arith.index_cast %add3A_363 : i32 to index
      %get3A_388 = arith.index_cast %multiple_of3A_369 : i32 to index
      %get3A_389 = tpu.vector_load %arg13[%get3A_386, %get3A_387, %get3A_388] {strides = array<i32>} : memref<2x128x128xf32, #tpu.memory_space<vmem>>, vector<16xf32>,
      %add3A_390 = arith.constant 16 : i32
      %add3A_391 = arith.addi %multiple_of3A_369, %add3A_390 : i32
      %get3A_392 = arith.constant 1 : i32
      %get3A_393 = arith.index_cast %get3A_392 : i32 to index
      %get3A_394 = arith.index_cast %add3A_363 : i32 to index
      %get3A_395 = arith.index_cast %add3A_391 : i32 to index
      %get3A_396 = tpu.vector_load %arg13[%get3A_393, %get3A_394, %get3A_395] {strides = array<i32>} : memref<2x128x128xf32, #tpu.memory_space<vmem>>, vector<16xf32>,
      %get3A_397 = arith.constant 1 : i32
      %get3A_398 = arith.index_cast %get3A_397 : i32 to index
      %get3A_399 = arith.index_cast %add3A_363 : i32 to index
      %get3A_400 = arith.index_cast %multiple_of3A_372 : i32 to index
      %get3A_401 = tpu.vector_load %arg14[%get3A_398, %get3A_399, %get3A_400] {strides = array<i32>} : memref<2x128x128xf32, #tpu.memory_space<vmem>>, vector<16xf32>,
      %add3A_402 = arith.constant 16 : i32
      %add3A_403 = arith.addi %multiple_of3A_372, %add3A_402 : i32
      %get3A_404 = arith.constant 1 : i32
      %get3A_405 = arith.index_cast %get3A_404 : i32 to index
      %get3A_406 = arith.index_cast %add3A_363 : i32 to index
      %get3A_407 = arith.index_cast %add3A_403 : i32 to index
      %get3A_408 = tpu.vector_load %arg14[%get3A_405, %get3A_406, %get3A_407] {strides = array<i32>} : memref<2x128x128xf32, #tpu.memory_space<vmem>>, vector<16xf32>,
      %sub3A_409 = arith.subf %get3A_389, %get3A_401 : vector<16xf32>
      %mul3A_410 = arith.mulf %get3A_377, %sub3A_409 : vector<16xf32>
      %sub3A_411 = arith.subf %get3A_396, %get3A_408 : vector<16xf32>
      %mul3A_412 = arith.mulf %get3A_384, %sub3A_411 : vector<16xf32>
      %add3A_413 = arith.addf %mul3A_410, %mul3A_412 : vector<16xf32>
      %add3A_414 = arith.constant 1 : i32
      %add3A_415 = arith.addi %add3A_285, %add3A_414 : i32
      %add3A_416 = vector.broadcast %add3A_415 : i32 to vector<16xi32>
      %add3A_417 = arith.addi %mul3A_12, %add3A_416 : vector<16xi32>
      tpu.vector_store_idx %arg15[%add3A_417], %add3A_413 : memref<8192xf32, #tpu.memory_space<vmem>>[vector<16xi32>], vector<16xf32>,
      %add3A_418 = arith.constant 2 : i32
      %add3A_419 = arith.addi %mul3A_283, %add3A_418 : i32
      %slice3A_420 = vector.extract_strided_slice %mul3A_291 {offsets = [2], sizes = [1], strides = [1]} : vector<16xi32> to vector<1xi32>
      %squeeze3A_421 = vector.extract %slice3A_420[0] : i32 from vector<1xi32>
      %multiple_of3A_422 = tpu.assume_multiple %squeeze3A_421, 32 : i32
      %slice3A_423 = vector.extract_strided_slice %mul3A_299 {offsets = [2], sizes = [1], strides = [1]} : vector<16xi32> to vector<1xi32>
      %squeeze3A_424 = vector.extract %slice3A_423[0] : i32 from vector<1xi32>
      %multiple_of3A_425 = tpu.assume_multiple %squeeze3A_424, 32 : i32
      %slice3A_426 = vector.extract_strided_slice %mul3A_309 {offsets = [2], sizes = [1], strides = [1]} : vector<16xi32> to vector<1xi32>
      %squeeze3A_427 = vector.extract %slice3A_426[0] : i32 from vector<1xi32>
      %multiple_of3A_428 = tpu.assume_multiple %squeeze3A_427, 32 : i32
      %get3A_429 = arith.constant 1 : i32
      %get3A_430 = arith.index_cast %get3A_429 : i32 to index
      %get3A_431 = arith.index_cast %add3A_419 : i32 to index
      %get3A_432 = arith.index_cast %multiple_of3A_422 : i32 to index
      %get3A_433 = tpu.vector_load %arg12[%get3A_430, %get3A_431, %get3A_432] {strides = array<i32>} : memref<2x128x128xf32, #tpu.memory_space<vmem>>, vector<16xf32>,
      %add3A_434 = arith.constant 16 : i32
      %add3A_435 = arith.addi %multiple_of3A_422, %add3A_434 : i32
      %get3A_436 = arith.constant 1 : i32
      %get3A_437 = arith.index_cast %get3A_436 : i32 to index
      %get3A_438 = arith.index_cast %add3A_419 : i32 to index
      %get3A_439 = arith.index_cast %add3A_435 : i32 to index
      %get3A_440 = tpu.vector_load %arg12[%get3A_437, %get3A_438, %get3A_439] {strides = array<i32>} : memref<2x128x128xf32, #tpu.memory_space<vmem>>, vector<16xf32>,
      %get3A_441 = arith.constant 1 : i32
      %get3A_442 = arith.index_cast %get3A_441 : i32 to index
      %get3A_443 = arith.index_cast %add3A_419 : i32 to index
      %get3A_444 = arith.index_cast %multiple_of3A_425 : i32 to index
      %get3A_445 = tpu.vector_load %arg13[%get3A_442, %get3A_443, %get3A_444] {strides = array<i32>} : memref<2x128x128xf32, #tpu.memory_space<vmem>>, vector<16xf32>,
      %add3A_446 = arith.constant 16 : i32
      %add3A_447 = arith.addi %multiple_of3A_425, %add3A_446 : i32
      %get3A_448 = arith.constant 1 : i32
      %get3A_449 = arith.index_cast %get3A_448 : i32 to index
      %get3A_450 = arith.index_cast %add3A_419 : i32 to index
      %get3A_451 = arith.index_cast %add3A_447 : i32 to index
      %get3A_452 = tpu.vector_load %arg13[%get3A_449, %get3A_450, %get3A_451] {strides = array<i32>} : memref<2x128x128xf32, #tpu.memory_space<vmem>>, vector<16xf32>,
      %get3A_453 = arith.constant 1 : i32
      %get3A_454 = arith.index_cast %get3A_453 : i32 to index
      %get3A_455 = arith.index_cast %add3A_419 : i32 to index
      %get3A_456 = arith.index_cast %multiple_of3A_428 : i32 to index
      %get3A_457 = tpu.vector_load %arg14[%get3A_454, %get3A_455, %get3A_456] {strides = array<i32>} : memref<2x128x128xf32, #tpu.memory_space<vmem>>, vector<16xf32>,
      %add3A_458 = arith.constant 16 : i32
      %add3A_459 = arith.addi %multiple_of3A_428, %add3A_458 : i32
      %get3A_460 = arith.constant 1 : i32
      %get3A_461 = arith.index_cast %get3A_460 : i32 to index
      %get3A_462 = arith.index_cast %add3A_419 : i32 to index
      %get3A_463 = arith.index_cast %add3A_459 : i32 to index
      %get3A_464 = tpu.vector_load %arg14[%get3A_461, %get3A_462, %get3A_463] {strides = array<i32>} : memref<2x128x128xf32, #tpu.memory_space<vmem>>, vector<16xf32>,
      %sub3A_465 = arith.subf %get3A_445, %get3A_457 : vector<16xf32>
      %mul3A_466 = arith.mulf %get3A_433, %sub3A_465 : vector<16xf32>
      %sub3A_467 = arith.subf %get3A_452, %get3A_464 : vector<16xf32>
      %mul3A_468 = arith.mulf %get3A_440, %sub3A_467 : vector<16xf32>
      %add3A_469 = arith.addf %mul3A_466, %mul3A_468 : vector<16xf32>
      %add3A_470 = arith.constant 2 : i32
      %add3A_471 = arith.addi %add3A_285, %add3A_470 : i32
      %add3A_472 = vector.broadcast %add3A_471 : i32 to vector<16xi32>
      %add3A_473 = arith.addi %mul3A_12, %add3A_472 : vector<16xi32>
      tpu.vector_store_idx %arg15[%add3A_473], %add3A_469 : memref<8192xf32, #tpu.memory_space<vmem>>[vector<16xi32>], vector<16xf32>,
      %add3A_474 = arith.constant 3 : i32
      %add3A_475 = arith.addi %mul3A_283, %add3A_474 : i32
      %slice3A_476 = vector.extract_strided_slice %mul3A_291 {offsets = [3], sizes = [1], strides = [1]} : vector<16xi32> to vector<1xi32>
      %squeeze3A_477 = vector.extract %slice3A_476[0] : i32 from vector<1xi32>
      %multiple_of3A_478 = tpu.assume_multiple %squeeze3A_477, 32 : i32
      %slice3A_479 = vector.extract_strided_slice %mul3A_299 {offsets = [3], sizes = [1], strides = [1]} : vector<16xi32> to vector<1xi32>
      %squeeze3A_480 = vector.extract %slice3A_479[0] : i32 from vector<1xi32>
      %multiple_of3A_481 = tpu.assume_multiple %squeeze3A_480, 32 : i32
      %slice3A_482 = vector.extract_strided_slice %mul3A_309 {offsets = [3], sizes = [1], strides = [1]} : vector<16xi32> to vector<1xi32>
      %squeeze3A_483 = vector.extract %slice3A_482[0] : i32 from vector<1xi32>
      %multiple_of3A_484 = tpu.assume_multiple %squeeze3A_483, 32 : i32
      %get3A_485 = arith.constant 1 : i32
      %get3A_486 = arith.index_cast %get3A_485 : i32 to index
      %get3A_487 = arith.index_cast %add3A_475 : i32 to index
      %get3A_488 = arith.index_cast %multiple_of3A_478 : i32 to index
      %get3A_489 = tpu.vector_load %arg12[%get3A_486, %get3A_487, %get3A_488] {strides = array<i32>} : memref<2x128x128xf32, #tpu.memory_space<vmem>>, vector<16xf32>,
      %add3A_490 = arith.constant 16 : i32
      %add3A_491 = arith.addi %multiple_of3A_478, %add3A_490 : i32
      %get3A_492 = arith.constant 1 : i32
      %get3A_493 = arith.index_cast %get3A_492 : i32 to index
      %get3A_494 = arith.index_cast %add3A_475 : i32 to index
      %get3A_495 = arith.index_cast %add3A_491 : i32 to index
      %get3A_496 = tpu.vector_load %arg12[%get3A_493, %get3A_494, %get3A_495] {strides = array<i32>} : memref<2x128x128xf32, #tpu.memory_space<vmem>>, vector<16xf32>,
      %get3A_497 = arith.constant 1 : i32
      %get3A_498 = arith.index_cast %get3A_497 : i32 to index
      %get3A_499 = arith.index_cast %add3A_475 : i32 to index
      %get3A_500 = arith.index_cast %multiple_of3A_481 : i32 to index
      %get3A_501 = tpu.vector_load %arg13[%get3A_498, %get3A_499, %get3A_500] {strides = array<i32>} : memref<2x128x128xf32, #tpu.memory_space<vmem>>, vector<16xf32>,
      %add3A_502 = arith.constant 16 : i32
      %add3A_503 = arith.addi %multiple_of3A_481, %add3A_502 : i32
      %get3A_504 = arith.constant 1 : i32
      %get3A_505 = arith.index_cast %get3A_504 : i32 to index
      %get3A_506 = arith.index_cast %add3A_475 : i32 to index
      %get3A_507 = arith.index_cast %add3A_503 : i32 to index
      %get3A_508 = tpu.vector_load %arg13[%get3A_505, %get3A_506, %get3A_507] {strides = array<i32>} : memref<2x128x128xf32, #tpu.memory_space<vmem>>, vector<16xf32>,
      %get3A_509 = arith.constant 1 : i32
      %get3A_510 = arith.index_cast %get3A_509 : i32 to index
      %get3A_511 = arith.index_cast %add3A_475 : i32 to index
      %get3A_512 = arith.index_cast %multiple_of3A_484 : i32 to index
      %get3A_513 = tpu.vector_load %arg14[%get3A_510, %get3A_511, %get3A_512] {strides = array<i32>} : memref<2x128x128xf32, #tpu.memory_space<vmem>>, vector<16xf32>,
      %add3A_514 = arith.constant 16 : i32
      %add3A_515 = arith.addi %multiple_of3A_484, %add3A_514 : i32
      %get3A_516 = arith.constant 1 : i32
      %get3A_517 = arith.index_cast %get3A_516 : i32 to index
      %get3A_518 = arith.index_cast %add3A_475 : i32 to index
      %get3A_519 = arith.index_cast %add3A_515 : i32 to index
      %get3A_520 = tpu.vector_load %arg14[%get3A_517, %get3A_518, %get3A_519] {strides = array<i32>} : memref<2x128x128xf32, #tpu.memory_space<vmem>>, vector<16xf32>,
      %sub3A_521 = arith.subf %get3A_501, %get3A_513 : vector<16xf32>
      %mul3A_522 = arith.mulf %get3A_489, %sub3A_521 : vector<16xf32>
      %sub3A_523 = arith.subf %get3A_508, %get3A_520 : vector<16xf32>
      %mul3A_524 = arith.mulf %get3A_496, %sub3A_523 : vector<16xf32>
      %add3A_525 = arith.addf %mul3A_522, %mul3A_524 : vector<16xf32>
      %add3A_526 = arith.constant 3 : i32
      %add3A_527 = arith.addi %add3A_285, %add3A_526 : i32
      %add3A_528 = vector.broadcast %add3A_527 : i32 to vector<16xi32>
      %add3A_529 = arith.addi %mul3A_12, %add3A_528 : vector<16xi32>
      tpu.vector_store_idx %arg15[%add3A_529], %add3A_525 : memref<8192xf32, #tpu.memory_space<vmem>>[vector<16xi32>], vector<16xf32>,
      %add3A_530 = arith.constant 4 : i32
      %add3A_531 = arith.addi %mul3A_283, %add3A_530 : i32
      %slice3A_532 = vector.extract_strided_slice %mul3A_291 {offsets = [4], sizes = [1], strides = [1]} : vector<16xi32> to vector<1xi32>
      %squeeze3A_533 = vector.extract %slice3A_532[0] : i32 from vector<1xi32>
      %multiple_of3A_534 = tpu.assume_multiple %squeeze3A_533, 32 : i32
      %slice3A_535 = vector.extract_strided_slice %mul3A_299 {offsets = [4], sizes = [1], strides = [1]} : vector<16xi32> to vector<1xi32>
      %squeeze3A_536 = vector.extract %slice3A_535[0] : i32 from vector<1xi32>
      %multiple_of3A_537 = tpu.assume_multiple %squeeze3A_536, 32 : i32
      %slice3A_538 = vector.extract_strided_slice %mul3A_309 {offsets = [4], sizes = [1], strides = [1]} : vector<16xi32> to vector<1xi32>
      %squeeze3A_539 = vector.extract %slice3A_538[0] : i32 from vector<1xi32>
      %multiple_of3A_540 = tpu.assume_multiple %squeeze3A_539, 32 : i32
      %get3A_541 = arith.constant 1 : i32
      %get3A_542 = arith.index_cast %get3A_541 : i32 to index
      %get3A_543 = arith.index_cast %add3A_531 : i32 to index
      %get3A_544 = arith.index_cast %multiple_of3A_534 : i32 to index
      %get3A_545 = tpu.vector_load %arg12[%get3A_542, %get3A_543, %get3A_544] {strides = array<i32>} : memref<2x128x128xf32, #tpu.memory_space<vmem>>, vector<16xf32>,
      %add3A_546 = arith.constant 16 : i32
      %add3A_547 = arith.addi %multiple_of3A_534, %add3A_546 : i32
      %get3A_548 = arith.constant 1 : i32
      %get3A_549 = arith.index_cast %get3A_548 : i32 to index
      %get3A_550 = arith.index_cast %add3A_531 : i32 to index
      %get3A_551 = arith.index_cast %add3A_547 : i32 to index
      %get3A_552 = tpu.vector_load %arg12[%get3A_549, %get3A_550, %get3A_551] {strides = array<i32>} : memref<2x128x128xf32, #tpu.memory_space<vmem>>, vector<16xf32>,
      %get3A_553 = arith.constant 1 : i32
      %get3A_554 = arith.index_cast %get3A_553 : i32 to index
      %get3A_555 = arith.index_cast %add3A_531 : i32 to index
      %get3A_556 = arith.index_cast %multiple_of3A_537 : i32 to index
      %get3A_557 = tpu.vector_load %arg13[%get3A_554, %get3A_555, %get3A_556] {strides = array<i32>} : memref<2x128x128xf32, #tpu.memory_space<vmem>>, vector<16xf32>,
      %add3A_558 = arith.constant 16 : i32
      %add3A_559 = arith.addi %multiple_of3A_537, %add3A_558 : i32
      %get3A_560 = arith.constant 1 : i32
      %get3A_561 = arith.index_cast %get3A_560 : i32 to index
      %get3A_562 = arith.index_cast %add3A_531 : i32 to index
      %get3A_563 = arith.index_cast %add3A_559 : i32 to index
      %get3A_564 = tpu.vector_load %arg13[%get3A_561, %get3A_562, %get3A_563] {strides = array<i32>} : memref<2x128x128xf32, #tpu.memory_space<vmem>>, vector<16xf32>,
      %get3A_565 = arith.constant 1 : i32
      %get3A_566 = arith.index_cast %get3A_565 : i32 to index
      %get3A_567 = arith.index_cast %add3A_531 : i32 to index
      %get3A_568 = arith.index_cast %multiple_of3A_540 : i32 to index
      %get3A_569 = tpu.vector_load %arg14[%get3A_566, %get3A_567, %get3A_568] {strides = array<i32>} : memref<2x128x128xf32, #tpu.memory_space<vmem>>, vector<16xf32>,
      %add3A_570 = arith.constant 16 : i32
      %add3A_571 = arith.addi %multiple_of3A_540, %add3A_570 : i32
      %get3A_572 = arith.constant 1 : i32
      %get3A_573 = arith.index_cast %get3A_572 : i32 to index
      %get3A_574 = arith.index_cast %add3A_531 : i32 to index
      %get3A_575 = arith.index_cast %add3A_571 : i32 to index
      %get3A_576 = tpu.vector_load %arg14[%get3A_573, %get3A_574, %get3A_575] {strides = array<i32>} : memref<2x128x128xf32, #tpu.memory_space<vmem>>, vector<16xf32>,
      %sub3A_577 = arith.subf %get3A_557, %get3A_569 : vector<16xf32>
      %mul3A_578 = arith.mulf %get3A_545, %sub3A_577 : vector<16xf32>
      %sub3A_579 = arith.subf %get3A_564, %get3A_576 : vector<16xf32>
      %mul3A_580 = arith.mulf %get3A_552, %sub3A_579 : vector<16xf32>
      %add3A_581 = arith.addf %mul3A_578, %mul3A_580 : vector<16xf32>
      %add3A_582 = arith.constant 4 : i32
      %add3A_583 = arith.addi %add3A_285, %add3A_582 : i32
      %add3A_584 = vector.broadcast %add3A_583 : i32 to vector<16xi32>
      %add3A_585 = arith.addi %mul3A_12, %add3A_584 : vector<16xi32>
      tpu.vector_store_idx %arg15[%add3A_585], %add3A_581 : memref<8192xf32, #tpu.memory_space<vmem>>[vector<16xi32>], vector<16xf32>,
      %add3A_586 = arith.constant 5 : i32
      %add3A_587 = arith.addi %mul3A_283, %add3A_586 : i32
      %slice3A_588 = vector.extract_strided_slice %mul3A_291 {offsets = [5], sizes = [1], strides = [1]} : vector<16xi32> to vector<1xi32>
      %squeeze3A_589 = vector.extract %slice3A_588[0] : i32 from vector<1xi32>
      %multiple_of3A_590 = tpu.assume_multiple %squeeze3A_589, 32 : i32
      %slice3A_591 = vector.extract_strided_slice %mul3A_299 {offsets = [5], sizes = [1], strides = [1]} : vector<16xi32> to vector<1xi32>
      %squeeze3A_592 = vector.extract %slice3A_591[0] : i32 from vector<1xi32>
      %multiple_of3A_593 = tpu.assume_multiple %squeeze3A_592, 32 : i32
      %slice3A_594 = vector.extract_strided_slice %mul3A_309 {offsets = [5], sizes = [1], strides = [1]} : vector<16xi32> to vector<1xi32>
      %squeeze3A_595 = vector.extract %slice3A_594[0] : i32 from vector<1xi32>
      %multiple_of3A_596 = tpu.assume_multiple %squeeze3A_595, 32 : i32
      %get3A_597 = arith.constant 1 : i32
      %get3A_598 = arith.index_cast %get3A_597 : i32 to index
      %get3A_599 = arith.index_cast %add3A_587 : i32 to index
      %get3A_600 = arith.index_cast %multiple_of3A_590 : i32 to index
      %get3A_601 = tpu.vector_load %arg12[%get3A_598, %get3A_599, %get3A_600] {strides = array<i32>} : memref<2x128x128xf32, #tpu.memory_space<vmem>>, vector<16xf32>,
      %add3A_602 = arith.constant 16 : i32
      %add3A_603 = arith.addi %multiple_of3A_590, %add3A_602 : i32
      %get3A_604 = arith.constant 1 : i32
      %get3A_605 = arith.index_cast %get3A_604 : i32 to index
      %get3A_606 = arith.index_cast %add3A_587 : i32 to index
      %get3A_607 = arith.index_cast %add3A_603 : i32 to index
      %get3A_608 = tpu.vector_load %arg12[%get3A_605, %get3A_606, %get3A_607] {strides = array<i32>} : memref<2x128x128xf32, #tpu.memory_space<vmem>>, vector<16xf32>,
      %get3A_609 = arith.constant 1 : i32
      %get3A_610 = arith.index_cast %get3A_609 : i32 to index
      %get3A_611 = arith.index_cast %add3A_587 : i32 to index
      %get3A_612 = arith.index_cast %multiple_of3A_593 : i32 to index
      %get3A_613 = tpu.vector_load %arg13[%get3A_610, %get3A_611, %get3A_612] {strides = array<i32>} : memref<2x128x128xf32, #tpu.memory_space<vmem>>, vector<16xf32>,
      %add3A_614 = arith.constant 16 : i32
      %add3A_615 = arith.addi %multiple_of3A_593, %add3A_614 : i32
      %get3A_616 = arith.constant 1 : i32
      %get3A_617 = arith.index_cast %get3A_616 : i32 to index
      %get3A_618 = arith.index_cast %add3A_587 : i32 to index
      %get3A_619 = arith.index_cast %add3A_615 : i32 to index
      %get3A_620 = tpu.vector_load %arg13[%get3A_617, %get3A_618, %get3A_619] {strides = array<i32>} : memref<2x128x128xf32, #tpu.memory_space<vmem>>, vector<16xf32>,
      %get3A_621 = arith.constant 1 : i32
      %get3A_622 = arith.index_cast %get3A_621 : i32 to index
      %get3A_623 = arith.index_cast %add3A_587 : i32 to index
      %get3A_624 = arith.index_cast %multiple_of3A_596 : i32 to index
      %get3A_625 = tpu.vector_load %arg14[%get3A_622, %get3A_623, %get3A_624] {strides = array<i32>} : memref<2x128x128xf32, #tpu.memory_space<vmem>>, vector<16xf32>,
      %add3A_626 = arith.constant 16 : i32
      %add3A_627 = arith.addi %multiple_of3A_596, %add3A_626 : i32
      %get3A_628 = arith.constant 1 : i32
      %get3A_629 = arith.index_cast %get3A_628 : i32 to index
      %get3A_630 = arith.index_cast %add3A_587 : i32 to index
      %get3A_631 = arith.index_cast %add3A_627 : i32 to index
      %get3A_632 = tpu.vector_load %arg14[%get3A_629, %get3A_630, %get3A_631] {strides = array<i32>} : memref<2x128x128xf32, #tpu.memory_space<vmem>>, vector<16xf32>,
      %sub3A_633 = arith.subf %get3A_613, %get3A_625 : vector<16xf32>
      %mul3A_634 = arith.mulf %get3A_601, %sub3A_633 : vector<16xf32>
      %sub3A_635 = arith.subf %get3A_620, %get3A_632 : vector<16xf32>
      %mul3A_636 = arith.mulf %get3A_608, %sub3A_635 : vector<16xf32>
      %add3A_637 = arith.addf %mul3A_634, %mul3A_636 : vector<16xf32>
      %add3A_638 = arith.constant 5 : i32
      %add3A_639 = arith.addi %add3A_285, %add3A_638 : i32
      %add3A_640 = vector.broadcast %add3A_639 : i32 to vector<16xi32>
      %add3A_641 = arith.addi %mul3A_12, %add3A_640 : vector<16xi32>
      tpu.vector_store_idx %arg15[%add3A_641], %add3A_637 : memref<8192xf32, #tpu.memory_space<vmem>>[vector<16xi32>], vector<16xf32>,
      %add3A_642 = arith.constant 6 : i32
      %add3A_643 = arith.addi %mul3A_283, %add3A_642 : i32
      %slice3A_644 = vector.extract_strided_slice %mul3A_291 {offsets = [6], sizes = [1], strides = [1]} : vector<16xi32> to vector<1xi32>
      %squeeze3A_645 = vector.extract %slice3A_644[0] : i32 from vector<1xi32>
      %multiple_of3A_646 = tpu.assume_multiple %squeeze3A_645, 32 : i32
      %slice3A_647 = vector.extract_strided_slice %mul3A_299 {offsets = [6], sizes = [1], strides = [1]} : vector<16xi32> to vector<1xi32>
      %squeeze3A_648 = vector.extract %slice3A_647[0] : i32 from vector<1xi32>
      %multiple_of3A_649 = tpu.assume_multiple %squeeze3A_648, 32 : i32
      %slice3A_650 = vector.extract_strided_slice %mul3A_309 {offsets = [6], sizes = [1], strides = [1]} : vector<16xi32> to vector<1xi32>
      %squeeze3A_651 = vector.extract %slice3A_650[0] : i32 from vector<1xi32>
      %multiple_of3A_652 = tpu.assume_multiple %squeeze3A_651, 32 : i32
      %get3A_653 = arith.constant 1 : i32
      %get3A_654 = arith.index_cast %get3A_653 : i32 to index
      %get3A_655 = arith.index_cast %add3A_643 : i32 to index
      %get3A_656 = arith.index_cast %multiple_of3A_646 : i32 to index
      %get3A_657 = tpu.vector_load %arg12[%get3A_654, %get3A_655, %get3A_656] {strides = array<i32>} : memref<2x128x128xf32, #tpu.memory_space<vmem>>, vector<16xf32>,
      %add3A_658 = arith.constant 16 : i32
      %add3A_659 = arith.addi %multiple_of3A_646, %add3A_658 : i32
      %get3A_660 = arith.constant 1 : i32
      %get3A_661 = arith.index_cast %get3A_660 : i32 to index
      %get3A_662 = arith.index_cast %add3A_643 : i32 to index
      %get3A_663 = arith.index_cast %add3A_659 : i32 to index
      %get3A_664 = tpu.vector_load %arg12[%get3A_661, %get3A_662, %get3A_663] {strides = array<i32>} : memref<2x128x128xf32, #tpu.memory_space<vmem>>, vector<16xf32>,
      %get3A_665 = arith.constant 1 : i32
      %get3A_666 = arith.index_cast %get3A_665 : i32 to index
      %get3A_667 = arith.index_cast %add3A_643 : i32 to index
      %get3A_668 = arith.index_cast %multiple_of3A_649 : i32 to index
      %get3A_669 = tpu.vector_load %arg13[%get3A_666, %get3A_667, %get3A_668] {strides = array<i32>} : memref<2x128x128xf32, #tpu.memory_space<vmem>>, vector<16xf32>,
      %add3A_670 = arith.constant 16 : i32
      %add3A_671 = arith.addi %multiple_of3A_649, %add3A_670 : i32
      %get3A_672 = arith.constant 1 : i32
      %get3A_673 = arith.index_cast %get3A_672 : i32 to index
      %get3A_674 = arith.index_cast %add3A_643 : i32 to index
      %get3A_675 = arith.index_cast %add3A_671 : i32 to index
      %get3A_676 = tpu.vector_load %arg13[%get3A_673, %get3A_674, %get3A_675] {strides = array<i32>} : memref<2x128x128xf32, #tpu.memory_space<vmem>>, vector<16xf32>,
      %get3A_677 = arith.constant 1 : i32
      %get3A_678 = arith.index_cast %get3A_677 : i32 to index
      %get3A_679 = arith.index_cast %add3A_643 : i32 to index
      %get3A_680 = arith.index_cast %multiple_of3A_652 : i32 to index
      %get3A_681 = tpu.vector_load %arg14[%get3A_678, %get3A_679, %get3A_680] {strides = array<i32>} : memref<2x128x128xf32, #tpu.memory_space<vmem>>, vector<16xf32>,
      %add3A_682 = arith.constant 16 : i32
      %add3A_683 = arith.addi %multiple_of3A_652, %add3A_682 : i32
      %get3A_684 = arith.constant 1 : i32
      %get3A_685 = arith.index_cast %get3A_684 : i32 to index
      %get3A_686 = arith.index_cast %add3A_643 : i32 to index
      %get3A_687 = arith.index_cast %add3A_683 : i32 to index
      %get3A_688 = tpu.vector_load %arg14[%get3A_685, %get3A_686, %get3A_687] {strides = array<i32>} : memref<2x128x128xf32, #tpu.memory_space<vmem>>, vector<16xf32>,
      %sub3A_689 = arith.subf %get3A_669, %get3A_681 : vector<16xf32>
      %mul3A_690 = arith.mulf %get3A_657, %sub3A_689 : vector<16xf32>
      %sub3A_691 = arith.subf %get3A_676, %get3A_688 : vector<16xf32>
      %mul3A_692 = arith.mulf %get3A_664, %sub3A_691 : vector<16xf32>
      %add3A_693 = arith.addf %mul3A_690, %mul3A_692 : vector<16xf32>
      %add3A_694 = arith.constant 6 : i32
      %add3A_695 = arith.addi %add3A_285, %add3A_694 : i32
      %add3A_696 = vector.broadcast %add3A_695 : i32 to vector<16xi32>
      %add3A_697 = arith.addi %mul3A_12, %add3A_696 : vector<16xi32>
      tpu.vector_store_idx %arg15[%add3A_697], %add3A_693 : memref<8192xf32, #tpu.memory_space<vmem>>[vector<16xi32>], vector<16xf32>,
      %add3A_698 = arith.constant 7 : i32
      %add3A_699 = arith.addi %mul3A_283, %add3A_698 : i32
      %slice3A_700 = vector.extract_strided_slice %mul3A_291 {offsets = [7], sizes = [1], strides = [1]} : vector<16xi32> to vector<1xi32>
      %squeeze3A_701 = vector.extract %slice3A_700[0] : i32 from vector<1xi32>
      %multiple_of3A_702 = tpu.assume_multiple %squeeze3A_701, 32 : i32
      %slice3A_703 = vector.extract_strided_slice %mul3A_299 {offsets = [7], sizes = [1], strides = [1]} : vector<16xi32> to vector<1xi32>
      %squeeze3A_704 = vector.extract %slice3A_703[0] : i32 from vector<1xi32>
      %multiple_of3A_705 = tpu.assume_multiple %squeeze3A_704, 32 : i32
      %slice3A_706 = vector.extract_strided_slice %mul3A_309 {offsets = [7], sizes = [1], strides = [1]} : vector<16xi32> to vector<1xi32>
      %squeeze3A_707 = vector.extract %slice3A_706[0] : i32 from vector<1xi32>
      %multiple_of3A_708 = tpu.assume_multiple %squeeze3A_707, 32 : i32
      %get3A_709 = arith.constant 1 : i32
      %get3A_710 = arith.index_cast %get3A_709 : i32 to index
      %get3A_711 = arith.index_cast %add3A_699 : i32 to index
      %get3A_712 = arith.index_cast %multiple_of3A_702 : i32 to index
      %get3A_713 = tpu.vector_load %arg12[%get3A_710, %get3A_711, %get3A_712] {strides = array<i32>} : memref<2x128x128xf32, #tpu.memory_space<vmem>>, vector<16xf32>,
      %add3A_714 = arith.constant 16 : i32
      %add3A_715 = arith.addi %multiple_of3A_702, %add3A_714 : i32
      %get3A_716 = arith.constant 1 : i32
      %get3A_717 = arith.index_cast %get3A_716 : i32 to index
      %get3A_718 = arith.index_cast %add3A_699 : i32 to index
      %get3A_719 = arith.index_cast %add3A_715 : i32 to index
      %get3A_720 = tpu.vector_load %arg12[%get3A_717, %get3A_718, %get3A_719] {strides = array<i32>} : memref<2x128x128xf32, #tpu.memory_space<vmem>>, vector<16xf32>,
      %get3A_721 = arith.constant 1 : i32
      %get3A_722 = arith.index_cast %get3A_721 : i32 to index
      %get3A_723 = arith.index_cast %add3A_699 : i32 to index
      %get3A_724 = arith.index_cast %multiple_of3A_705 : i32 to index
      %get3A_725 = tpu.vector_load %arg13[%get3A_722, %get3A_723, %get3A_724] {strides = array<i32>} : memref<2x128x128xf32, #tpu.memory_space<vmem>>, vector<16xf32>,
      %add3A_726 = arith.constant 16 : i32
      %add3A_727 = arith.addi %multiple_of3A_705, %add3A_726 : i32
      %get3A_728 = arith.constant 1 : i32
      %get3A_729 = arith.index_cast %get3A_728 : i32 to index
      %get3A_730 = arith.index_cast %add3A_699 : i32 to index
      %get3A_731 = arith.index_cast %add3A_727 : i32 to index
      %get3A_732 = tpu.vector_load %arg13[%get3A_729, %get3A_730, %get3A_731] {strides = array<i32>} : memref<2x128x128xf32, #tpu.memory_space<vmem>>, vector<16xf32>,
      %get3A_733 = arith.constant 1 : i32
      %get3A_734 = arith.index_cast %get3A_733 : i32 to index
      %get3A_735 = arith.index_cast %add3A_699 : i32 to index
      %get3A_736 = arith.index_cast %multiple_of3A_708 : i32 to index
      %get3A_737 = tpu.vector_load %arg14[%get3A_734, %get3A_735, %get3A_736] {strides = array<i32>} : memref<2x128x128xf32, #tpu.memory_space<vmem>>, vector<16xf32>,
      %add3A_738 = arith.constant 16 : i32
      %add3A_739 = arith.addi %multiple_of3A_708, %add3A_738 : i32
      %get3A_740 = arith.constant 1 : i32
      %get3A_741 = arith.index_cast %get3A_740 : i32 to index
      %get3A_742 = arith.index_cast %add3A_699 : i32 to index
      %get3A_743 = arith.index_cast %add3A_739 : i32 to index
      %get3A_744 = tpu.vector_load %arg14[%get3A_741, %get3A_742, %get3A_743] {strides = array<i32>} : memref<2x128x128xf32, #tpu.memory_space<vmem>>, vector<16xf32>,
      %sub3A_745 = arith.subf %get3A_725, %get3A_737 : vector<16xf32>
      %mul3A_746 = arith.mulf %get3A_713, %sub3A_745 : vector<16xf32>
      %sub3A_747 = arith.subf %get3A_732, %get3A_744 : vector<16xf32>
      %mul3A_748 = arith.mulf %get3A_720, %sub3A_747 : vector<16xf32>
      %add3A_749 = arith.addf %mul3A_746, %mul3A_748 : vector<16xf32>
      %add3A_750 = arith.constant 7 : i32
      %add3A_751 = arith.addi %add3A_285, %add3A_750 : i32
      %add3A_752 = vector.broadcast %add3A_751 : i32 to vector<16xi32>
      %add3A_753 = arith.addi %mul3A_12, %add3A_752 : vector<16xi32>
      tpu.vector_store_idx %arg15[%add3A_753], %add3A_749 : memref<8192xf32, #tpu.memory_space<vmem>>[vector<16xi32>], vector<16xf32>,
      %add3A_754 = arith.constant 8 : i32
      %add3A_755 = arith.addi %mul3A_283, %add3A_754 : i32
      %slice3A_756 = vector.extract_strided_slice %mul3A_291 {offsets = [8], sizes = [1], strides = [1]} : vector<16xi32> to vector<1xi32>
      %squeeze3A_757 = vector.extract %slice3A_756[0] : i32 from vector<1xi32>
      %multiple_of3A_758 = tpu.assume_multiple %squeeze3A_757, 32 : i32
      %slice3A_759 = vector.extract_strided_slice %mul3A_299 {offsets = [8], sizes = [1], strides = [1]} : vector<16xi32> to vector<1xi32>
      %squeeze3A_760 = vector.extract %slice3A_759[0] : i32 from vector<1xi32>
      %multiple_of3A_761 = tpu.assume_multiple %squeeze3A_760, 32 : i32
      %slice3A_762 = vector.extract_strided_slice %mul3A_309 {offsets = [8], sizes = [1], strides = [1]} : vector<16xi32> to vector<1xi32>
      %squeeze3A_763 = vector.extract %slice3A_762[0] : i32 from vector<1xi32>
      %multiple_of3A_764 = tpu.assume_multiple %squeeze3A_763, 32 : i32
      %get3A_765 = arith.constant 1 : i32
      %get3A_766 = arith.index_cast %get3A_765 : i32 to index
      %get3A_767 = arith.index_cast %add3A_755 : i32 to index
      %get3A_768 = arith.index_cast %multiple_of3A_758 : i32 to index
      %get3A_769 = tpu.vector_load %arg12[%get3A_766, %get3A_767, %get3A_768] {strides = array<i32>} : memref<2x128x128xf32, #tpu.memory_space<vmem>>, vector<16xf32>,
      %add3A_770 = arith.constant 16 : i32
      %add3A_771 = arith.addi %multiple_of3A_758, %add3A_770 : i32
      %get3A_772 = arith.constant 1 : i32
      %get3A_773 = arith.index_cast %get3A_772 : i32 to index
      %get3A_774 = arith.index_cast %add3A_755 : i32 to index
      %get3A_775 = arith.index_cast %add3A_771 : i32 to index
      %get3A_776 = tpu.vector_load %arg12[%get3A_773, %get3A_774, %get3A_775] {strides = array<i32>} : memref<2x128x128xf32, #tpu.memory_space<vmem>>, vector<16xf32>,
      %get3A_777 = arith.constant 1 : i32
      %get3A_778 = arith.index_cast %get3A_777 : i32 to index
      %get3A_779 = arith.index_cast %add3A_755 : i32 to index
      %get3A_780 = arith.index_cast %multiple_of3A_761 : i32 to index
      %get3A_781 = tpu.vector_load %arg13[%get3A_778, %get3A_779, %get3A_780] {strides = array<i32>} : memref<2x128x128xf32, #tpu.memory_space<vmem>>, vector<16xf32>,
      %add3A_782 = arith.constant 16 : i32
      %add3A_783 = arith.addi %multiple_of3A_761, %add3A_782 : i32
      %get3A_784 = arith.constant 1 : i32
      %get3A_785 = arith.index_cast %get3A_784 : i32 to index
      %get3A_786 = arith.index_cast %add3A_755 : i32 to index
      %get3A_787 = arith.index_cast %add3A_783 : i32 to index
      %get3A_788 = tpu.vector_load %arg13[%get3A_785, %get3A_786, %get3A_787] {strides = array<i32>} : memref<2x128x128xf32, #tpu.memory_space<vmem>>, vector<16xf32>,
      %get3A_789 = arith.constant 1 : i32
      %get3A_790 = arith.index_cast %get3A_789 : i32 to index
      %get3A_791 = arith.index_cast %add3A_755 : i32 to index
      %get3A_792 = arith.index_cast %multiple_of3A_764 : i32 to index
      %get3A_793 = tpu.vector_load %arg14[%get3A_790, %get3A_791, %get3A_792] {strides = array<i32>} : memref<2x128x128xf32, #tpu.memory_space<vmem>>, vector<16xf32>,
      %add3A_794 = arith.constant 16 : i32
      %add3A_795 = arith.addi %multiple_of3A_764, %add3A_794 : i32
      %get3A_796 = arith.constant 1 : i32
      %get3A_797 = arith.index_cast %get3A_796 : i32 to index
      %get3A_798 = arith.index_cast %add3A_755 : i32 to index
      %get3A_799 = arith.index_cast %add3A_795 : i32 to index
      %get3A_800 = tpu.vector_load %arg14[%get3A_797, %get3A_798, %get3A_799] {strides = array<i32>} : memref<2x128x128xf32, #tpu.memory_space<vmem>>, vector<16xf32>,
      %sub3A_801 = arith.subf %get3A_781, %get3A_793 : vector<16xf32>
      %mul3A_802 = arith.mulf %get3A_769, %sub3A_801 : vector<16xf32>
      %sub3A_803 = arith.subf %get3A_788, %get3A_800 : vector<16xf32>
      %mul3A_804 = arith.mulf %get3A_776, %sub3A_803 : vector<16xf32>
      %add3A_805 = arith.addf %mul3A_802, %mul3A_804 : vector<16xf32>
      %add3A_806 = arith.constant 8 : i32
      %add3A_807 = arith.addi %add3A_285, %add3A_806 : i32
      %add3A_808 = vector.broadcast %add3A_807 : i32 to vector<16xi32>
      %add3A_809 = arith.addi %mul3A_12, %add3A_808 : vector<16xi32>
      tpu.vector_store_idx %arg15[%add3A_809], %add3A_805 : memref<8192xf32, #tpu.memory_space<vmem>>[vector<16xi32>], vector<16xf32>,
      %add3A_810 = arith.constant 9 : i32
      %add3A_811 = arith.addi %mul3A_283, %add3A_810 : i32
      %slice3A_812 = vector.extract_strided_slice %mul3A_291 {offsets = [9], sizes = [1], strides = [1]} : vector<16xi32> to vector<1xi32>
      %squeeze3A_813 = vector.extract %slice3A_812[0] : i32 from vector<1xi32>
      %multiple_of3A_814 = tpu.assume_multiple %squeeze3A_813, 32 : i32
      %slice3A_815 = vector.extract_strided_slice %mul3A_299 {offsets = [9], sizes = [1], strides = [1]} : vector<16xi32> to vector<1xi32>
      %squeeze3A_816 = vector.extract %slice3A_815[0] : i32 from vector<1xi32>
      %multiple_of3A_817 = tpu.assume_multiple %squeeze3A_816, 32 : i32
      %slice3A_818 = vector.extract_strided_slice %mul3A_309 {offsets = [9], sizes = [1], strides = [1]} : vector<16xi32> to vector<1xi32>
      %squeeze3A_819 = vector.extract %slice3A_818[0] : i32 from vector<1xi32>
      %multiple_of3A_820 = tpu.assume_multiple %squeeze3A_819, 32 : i32
      %get3A_821 = arith.constant 1 : i32
      %get3A_822 = arith.index_cast %get3A_821 : i32 to index
      %get3A_823 = arith.index_cast %add3A_811 : i32 to index
      %get3A_824 = arith.index_cast %multiple_of3A_814 : i32 to index
      %get3A_825 = tpu.vector_load %arg12[%get3A_822, %get3A_823, %get3A_824] {strides = array<i32>} : memref<2x128x128xf32, #tpu.memory_space<vmem>>, vector<16xf32>,
      %add3A_826 = arith.constant 16 : i32
      %add3A_827 = arith.addi %multiple_of3A_814, %add3A_826 : i32
      %get3A_828 = arith.constant 1 : i32
      %get3A_829 = arith.index_cast %get3A_828 : i32 to index
      %get3A_830 = arith.index_cast %add3A_811 : i32 to index
      %get3A_831 = arith.index_cast %add3A_827 : i32 to index
      %get3A_832 = tpu.vector_load %arg12[%get3A_829, %get3A_830, %get3A_831] {strides = array<i32>} : memref<2x128x128xf32, #tpu.memory_space<vmem>>, vector<16xf32>,
      %get3A_833 = arith.constant 1 : i32
      %get3A_834 = arith.index_cast %get3A_833 : i32 to index
      %get3A_835 = arith.index_cast %add3A_811 : i32 to index
      %get3A_836 = arith.index_cast %multiple_of3A_817 : i32 to index
      %get3A_837 = tpu.vector_load %arg13[%get3A_834, %get3A_835, %get3A_836] {strides = array<i32>} : memref<2x128x128xf32, #tpu.memory_space<vmem>>, vector<16xf32>,
      %add3A_838 = arith.constant 16 : i32
      %add3A_839 = arith.addi %multiple_of3A_817, %add3A_838 : i32
      %get3A_840 = arith.constant 1 : i32
      %get3A_841 = arith.index_cast %get3A_840 : i32 to index
      %get3A_842 = arith.index_cast %add3A_811 : i32 to index
      %get3A_843 = arith.index_cast %add3A_839 : i32 to index
      %get3A_844 = tpu.vector_load %arg13[%get3A_841, %get3A_842, %get3A_843] {strides = array<i32>} : memref<2x128x128xf32, #tpu.memory_space<vmem>>, vector<16xf32>,
      %get3A_845 = arith.constant 1 : i32
      %get3A_846 = arith.index_cast %get3A_845 : i32 to index
      %get3A_847 = arith.index_cast %add3A_811 : i32 to index
      %get3A_848 = arith.index_cast %multiple_of3A_820 : i32 to index
      %get3A_849 = tpu.vector_load %arg14[%get3A_846, %get3A_847, %get3A_848] {strides = array<i32>} : memref<2x128x128xf32, #tpu.memory_space<vmem>>, vector<16xf32>,
      %add3A_850 = arith.constant 16 : i32
      %add3A_851 = arith.addi %multiple_of3A_820, %add3A_850 : i32
      %get3A_852 = arith.constant 1 : i32
      %get3A_853 = arith.index_cast %get3A_852 : i32 to index
      %get3A_854 = arith.index_cast %add3A_811 : i32 to index
      %get3A_855 = arith.index_cast %add3A_851 : i32 to index
      %get3A_856 = tpu.vector_load %arg14[%get3A_853, %get3A_854, %get3A_855] {strides = array<i32>} : memref<2x128x128xf32, #tpu.memory_space<vmem>>, vector<16xf32>,
      %sub3A_857 = arith.subf %get3A_837, %get3A_849 : vector<16xf32>
      %mul3A_858 = arith.mulf %get3A_825, %sub3A_857 : vector<16xf32>
      %sub3A_859 = arith.subf %get3A_844, %get3A_856 : vector<16xf32>
      %mul3A_860 = arith.mulf %get3A_832, %sub3A_859 : vector<16xf32>
      %add3A_861 = arith.addf %mul3A_858, %mul3A_860 : vector<16xf32>
      %add3A_862 = arith.constant 9 : i32
      %add3A_863 = arith.addi %add3A_285, %add3A_862 : i32
      %add3A_864 = vector.broadcast %add3A_863 : i32 to vector<16xi32>
      %add3A_865 = arith.addi %mul3A_12, %add3A_864 : vector<16xi32>
      tpu.vector_store_idx %arg15[%add3A_865], %add3A_861 : memref<8192xf32, #tpu.memory_space<vmem>>[vector<16xi32>], vector<16xf32>,
      %add3A_866 = arith.constant 10 : i32
      %add3A_867 = arith.addi %mul3A_283, %add3A_866 : i32
      %slice3A_868 = vector.extract_strided_slice %mul3A_291 {offsets = [10], sizes = [1], strides = [1]} : vector<16xi32> to vector<1xi32>
      %squeeze3A_869 = vector.extract %slice3A_868[0] : i32 from vector<1xi32>
      %multiple_of3A_870 = tpu.assume_multiple %squeeze3A_869, 32 : i32
      %slice3A_871 = vector.extract_strided_slice %mul3A_299 {offsets = [10], sizes = [1], strides = [1]} : vector<16xi32> to vector<1xi32>
      %squeeze3A_872 = vector.extract %slice3A_871[0] : i32 from vector<1xi32>
      %multiple_of3A_873 = tpu.assume_multiple %squeeze3A_872, 32 : i32
      %slice3A_874 = vector.extract_strided_slice %mul3A_309 {offsets = [10], sizes = [1], strides = [1]} : vector<16xi32> to vector<1xi32>
      %squeeze3A_875 = vector.extract %slice3A_874[0] : i32 from vector<1xi32>
      %multiple_of3A_876 = tpu.assume_multiple %squeeze3A_875, 32 : i32
      %get3A_877 = arith.constant 1 : i32
      %get3A_878 = arith.index_cast %get3A_877 : i32 to index
      %get3A_879 = arith.index_cast %add3A_867 : i32 to index
      %get3A_880 = arith.index_cast %multiple_of3A_870 : i32 to index
      %get3A_881 = tpu.vector_load %arg12[%get3A_878, %get3A_879, %get3A_880] {strides = array<i32>} : memref<2x128x128xf32, #tpu.memory_space<vmem>>, vector<16xf32>,
      %add3A_882 = arith.constant 16 : i32
      %add3A_883 = arith.addi %multiple_of3A_870, %add3A_882 : i32
      %get3A_884 = arith.constant 1 : i32
      %get3A_885 = arith.index_cast %get3A_884 : i32 to index
      %get3A_886 = arith.index_cast %add3A_867 : i32 to index
      %get3A_887 = arith.index_cast %add3A_883 : i32 to index
      %get3A_888 = tpu.vector_load %arg12[%get3A_885, %get3A_886, %get3A_887] {strides = array<i32>} : memref<2x128x128xf32, #tpu.memory_space<vmem>>, vector<16xf32>,
      %get3A_889 = arith.constant 1 : i32
      %get3A_890 = arith.index_cast %get3A_889 : i32 to index
      %get3A_891 = arith.index_cast %add3A_867 : i32 to index
      %get3A_892 = arith.index_cast %multiple_of3A_873 : i32 to index
      %get3A_893 = tpu.vector_load %arg13[%get3A_890, %get3A_891, %get3A_892] {strides = array<i32>} : memref<2x128x128xf32, #tpu.memory_space<vmem>>, vector<16xf32>,
      %add3A_894 = arith.constant 16 : i32
      %add3A_895 = arith.addi %multiple_of3A_873, %add3A_894 : i32
      %get3A_896 = arith.constant 1 : i32
      %get3A_897 = arith.index_cast %get3A_896 : i32 to index
      %get3A_898 = arith.index_cast %add3A_867 : i32 to index
      %get3A_899 = arith.index_cast %add3A_895 : i32 to index
      %get3A_900 = tpu.vector_load %arg13[%get3A_897, %get3A_898, %get3A_899] {strides = array<i32>} : memref<2x128x128xf32, #tpu.memory_space<vmem>>, vector<16xf32>,
      %get3A_901 = arith.constant 1 : i32
      %get3A_902 = arith.index_cast %get3A_901 : i32 to index
      %get3A_903 = arith.index_cast %add3A_867 : i32 to index
      %get3A_904 = arith.index_cast %multiple_of3A_876 : i32 to index
      %get3A_905 = tpu.vector_load %arg14[%get3A_902, %get3A_903, %get3A_904] {strides = array<i32>} : memref<2x128x128xf32, #tpu.memory_space<vmem>>, vector<16xf32>,
      %add3A_906 = arith.constant 16 : i32
      %add3A_907 = arith.addi %multiple_of3A_876, %add3A_906 : i32
      %get3A_908 = arith.constant 1 : i32
      %get3A_909 = arith.index_cast %get3A_908 : i32 to index
      %get3A_910 = arith.index_cast %add3A_867 : i32 to index
      %get3A_911 = arith.index_cast %add3A_907 : i32 to index
      %get3A_912 = tpu.vector_load %arg14[%get3A_909, %get3A_910, %get3A_911] {strides = array<i32>} : memref<2x128x128xf32, #tpu.memory_space<vmem>>, vector<16xf32>,
      %sub3A_913 = arith.subf %get3A_893, %get3A_905 : vector<16xf32>
      %mul3A_914 = arith.mulf %get3A_881, %sub3A_913 : vector<16xf32>
      %sub3A_915 = arith.subf %get3A_900, %get3A_912 : vector<16xf32>
      %mul3A_916 = arith.mulf %get3A_888, %sub3A_915 : vector<16xf32>
      %add3A_917 = arith.addf %mul3A_914, %mul3A_916 : vector<16xf32>
      %add3A_918 = arith.constant 10 : i32
      %add3A_919 = arith.addi %add3A_285, %add3A_918 : i32
      %add3A_920 = vector.broadcast %add3A_919 : i32 to vector<16xi32>
      %add3A_921 = arith.addi %mul3A_12, %add3A_920 : vector<16xi32>
      tpu.vector_store_idx %arg15[%add3A_921], %add3A_917 : memref<8192xf32, #tpu.memory_space<vmem>>[vector<16xi32>], vector<16xf32>,
      %add3A_922 = arith.constant 11 : i32
      %add3A_923 = arith.addi %mul3A_283, %add3A_922 : i32
      %slice3A_924 = vector.extract_strided_slice %mul3A_291 {offsets = [11], sizes = [1], strides = [1]} : vector<16xi32> to vector<1xi32>
      %squeeze3A_925 = vector.extract %slice3A_924[0] : i32 from vector<1xi32>
      %multiple_of3A_926 = tpu.assume_multiple %squeeze3A_925, 32 : i32
      %slice3A_927 = vector.extract_strided_slice %mul3A_299 {offsets = [11], sizes = [1], strides = [1]} : vector<16xi32> to vector<1xi32>
      %squeeze3A_928 = vector.extract %slice3A_927[0] : i32 from vector<1xi32>
      %multiple_of3A_929 = tpu.assume_multiple %squeeze3A_928, 32 : i32
      %slice3A_930 = vector.extract_strided_slice %mul3A_309 {offsets = [11], sizes = [1], strides = [1]} : vector<16xi32> to vector<1xi32>
      %squeeze3A_931 = vector.extract %slice3A_930[0] : i32 from vector<1xi32>
      %multiple_of3A_932 = tpu.assume_multiple %squeeze3A_931, 32 : i32
      %get3A_933 = arith.constant 1 : i32
      %get3A_934 = arith.index_cast %get3A_933 : i32 to index
      %get3A_935 = arith.index_cast %add3A_923 : i32 to index
      %get3A_936 = arith.index_cast %multiple_of3A_926 : i32 to index
      %get3A_937 = tpu.vector_load %arg12[%get3A_934, %get3A_935, %get3A_936] {strides = array<i32>} : memref<2x128x128xf32, #tpu.memory_space<vmem>>, vector<16xf32>,
      %add3A_938 = arith.constant 16 : i32
      %add3A_939 = arith.addi %multiple_of3A_926, %add3A_938 : i32
      %get3A_940 = arith.constant 1 : i32
      %get3A_941 = arith.index_cast %get3A_940 : i32 to index
      %get3A_942 = arith.index_cast %add3A_923 : i32 to index
      %get3A_943 = arith.index_cast %add3A_939 : i32 to index
      %get3A_944 = tpu.vector_load %arg12[%get3A_941, %get3A_942, %get3A_943] {strides = array<i32>} : memref<2x128x128xf32, #tpu.memory_space<vmem>>, vector<16xf32>,
      %get3A_945 = arith.constant 1 : i32
      %get3A_946 = arith.index_cast %get3A_945 : i32 to index
      %get3A_947 = arith.index_cast %add3A_923 : i32 to index
      %get3A_948 = arith.index_cast %multiple_of3A_929 : i32 to index
      %get3A_949 = tpu.vector_load %arg13[%get3A_946, %get3A_947, %get3A_948] {strides = array<i32>} : memref<2x128x128xf32, #tpu.memory_space<vmem>>, vector<16xf32>,
      %add3A_950 = arith.constant 16 : i32
      %add3A_951 = arith.addi %multiple_of3A_929, %add3A_950 : i32
      %get3A_952 = arith.constant 1 : i32
      %get3A_953 = arith.index_cast %get3A_952 : i32 to index
      %get3A_954 = arith.index_cast %add3A_923 : i32 to index
      %get3A_955 = arith.index_cast %add3A_951 : i32 to index
      %get3A_956 = tpu.vector_load %arg13[%get3A_953, %get3A_954, %get3A_955] {strides = array<i32>} : memref<2x128x128xf32, #tpu.memory_space<vmem>>, vector<16xf32>,
      %get3A_957 = arith.constant 1 : i32
      %get3A_958 = arith.index_cast %get3A_957 : i32 to index
      %get3A_959 = arith.index_cast %add3A_923 : i32 to index
      %get3A_960 = arith.index_cast %multiple_of3A_932 : i32 to index
      %get3A_961 = tpu.vector_load %arg14[%get3A_958, %get3A_959, %get3A_960] {strides = array<i32>} : memref<2x128x128xf32, #tpu.memory_space<vmem>>, vector<16xf32>,
      %add3A_962 = arith.constant 16 : i32
      %add3A_963 = arith.addi %multiple_of3A_932, %add3A_962 : i32
      %get3A_964 = arith.constant 1 : i32
      %get3A_965 = arith.index_cast %get3A_964 : i32 to index
      %get3A_966 = arith.index_cast %add3A_923 : i32 to index
      %get3A_967 = arith.index_cast %add3A_963 : i32 to index
      %get3A_968 = tpu.vector_load %arg14[%get3A_965, %get3A_966, %get3A_967] {strides = array<i32>} : memref<2x128x128xf32, #tpu.memory_space<vmem>>, vector<16xf32>,
      %sub3A_969 = arith.subf %get3A_949, %get3A_961 : vector<16xf32>
      %mul3A_970 = arith.mulf %get3A_937, %sub3A_969 : vector<16xf32>
      %sub3A_971 = arith.subf %get3A_956, %get3A_968 : vector<16xf32>
      %mul3A_972 = arith.mulf %get3A_944, %sub3A_971 : vector<16xf32>
      %add3A_973 = arith.addf %mul3A_970, %mul3A_972 : vector<16xf32>
      %add3A_974 = arith.constant 11 : i32
      %add3A_975 = arith.addi %add3A_285, %add3A_974 : i32
      %add3A_976 = vector.broadcast %add3A_975 : i32 to vector<16xi32>
      %add3A_977 = arith.addi %mul3A_12, %add3A_976 : vector<16xi32>
      tpu.vector_store_idx %arg15[%add3A_977], %add3A_973 : memref<8192xf32, #tpu.memory_space<vmem>>[vector<16xi32>], vector<16xf32>,
      %add3A_978 = arith.constant 12 : i32
      %add3A_979 = arith.addi %mul3A_283, %add3A_978 : i32
      %slice3A_980 = vector.extract_strided_slice %mul3A_291 {offsets = [12], sizes = [1], strides = [1]} : vector<16xi32> to vector<1xi32>
      %squeeze3A_981 = vector.extract %slice3A_980[0] : i32 from vector<1xi32>
      %multiple_of3A_982 = tpu.assume_multiple %squeeze3A_981, 32 : i32
      %slice3A_983 = vector.extract_strided_slice %mul3A_299 {offsets = [12], sizes = [1], strides = [1]} : vector<16xi32> to vector<1xi32>
      %squeeze3A_984 = vector.extract %slice3A_983[0] : i32 from vector<1xi32>
      %multiple_of3A_985 = tpu.assume_multiple %squeeze3A_984, 32 : i32
      %slice3A_986 = vector.extract_strided_slice %mul3A_309 {offsets = [12], sizes = [1], strides = [1]} : vector<16xi32> to vector<1xi32>
      %squeeze3A_987 = vector.extract %slice3A_986[0] : i32 from vector<1xi32>
      %multiple_of3A_988 = tpu.assume_multiple %squeeze3A_987, 32 : i32
      %get3A_989 = arith.constant 1 : i32
      %get3A_990 = arith.index_cast %get3A_989 : i32 to index
      %get3A_991 = arith.index_cast %add3A_979 : i32 to index
      %get3A_992 = arith.index_cast %multiple_of3A_982 : i32 to index
      %get3A_993 = tpu.vector_load %arg12[%get3A_990, %get3A_991, %get3A_992] {strides = array<i32>} : memref<2x128x128xf32, #tpu.memory_space<vmem>>, vector<16xf32>,
      %add3A_994 = arith.constant 16 : i32
      %add3A_995 = arith.addi %multiple_of3A_982, %add3A_994 : i32
      %get3A_996 = arith.constant 1 : i32
      %get3A_997 = arith.index_cast %get3A_996 : i32 to index
      %get3A_998 = arith.index_cast %add3A_979 : i32 to index
      %get3A_999 = arith.index_cast %add3A_995 : i32 to index
      %get3A_1000 = tpu.vector_load %arg12[%get3A_997, %get3A_998, %get3A_999] {strides = array<i32>} : memref<2x128x128xf32, #tpu.memory_space<vmem>>, vector<16xf32>,
      %get3A_1001 = arith.constant 1 : i32
      %get3A_1002 = arith.index_cast %get3A_1001 : i32 to index
      %get3A_1003 = arith.index_cast %add3A_979 : i32 to index
      %get3A_1004 = arith.index_cast %multiple_of3A_985 : i32 to index
      %get3A_1005 = tpu.vector_load %arg13[%get3A_1002, %get3A_1003, %get3A_1004] {strides = array<i32>} : memref<2x128x128xf32, #tpu.memory_space<vmem>>, vector<16xf32>,
      %add3A_1006 = arith.constant 16 : i32
      %add3A_1007 = arith.addi %multiple_of3A_985, %add3A_1006 : i32
      %get3A_1008 = arith.constant 1 : i32
      %get3A_1009 = arith.index_cast %get3A_1008 : i32 to index
      %get3A_1010 = arith.index_cast %add3A_979 : i32 to index
      %get3A_1011 = arith.index_cast %add3A_1007 : i32 to index
      %get3A_1012 = tpu.vector_load %arg13[%get3A_1009, %get3A_1010, %get3A_1011] {strides = array<i32>} : memref<2x128x128xf32, #tpu.memory_space<vmem>>, vector<16xf32>,
      %get3A_1013 = arith.constant 1 : i32
      %get3A_1014 = arith.index_cast %get3A_1013 : i32 to index
      %get3A_1015 = arith.index_cast %add3A_979 : i32 to index
      %get3A_1016 = arith.index_cast %multiple_of3A_988 : i32 to index
      %get3A_1017 = tpu.vector_load %arg14[%get3A_1014, %get3A_1015, %get3A_1016] {strides = array<i32>} : memref<2x128x128xf32, #tpu.memory_space<vmem>>, vector<16xf32>,
      %add3A_1018 = arith.constant 16 : i32
      %add3A_1019 = arith.addi %multiple_of3A_988, %add3A_1018 : i32
      %get3A_1020 = arith.constant 1 : i32
      %get3A_1021 = arith.index_cast %get3A_1020 : i32 to index
      %get3A_1022 = arith.index_cast %add3A_979 : i32 to index
      %get3A_1023 = arith.index_cast %add3A_1019 : i32 to index
      %get3A_1024 = tpu.vector_load %arg14[%get3A_1021, %get3A_1022, %get3A_1023] {strides = array<i32>} : memref<2x128x128xf32, #tpu.memory_space<vmem>>, vector<16xf32>,
      %sub3A_1025 = arith.subf %get3A_1005, %get3A_1017 : vector<16xf32>
      %mul3A_1026 = arith.mulf %get3A_993, %sub3A_1025 : vector<16xf32>
      %sub3A_1027 = arith.subf %get3A_1012, %get3A_1024 : vector<16xf32>
      %mul3A_1028 = arith.mulf %get3A_1000, %sub3A_1027 : vector<16xf32>
      %add3A_1029 = arith.addf %mul3A_1026, %mul3A_1028 : vector<16xf32>
      %add3A_1030 = arith.constant 12 : i32
      %add3A_1031 = arith.addi %add3A_285, %add3A_1030 : i32
      %add3A_1032 = vector.broadcast %add3A_1031 : i32 to vector<16xi32>
      %add3A_1033 = arith.addi %mul3A_12, %add3A_1032 : vector<16xi32>
      tpu.vector_store_idx %arg15[%add3A_1033], %add3A_1029 : memref<8192xf32, #tpu.memory_space<vmem>>[vector<16xi32>], vector<16xf32>,
      %add3A_1034 = arith.constant 13 : i32
      %add3A_1035 = arith.addi %mul3A_283, %add3A_1034 : i32
      %slice3A_1036 = vector.extract_strided_slice %mul3A_291 {offsets = [13], sizes = [1], strides = [1]} : vector<16xi32> to vector<1xi32>
      %squeeze3A_1037 = vector.extract %slice3A_1036[0] : i32 from vector<1xi32>
      %multiple_of3A_1038 = tpu.assume_multiple %squeeze3A_1037, 32 : i32
      %slice3A_1039 = vector.extract_strided_slice %mul3A_299 {offsets = [13], sizes = [1], strides = [1]} : vector<16xi32> to vector<1xi32>
      %squeeze3A_1040 = vector.extract %slice3A_1039[0] : i32 from vector<1xi32>
      %multiple_of3A_1041 = tpu.assume_multiple %squeeze3A_1040, 32 : i32
      %slice3A_1042 = vector.extract_strided_slice %mul3A_309 {offsets = [13], sizes = [1], strides = [1]} : vector<16xi32> to vector<1xi32>
      %squeeze3A_1043 = vector.extract %slice3A_1042[0] : i32 from vector<1xi32>
      %multiple_of3A_1044 = tpu.assume_multiple %squeeze3A_1043, 32 : i32
      %get3A_1045 = arith.constant 1 : i32
      %get3A_1046 = arith.index_cast %get3A_1045 : i32 to index
      %get3A_1047 = arith.index_cast %add3A_1035 : i32 to index
      %get3A_1048 = arith.index_cast %multiple_of3A_1038 : i32 to index
      %get3A_1049 = tpu.vector_load %arg12[%get3A_1046, %get3A_1047, %get3A_1048] {strides = array<i32>} : memref<2x128x128xf32, #tpu.memory_space<vmem>>, vector<16xf32>,
      %add3A_1050 = arith.constant 16 : i32
      %add3A_1051 = arith.addi %multiple_of3A_1038, %add3A_1050 : i32
      %get3A_1052 = arith.constant 1 : i32
      %get3A_1053 = arith.index_cast %get3A_1052 : i32 to index
      %get3A_1054 = arith.index_cast %add3A_1035 : i32 to index
      %get3A_1055 = arith.index_cast %add3A_1051 : i32 to index
      %get3A_1056 = tpu.vector_load %arg12[%get3A_1053, %get3A_1054, %get3A_1055] {strides = array<i32>} : memref<2x128x128xf32, #tpu.memory_space<vmem>>, vector<16xf32>,
      %get3A_1057 = arith.constant 1 : i32
      %get3A_1058 = arith.index_cast %get3A_1057 : i32 to index
      %get3A_1059 = arith.index_cast %add3A_1035 : i32 to index
      %get3A_1060 = arith.index_cast %multiple_of3A_1041 : i32 to index
      %get3A_1061 = tpu.vector_load %arg13[%get3A_1058, %get3A_1059, %get3A_1060] {strides = array<i32>} : memref<2x128x128xf32, #tpu.memory_space<vmem>>, vector<16xf32>,
      %add3A_1062 = arith.constant 16 : i32
      %add3A_1063 = arith.addi %multiple_of3A_1041, %add3A_1062 : i32
      %get3A_1064 = arith.constant 1 : i32
      %get3A_1065 = arith.index_cast %get3A_1064 : i32 to index
      %get3A_1066 = arith.index_cast %add3A_1035 : i32 to index
      %get3A_1067 = arith.index_cast %add3A_1063 : i32 to index
      %get3A_1068 = tpu.vector_load %arg13[%get3A_1065, %get3A_1066, %get3A_1067] {strides = array<i32>} : memref<2x128x128xf32, #tpu.memory_space<vmem>>, vector<16xf32>,
      %get3A_1069 = arith.constant 1 : i32
      %get3A_1070 = arith.index_cast %get3A_1069 : i32 to index
      %get3A_1071 = arith.index_cast %add3A_1035 : i32 to index
      %get3A_1072 = arith.index_cast %multiple_of3A_1044 : i32 to index
      %get3A_1073 = tpu.vector_load %arg14[%get3A_1070, %get3A_1071, %get3A_1072] {strides = array<i32>} : memref<2x128x128xf32, #tpu.memory_space<vmem>>, vector<16xf32>,
      %add3A_1074 = arith.constant 16 : i32
      %add3A_1075 = arith.addi %multiple_of3A_1044, %add3A_1074 : i32
      %get3A_1076 = arith.constant 1 : i32
      %get3A_1077 = arith.index_cast %get3A_1076 : i32 to index
      %get3A_1078 = arith.index_cast %add3A_1035 : i32 to index
      %get3A_1079 = arith.index_cast %add3A_1075 : i32 to index
      %get3A_1080 = tpu.vector_load %arg14[%get3A_1077, %get3A_1078, %get3A_1079] {strides = array<i32>} : memref<2x128x128xf32, #tpu.memory_space<vmem>>, vector<16xf32>,
      %sub3A_1081 = arith.subf %get3A_1061, %get3A_1073 : vector<16xf32>
      %mul3A_1082 = arith.mulf %get3A_1049, %sub3A_1081 : vector<16xf32>
      %sub3A_1083 = arith.subf %get3A_1068, %get3A_1080 : vector<16xf32>
      %mul3A_1084 = arith.mulf %get3A_1056, %sub3A_1083 : vector<16xf32>
      %add3A_1085 = arith.addf %mul3A_1082, %mul3A_1084 : vector<16xf32>
      %add3A_1086 = arith.constant 13 : i32
      %add3A_1087 = arith.addi %add3A_285, %add3A_1086 : i32
      %add3A_1088 = vector.broadcast %add3A_1087 : i32 to vector<16xi32>
      %add3A_1089 = arith.addi %mul3A_12, %add3A_1088 : vector<16xi32>
      tpu.vector_store_idx %arg15[%add3A_1089], %add3A_1085 : memref<8192xf32, #tpu.memory_space<vmem>>[vector<16xi32>], vector<16xf32>,
      %add3A_1090 = arith.constant 14 : i32
      %add3A_1091 = arith.addi %mul3A_283, %add3A_1090 : i32
      %slice3A_1092 = vector.extract_strided_slice %mul3A_291 {offsets = [14], sizes = [1], strides = [1]} : vector<16xi32> to vector<1xi32>
      %squeeze3A_1093 = vector.extract %slice3A_1092[0] : i32 from vector<1xi32>
      %multiple_of3A_1094 = tpu.assume_multiple %squeeze3A_1093, 32 : i32
      %slice3A_1095 = vector.extract_strided_slice %mul3A_299 {offsets = [14], sizes = [1], strides = [1]} : vector<16xi32> to vector<1xi32>
      %squeeze3A_1096 = vector.extract %slice3A_1095[0] : i32 from vector<1xi32>
      %multiple_of3A_1097 = tpu.assume_multiple %squeeze3A_1096, 32 : i32
      %slice3A_1098 = vector.extract_strided_slice %mul3A_309 {offsets = [14], sizes = [1], strides = [1]} : vector<16xi32> to vector<1xi32>
      %squeeze3A_1099 = vector.extract %slice3A_1098[0] : i32 from vector<1xi32>
      %multiple_of3A_1100 = tpu.assume_multiple %squeeze3A_1099, 32 : i32
      %get3A_1101 = arith.constant 1 : i32
      %get3A_1102 = arith.index_cast %get3A_1101 : i32 to index
      %get3A_1103 = arith.index_cast %add3A_1091 : i32 to index
      %get3A_1104 = arith.index_cast %multiple_of3A_1094 : i32 to index
      %get3A_1105 = tpu.vector_load %arg12[%get3A_1102, %get3A_1103, %get3A_1104] {strides = array<i32>} : memref<2x128x128xf32, #tpu.memory_space<vmem>>, vector<16xf32>,
      %add3A_1106 = arith.constant 16 : i32
      %add3A_1107 = arith.addi %multiple_of3A_1094, %add3A_1106 : i32
      %get3A_1108 = arith.constant 1 : i32
      %get3A_1109 = arith.index_cast %get3A_1108 : i32 to index
      %get3A_1110 = arith.index_cast %add3A_1091 : i32 to index
      %get3A_1111 = arith.index_cast %add3A_1107 : i32 to index
      %get3A_1112 = tpu.vector_load %arg12[%get3A_1109, %get3A_1110, %get3A_1111] {strides = array<i32>} : memref<2x128x128xf32, #tpu.memory_space<vmem>>, vector<16xf32>,
      %get3A_1113 = arith.constant 1 : i32
      %get3A_1114 = arith.index_cast %get3A_1113 : i32 to index
      %get3A_1115 = arith.index_cast %add3A_1091 : i32 to index
      %get3A_1116 = arith.index_cast %multiple_of3A_1097 : i32 to index
      %get3A_1117 = tpu.vector_load %arg13[%get3A_1114, %get3A_1115, %get3A_1116] {strides = array<i32>} : memref<2x128x128xf32, #tpu.memory_space<vmem>>, vector<16xf32>,
      %add3A_1118 = arith.constant 16 : i32
      %add3A_1119 = arith.addi %multiple_of3A_1097, %add3A_1118 : i32
      %get3A_1120 = arith.constant 1 : i32
      %get3A_1121 = arith.index_cast %get3A_1120 : i32 to index
      %get3A_1122 = arith.index_cast %add3A_1091 : i32 to index
      %get3A_1123 = arith.index_cast %add3A_1119 : i32 to index
      %get3A_1124 = tpu.vector_load %arg13[%get3A_1121, %get3A_1122, %get3A_1123] {strides = array<i32>} : memref<2x128x128xf32, #tpu.memory_space<vmem>>, vector<16xf32>,
      %get3A_1125 = arith.constant 1 : i32
      %get3A_1126 = arith.index_cast %get3A_1125 : i32 to index
      %get3A_1127 = arith.index_cast %add3A_1091 : i32 to index
      %get3A_1128 = arith.index_cast %multiple_of3A_1100 : i32 to index
      %get3A_1129 = tpu.vector_load %arg14[%get3A_1126, %get3A_1127, %get3A_1128] {strides = array<i32>} : memref<2x128x128xf32, #tpu.memory_space<vmem>>, vector<16xf32>,
      %add3A_1130 = arith.constant 16 : i32
      %add3A_1131 = arith.addi %multiple_of3A_1100, %add3A_1130 : i32
      %get3A_1132 = arith.constant 1 : i32
      %get3A_1133 = arith.index_cast %get3A_1132 : i32 to index
      %get3A_1134 = arith.index_cast %add3A_1091 : i32 to index
      %get3A_1135 = arith.index_cast %add3A_1131 : i32 to index
      %get3A_1136 = tpu.vector_load %arg14[%get3A_1133, %get3A_1134, %get3A_1135] {strides = array<i32>} : memref<2x128x128xf32, #tpu.memory_space<vmem>>, vector<16xf32>,
      %sub3A_1137 = arith.subf %get3A_1117, %get3A_1129 : vector<16xf32>
      %mul3A_1138 = arith.mulf %get3A_1105, %sub3A_1137 : vector<16xf32>
      %sub3A_1139 = arith.subf %get3A_1124, %get3A_1136 : vector<16xf32>
      %mul3A_1140 = arith.mulf %get3A_1112, %sub3A_1139 : vector<16xf32>
      %add3A_1141 = arith.addf %mul3A_1138, %mul3A_1140 : vector<16xf32>
      %add3A_1142 = arith.constant 14 : i32
      %add3A_1143 = arith.addi %add3A_285, %add3A_1142 : i32
      %add3A_1144 = vector.broadcast %add3A_1143 : i32 to vector<16xi32>
      %add3A_1145 = arith.addi %mul3A_12, %add3A_1144 : vector<16xi32>
      tpu.vector_store_idx %arg15[%add3A_1145], %add3A_1141 : memref<8192xf32, #tpu.memory_space<vmem>>[vector<16xi32>], vector<16xf32>,
      %add3A_1146 = arith.constant 15 : i32
      %add3A_1147 = arith.addi %mul3A_283, %add3A_1146 : i32
      %slice3A_1148 = vector.extract_strided_slice %mul3A_291 {offsets = [15], sizes = [1], strides = [1]} : vector<16xi32> to vector<1xi32>
      %squeeze3A_1149 = vector.extract %slice3A_1148[0] : i32 from vector<1xi32>
      %multiple_of3A_1150 = tpu.assume_multiple %squeeze3A_1149, 32 : i32
      %slice3A_1151 = vector.extract_strided_slice %mul3A_299 {offsets = [15], sizes = [1], strides = [1]} : vector<16xi32> to vector<1xi32>
      %squeeze3A_1152 = vector.extract %slice3A_1151[0] : i32 from vector<1xi32>
      %multiple_of3A_1153 = tpu.assume_multiple %squeeze3A_1152, 32 : i32
      %slice3A_1154 = vector.extract_strided_slice %mul3A_309 {offsets = [15], sizes = [1], strides = [1]} : vector<16xi32> to vector<1xi32>
      %squeeze3A_1155 = vector.extract %slice3A_1154[0] : i32 from vector<1xi32>
      %multiple_of3A_1156 = tpu.assume_multiple %squeeze3A_1155, 32 : i32
      %get3A_1157 = arith.constant 1 : i32
      %get3A_1158 = arith.index_cast %get3A_1157 : i32 to index
      %get3A_1159 = arith.index_cast %add3A_1147 : i32 to index
      %get3A_1160 = arith.index_cast %multiple_of3A_1150 : i32 to index
      %get3A_1161 = tpu.vector_load %arg12[%get3A_1158, %get3A_1159, %get3A_1160] {strides = array<i32>} : memref<2x128x128xf32, #tpu.memory_space<vmem>>, vector<16xf32>,
      %add3A_1162 = arith.constant 16 : i32
      %add3A_1163 = arith.addi %multiple_of3A_1150, %add3A_1162 : i32
      %get3A_1164 = arith.constant 1 : i32
      %get3A_1165 = arith.index_cast %get3A_1164 : i32 to index
      %get3A_1166 = arith.index_cast %add3A_1147 : i32 to index
      %get3A_1167 = arith.index_cast %add3A_1163 : i32 to index
      %get3A_1168 = tpu.vector_load %arg12[%get3A_1165, %get3A_1166, %get3A_1167] {strides = array<i32>} : memref<2x128x128xf32, #tpu.memory_space<vmem>>, vector<16xf32>,
      %get3A_1169 = arith.constant 1 : i32
      %get3A_1170 = arith.index_cast %get3A_1169 : i32 to index
      %get3A_1171 = arith.index_cast %add3A_1147 : i32 to index
      %get3A_1172 = arith.index_cast %multiple_of3A_1153 : i32 to index
      %get3A_1173 = tpu.vector_load %arg13[%get3A_1170, %get3A_1171, %get3A_1172] {strides = array<i32>} : memref<2x128x128xf32, #tpu.memory_space<vmem>>, vector<16xf32>,
      %add3A_1174 = arith.constant 16 : i32
      %add3A_1175 = arith.addi %multiple_of3A_1153, %add3A_1174 : i32
      %get3A_1176 = arith.constant 1 : i32
      %get3A_1177 = arith.index_cast %get3A_1176 : i32 to index
      %get3A_1178 = arith.index_cast %add3A_1147 : i32 to index
      %get3A_1179 = arith.index_cast %add3A_1175 : i32 to index
      %get3A_1180 = tpu.vector_load %arg13[%get3A_1177, %get3A_1178, %get3A_1179] {strides = array<i32>} : memref<2x128x128xf32, #tpu.memory_space<vmem>>, vector<16xf32>,
      %get3A_1181 = arith.constant 1 : i32
      %get3A_1182 = arith.index_cast %get3A_1181 : i32 to index
      %get3A_1183 = arith.index_cast %add3A_1147 : i32 to index
      %get3A_1184 = arith.index_cast %multiple_of3A_1156 : i32 to index
      %get3A_1185 = tpu.vector_load %arg14[%get3A_1182, %get3A_1183, %get3A_1184] {strides = array<i32>} : memref<2x128x128xf32, #tpu.memory_space<vmem>>, vector<16xf32>,
      %add3A_1186 = arith.constant 16 : i32
      %add3A_1187 = arith.addi %multiple_of3A_1156, %add3A_1186 : i32
      %get3A_1188 = arith.constant 1 : i32
      %get3A_1189 = arith.index_cast %get3A_1188 : i32 to index
      %get3A_1190 = arith.index_cast %add3A_1147 : i32 to index
      %get3A_1191 = arith.index_cast %add3A_1187 : i32 to index
      %get3A_1192 = tpu.vector_load %arg14[%get3A_1189, %get3A_1190, %get3A_1191] {strides = array<i32>} : memref<2x128x128xf32, #tpu.memory_space<vmem>>, vector<16xf32>,
      %sub3A_1193 = arith.subf %get3A_1173, %get3A_1185 : vector<16xf32>
      %mul3A_1194 = arith.mulf %get3A_1161, %sub3A_1193 : vector<16xf32>
      %sub3A_1195 = arith.subf %get3A_1180, %get3A_1192 : vector<16xf32>
      %mul3A_1196 = arith.mulf %get3A_1168, %sub3A_1195 : vector<16xf32>
      %add3A_1197 = arith.addf %mul3A_1194, %mul3A_1196 : vector<16xf32>
      %add3A_1198 = arith.constant 15 : i32
      %add3A_1199 = arith.addi %add3A_285, %add3A_1198 : i32
      %add3A_1200 = vector.broadcast %add3A_1199 : i32 to vector<16xi32>
      %add3A_1201 = arith.addi %mul3A_12, %add3A_1200 : vector<16xi32>
      tpu.vector_store_idx %arg15[%add3A_1201], %add3A_1197 : memref<8192xf32, #tpu.memory_space<vmem>>[vector<16xi32>], vector<16xf32>,
    }
    %scan3A_274 = arith.constant 8 : i32
    %scan3A_275 = arith.constant 0 : i32
    %scan3A_276 = arith.constant 0 : i32
    %scan3A_277 = arith.constant 32 : i32
    %scan3A_278 = arith.addi %scan3A_276, %scan3A_277 : i32
    %scan3A_279 = arith.constant 1 : i32
    scf.for %scan3A_281 = %scan3A_276 to %scan3A_278 step %scan3A_279  : i32 {
      %mul3A_282 = arith.constant 16 : i32
      %mul3A_283 = arith.muli %scan3A_281, %mul3A_282 : i32
      %get3A = arith.index_cast %mul3A_283 : i32 to index
      %get3A_284 = tpu.vector_load %arg15[%get3A] {strides = array<i32>} : memref<8192xf32, #tpu.memory_space<vmem>>, vector<16xf32>,
      %mul3A_285 = arith.constant 16 : i32
      %mul3A_286 = arith.muli %scan3A_281, %mul3A_285 : i32
      %add3A_287 = arith.constant 512 : i32
      %add3A_288 = arith.addi %add3A_287, %mul3A_286 : i32
      %get3A_289 = arith.index_cast %add3A_288 : i32 to index
      %get3A_290 = tpu.vector_load %arg15[%get3A_289] {strides = array<i32>} : memref<8192xf32, #tpu.memory_space<vmem>>, vector<16xf32>,
      %add3A_291 = arith.addf %get3A_284, %get3A_290 : vector<16xf32>
      %mul3A_292 = arith.constant 16 : i32
      %mul3A_293 = arith.muli %scan3A_281, %mul3A_292 : i32
      %add3A_294 = arith.constant 1024 : i32
      %add3A_295 = arith.addi %add3A_294, %mul3A_293 : i32
      %get3A_296 = arith.index_cast %add3A_295 : i32 to index
      %get3A_297 = tpu.vector_load %arg15[%get3A_296] {strides = array<i32>} : memref<8192xf32, #tpu.memory_space<vmem>>, vector<16xf32>,
      %add3A_298 = arith.addf %add3A_291, %get3A_297 : vector<16xf32>
      %mul3A_299 = arith.constant 16 : i32
      %mul3A_300 = arith.muli %scan3A_281, %mul3A_299 : i32
      %add3A_301 = arith.constant 1536 : i32
      %add3A_302 = arith.addi %add3A_301, %mul3A_300 : i32
      %get3A_303 = arith.index_cast %add3A_302 : i32 to index
      %get3A_304 = tpu.vector_load %arg15[%get3A_303] {strides = array<i32>} : memref<8192xf32, #tpu.memory_space<vmem>>, vector<16xf32>,
      %add3A_305 = arith.addf %add3A_298, %get3A_304 : vector<16xf32>
      %mul3A_306 = arith.constant 16 : i32
      %mul3A_307 = arith.muli %scan3A_281, %mul3A_306 : i32
      %add3A_308 = arith.constant 2048 : i32
      %add3A_309 = arith.addi %add3A_308, %mul3A_307 : i32
      %get3A_310 = arith.index_cast %add3A_309 : i32 to index
      %get3A_311 = tpu.vector_load %arg15[%get3A_310] {strides = array<i32>} : memref<8192xf32, #tpu.memory_space<vmem>>, vector<16xf32>,
      %add3A_312 = arith.addf %add3A_305, %get3A_311 : vector<16xf32>
      %mul3A_313 = arith.constant 16 : i32
      %mul3A_314 = arith.muli %scan3A_281, %mul3A_313 : i32
      %add3A_315 = arith.constant 2560 : i32
      %add3A_316 = arith.addi %add3A_315, %mul3A_314 : i32
      %get3A_317 = arith.index_cast %add3A_316 : i32 to index
      %get3A_318 = tpu.vector_load %arg15[%get3A_317] {strides = array<i32>} : memref<8192xf32, #tpu.memory_space<vmem>>, vector<16xf32>,
      %add3A_319 = arith.addf %add3A_312, %get3A_318 : vector<16xf32>
      %mul3A_320 = arith.constant 16 : i32
      %mul3A_321 = arith.muli %scan3A_281, %mul3A_320 : i32
      %add3A_322 = arith.constant 3072 : i32
      %add3A_323 = arith.addi %add3A_322, %mul3A_321 : i32
      %get3A_324 = arith.index_cast %add3A_323 : i32 to index
      %get3A_325 = tpu.vector_load %arg15[%get3A_324] {strides = array<i32>} : memref<8192xf32, #tpu.memory_space<vmem>>, vector<16xf32>,
      %add3A_326 = arith.addf %add3A_319, %get3A_325 : vector<16xf32>
      %mul3A_327 = arith.constant 16 : i32
      %mul3A_328 = arith.muli %scan3A_281, %mul3A_327 : i32
      %add3A_329 = arith.constant 3584 : i32
      %add3A_330 = arith.addi %add3A_329, %mul3A_328 : i32
      %get3A_331 = arith.index_cast %add3A_330 : i32 to index
      %get3A_332 = tpu.vector_load %arg15[%get3A_331] {strides = array<i32>} : memref<8192xf32, #tpu.memory_space<vmem>>, vector<16xf32>,
      %add3A_333 = arith.addf %add3A_326, %get3A_332 : vector<16xf32>
      %mul3A_334 = arith.constant 16 : i32
      %mul3A_335 = arith.muli %scan3A_281, %mul3A_334 : i32
      %add3A_336 = arith.constant 4096 : i32
      %add3A_337 = arith.addi %add3A_336, %mul3A_335 : i32
      %get3A_338 = arith.index_cast %add3A_337 : i32 to index
      %get3A_339 = tpu.vector_load %arg15[%get3A_338] {strides = array<i32>} : memref<8192xf32, #tpu.memory_space<vmem>>, vector<16xf32>,
      %add3A_340 = arith.addf %add3A_333, %get3A_339 : vector<16xf32>
      %mul3A_341 = arith.constant 16 : i32
      %mul3A_342 = arith.muli %scan3A_281, %mul3A_341 : i32
      %add3A_343 = arith.constant 4608 : i32
      %add3A_344 = arith.addi %add3A_343, %mul3A_342 : i32
      %get3A_345 = arith.index_cast %add3A_344 : i32 to index
      %get3A_346 = tpu.vector_load %arg15[%get3A_345] {strides = array<i32>} : memref<8192xf32, #tpu.memory_space<vmem>>, vector<16xf32>,
      %add3A_347 = arith.addf %add3A_340, %get3A_346 : vector<16xf32>
      %mul3A_348 = arith.constant 16 : i32
      %mul3A_349 = arith.muli %scan3A_281, %mul3A_348 : i32
      %add3A_350 = arith.constant 5120 : i32
      %add3A_351 = arith.addi %add3A_350, %mul3A_349 : i32
      %get3A_352 = arith.index_cast %add3A_351 : i32 to index
      %get3A_353 = tpu.vector_load %arg15[%get3A_352] {strides = array<i32>} : memref<8192xf32, #tpu.memory_space<vmem>>, vector<16xf32>,
      %add3A_354 = arith.addf %add3A_347, %get3A_353 : vector<16xf32>
      %mul3A_355 = arith.constant 16 : i32
      %mul3A_356 = arith.muli %scan3A_281, %mul3A_355 : i32
      %add3A_357 = arith.constant 5632 : i32
      %add3A_358 = arith.addi %add3A_357, %mul3A_356 : i32
      %get3A_359 = arith.index_cast %add3A_358 : i32 to index
      %get3A_360 = tpu.vector_load %arg15[%get3A_359] {strides = array<i32>} : memref<8192xf32, #tpu.memory_space<vmem>>, vector<16xf32>,
      %add3A_361 = arith.addf %add3A_354, %get3A_360 : vector<16xf32>
      %mul3A_362 = arith.constant 16 : i32
      %mul3A_363 = arith.muli %scan3A_281, %mul3A_362 : i32
      %add3A_364 = arith.constant 6144 : i32
      %add3A_365 = arith.addi %add3A_364, %mul3A_363 : i32
      %get3A_366 = arith.index_cast %add3A_365 : i32 to index
      %get3A_367 = tpu.vector_load %arg15[%get3A_366] {strides = array<i32>} : memref<8192xf32, #tpu.memory_space<vmem>>, vector<16xf32>,
      %add3A_368 = arith.addf %add3A_361, %get3A_367 : vector<16xf32>
      %mul3A_369 = arith.constant 16 : i32
      %mul3A_370 = arith.muli %scan3A_281, %mul3A_369 : i32
      %add3A_371 = arith.constant 6656 : i32
      %add3A_372 = arith.addi %add3A_371, %mul3A_370 : i32
      %get3A_373 = arith.index_cast %add3A_372 : i32 to index
      %get3A_374 = tpu.vector_load %arg15[%get3A_373] {strides = array<i32>} : memref<8192xf32, #tpu.memory_space<vmem>>, vector<16xf32>,
      %add3A_375 = arith.addf %add3A_368, %get3A_374 : vector<16xf32>
      %mul3A_376 = arith.constant 16 : i32
      %mul3A_377 = arith.muli %scan3A_281, %mul3A_376 : i32
      %add3A_378 = arith.constant 7168 : i32
      %add3A_379 = arith.addi %add3A_378, %mul3A_377 : i32
      %get3A_380 = arith.index_cast %add3A_379 : i32 to index
      %get3A_381 = tpu.vector_load %arg15[%get3A_380] {strides = array<i32>} : memref<8192xf32, #tpu.memory_space<vmem>>, vector<16xf32>,
      %add3A_382 = arith.addf %add3A_375, %get3A_381 : vector<16xf32>
      %mul3A_383 = arith.constant 16 : i32
      %mul3A_384 = arith.muli %scan3A_281, %mul3A_383 : i32
      %add3A_385 = arith.constant 7680 : i32
      %add3A_386 = arith.addi %add3A_385, %mul3A_384 : i32
      %get3A_387 = arith.index_cast %add3A_386 : i32 to index
      %get3A_388 = tpu.vector_load %arg15[%get3A_387] {strides = array<i32>} : memref<8192xf32, #tpu.memory_space<vmem>>, vector<16xf32>,
      %add3A_389 = arith.addf %add3A_382, %get3A_388 : vector<16xf32>
      %mul3A_390 = arith.constant 16 : i32
      %mul3A_391 = arith.muli %scan3A_281, %mul3A_390 : i32
      %swap3A = arith.index_cast %mul3A_391 : i32 to index
      %swap3A_392 = tpu.vector_load %arg16[%swap3A] {strides = array<i32>} : memref<512xf32, #tpu.memory_space<vmem>>, vector<16xf32>,
      tpu.vector_store %arg16[%swap3A], %add3A_389 {strides = array<i32>} : memref<512xf32, #tpu.memory_space<vmem>>, vector<16xf32>,
    }
    %scan3A_280 = arith.constant 32 : i32
    "tpu.region"() ({
      %run_scoped3A = tpu.sem_alloc : memref<!tpu.dma_semaphore, #tpu.memory_space<semaphore_mem>>
      %dma_start3A_281 = tpu.memref_slice %arg6[%mul3A_2] : memref<16384xf32, #tpu.memory_space<hbm>> -> memref<512xf32, #tpu.memory_space<hbm>>
      %dma_start3A_282 = tpu.memref_slice %arg6[%mul3A_2] : memref<16384xf32, #tpu.memory_space<hbm>> -> memref<512xf32, #tpu.memory_space<hbm>>
      tpu.enqueue_dma source(%arg16 : memref<512xf32, #tpu.memory_space<vmem>>) target(%dma_start3A_282 : memref<512xf32, #tpu.memory_space<hbm>>) target_semaphore(%run_scoped3A : memref<!tpu.dma_semaphore, #tpu.memory_space<semaphore_mem>>)
      %dma_wait3A_283 = tpu.memref_slice %arg6[%mul3A_2] : memref<16384xf32, #tpu.memory_space<hbm>> -> memref<512xf32, #tpu.memory_space<hbm>>
      %dma_wait3A_284 = tpu.memref_slice %arg6[%mul3A_2] : memref<16384xf32, #tpu.memory_space<hbm>> -> memref<512xf32, #tpu.memory_space<hbm>>
      tpu.wait_dma2 semaphore(%run_scoped3A : memref<!tpu.dma_semaphore, #tpu.memory_space<semaphore_mem>>) src(%arg16 : memref<512xf32, #tpu.memory_space<vmem>>) dst(%dma_wait3A_284 : memref<512xf32, #tpu.memory_space<hbm>>)
      tpu.yield
    }) : () -> ()
    return
  }
}

module attributes {stable_mosaic.version = 14 : i64} {
  func.func @_loss_body(%arg0: memref<128x128xf32, #tpu.memory_space<vmem>>, %arg1: memref<1x1xf32, #tpu.memory_space<smem>>) attributes {dimension_semantics = [], scalar_prefetch = 0 : i64, scratch_operands = 0 : i64, tpu.core_type = #tpu.core_type<tc>} {
    %get3A = arith.constant 0 : index
    %get3A_0 = arith.constant 0 : index
    %get3A_1 = vector.load %arg0[%get3A, %get3A_0] : memref<128x128xf32, #tpu.memory_space<vmem>>, vector<128x128xf32>
    %neg3A = arith.constant 0.000000e+00 : f32
    %neg3A_2 = vector.broadcast %neg3A : f32 to vector<128x128xf32>
    %neg3A_3 = arith.subf %neg3A_2, %get3A_1 : vector<128x128xf32>
    %max3A = arith.constant 0.000000e+00 : f32
    %max3A_4 = vector.broadcast %max3A : f32 to vector<128x128xf32>
    %max3A_5 = arith.maximumf %neg3A_3, %max3A_4 : vector<128x128xf32>
    %abs3A = math.absf %neg3A_3 : vector<128x128xf32>
    %neg3A_6 = arith.constant 0.000000e+00 : f32
    %neg3A_7 = vector.broadcast %neg3A_6 : f32 to vector<128x128xf32>
    %neg3A_8 = arith.subf %neg3A_7, %abs3A : vector<128x128xf32>
    %exp3A = math.exp %neg3A_8 : vector<128x128xf32>
    %log1p3A = math.log1p %exp3A : vector<128x128xf32>
    %add3A = arith.addf %max3A_5, %log1p3A : vector<128x128xf32>
    %reduce_sum3A = vector.shape_cast %add3A : vector<128x128xf32> to vector<1x128x128xf32>
    %reduce_sum3A_9 = arith.constant dense<0.000000e+00> : vector<1xf32>
    %reduce_sum3A_10 = vector.multi_reduction <add>, %reduce_sum3A, %reduce_sum3A_9 [1, 2] : vector<1x128x128xf32> to vector<1xf32>
    %reduce_sum3A_11 = vector.shape_cast %reduce_sum3A_10 : vector<1xf32> to vector<1x1x1xf32>
    %reduce_sum3A_12 = vector.extract %reduce_sum3A_11[0, 0, 0] : f32 from vector<1x1x1xf32>
    %mul3A = arith.constant 1.44269502 : f32
    %mul3A_13 = arith.mulf %reduce_sum3A_12, %mul3A : f32
    %swap3A = arith.constant 0 : index
    %swap3A_14 = arith.constant 0 : index
    %swap3A_15 = memref.load %arg1[%swap3A, %swap3A_14] : memref<1x1xf32, #tpu.memory_space<smem>>
    memref.store %mul3A_13, %arg1[%swap3A, %swap3A_14] : memref<1x1xf32, #tpu.memory_space<smem>>
    return
  }
}

</mosaic_0001>

<sc_bundles>
// kernel: kernel.4.cloned.1.call-start
scs
__scs_entry_jumppad:
0x0: {  	(pc) =	sbr.rel $0x88, $3  }
0x1: {  	(tag) =	ssettag $0x0;
	lr =	simm.s32 $0x1  }
0x2: {  	[smem:$0x3F9C] =	sst lr;
	_ =	strace $0xD0000000  }
0x3: {  	_ = 	snop  }
0x4: {  	_ = 	snop  }
0x5: {  	_ = 	snop  }
0x6: {  	_ = 	snop  }
0x7: {  	_ = 	snop  }
__scs_overlays_trampoline_lowered:
0x8: {  	[smem:$0x3FAB] =	sst s0  }
0x9: {  	[smem:$0x3FAC] =	sst s1  }
0xa: {  	[smem:$0x3FAD] =	sst s2  }
0xb: {  	[smem:$0x3FAE] =	sst s3  }
0xc: {  	[smem:$0x3FAF] =	sst s4  }
0xd: {  	[smem:$0x3FB0] =	sst s5  }
0xe: {  	[smem:$0x3FB1] =	sst s6  }
0xf: {  	[smem:$0x3FB2] =	sst s7  }
0x10: {  	[smem:$0x3FB3] =	sst s8  }
0x11: {  	[smem:$0x3FB4] =	sst s9;
	s0 =	simm.s32 @!p0 $0x0  }
0x12: {  	s1 =	sld [smem:$0x3F9A];
	s0 =	simm.s32 @p0 $0x1  }
0x13: {  	[smem:$0x3FB5] =	sst s0;
	s0 =	simm.s32 @!p1 $0x0  }
0x14: {  	s2 =	sld [smem:$0x3F99];
	s0 =	simm.s32 @p1 $0x1  }
0x15: {  	[smem:$0x3FB6] =	sst s0;
	s0 =	simm.s32 @!p2 $0x0  }
0x16: {  	s3 =	sld [smem:$0x3FDB];
	s0 =	simm.s32 @p2 $0x1  }
0x17: {  	s4 =	simm.s32 $0x1BF5;
	[smem:$0x3FB8] =	sst s0  }
0x18: {  	s0 =	sld [smem:$0x3F9B];
	_ =	swait.ge [sflag:s4], $0x0  }
0x19: {  	s7 =	sld [smem:$0x3F9C]  }
0x1a: {  	s8 =	sadd.s32 $0xFFFFE003, lr  }
0x1b: {  	s9 =	sadd.s32 $0xFFFFFEF7, lr;
	s5 =	simm.s32 $0xFFFFFFFF;
	p2 =	slt.u32 s8, $0xFFFFF086  }
0x1c: {  	p1 =	slt.u32 s9, $0xF7A;
	s5 =	simm.s32 @!p2 $0x0  }
0x1d: {  	s5 =	simm.s32 @p1 $0x1;
	p0 =	seq.s32 s7, s2  }
0x1e: {  	s7 =	smul.u32 @!p0 $0xF7A, s2;
	p2 =	seq.s32 @!p0 s5, $0x0  }
0x1f: {  	s9 =	smul.u32 $0xF7A, s1;
	s8 =	simm.s32 @!p0 $0x1BF5;
	p2 =	por !p2, p0  }
0x20: {  	[sflag:s8] =	ssyncset.s32 @!p0 $0xFFFFF086;
	s6 =	sadd.s32 @!p0 s3, s7;
	s7 =	simm.s32 @!p0 $0x108  }
0x21: {  	s3 =	sadd.s32 s3, s9;
	s6 =	sadd.s32 @!p0 $0x88, s6;
	s7 =	simm.s32 @p2 $0x1082  }
0x22: {  	[simem:s7], [sflag:s8] =	dma.local @!p0 [hbm:s6], $0xF7A  }
0x23: {  	s9 =	sor.u32 $0xD0000000, s2;
	s6 =	simm.s32 $0x108;
	_ =	swait.ge @!p0 [sflag:s8], $0x0  }
0x24: {  	s3 =	sadd.s32 $0x88, s3;
	s6 =	simm.s32 @!p1 $0x1082;
	[sflag:s4] =	ssyncset.s32 $0xFFFFF086  }
0x25: {  	[simem:s6], [sflag:s4] =	dma.local [hbm:s3], $0xF7A  }
0x26: {  	[smem:$0x3F9C] =	sst s1;
	(tag) =	ssettag s2;
	_ =	strace s9  }
0x27: {  	s1 =	sld [smem:$0x3FAC]  }
0x28: {  	s2 =	sld [smem:$0x3FAD]  }
0x29: {  	s4 =	sld [smem:$0x3FAF]  }
0x2a: {  	p0 =	seq.s32 s5, $0x0;
	s5 =	sld [smem:$0x3FB0]  }
0x2b: {  	s6 =	sld [smem:$0x3FB1]  }
0x2c: {  	s7 =	sld [smem:$0x3FB2]  }
0x2d: {  	s3 =	simm.s32 $0x108;
	s8 =	sld [smem:$0x3FB3]  }
0x2e: {  	s3 =	simm.s32 @!p0 $0x1082;
	s9 =	sld [smem:$0x3FB4]  }
0x2f: {  	lr =	sadd.s32 s0, s3;
	s0 =	sld [smem:$0x3FAB]  }
0x30: {  	s3 =	sld [smem:$0x3FAE]  }
0x31: {  	[smem:$0x3FB7] =	sst s10  }
0x32: {  	s10 =	sld [smem:$0x3FB5];
	_ =	sdelay $0x3  }
0x33: {  	p0 =	seq.s32 s10, $0x1;
	s10 =	sld [smem:$0x3FB7];
	_ =	sdelay $0x3  }
0x34: {  	[smem:$0x3FB7] =	sst s10  }
0x35: {  	s10 =	sld [smem:$0x3FB6];
	_ =	sdelay $0x3  }
0x36: {  	p1 =	seq.s32 s10, $0x1;
	s10 =	sld [smem:$0x3FB7];
	_ =	sdelay $0x3  }
0x37: {  	[smem:$0x3FB7] =	sst s10  }
0x38: {  	s10 =	sld [smem:$0x3FB8]  }
0x39: {  	_ = 	snop;
	(pc) =	sbr.ind lr, $3  }
0x3a: {  	_ = 	snop  }
0x3b: {  	_ = 	snop  }
0x3c: {  	p2 =	seq.s32 s10, $0x1;
	s10 =	sld [smem:$0x3FB7]  }
0x3d: {  	_ =	shalt  }
0x3e: {  	_ =	shalt  }
0x3f: {  	_ =	shalt  }
0x40: {  	_ =	shalt  }
0x41: {  	_ =	shalt  }
0x42: {  	_ =	shalt  }
0x43: {  	_ =	shalt  }
0x44: {  	_ =	shalt  }
0x45: {  	_ =	shalt  }
0x46: {  	_ =	shalt  }
0x47: {  	_ =	shalt  }
0x48: {  	_ =	shalt  }
0x49: {  	_ =	shalt  }
0x4a: {  	_ =	shalt  }
0x4b: {  	_ =	shalt  }
0x4c: {  	_ =	shalt  }
0x4d: {  	_ =	shalt  }
0x4e: {  	_ =	shalt  }
0x4f: {  	_ =	shalt  }
0x50: {  	_ =	shalt  }
0x51: {  	_ =	shalt  }
0x52: {  	_ =	shalt  }
0x53: {  	_ =	shalt  }
0x54: {  	_ =	shalt  }
0x55: {  	_ =	shalt  }
0x56: {  	_ =	shalt  }
0x57: {  	_ =	shalt  }
0x58: {  	_ =	shalt  }
0x59: {  	_ =	shalt  }
0x5a: {  	_ =	shalt  }
0x5b: {  	_ =	shalt  }
0x5c: {  	_ =	shalt  }
0x5d: {  	_ =	shalt  }
0x5e: {  	_ =	shalt  }
0x5f: {  	_ =	shalt  }
0x60: {  	_ =	shalt  }
0x61: {  	_ =	shalt  }
0x62: {  	_ =	shalt  }
0x63: {  	_ =	shalt  }
0x64: {  	_ =	shalt  }
0x65: {  	_ =	shalt  }
0x66: {  	_ =	shalt  }
0x67: {  	_ =	shalt  }
0x68: {  	_ =	shalt  }
0x69: {  	_ =	shalt  }
0x6a: {  	_ =	shalt  }
0x6b: {  	_ =	shalt  }
0x6c: {  	_ =	shalt  }
0x6d: {  	_ =	shalt  }
0x6e: {  	_ =	shalt  }
0x6f: {  	_ =	shalt  }
0x70: {  	_ =	shalt  }
0x71: {  	_ =	shalt  }
0x72: {  	_ =	shalt  }
0x73: {  	_ =	shalt  }
0x74: {  	_ =	shalt  }
0x75: {  	_ =	shalt  }
0x76: {  	_ =	shalt  }
0x77: {  	_ =	shalt  }
0x78: {  	_ =	shalt  }
0x79: {  	_ =	shalt  }
0x7a: {  	_ =	shalt  }
0x7b: {  	_ =	shalt  }
0x7c: {  	_ =	shalt  }
0x7d: {  	_ =	shalt  }
0x7e: {  	_ =	shalt  }
0x7f: {  	_ =	shalt  }
0x80: {  	_ =	shalt  }
0x81: {  	_ =	shalt  }
0x82: {  	_ =	shalt  }
0x83: {  	_ =	shalt  }
0x84: {  	_ =	shalt  }
0x85: {  	_ =	shalt  }
0x86: {  	_ =	shalt  }
0x87: {  	_ =	shalt  }
.Lfunc_end0:
.L_simem_size_0:
called_computation_lowered:
.L_overlay_start_0:
0x88: {  	s2 =	sld [smem:$0x3FD9]  }
0x89: {  	s3 =	sld [smem:$0x3FFE];
	_ =	sdelay $0x1  }
0x8a: {  	s1 =	srdreg.scid  }
0x8b: {  	s0 =	sand.u32 $0x1, s1  }
0x8c: {  	s17 =	sshll.u32 s0, $0xA;
	s2 =	sadd.s32 s3, s2  }
0x8d: {  	s2 =	sadd.s32 s2, s17  }
0x8e: {  	[smem:$0x3FC3] =	sst s2  }
0x8f: {  	_ = 	snop  }
0x90: {  	s2 =	sld [smem:$0x3FC9];
	(tm) =	ssettm $0x1  }
0x91: {  	s18 =	sld [smem:$0x3FFB];
	_ =	sdelay $0x3  }
0x92: {  	_ =	strace s18  }
0x93: {  	s3 =	sld [smem:$0x3FFC];
	_ =	sdelay $0x3  }
0x94: {  	_ =	strace s3  }
0x95: {  	s3 =	sld [smem:$0x3FFD];
	_ =	sdelay $0x3  }
0x96: {  	_ =	strace s3  }
0x97: {  	_ =	strace $0x8FFFFFFF  }
0x98: {  	s19 =	sld [smem:$0x3FDB];
	_ =	sdelay $0x1  }
0x99: {  	s4 =	simm.s32 $_scs_section_size  }
0x9a: {  	s5 =	simm.s32 $_size__tile_overlayer_lowered;
	s6 =	simm.s32 $_tile_overlayer_lowered  }
0x9b: {  	s22 =	simm.s32 $0x1BFF;
	s21 =	sshll.u32 s6, $0x1;
	s3 =	sadd.s32 s4, s19  }
0x9c: {  	s7 =	simm.s32 $0x0;
	s20 =	sshll.u32 s5, $0x1;
	s5 =	sadd.s32 s21, s3  }
0x9d: {  	[timem:s7], [sflag:s22] =	dma.local [hbm:s5], s20  }
0x9e: {  	_ =	swait.ge [sflag:s22], s20  }
0x9f: {  	s4 =	ssub.s32 $0x0, s20;
	[sflag:s22] =	ssyncset.done $0x0  }
0xa0: {  	[sflag:s22] =	ssyncadd.s32 s4;
	_ =	sdelay $0x1  }
0xa1: {  	s23 =	simm.s32 $0x1B8B  }
0xa2: {  	_ =	swait.ge [sflag:s23], $0x1  }
0xa3: {  	[sflag:s23] =	ssyncset.done $0x0  }
0xa4: {  	s25 =	simm.s32 $0x1B8E;
	s24 =	sld [smem:$0x3FFE];
	[sflag:s23] =	ssyncadd.s32 $0xFFFFFFFF  }
0xa5: {  	s26 =	simm.s32 $execute0_lowered;
	[smem:$0x3FD2] =	sst s25  }
0xa6: {  	s5 =	sshll.u32 s26, $0x1;
	_ =	strace $0x80000046;
	[dreg:$0x1] =	wrdreg $0xFFFFFFFF  }
0xa7: {  	s28 =	simm.s32 $_size_execute0_lowered;
	s3 =	sadd.s32 s3, s5;
	[dreg:$0x0] =	wrdreg $0x0  }
0xa8: {  	s5 =	sshll.u32 s28, $0x1;
	[dreg:$0x2] =	wrdreg s3  }
0xa9: {  	[dreg:$0x3] =	wrdreg s5  }
0xaa: {  	[dreg:$0x4] =	wrdreg $0xC0  }
0xab: {  	_ =	task [dreg:s7], $0x5FFFF  }
0xac: {  	[dreg:$0x1] =	wrdreg $0xFFFFFFFF  }
0xad: {  	[dreg:$0x0] =	wrdreg $0x60  }
0xae: {  	[dreg:$0x2] =	wrdreg s2  }
0xaf: {  	[dreg:$0x3] =	wrdreg s24  }
0xb0: {  	[dreg:$0x4] =	wrdreg $0x9  }
0xb1: {  	_ =	task.clear_ibuf [dreg:s7], $0x5FFFF;
	_ =	strace $0x90000046  }
0xb2: {  	s29 =	simm.s32 $0x9;
	_ =	strace $0x80000048  }
0xb3: {  	_ =	swait.ge [sflag:s29], $0x1  }
0xb4: {  	[sflag:s29] =	ssyncadd.s32 $0xFFFFFFFF  }
0xb5: {  	_ =	strace $0x90000048  }
0xb6: {  	_ =	sfence  }
0xb7: {  	s30 =	sld [smem:$0x0];
	_ =	sdelay $0x2  }
0xb8: {  	s31 =	sshll.u32 s1, $0xD;
	s1 =	sshrl.u32 s1, $0x2  }
0xb9: {  	s3 =	sand.u32 $0x4000, s31;
	s1 =	sadd.s32 s1, s30  }
0xba: {  	s0 =	sor.u32 s3, s0;
	s1 =	sshll.u32 s1, $0x11  }
0xbb: {  	s0 =	sor.u32 s1, s0  }
0xbc: {  	s0 =	sadd.s32 $0x8F2B, s0  }
0xbd: {  	[sflag:s0] =	ssyncadd.remote.s32 $0x1  }
0xbe: {  	_ =	sfence.sel $0xFFFF  }
0xbf: {  	[dreg:$0x0] =	wrdreg $0xFFFFFFFF;
	(pc) =	sbr.abs _section_cstart, $3  }
0xc0: {  	[dreg:$0x1] =	wrdreg $0xFFFFFFFF  }
0xc1: {  	_ =	task.clear_ibuf [dreg:s7], $0x2FFFF;
	_ =	strace $0x9FFFFFFF  }
0xc2: {  	(tm) =	ssettm $0x7FFFFFFF  }
0xc3: {  	_ =	shalt  }
tec
execute0_lowered:
.L_overlay_start_1:
0x0: {  	(tag) =	ssettag $0x1  }
0x1: {  	s0 =	rddreg [dreg:$0x0]  }
0x2: {  	s1 =	srdreg.scid;
	s2 =	stileid.u32  }
0x3: {  	s5 =	rddreg [dreg:$0x1];
	s10 =	simm.s32 $0x80;
	s13 =	simm.s32 $0x600  }
0x4: {  	s14 =	simm.s32 $0xC00;
	s16 =	simm.s32 $0x800;
	s18 =	simm.s32 $0x4C00  }
0x5: {  	s20 =	simm.s32 $0xCC00;
	s22 =	simm.s32 $0x14C00;
	s23 =	simm.s32 $0x1  }
0x6: {  	s24 =	simm.s32 $0x3;
	s25 =	simm.s32 $0x5;
	s26 =	simm.s32 $0x18C00  }
0x7: {  	s31 =	simm.s32 $0x2;
	s1 =	sand.u32 $0x1, s1;
	s3 =	sshll.u32 s2, $0x1  }
0x8: {  	s28 =	simm.s32 $0x0;
	s2 =	simm.s32 $0x0;
	s4 =	sor.u32 s1, s3  }
0x9: {  	[smem:$0x7FF] =	sst s2;
	s1 =	ssub.s32 $0x2, s1;
	s3 =	sshll.u32 s4, $0x7  }
0xa: {  	_ =	strace $0x80000047;
	s7 =	sshll.u32 s4, $0x6;
	s8 =	sshrl.u32 s1, $0x1  }
0xb: {  	v0 =	vlaneseq.u32;
	s4 =	sadd.s32 $0xF42E00, s5;
	s6 =	sadd.s32 s3, s5;
	s3 =	sadd.s32 $0x1313800, s5  }
0xc: {  	v0 =	vmul.u32 $0x200, v0;
	s9 =	sadd.s32 s7, s5;
	s1 =	ssub.s32 s1, s8;
	s5 =	sadd.s32 s0, s7  }
0xd: {  	s0 =	simm.s32 $0x6;
	s6 =	sadd.s32 $0xA00, s6;
	s7 =	sadd.s32 $0x1A00, s9  }
0xe: {  	v1 =	vor.u32 $0x80, v0;
	v2 =	vor.u32 $0x100, v0;
	v3 =	vor.u32 $0x180, v0;
	s8 =	smax.u32 s1, $0x1;
	s9 =	simm.s32 $0x7;
	s1 =	simm.s32 $0x4  }
.LBB2_1:
0xf: {  	[tilespmem:s2], [sflag:$0x7] =	stream.linear.gather [hbm4b:s5+s2], $0x200, $0x38;
	[tilespmem:$0x1AE00] =	vst v63  }
0x10: {  	_ =	swait.ge [sflag:s9], $0x200  }
0x11: {  	[sflag:s9] =	ssyncset.done $0x0  }
0x12: {  	s15 =	simm.s32 $0x200;
	[sflag:s9] =	ssyncadd.s32 $0xFFFFFE00  }
0x13: {  	[tilespmem:s15], [sflag:$0x7] =	stream.linear.gather [hbm4b:s6+s2], $0x400, $0x38;
	[tilespmem:$0x1AE00] =	vst v63  }
0x14: {  	_ =	swait.ge [sflag:s9], $0x400  }
0x15: {  	[sflag:s9] =	ssyncset.done $0x0  }
0x16: {  	[sflag:s9] =	ssyncadd.s32 $0xFFFFFC00  }
0x17: {  	v4 =	vld [tilespmem:s2+$0x0];
	_ =	sdelay $0x4  }
0x18: {  	v4 =	vshrl.u32 v4, $0x2  }
0x19: {  	[tilespmem:s13+$0x0] =	vst v4  }
0x1a: {  	v4 =	vld [tilespmem:s15+$0x0];
	_ =	sdelay $0x4  }
0x1b: {  	v4 =	vshrl.u32 v4, $0x2  }
0x1c: {  	s11 =	sand.u32 $0x1F0, s2;
	[tilespmem:s16+$0x0] =	vst v4  }
0x1d: {  	v4 =	vld [tilespmem:s11+$0x400];
	_ =	sdelay $0x3  }
0x1e: {  	s17 =	simm.s32 $0x10;
	s19 =	simm.s32 $0x810;
	s21 =	simm.s32 $0xA10  }
0x1f: {  	s29 =	simm.s32 $0x0;
	s30 =	simm.s32 $0x600;
	s11 =	simm.s32 $0xA00;
	v4 =	vshrl.u32 v4, $0x2  }
.LBB2_2:
0x20: {  	[tilespmem:s11+$0x0] =	vst v4;
	s29 =	sadd.s32 $0x10, s29;
	s30 =	sadd.s32 $0x10, s30;
	s15 =	sadd.s32 $0x10, s15  }
0x21: {  	p0 =	sne.s32 s17, $0x1F0;
	s12 =	smov.u32 s17;
	s17 =	sadd.s32 $0x10, s17;
	v4 =	vld [tilespmem:s29+$0x0]  }
0x22: {  	s11 =	smov.u32 s21;
	_ =	sdelay $0x3  }
0x23: {  	v4 =	vshrl.u32 v4, $0x2  }
0x24: {  	[tilespmem:s30+$0x0] =	vst v4  }
0x25: {  	v4 =	vld [tilespmem:s15+$0x0];
	_ =	sdelay $0x4  }
0x26: {  	v4 =	vshrl.u32 v4, $0x2  }
0x27: {  	s12 =	sand.u32 $0x1F0, s12;
	[tilespmem:s19+$0x0] =	vst v4  }
0x28: {  	v4 =	vld [tilespmem:s12+$0x400]  }
.Ltmp0:
0x29: {  	(pc) =	sbr.rel @p0 .LBB2_2-.Ltmp0, $2  }
0x2a: {  	_ =	sdelay $0x2  }
0x2b: {  	s21 =	sadd.s32 $0x10, s21;
	s19 =	sadd.s32 $0x10, s19;
	v4 =	vshrl.u32 v4, $0x2  }
0x2c: {  	[tilespmem:s11+$0x0] =	vst v4  }
0x2d: {  	[tilespmem:s14], [sflag:$0x1] =	stream.indirect.gather [hbm4b:s3+s10], $0x80, s13, s10, $0xb8;
	[tilespmem:$0x1AE00] =	vst v63  }
0x2e: {  	s15 =	simm.s32 $0x8C00  }
0x2f: {  	[tilespmem:s15], [sflag:$0x3] =	stream.indirect.gather [hbm4b:s4+s10], $0x80, s16, s10, $0xb8;
	[tilespmem:$0x1AE00] =	vst v63  }
0x30: {  	s12 =	simm.s32 $0x10C00;
	s16 =	simm.s32 $0xA00  }
0x31: {  	[tilespmem:s12], [sflag:$0x5] =	stream.indirect.gather [hbm4b:s4+s10], $0x80, s16, s10, $0xb8;
	[tilespmem:$0x1AE00] =	vst v63  }
0x32: {  	s17 =	simm.s32 $0x680  }
0x33: {  	[tilespmem:s18], [sflag:$0x2] =	stream.indirect.gather [hbm4b:s3+s10], $0x80, s17, s10, $0xb8;
	[tilespmem:$0x1AE00] =	vst v63  }
0x34: {  	s19 =	simm.s32 $0x880  }
0x35: {  	[tilespmem:s20], [sflag:$0x4] =	stream.indirect.gather [hbm4b:s4+s10], $0x80, s19, s10, $0xb8;
	[tilespmem:$0x1AE00] =	vst v63  }
0x36: {  	s21 =	simm.s32 $0xA80  }
0x37: {  	[tilespmem:s22], [sflag:$0x6] =	stream.indirect.gather [hbm4b:s4+s10], $0x80, s21, s10, $0xb8;
	[tilespmem:$0x1AE00] =	vst v63  }
0x38: {  	_ =	swait.ge [sflag:s23], $0x4000  }
0x39: {  	[sflag:s23] =	ssyncset.done $0x0  }
0x3a: {  	[sflag:s23] =	ssyncadd.s32 $0xFFFFC000  }
0x3b: {  	_ =	swait.ge [sflag:s24], $0x4000  }
0x3c: {  	[sflag:s24] =	ssyncset.done $0x0  }
0x3d: {  	[sflag:s24] =	ssyncadd.s32 $0xFFFFC000  }
0x3e: {  	_ =	swait.ge [sflag:s25], $0x4000  }
0x3f: {  	s29 =	simm.s32 $0x0;
	s30 =	simm.s32 $0xF;
	[sflag:s25] =	ssyncset.done $0x0  }
0x40: {  	s15 =	simm.s32 $0x400;
	s17 =	simm.s32 $0x0;
	[sflag:s25] =	ssyncadd.s32 $0xFFFFC000  }
.LBB2_4:
0x41: {  	v4 =	vld [tilespmem:s29+$0x0];
	_ =	sdelay $0x1  }
0x42: {  	v5 =	vld [tilespmem:s15+$0xFFFFFE00]  }
0x43: {  	v6 =	vld [tilespmem:s15+$0x0];
	_ =	sdelay $0x1  }
0x44: {  	v4 =	vshll.u32 v4, $0x5  }
0x45: {  	s11 =	sshra.s32 s17, $0x2;
	v4 =	vand.u32 $0x60, v4  }
0x46: {  	v5 =	vshll.u32 v5, $0x5;
	v4 =	vadd.s32 s11, v4  }
0x47: {  	v6 =	vshll.u32 v6, $0x5;
	v5 =	vand.u32 $0x60, v5;
	(v2sf) =	vpush v4, $0x1  }
0x48: {  	v6 =	vand.u32 $0x60, v6;
	v5 =	vadd.s32 s11, v5;
	(v2sf) =	vpush v4, $0x0  }
0x49: {  	v6 =	vadd.s32 s11, v6;
	(v2sf) =	vpush v5, $0x1  }
0x4a: {  	v6 =	vadd.s32 $0x10C00, v6;
	(v2sf) =	vpush v5, $0x0  }
0x4b: {  	(v2sf) =	vpush v6, $0x1  }
0x4c: {  	(v2sf) =	vpush v6, $0x0;
	_ =	sdelay $0x9  }
0x4d: {  	s11 =	spop (v2sf)  }
0x4e: {  	s12 =	spop (v2sf)  }
0x4f: {  	s19 =	spop (v2sf)  }
0x50: {  	s21 =	spop (v2sf)  }
0x51: {  	v7 =	vld [tilespmem:s21+$0x8C00];
	s13 =	spop (v2sf)  }
0x52: {  	v8 =	vld [tilespmem:s21+$0x8C10];
	s16 =	spop (v2sf)  }
0x53: {  	v9 =	vld [tilespmem:s16+$0x0]  }
0x54: {  	v10 =	vld [tilespmem:s16+$0x10]  }
0x55: {  	v11 =	vld [tilespmem:s12+$0xC00];
	s16 =	sadd.s32 $0xFFFFFFF1, s30  }
0x56: {  	v12 =	vld [tilespmem:s12+$0xC10];
	v13 =	vmov s16  }
0x57: {  	v13 =	vand.u32 $0x70, v13  }
0x58: {  	v13 =	vbroadcast v13, $0x0  }
0x59: {  	v7 =	vsub.f32 v7, v9;
	v8 =	vsub.f32 v8, v10  }
0x5a: {  	v26 =	vor.u32 v0, v13  }
0x5b: {  	v7 =	vmul.f32 v7, v11;
	v8 =	vmul.f32 v8, v12  }
0x5c: {  	(v2sf) =	vpush v4, $0x3  }
0x5d: {  	(v2sf) =	vpush v4, $0x2;
	v7 =	vadd.f32 v8, v7  }
0x5e: {  	(v2sf) =	vpush v5, $0x3  }
0x5f: {  	(v2sf) =	vpush v5, $0x2;
	[tilespmem:v26+s26+$0x0] =	vst.idx.msk $0xffff, v7  }
0x60: {  	(v2sf) =	vpush v6, $0x3;
	v7 =	vld [tilespmem:s19+$0x8C80]  }
0x61: {  	(v2sf) =	vpush v6, $0x2;
	v27 =	vld [tilespmem:s19+$0x8C90]  }
0x62: {  	v9 =	vld [tilespmem:s13+$0x80]  }
0x63: {  	v28 =	vld [tilespmem:s13+$0x90]  }
0x64: {  	s13 =	sadd.s32 $0xFFFFFFF2, s30;
	v29 =	vld [tilespmem:s11+$0xC80]  }
0x65: {  	v30 =	vld [tilespmem:s11+$0xC90];
	v31 =	vmov s13  }
0x66: {  	v13 =	vand.u32 $0x71, v31  }
0x67: {  	v13 =	vbroadcast v13, $0x0  }
0x68: {  	v7 =	vsub.f32 v7, v9;
	v8 =	vsub.f32 v27, v28  }
0x69: {  	v32 =	vor.u32 v0, v13  }
0x6a: {  	v7 =	vmul.f32 v7, v29;
	v8 =	vmul.f32 v8, v30  }
0x6b: {  	s11 =	spop (v2sf)  }
0x6c: {  	s12 =	spop (v2sf);
	v7 =	vadd.f32 v8, v7  }
0x6d: {  	s13 =	spop (v2sf)  }
0x6e: {  	s16 =	spop (v2sf);
	[tilespmem:v32+s26+$0x0] =	vst.idx.msk $0xffff, v7  }
0x6f: {  	s21 =	spop (v2sf);
	v7 =	vld [tilespmem:s16+$0x8D00]  }
0x70: {  	v33 =	vld [tilespmem:s16+$0x8D10];
	s16 =	spop (v2sf)  }
0x71: {  	v9 =	vld [tilespmem:s16+$0x100]  }
0x72: {  	v34 =	vld [tilespmem:s16+$0x110]  }
0x73: {  	v35 =	vld [tilespmem:s12+$0xD00];
	s16 =	sadd.s32 $0xFFFFFFF3, s30  }
0x74: {  	v36 =	vld [tilespmem:s12+$0xD10];
	v37 =	vmov s16  }
0x75: {  	v13 =	vand.u32 $0x72, v37  }
0x76: {  	v13 =	vbroadcast v13, $0x0  }
0x77: {  	v7 =	vsub.f32 v7, v9;
	v8 =	vsub.f32 v33, v34  }
0x78: {  	v38 =	vor.u32 v0, v13  }
0x79: {  	v7 =	vmul.f32 v7, v35;
	v8 =	vmul.f32 v8, v36  }
0x7a: {  	(v2sf) =	vpush v4, $0x5  }
0x7b: {  	(v2sf) =	vpush v4, $0x4;
	v7 =	vadd.f32 v8, v7  }
0x7c: {  	(v2sf) =	vpush v5, $0x5  }
0x7d: {  	(v2sf) =	vpush v5, $0x4;
	[tilespmem:v38+s26+$0x0] =	vst.idx.msk $0xffff, v7  }
0x7e: {  	(v2sf) =	vpush v6, $0x5;
	v7 =	vld [tilespmem:s13+$0x8D80]  }
0x7f: {  	(v2sf) =	vpush v6, $0x4;
	v39 =	vld [tilespmem:s13+$0x8D90]  }
0x80: {  	v9 =	vld [tilespmem:s21+$0x180]  }
0x81: {  	v40 =	vld [tilespmem:s21+$0x190]  }
0x82: {  	s13 =	sadd.s32 $0xFFFFFFF4, s30;
	v41 =	vld [tilespmem:s11+$0xD80]  }
0x83: {  	v42 =	vld [tilespmem:s11+$0xD90];
	v43 =	vmov s13  }
0x84: {  	v13 =	vand.u32 $0x73, v43  }
0x85: {  	v13 =	vbroadcast v13, $0x0  }
0x86: {  	v7 =	vsub.f32 v7, v9;
	v8 =	vsub.f32 v39, v40  }
0x87: {  	v44 =	vor.u32 v0, v13  }
0x88: {  	v7 =	vmul.f32 v7, v41;
	v8 =	vmul.f32 v8, v42  }
0x89: {  	s11 =	spop (v2sf)  }
0x8a: {  	s12 =	spop (v2sf);
	v7 =	vadd.f32 v8, v7  }
0x8b: {  	s13 =	spop (v2sf)  }
0x8c: {  	s16 =	spop (v2sf);
	[tilespmem:v44+s26+$0x0] =	vst.idx.msk $0xffff, v7  }
0x8d: {  	s21 =	spop (v2sf);
	v7 =	vld [tilespmem:s16+$0x8E00]  }
0x8e: {  	v45 =	vld [tilespmem:s16+$0x8E10];
	s16 =	spop (v2sf)  }
0x8f: {  	v9 =	vld [tilespmem:s16+$0x200]  }
0x90: {  	v46 =	vld [tilespmem:s16+$0x210]  }
0x91: {  	v47 =	vld [tilespmem:s12+$0xE00];
	s16 =	sadd.s32 $0xFFFFFFF5, s30  }
0x92: {  	v48 =	vld [tilespmem:s12+$0xE10];
	v49 =	vmov s16  }
0x93: {  	v13 =	vand.u32 $0x74, v49  }
0x94: {  	v13 =	vbroadcast v13, $0x0  }
0x95: {  	v7 =	vsub.f32 v7, v9;
	v8 =	vsub.f32 v45, v46  }
0x96: {  	v50 =	vor.u32 v0, v13  }
0x97: {  	v7 =	vmul.f32 v7, v47;
	v8 =	vmul.f32 v8, v48  }
0x98: {  	(v2sf) =	vpush v4, $0x7  }
0x99: {  	(v2sf) =	vpush v4, $0x6;
	v7 =	vadd.f32 v8, v7  }
0x9a: {  	(v2sf) =	vpush v5, $0x7  }
0x9b: {  	(v2sf) =	vpush v5, $0x6;
	[tilespmem:v50+s26+$0x0] =	vst.idx.msk $0xffff, v7  }
0x9c: {  	(v2sf) =	vpush v6, $0x7;
	v7 =	vld [tilespmem:s13+$0x8E80]  }
0x9d: {  	(v2sf) =	vpush v6, $0x6;
	v51 =	vld [tilespmem:s13+$0x8E90]  }
0x9e: {  	v9 =	vld [tilespmem:s21+$0x280]  }
0x9f: {  	v52 =	vld [tilespmem:s21+$0x290]  }
0xa0: {  	s13 =	sadd.s32 $0xFFFFFFF6, s30;
	v53 =	vld [tilespmem:s11+$0xE80]  }
0xa1: {  	v54 =	vld [tilespmem:s11+$0xE90];
	v55 =	vmov s13  }
0xa2: {  	v13 =	vand.u32 $0x75, v55  }
0xa3: {  	v13 =	vbroadcast v13, $0x0  }
0xa4: {  	v7 =	vsub.f32 v7, v9;
	v8 =	vsub.f32 v51, v52  }
0xa5: {  	v56 =	vor.u32 v0, v13  }
0xa6: {  	v7 =	vmul.f32 v7, v53;
	v8 =	vmul.f32 v8, v54  }
0xa7: {  	s11 =	spop (v2sf)  }
0xa8: {  	s12 =	spop (v2sf);
	v7 =	vadd.f32 v8, v7  }
0xa9: {  	s13 =	spop (v2sf)  }
0xaa: {  	s16 =	spop (v2sf);
	[tilespmem:v56+s26+$0x0] =	vst.idx.msk $0xffff, v7  }
0xab: {  	s21 =	spop (v2sf);
	v7 =	vld [tilespmem:s16+$0x8F00]  }
0xac: {  	v57 =	vld [tilespmem:s16+$0x8F10];
	s16 =	spop (v2sf)  }
0xad: {  	v9 =	vld [tilespmem:s16+$0x300]  }
0xae: {  	v58 =	vld [tilespmem:s16+$0x310]  }
0xaf: {  	v59 =	vld [tilespmem:s12+$0xF00];
	s16 =	sadd.s32 $0xFFFFFFF7, s30  }
0xb0: {  	v60 =	vld [tilespmem:s12+$0xF10];
	v61 =	vmov s16  }
0xb1: {  	v13 =	vand.u32 $0x76, v61  }
0xb2: {  	v13 =	vbroadcast v13, $0x0  }
0xb3: {  	v7 =	vsub.f32 v7, v9;
	v8 =	vsub.f32 v57, v58  }
0xb4: {  	v62 =	vor.u32 v0, v13  }
0xb5: {  	v7 =	vmul.f32 v7, v59;
	v8 =	vmul.f32 v8, v60  }
0xb6: {  	(v2sf) =	vpush v4, $0x9  }
0xb7: {  	(v2sf) =	vpush v4, $0x8;
	v7 =	vadd.f32 v8, v7  }
0xb8: {  	(v2sf) =	vpush v5, $0x9  }
0xb9: {  	(v2sf) =	vpush v5, $0x8;
	[tilespmem:v62+s26+$0x0] =	vst.idx.msk $0xffff, v7  }
0xba: {  	(v2sf) =	vpush v6, $0x9;
	v7 =	vld [tilespmem:s13+$0x8F80]  }
0xbb: {  	(v2sf) =	vpush v6, $0x8;
	v63 =	vld [tilespmem:s13+$0x8F90]  }
0xbc: {  	v9 =	vld [tilespmem:s21+$0x380]  }
0xbd: {  	v16 =	vld [tilespmem:s21+$0x390]  }
0xbe: {  	s13 =	sadd.s32 $0xFFFFFFF8, s30;
	v17 =	vld [tilespmem:s11+$0xF80]  }
0xbf: {  	v18 =	vld [tilespmem:s11+$0xF90];
	v19 =	vmov s13  }
0xc0: {  	v13 =	vand.u32 $0x77, v19  }
0xc1: {  	v13 =	vbroadcast v13, $0x0  }
0xc2: {  	v7 =	vsub.f32 v7, v9;
	v8 =	vsub.f32 v63, v16  }
0xc3: {  	v20 =	vor.u32 v0, v13  }
0xc4: {  	v7 =	vmul.f32 v7, v17;
	v8 =	vmul.f32 v8, v18  }
0xc5: {  	s11 =	spop (v2sf)  }
0xc6: {  	s12 =	spop (v2sf);
	v7 =	vadd.f32 v8, v7  }
0xc7: {  	s13 =	spop (v2sf)  }
0xc8: {  	s16 =	spop (v2sf);
	[tilespmem:v20+s26+$0x0] =	vst.idx.msk $0xffff, v7  }
0xc9: {  	s21 =	spop (v2sf);
	v7 =	vld [tilespmem:s16+$0x9000]  }
0xca: {  	v21 =	vld [tilespmem:s16+$0x9010];
	s16 =	spop (v2sf)  }
0xcb: {  	v9 =	vld [tilespmem:s16+$0x400]  }
0xcc: {  	v22 =	vld [tilespmem:s16+$0x410]  }
0xcd: {  	v23 =	vld [tilespmem:s12+$0x1000];
	s16 =	sadd.s32 $0xFFFFFFF9, s30  }
0xce: {  	v24 =	vld [tilespmem:s12+$0x1010];
	v25 =	vmov s16  }
0xcf: {  	v13 =	vand.u32 $0x78, v25  }
0xd0: {  	v13 =	vbroadcast v13, $0x0  }
0xd1: {  	v7 =	vsub.f32 v7, v9;
	v8 =	vsub.f32 v21, v22  }
0xd2: {  	v26 =	vor.u32 v0, v13  }
0xd3: {  	v7 =	vmul.f32 v7, v23;
	v8 =	vmul.f32 v8, v24  }
0xd4: {  	(v2sf) =	vpush v4, $0xB  }
0xd5: {  	(v2sf) =	vpush v4, $0xA;
	v7 =	vadd.f32 v8, v7  }
0xd6: {  	(v2sf) =	vpush v5, $0xB  }
0xd7: {  	(v2sf) =	vpush v5, $0xA;
	[tilespmem:v26+s26+$0x0] =	vst.idx.msk $0xffff, v7  }
0xd8: {  	(v2sf) =	vpush v6, $0xB;
	v7 =	vld [tilespmem:s13+$0x9080]  }
0xd9: {  	(v2sf) =	vpush v6, $0xA;
	v27 =	vld [tilespmem:s13+$0x9090]  }
0xda: {  	v9 =	vld [tilespmem:s21+$0x480]  }
0xdb: {  	v28 =	vld [tilespmem:s21+$0x490]  }
0xdc: {  	s13 =	sadd.s32 $0xFFFFFFFA, s30;
	v29 =	vld [tilespmem:s11+$0x1080]  }
0xdd: {  	v30 =	vld [tilespmem:s11+$0x1090];
	v31 =	vmov s13  }
0xde: {  	v13 =	vand.u32 $0x79, v31  }
0xdf: {  	v13 =	vbroadcast v13, $0x0  }
0xe0: {  	v7 =	vsub.f32 v7, v9;
	v8 =	vsub.f32 v27, v28  }
0xe1: {  	v32 =	vor.u32 v0, v13  }
0xe2: {  	v7 =	vmul.f32 v7, v29;
	v8 =	vmul.f32 v8, v30  }
0xe3: {  	s11 =	spop (v2sf)  }
0xe4: {  	s12 =	spop (v2sf);
	v7 =	vadd.f32 v8, v7  }
0xe5: {  	s13 =	spop (v2sf)  }
0xe6: {  	s16 =	spop (v2sf);
	[tilespmem:v32+s26+$0x0] =	vst.idx.msk $0xffff, v7  }
0xe7: {  	s21 =	spop (v2sf);
	v7 =	vld [tilespmem:s16+$0x9100]  }
0xe8: {  	v33 =	vld [tilespmem:s16+$0x9110];
	s16 =	spop (v2sf)  }
0xe9: {  	v9 =	vld [tilespmem:s16+$0x500]  }
0xea: {  	v34 =	vld [tilespmem:s16+$0x510]  }
0xeb: {  	v35 =	vld [tilespmem:s12+$0x1100];
	s16 =	sadd.s32 $0xFFFFFFFB, s30  }
0xec: {  	v36 =	vld [tilespmem:s12+$0x1110];
	v37 =	vmov s16  }
0xed: {  	v13 =	vand.u32 $0x7A, v37  }
0xee: {  	v13 =	vbroadcast v13, $0x0  }
0xef: {  	v7 =	vsub.f32 v7, v9;
	v8 =	vsub.f32 v33, v34  }
0xf0: {  	v38 =	vor.u32 v0, v13  }
0xf1: {  	v7 =	vmul.f32 v7, v35;
	v8 =	vmul.f32 v8, v36  }
0xf2: {  	(v2sf) =	vpush v4, $0xD  }
0xf3: {  	(v2sf) =	vpush v4, $0xC;
	v7 =	vadd.f32 v8, v7  }
0xf4: {  	(v2sf) =	vpush v5, $0xD  }
0xf5: {  	(v2sf) =	vpush v5, $0xC;
	[tilespmem:v38+s26+$0x0] =	vst.idx.msk $0xffff, v7  }
0xf6: {  	(v2sf) =	vpush v6, $0xD;
	v7 =	vld [tilespmem:s13+$0x9180]  }
0xf7: {  	(v2sf) =	vpush v6, $0xC;
	v39 =	vld [tilespmem:s13+$0x9190]  }
0xf8: {  	v9 =	vld [tilespmem:s21+$0x580]  }
0xf9: {  	v40 =	vld [tilespmem:s21+$0x590]  }
0xfa: {  	s13 =	sadd.s32 $0xFFFFFFFC, s30;
	v41 =	vld [tilespmem:s11+$0x1180]  }
0xfb: {  	v42 =	vld [tilespmem:s11+$0x1190];
	v43 =	vmov s13  }
0xfc: {  	v13 =	vand.u32 $0x7B, v43  }
0xfd: {  	v13 =	vbroadcast v13, $0x0  }
0xfe: {  	v7 =	vsub.f32 v7, v9;
	v8 =	vsub.f32 v39, v40  }
0xff: {  	v44 =	vor.u32 v0, v13  }
0x100: {  	v7 =	vmul.f32 v7, v41;
	v8 =	vmul.f32 v8, v42  }
0x101: {  	s11 =	spop (v2sf)  }
0x102: {  	s12 =	spop (v2sf);
	v7 =	vadd.f32 v8, v7  }
0x103: {  	s13 =	spop (v2sf)  }
0x104: {  	s16 =	spop (v2sf);
	[tilespmem:v44+s26+$0x0] =	vst.idx.msk $0xffff, v7  }
0x105: {  	s21 =	spop (v2sf);
	v7 =	vld [tilespmem:s16+$0x9200]  }
0x106: {  	v45 =	vld [tilespmem:s16+$0x9210];
	s16 =	spop (v2sf)  }
0x107: {  	v9 =	vld [tilespmem:s16+$0x600]  }
0x108: {  	v46 =	vld [tilespmem:s16+$0x610]  }
0x109: {  	v47 =	vld [tilespmem:s12+$0x1200];
	s16 =	sadd.s32 $0xFFFFFFFD, s30  }
0x10a: {  	v48 =	vld [tilespmem:s12+$0x1210];
	v49 =	vmov s16  }
0x10b: {  	v13 =	vand.u32 $0x7C, v49  }
0x10c: {  	v13 =	vbroadcast v13, $0x0  }
0x10d: {  	v7 =	vsub.f32 v7, v9;
	v8 =	vsub.f32 v45, v46  }
0x10e: {  	v50 =	vor.u32 v0, v13  }
0x10f: {  	v7 =	vmul.f32 v7, v47;
	v8 =	vmul.f32 v8, v48  }
0x110: {  	(v2sf) =	vpush v4, $0xF  }
0x111: {  	(v2sf) =	vpush v4, $0xE;
	v7 =	vadd.f32 v8, v7  }
0x112: {  	(v2sf) =	vpush v5, $0xF  }
0x113: {  	(v2sf) =	vpush v5, $0xE;
	[tilespmem:v50+s26+$0x0] =	vst.idx.msk $0xffff, v7  }
0x114: {  	(v2sf) =	vpush v6, $0xF;
	v4 =	vld [tilespmem:s13+$0x9280]  }
0x115: {  	(v2sf) =	vpush v6, $0xE;
	v5 =	vld [tilespmem:s13+$0x9290]  }
0x116: {  	v51 =	vld [tilespmem:s21+$0x680]  }
0x117: {  	v7 =	vld [tilespmem:s21+$0x690]  }
0x118: {  	s13 =	sadd.s32 $0xFFFFFFFE, s30;
	v52 =	vld [tilespmem:s11+$0x1280]  }
0x119: {  	v9 =	vld [tilespmem:s11+$0x1290];
	v53 =	vmov s13  }
0x11a: {  	v10 =	vand.u32 $0x7D, v53  }
0x11b: {  	v10 =	vbroadcast v10, $0x0  }
0x11c: {  	v4 =	vsub.f32 v4, v51;
	v5 =	vsub.f32 v5, v7  }
0x11d: {  	v54 =	vor.u32 v0, v10  }
0x11e: {  	v4 =	vmul.f32 v4, v52;
	v5 =	vmul.f32 v5, v9  }
0x11f: {  	s11 =	spop (v2sf)  }
0x120: {  	s12 =	spop (v2sf);
	v4 =	vadd.f32 v5, v4  }
0x121: {  	s13 =	spop (v2sf)  }
0x122: {  	s16 =	spop (v2sf);
	[tilespmem:v54+s26+$0x0] =	vst.idx.msk $0xffff, v4  }
0x123: {  	s21 =	spop (v2sf);
	v4 =	vld [tilespmem:s16+$0x9300]  }
0x124: {  	v5 =	vld [tilespmem:s16+$0x9310];
	s16 =	spop (v2sf)  }
0x125: {  	v6 =	vld [tilespmem:s16+$0x700]  }
0x126: {  	v55 =	vld [tilespmem:s16+$0x710]  }
0x127: {  	v56 =	vld [tilespmem:s12+$0x1300];
	s16 =	sadd.s32 $0xFFFFFFFF, s30  }
0x128: {  	v57 =	vld [tilespmem:s12+$0x1310];
	v58 =	vmov s16  }
0x129: {  	v10 =	vand.u32 $0x7E, v58  }
0x12a: {  	v10 =	vbroadcast v10, $0x0  }
0x12b: {  	v4 =	vsub.f32 v4, v6;
	v5 =	vsub.f32 v5, v55  }
0x12c: {  	v59 =	vor.u32 v0, v10  }
0x12d: {  	v4 =	vmul.f32 v4, v56;
	v5 =	vmul.f32 v5, v57;
	_ =	sdelay $0x1  }
0x12e: {  	v4 =	vadd.f32 v5, v4;
	_ =	sdelay $0x1  }
0x12f: {  	[tilespmem:v59+s26+$0x0] =	vst.idx.msk $0xffff, v4  }
0x130: {  	v4 =	vld [tilespmem:s13+$0x9380]  }
0x131: {  	v5 =	vld [tilespmem:s13+$0x9390]  }
0x132: {  	v6 =	vld [tilespmem:s21+$0x780]  }
0x133: {  	v60 =	vld [tilespmem:s21+$0x790]  }
0x134: {  	v61 =	vld [tilespmem:s11+$0x1380]  }
0x135: {  	v62 =	vld [tilespmem:s11+$0x1390];
	_ =	sdelay $0x2  }
0x136: {  	v4 =	vsub.f32 v4, v6;
	v5 =	vsub.f32 v5, v60  }
0x137: {  	p0 =	sne.s32 s17, $0xE000;
	v63 =	vor.u32 s30, v0  }
.Ltmp1:
0x138: {  	v4 =	vmul.f32 v4, v61;
	v5 =	vmul.f32 v5, v62;
	(pc) =	sbr.rel @p0 .LBB2_4-.Ltmp1, $4  }
0x139: {  	_ = 	snop  }
0x13a: {  	v4 =	vadd.f32 v5, v4  }
0x13b: {  	s29 =	sadd.s32 $0x10, s29  }
0x13c: {  	s15 =	sadd.s32 $0x10, s15;
	s17 =	sadd.s32 $0x2000, s17;
	s30 =	sadd.s32 $0x10, s30;
	[tilespmem:v63+s26+$0x0] =	vst.idx.msk $0xffff, v4  }
0x13d: {  	s29 =	simm.s32 $0x80;
	s11 =	simm.s32 $0x700  }
0x13e: {  	[tilespmem:s14], [sflag:$0x1] =	stream.indirect.gather [hbm4b:s3+s29], $0x80, s11, s29, $0xb8;
	[tilespmem:$0x1AE00] =	vst v63  }
0x13f: {  	s17 =	simm.s32 $0x8C00;
	s12 =	simm.s32 $0x900  }
0x140: {  	[tilespmem:s17], [sflag:$0x3] =	stream.indirect.gather [hbm4b:s4+s29], $0x80, s12, s29, $0xb8;
	[tilespmem:$0x1AE00] =	vst v63  }
0x141: {  	s19 =	simm.s32 $0x10C00;
	s21 =	simm.s32 $0xB00  }
0x142: {  	[tilespmem:s19], [sflag:$0x5] =	stream.indirect.gather [hbm4b:s4+s29], $0x80, s21, s29, $0xb8;
	[tilespmem:$0x1AE00] =	vst v63  }
0x143: {  	_ =	swait.ge [sflag:s31], $0x4000  }
0x144: {  	[sflag:s31] =	ssyncset.done $0x0  }
0x145: {  	[sflag:s31] =	ssyncadd.s32 $0xFFFFC000  }
0x146: {  	_ =	swait.ge [sflag:s1], $0x4000  }
0x147: {  	[sflag:s1] =	ssyncset.done $0x0  }
0x148: {  	[sflag:s1] =	ssyncadd.s32 $0xFFFFC000  }
0x149: {  	_ =	swait.ge [sflag:s0], $0x4000  }
0x14a: {  	s30 =	simm.s32 $0x0;
	[sflag:s0] =	ssyncset.done $0x0  }
0x14b: {  	s15 =	simm.s32 $0x8F;
	s17 =	simm.s32 $0x480;
	[sflag:s0] =	ssyncadd.s32 $0xFFFFC000  }
.LBB2_6:
0x14c: {  	v4 =	vld [tilespmem:s29+$0x0];
	_ =	sdelay $0x1  }
0x14d: {  	v5 =	vld [tilespmem:s17+$0xFFFFFE00]  }
0x14e: {  	v6 =	vld [tilespmem:s17+$0x0];
	_ =	sdelay $0x1  }
0x14f: {  	v4 =	vshll.u32 v4, $0x5  }
0x150: {  	s11 =	sshra.s32 s30, $0x2;
	v4 =	vand.u32 $0x60, v4  }
0x151: {  	v5 =	vshll.u32 v5, $0x5;
	v4 =	vadd.s32 s11, v4  }
0x152: {  	v6 =	vshll.u32 v6, $0x5;
	v5 =	vand.u32 $0x60, v5;
	(v2sf) =	vpush v4, $0x1  }
0x153: {  	v6 =	vand.u32 $0x60, v6;
	v5 =	vadd.s32 s11, v5;
	(v2sf) =	vpush v4, $0x0  }
0x154: {  	v6 =	vadd.s32 s11, v6;
	(v2sf) =	vpush v5, $0x1  }
0x155: {  	v6 =	vadd.s32 $0x10C00, v6;
	(v2sf) =	vpush v5, $0x0  }
0x156: {  	(v2sf) =	vpush v6, $0x1  }
0x157: {  	(v2sf) =	vpush v6, $0x0;
	_ =	sdelay $0x9  }
0x158: {  	s11 =	spop (v2sf)  }
0x159: {  	s12 =	spop (v2sf)  }
0x15a: {  	s13 =	spop (v2sf)  }
0x15b: {  	s19 =	spop (v2sf)  }
0x15c: {  	v7 =	vld [tilespmem:s19+$0xCC00];
	s21 =	spop (v2sf)  }
0x15d: {  	v8 =	vld [tilespmem:s19+$0xCC10];
	s14 =	spop (v2sf)  }
0x15e: {  	v9 =	vld [tilespmem:s14+$0x4000]  }
0x15f: {  	v10 =	vld [tilespmem:s14+$0x4010]  }
0x160: {  	s16 =	sadd.s32 $0xFFFFFFF1, s15;
	v11 =	vld [tilespmem:s12+$0x4C00]  }
0x161: {  	v13 =	vmov s16;
	v12 =	vld [tilespmem:s12+$0x4C10]  }
0x162: {  	v13 =	vand.u32 $0x70, v13  }
0x163: {  	v13 =	vbroadcast v13, $0x0  }
0x164: {  	v7 =	vsub.f32 v7, v9;
	v8 =	vsub.f32 v8, v10  }
0x165: {  	v26 =	vor.u32 v1, v13  }
0x166: {  	v7 =	vmul.f32 v7, v11;
	v8 =	vmul.f32 v8, v12  }
0x167: {  	(v2sf) =	vpush v4, $0x3  }
0x168: {  	(v2sf) =	vpush v4, $0x2;
	v7 =	vadd.f32 v8, v7  }
0x169: {  	(v2sf) =	vpush v5, $0x3  }
0x16a: {  	(v2sf) =	vpush v5, $0x2;
	[tilespmem:v26+s26+$0x0] =	vst.idx.msk $0xffff, v7  }
0x16b: {  	(v2sf) =	vpush v6, $0x3;
	v7 =	vld [tilespmem:s13+$0xCC80]  }
0x16c: {  	(v2sf) =	vpush v6, $0x2;
	v27 =	vld [tilespmem:s13+$0xCC90]  }
0x16d: {  	v9 =	vld [tilespmem:s21+$0x4080]  }
0x16e: {  	v28 =	vld [tilespmem:s21+$0x4090]  }
0x16f: {  	s14 =	sadd.s32 $0xFFFFFFF2, s15;
	v29 =	vld [tilespmem:s11+$0x4C80]  }
0x170: {  	v31 =	vmov s14;
	v30 =	vld [tilespmem:s11+$0x4C90]  }
0x171: {  	v13 =	vand.u32 $0x71, v31  }
0x172: {  	v13 =	vbroadcast v13, $0x0  }
0x173: {  	v7 =	vsub.f32 v7, v9;
	v8 =	vsub.f32 v27, v28  }
0x174: {  	v32 =	vor.u32 v1, v13  }
0x175: {  	v7 =	vmul.f32 v7, v29;
	v8 =	vmul.f32 v8, v30  }
0x176: {  	s11 =	spop (v2sf)  }
0x177: {  	s12 =	spop (v2sf);
	v7 =	vadd.f32 v8, v7  }
0x178: {  	s13 =	spop (v2sf)  }
0x179: {  	s16 =	spop (v2sf);
	[tilespmem:v32+s26+$0x0] =	vst.idx.msk $0xffff, v7  }
0x17a: {  	s21 =	spop (v2sf);
	v7 =	vld [tilespmem:s16+$0xCD00]  }
0x17b: {  	s14 =	spop (v2sf);
	v33 =	vld [tilespmem:s16+$0xCD10]  }
0x17c: {  	v9 =	vld [tilespmem:s14+$0x4100]  }
0x17d: {  	v34 =	vld [tilespmem:s14+$0x4110]  }
0x17e: {  	v35 =	vld [tilespmem:s12+$0x4D00];
	s16 =	sadd.s32 $0xFFFFFFF3, s15  }
0x17f: {  	v36 =	vld [tilespmem:s12+$0x4D10];
	v37 =	vmov s16  }
0x180: {  	v13 =	vand.u32 $0x72, v37  }
0x181: {  	v13 =	vbroadcast v13, $0x0  }
0x182: {  	v7 =	vsub.f32 v7, v9;
	v8 =	vsub.f32 v33, v34  }
0x183: {  	v38 =	vor.u32 v1, v13  }
0x184: {  	v7 =	vmul.f32 v7, v35;
	v8 =	vmul.f32 v8, v36  }
0x185: {  	(v2sf) =	vpush v4, $0x5  }
0x186: {  	(v2sf) =	vpush v4, $0x4;
	v7 =	vadd.f32 v8, v7  }
0x187: {  	(v2sf) =	vpush v5, $0x5  }
0x188: {  	(v2sf) =	vpush v5, $0x4;
	[tilespmem:v38+s26+$0x0] =	vst.idx.msk $0xffff, v7  }
0x189: {  	(v2sf) =	vpush v6, $0x5;
	v7 =	vld [tilespmem:s13+$0xCD80]  }
0x18a: {  	(v2sf) =	vpush v6, $0x4;
	v39 =	vld [tilespmem:s13+$0xCD90]  }
0x18b: {  	v9 =	vld [tilespmem:s21+$0x4180]  }
0x18c: {  	v40 =	vld [tilespmem:s21+$0x4190]  }
0x18d: {  	s14 =	sadd.s32 $0xFFFFFFF4, s15;
	v41 =	vld [tilespmem:s11+$0x4D80]  }
0x18e: {  	v43 =	vmov s14;
	v42 =	vld [tilespmem:s11+$0x4D90]  }
0x18f: {  	v13 =	vand.u32 $0x73, v43  }
0x190: {  	v13 =	vbroadcast v13, $0x0  }
0x191: {  	v7 =	vsub.f32 v7, v9;
	v8 =	vsub.f32 v39, v40  }
0x192: {  	v44 =	vor.u32 v1, v13  }
0x193: {  	v7 =	vmul.f32 v7, v41;
	v8 =	vmul.f32 v8, v42  }
0x194: {  	s11 =	spop (v2sf)  }
0x195: {  	s12 =	spop (v2sf);
	v7 =	vadd.f32 v8, v7  }
0x196: {  	s13 =	spop (v2sf)  }
0x197: {  	s16 =	spop (v2sf);
	[tilespmem:v44+s26+$0x0] =	vst.idx.msk $0xffff, v7  }
0x198: {  	s21 =	spop (v2sf);
	v7 =	vld [tilespmem:s16+$0xCE00]  }
0x199: {  	s14 =	spop (v2sf);
	v45 =	vld [tilespmem:s16+$0xCE10]  }
0x19a: {  	v9 =	vld [tilespmem:s14+$0x4200]  }
0x19b: {  	v46 =	vld [tilespmem:s14+$0x4210]  }
0x19c: {  	v47 =	vld [tilespmem:s12+$0x4E00];
	s16 =	sadd.s32 $0xFFFFFFF5, s15  }
0x19d: {  	v48 =	vld [tilespmem:s12+$0x4E10];
	v49 =	vmov s16  }
0x19e: {  	v13 =	vand.u32 $0x74, v49  }
0x19f: {  	v13 =	vbroadcast v13, $0x0  }
0x1a0: {  	v7 =	vsub.f32 v7, v9;
	v8 =	vsub.f32 v45, v46  }
0x1a1: {  	v50 =	vor.u32 v1, v13  }
0x1a2: {  	v7 =	vmul.f32 v7, v47;
	v8 =	vmul.f32 v8, v48  }
0x1a3: {  	(v2sf) =	vpush v4, $0x7  }
0x1a4: {  	(v2sf) =	vpush v4, $0x6;
	v7 =	vadd.f32 v8, v7  }
0x1a5: {  	(v2sf) =	vpush v5, $0x7  }
0x1a6: {  	(v2sf) =	vpush v5, $0x6;
	[tilespmem:v50+s26+$0x0] =	vst.idx.msk $0xffff, v7  }
0x1a7: {  	(v2sf) =	vpush v6, $0x7;
	v7 =	vld [tilespmem:s13+$0xCE80]  }
0x1a8: {  	(v2sf) =	vpush v6, $0x6;
	v51 =	vld [tilespmem:s13+$0xCE90]  }
0x1a9: {  	v9 =	vld [tilespmem:s21+$0x4280]  }
0x1aa: {  	v52 =	vld [tilespmem:s21+$0x4290]  }
0x1ab: {  	s14 =	sadd.s32 $0xFFFFFFF6, s15;
	v53 =	vld [tilespmem:s11+$0x4E80]  }
0x1ac: {  	v55 =	vmov s14;
	v54 =	vld [tilespmem:s11+$0x4E90]  }
0x1ad: {  	v13 =	vand.u32 $0x75, v55  }
0x1ae: {  	v13 =	vbroadcast v13, $0x0  }
0x1af: {  	v7 =	vsub.f32 v7, v9;
	v8 =	vsub.f32 v51, v52  }
0x1b0: {  	v56 =	vor.u32 v1, v13  }
0x1b1: {  	v7 =	vmul.f32 v7, v53;
	v8 =	vmul.f32 v8, v54  }
0x1b2: {  	s11 =	spop (v2sf)  }
0x1b3: {  	s12 =	spop (v2sf);
	v7 =	vadd.f32 v8, v7  }
0x1b4: {  	s13 =	spop (v2sf)  }
0x1b5: {  	s16 =	spop (v2sf);
	[tilespmem:v56+s26+$0x0] =	vst.idx.msk $0xffff, v7  }
0x1b6: {  	s21 =	spop (v2sf);
	v7 =	vld [tilespmem:s16+$0xCF00]  }
0x1b7: {  	s14 =	spop (v2sf);
	v57 =	vld [tilespmem:s16+$0xCF10]  }
0x1b8: {  	v9 =	vld [tilespmem:s14+$0x4300]  }
0x1b9: {  	v58 =	vld [tilespmem:s14+$0x4310]  }
0x1ba: {  	v59 =	vld [tilespmem:s12+$0x4F00];
	s16 =	sadd.s32 $0xFFFFFFF7, s15  }
0x1bb: {  	v60 =	vld [tilespmem:s12+$0x4F10];
	v61 =	vmov s16  }
0x1bc: {  	v13 =	vand.u32 $0x76, v61  }
0x1bd: {  	v13 =	vbroadcast v13, $0x0  }
0x1be: {  	v7 =	vsub.f32 v7, v9;
	v8 =	vsub.f32 v57, v58  }
0x1bf: {  	v62 =	vor.u32 v1, v13  }
0x1c0: {  	v7 =	vmul.f32 v7, v59;
	v8 =	vmul.f32 v8, v60  }
0x1c1: {  	(v2sf) =	vpush v4, $0x9  }
0x1c2: {  	(v2sf) =	vpush v4, $0x8;
	v7 =	vadd.f32 v8, v7  }
0x1c3: {  	(v2sf) =	vpush v5, $0x9  }
0x1c4: {  	(v2sf) =	vpush v5, $0x8;
	[tilespmem:v62+s26+$0x0] =	vst.idx.msk $0xffff, v7  }
0x1c5: {  	(v2sf) =	vpush v6, $0x9;
	v7 =	vld [tilespmem:s13+$0xCF80]  }
0x1c6: {  	(v2sf) =	vpush v6, $0x8;
	v63 =	vld [tilespmem:s13+$0xCF90]  }
0x1c7: {  	v9 =	vld [tilespmem:s21+$0x4380]  }
0x1c8: {  	v16 =	vld [tilespmem:s21+$0x4390]  }
0x1c9: {  	s14 =	sadd.s32 $0xFFFFFFF8, s15;
	v17 =	vld [tilespmem:s11+$0x4F80]  }
0x1ca: {  	v19 =	vmov s14;
	v18 =	vld [tilespmem:s11+$0x4F90]  }
0x1cb: {  	v13 =	vand.u32 $0x77, v19  }
0x1cc: {  	v13 =	vbroadcast v13, $0x0  }
0x1cd: {  	v7 =	vsub.f32 v7, v9;
	v8 =	vsub.f32 v63, v16  }
0x1ce: {  	v20 =	vor.u32 v1, v13  }
0x1cf: {  	v7 =	vmul.f32 v7, v17;
	v8 =	vmul.f32 v8, v18  }
0x1d0: {  	s11 =	spop (v2sf)  }
0x1d1: {  	s12 =	spop (v2sf);
	v7 =	vadd.f32 v8, v7  }
0x1d2: {  	s13 =	spop (v2sf)  }
0x1d3: {  	s16 =	spop (v2sf);
	[tilespmem:v20+s26+$0x0] =	vst.idx.msk $0xffff, v7  }
0x1d4: {  	s21 =	spop (v2sf);
	v7 =	vld [tilespmem:s16+$0xD000]  }
0x1d5: {  	s14 =	spop (v2sf);
	v21 =	vld [tilespmem:s16+$0xD010]  }
0x1d6: {  	v9 =	vld [tilespmem:s14+$0x4400]  }
0x1d7: {  	v22 =	vld [tilespmem:s14+$0x4410]  }
0x1d8: {  	v23 =	vld [tilespmem:s12+$0x5000];
	s16 =	sadd.s32 $0xFFFFFFF9, s15  }
0x1d9: {  	v24 =	vld [tilespmem:s12+$0x5010];
	v25 =	vmov s16  }
0x1da: {  	v13 =	vand.u32 $0x78, v25  }
0x1db: {  	v13 =	vbroadcast v13, $0x0  }
0x1dc: {  	v7 =	vsub.f32 v7, v9;
	v8 =	vsub.f32 v21, v22  }
0x1dd: {  	v26 =	vor.u32 v1, v13  }
0x1de: {  	v7 =	vmul.f32 v7, v23;
	v8 =	vmul.f32 v8, v24  }
0x1df: {  	(v2sf) =	vpush v4, $0xB  }
0x1e0: {  	(v2sf) =	vpush v4, $0xA;
	v7 =	vadd.f32 v8, v7  }
0x1e1: {  	(v2sf) =	vpush v5, $0xB  }
0x1e2: {  	(v2sf) =	vpush v5, $0xA;
	[tilespmem:v26+s26+$0x0] =	vst.idx.msk $0xffff, v7  }
0x1e3: {  	(v2sf) =	vpush v6, $0xB;
	v7 =	vld [tilespmem:s13+$0xD080]  }
0x1e4: {  	(v2sf) =	vpush v6, $0xA;
	v27 =	vld [tilespmem:s13+$0xD090]  }
0x1e5: {  	v9 =	vld [tilespmem:s21+$0x4480]  }
0x1e6: {  	v28 =	vld [tilespmem:s21+$0x4490]  }
0x1e7: {  	s14 =	sadd.s32 $0xFFFFFFFA, s15;
	v29 =	vld [tilespmem:s11+$0x5080]  }
0x1e8: {  	v31 =	vmov s14;
	v30 =	vld [tilespmem:s11+$0x5090]  }
0x1e9: {  	v13 =	vand.u32 $0x79, v31  }
0x1ea: {  	v13 =	vbroadcast v13, $0x0  }
0x1eb: {  	v7 =	vsub.f32 v7, v9;
	v8 =	vsub.f32 v27, v28  }
0x1ec: {  	v32 =	vor.u32 v1, v13  }
0x1ed: {  	v7 =	vmul.f32 v7, v29;
	v8 =	vmul.f32 v8, v30  }
0x1ee: {  	s11 =	spop (v2sf)  }
0x1ef: {  	s12 =	spop (v2sf);
	v7 =	vadd.f32 v8, v7  }
0x1f0: {  	s13 =	spop (v2sf)  }
0x1f1: {  	s16 =	spop (v2sf);
	[tilespmem:v32+s26+$0x0] =	vst.idx.msk $0xffff, v7  }
0x1f2: {  	s21 =	spop (v2sf);
	v7 =	vld [tilespmem:s16+$0xD100]  }
0x1f3: {  	s14 =	spop (v2sf);
	v33 =	vld [tilespmem:s16+$0xD110]  }
0x1f4: {  	v9 =	vld [tilespmem:s14+$0x4500]  }
0x1f5: {  	v34 =	vld [tilespmem:s14+$0x4510]  }
0x1f6: {  	v35 =	vld [tilespmem:s12+$0x5100];
	s16 =	sadd.s32 $0xFFFFFFFB, s15  }
0x1f7: {  	v36 =	vld [tilespmem:s12+$0x5110];
	v37 =	vmov s16  }
0x1f8: {  	v13 =	vand.u32 $0x7A, v37  }
0x1f9: {  	v13 =	vbroadcast v13, $0x0  }
0x1fa: {  	v7 =	vsub.f32 v7, v9;
	v8 =	vsub.f32 v33, v34  }
0x1fb: {  	v38 =	vor.u32 v1, v13  }
0x1fc: {  	v7 =	vmul.f32 v7, v35;
	v8 =	vmul.f32 v8, v36  }
0x1fd: {  	(v2sf) =	vpush v4, $0xD  }
0x1fe: {  	(v2sf) =	vpush v4, $0xC;
	v7 =	vadd.f32 v8, v7  }
0x1ff: {  	(v2sf) =	vpush v5, $0xD  }
0x200: {  	(v2sf) =	vpush v5, $0xC;
	[tilespmem:v38+s26+$0x0] =	vst.idx.msk $0xffff, v7  }
0x201: {  	(v2sf) =	vpush v6, $0xD;
	v7 =	vld [tilespmem:s13+$0xD180]  }
0x202: {  	(v2sf) =	vpush v6, $0xC;
	v39 =	vld [tilespmem:s13+$0xD190]  }
0x203: {  	v9 =	vld [tilespmem:s21+$0x4580]  }
0x204: {  	v40 =	vld [tilespmem:s21+$0x4590]  }
0x205: {  	s14 =	sadd.s32 $0xFFFFFFFC, s15;
	v41 =	vld [tilespmem:s11+$0x5180]  }
0x206: {  	v43 =	vmov s14;
	v42 =	vld [tilespmem:s11+$0x5190]  }
0x207: {  	v13 =	vand.u32 $0x7B, v43  }
0x208: {  	v13 =	vbroadcast v13, $0x0  }
0x209: {  	v7 =	vsub.f32 v7, v9;
	v8 =	vsub.f32 v39, v40  }
0x20a: {  	v44 =	vor.u32 v1, v13  }
0x20b: {  	v7 =	vmul.f32 v7, v41;
	v8 =	vmul.f32 v8, v42  }
0x20c: {  	s11 =	spop (v2sf)  }
0x20d: {  	s12 =	spop (v2sf);
	v7 =	vadd.f32 v8, v7  }
0x20e: {  	s13 =	spop (v2sf)  }
0x20f: {  	s16 =	spop (v2sf);
	[tilespmem:v44+s26+$0x0] =	vst.idx.msk $0xffff, v7  }
0x210: {  	s21 =	spop (v2sf);
	v7 =	vld [tilespmem:s16+$0xD200]  }
0x211: {  	s14 =	spop (v2sf);
	v45 =	vld [tilespmem:s16+$0xD210]  }
0x212: {  	v9 =	vld [tilespmem:s14+$0x4600]  }
0x213: {  	v46 =	vld [tilespmem:s14+$0x4610]  }
0x214: {  	v47 =	vld [tilespmem:s12+$0x5200];
	s16 =	sadd.s32 $0xFFFFFFFD, s15  }
0x215: {  	v48 =	vld [tilespmem:s12+$0x5210];
	v49 =	vmov s16  }
0x216: {  	v13 =	vand.u32 $0x7C, v49  }
0x217: {  	v13 =	vbroadcast v13, $0x0  }
0x218: {  	v7 =	vsub.f32 v7, v9;
	v8 =	vsub.f32 v45, v46  }
0x219: {  	v50 =	vor.u32 v1, v13  }
0x21a: {  	v7 =	vmul.f32 v7, v47;
	v8 =	vmul.f32 v8, v48  }
0x21b: {  	(v2sf) =	vpush v4, $0xF  }
0x21c: {  	(v2sf) =	vpush v4, $0xE;
	v7 =	vadd.f32 v8, v7  }
0x21d: {  	(v2sf) =	vpush v5, $0xF  }
0x21e: {  	(v2sf) =	vpush v5, $0xE;
	[tilespmem:v50+s26+$0x0] =	vst.idx.msk $0xffff, v7  }
0x21f: {  	(v2sf) =	vpush v6, $0xF;
	v4 =	vld [tilespmem:s13+$0xD280]  }
0x220: {  	(v2sf) =	vpush v6, $0xE;
	v5 =	vld [tilespmem:s13+$0xD290]  }
0x221: {  	v51 =	vld [tilespmem:s21+$0x4680]  }
0x222: {  	v7 =	vld [tilespmem:s21+$0x4690]  }
0x223: {  	s14 =	sadd.s32 $0xFFFFFFFE, s15;
	v52 =	vld [tilespmem:s11+$0x5280]  }
0x224: {  	v53 =	vmov s14;
	v9 =	vld [tilespmem:s11+$0x5290]  }
0x225: {  	v10 =	vand.u32 $0x7D, v53  }
0x226: {  	v10 =	vbroadcast v10, $0x0  }
0x227: {  	v4 =	vsub.f32 v4, v51;
	v5 =	vsub.f32 v5, v7  }
0x228: {  	v54 =	vor.u32 v1, v10  }
0x229: {  	v4 =	vmul.f32 v4, v52;
	v5 =	vmul.f32 v5, v9  }
0x22a: {  	s11 =	spop (v2sf)  }
0x22b: {  	s12 =	spop (v2sf);
	v4 =	vadd.f32 v5, v4  }
0x22c: {  	s13 =	spop (v2sf)  }
0x22d: {  	s16 =	spop (v2sf);
	[tilespmem:v54+s26+$0x0] =	vst.idx.msk $0xffff, v4  }
0x22e: {  	s21 =	spop (v2sf);
	v4 =	vld [tilespmem:s16+$0xD300]  }
0x22f: {  	s14 =	spop (v2sf);
	v5 =	vld [tilespmem:s16+$0xD310]  }
0x230: {  	v6 =	vld [tilespmem:s14+$0x4700]  }
0x231: {  	v55 =	vld [tilespmem:s14+$0x4710]  }
0x232: {  	v56 =	vld [tilespmem:s12+$0x5300];
	s16 =	sadd.s32 $0xFFFFFFFF, s15  }
0x233: {  	v57 =	vld [tilespmem:s12+$0x5310];
	v58 =	vmov s16  }
0x234: {  	v10 =	vand.u32 $0x7E, v58  }
0x235: {  	v10 =	vbroadcast v10, $0x0  }
0x236: {  	v4 =	vsub.f32 v4, v6;
	v5 =	vsub.f32 v5, v55  }
0x237: {  	v59 =	vor.u32 v1, v10  }
0x238: {  	v4 =	vmul.f32 v4, v56;
	v5 =	vmul.f32 v5, v57;
	_ =	sdelay $0x1  }
0x239: {  	v4 =	vadd.f32 v5, v4;
	_ =	sdelay $0x1  }
0x23a: {  	[tilespmem:v59+s26+$0x0] =	vst.idx.msk $0xffff, v4  }
0x23b: {  	v4 =	vld [tilespmem:s13+$0xD380]  }
0x23c: {  	v5 =	vld [tilespmem:s13+$0xD390]  }
0x23d: {  	v6 =	vld [tilespmem:s21+$0x4780]  }
0x23e: {  	v60 =	vld [tilespmem:s21+$0x4790]  }
0x23f: {  	v61 =	vld [tilespmem:s11+$0x5380]  }
0x240: {  	v62 =	vld [tilespmem:s11+$0x5390];
	_ =	sdelay $0x2  }
0x241: {  	v4 =	vsub.f32 v4, v6;
	v5 =	vsub.f32 v5, v60  }
0x242: {  	p0 =	sne.s32 s30, $0xE000;
	v63 =	vor.u32 s15, v0  }
.Ltmp2:
0x243: {  	v4 =	vmul.f32 v4, v61;
	v5 =	vmul.f32 v5, v62;
	(pc) =	sbr.rel @p0 .LBB2_6-.Ltmp2, $4  }
0x244: {  	_ = 	snop  }
0x245: {  	v4 =	vadd.f32 v5, v4  }
0x246: {  	s17 =	sadd.s32 $0x10, s17  }
0x247: {  	s29 =	sadd.s32 $0x10, s29;
	s30 =	sadd.s32 $0x2000, s30;
	s15 =	sadd.s32 $0x10, s15;
	[tilespmem:v63+s26+$0x0] =	vst.idx.msk $0xffff, v4  }
0x248: {  	s11 =	simm.s32 $0x780  }
0x249: {  	[tilespmem:s18], [sflag:$0x2] =	stream.indirect.gather [hbm4b:s3+s10], $0x80, s11, s10, $0xb8;
	[tilespmem:$0x1AE00] =	vst v63  }
0x24a: {  	s19 =	simm.s32 $0x980  }
0x24b: {  	[tilespmem:s20], [sflag:$0x4] =	stream.indirect.gather [hbm4b:s4+s10], $0x80, s19, s10, $0xb8;
	[tilespmem:$0x1AE00] =	vst v63  }
0x24c: {  	s21 =	simm.s32 $0xB80  }
0x24d: {  	[tilespmem:s22], [sflag:$0x6] =	stream.indirect.gather [hbm4b:s4+s10], $0x80, s21, s10, $0xb8;
	[tilespmem:$0x1AE00] =	vst v63  }
0x24e: {  	_ =	swait.ge [sflag:s23], $0x4000  }
0x24f: {  	[sflag:s23] =	ssyncset.done $0x0  }
0x250: {  	[sflag:s23] =	ssyncadd.s32 $0xFFFFC000  }
0x251: {  	_ =	swait.ge [sflag:s24], $0x4000  }
0x252: {  	[sflag:s24] =	ssyncset.done $0x0  }
0x253: {  	[sflag:s24] =	ssyncadd.s32 $0xFFFFC000  }
0x254: {  	_ =	swait.ge [sflag:s25], $0x4000  }
0x255: {  	s29 =	simm.s32 $0x0;
	s30 =	simm.s32 $0x10F;
	[sflag:s25] =	ssyncset.done $0x0  }
0x256: {  	s15 =	simm.s32 $0x500;
	s17 =	simm.s32 $0x100;
	[sflag:s25] =	ssyncadd.s32 $0xFFFFC000  }
.LBB2_8:
0x257: {  	v4 =	vld [tilespmem:s17+$0x0];
	_ =	sdelay $0x1  }
0x258: {  	v5 =	vld [tilespmem:s15+$0xFFFFFE00]  }
0x259: {  	v6 =	vld [tilespmem:s15+$0x0];
	_ =	sdelay $0x1  }
0x25a: {  	v4 =	vshll.u32 v4, $0x5  }
0x25b: {  	s11 =	sshra.s32 s29, $0x2;
	v4 =	vand.u32 $0x60, v4  }
0x25c: {  	v5 =	vshll.u32 v5, $0x5;
	v4 =	vadd.s32 s11, v4  }
0x25d: {  	v6 =	vshll.u32 v6, $0x5;
	v5 =	vand.u32 $0x60, v5;
	(v2sf) =	vpush v4, $0x1  }
0x25e: {  	v6 =	vand.u32 $0x60, v6;
	v5 =	vadd.s32 s11, v5;
	(v2sf) =	vpush v4, $0x0  }
0x25f: {  	v6 =	vadd.s32 s11, v6;
	(v2sf) =	vpush v5, $0x1  }
0x260: {  	v6 =	vadd.s32 $0x10C00, v6;
	(v2sf) =	vpush v5, $0x0  }
0x261: {  	(v2sf) =	vpush v6, $0x1  }
0x262: {  	(v2sf) =	vpush v6, $0x0;
	_ =	sdelay $0x9  }
0x263: {  	s11 =	spop (v2sf)  }
0x264: {  	s12 =	spop (v2sf)  }
0x265: {  	s13 =	spop (v2sf)  }
0x266: {  	s19 =	spop (v2sf)  }
0x267: {  	v7 =	vld [tilespmem:s19+$0x8C00];
	s21 =	spop (v2sf)  }
0x268: {  	v8 =	vld [tilespmem:s19+$0x8C10];
	s14 =	spop (v2sf)  }
0x269: {  	v9 =	vld [tilespmem:s14+$0x0]  }
0x26a: {  	v10 =	vld [tilespmem:s14+$0x10]  }
0x26b: {  	s16 =	sadd.s32 $0xFFFFFFF1, s30;
	v11 =	vld [tilespmem:s12+$0xC00]  }
0x26c: {  	v13 =	vmov s16;
	v12 =	vld [tilespmem:s12+$0xC10]  }
0x26d: {  	v13 =	vand.u32 $0x70, v13  }
0x26e: {  	v13 =	vbroadcast v13, $0x0  }
0x26f: {  	v7 =	vsub.f32 v7, v9;
	v8 =	vsub.f32 v8, v10  }
0x270: {  	v26 =	vor.u32 v2, v13  }
0x271: {  	v7 =	vmul.f32 v7, v11;
	v8 =	vmul.f32 v8, v12  }
0x272: {  	(v2sf) =	vpush v4, $0x3  }
0x273: {  	(v2sf) =	vpush v4, $0x2;
	v7 =	vadd.f32 v8, v7  }
0x274: {  	(v2sf) =	vpush v5, $0x3  }
0x275: {  	(v2sf) =	vpush v5, $0x2;
	[tilespmem:v26+s26+$0x0] =	vst.idx.msk $0xffff, v7  }
0x276: {  	(v2sf) =	vpush v6, $0x3;
	v7 =	vld [tilespmem:s13+$0x8C80]  }
0x277: {  	(v2sf) =	vpush v6, $0x2;
	v27 =	vld [tilespmem:s13+$0x8C90]  }
0x278: {  	v9 =	vld [tilespmem:s21+$0x80]  }
0x279: {  	v28 =	vld [tilespmem:s21+$0x90]  }
0x27a: {  	s14 =	sadd.s32 $0xFFFFFFF2, s30;
	v29 =	vld [tilespmem:s11+$0xC80]  }
0x27b: {  	v31 =	vmov s14;
	v30 =	vld [tilespmem:s11+$0xC90]  }
0x27c: {  	v13 =	vand.u32 $0x71, v31  }
0x27d: {  	v13 =	vbroadcast v13, $0x0  }
0x27e: {  	v7 =	vsub.f32 v7, v9;
	v8 =	vsub.f32 v27, v28  }
0x27f: {  	v32 =	vor.u32 v2, v13  }
0x280: {  	v7 =	vmul.f32 v7, v29;
	v8 =	vmul.f32 v8, v30  }
0x281: {  	s11 =	spop (v2sf)  }
0x282: {  	s12 =	spop (v2sf);
	v7 =	vadd.f32 v8, v7  }
0x283: {  	s13 =	spop (v2sf)  }
0x284: {  	s16 =	spop (v2sf);
	[tilespmem:v32+s26+$0x0] =	vst.idx.msk $0xffff, v7  }
0x285: {  	s21 =	spop (v2sf);
	v7 =	vld [tilespmem:s16+$0x8D00]  }
0x286: {  	s14 =	spop (v2sf);
	v33 =	vld [tilespmem:s16+$0x8D10]  }
0x287: {  	v9 =	vld [tilespmem:s14+$0x100]  }
0x288: {  	v34 =	vld [tilespmem:s14+$0x110]  }
0x289: {  	v35 =	vld [tilespmem:s12+$0xD00];
	s16 =	sadd.s32 $0xFFFFFFF3, s30  }
0x28a: {  	v36 =	vld [tilespmem:s12+$0xD10];
	v37 =	vmov s16  }
0x28b: {  	v13 =	vand.u32 $0x72, v37  }
0x28c: {  	v13 =	vbroadcast v13, $0x0  }
0x28d: {  	v7 =	vsub.f32 v7, v9;
	v8 =	vsub.f32 v33, v34  }
0x28e: {  	v38 =	vor.u32 v2, v13  }
0x28f: {  	v7 =	vmul.f32 v7, v35;
	v8 =	vmul.f32 v8, v36  }
0x290: {  	(v2sf) =	vpush v4, $0x5  }
0x291: {  	(v2sf) =	vpush v4, $0x4;
	v7 =	vadd.f32 v8, v7  }
0x292: {  	(v2sf) =	vpush v5, $0x5  }
0x293: {  	(v2sf) =	vpush v5, $0x4;
	[tilespmem:v38+s26+$0x0] =	vst.idx.msk $0xffff, v7  }
0x294: {  	(v2sf) =	vpush v6, $0x5;
	v7 =	vld [tilespmem:s13+$0x8D80]  }
0x295: {  	(v2sf) =	vpush v6, $0x4;
	v39 =	vld [tilespmem:s13+$0x8D90]  }
0x296: {  	v9 =	vld [tilespmem:s21+$0x180]  }
0x297: {  	v40 =	vld [tilespmem:s21+$0x190]  }
0x298: {  	s14 =	sadd.s32 $0xFFFFFFF4, s30;
	v41 =	vld [tilespmem:s11+$0xD80]  }
0x299: {  	v43 =	vmov s14;
	v42 =	vld [tilespmem:s11+$0xD90]  }
0x29a: {  	v13 =	vand.u32 $0x73, v43  }
0x29b: {  	v13 =	vbroadcast v13, $0x0  }
0x29c: {  	v7 =	vsub.f32 v7, v9;
	v8 =	vsub.f32 v39, v40  }
0x29d: {  	v44 =	vor.u32 v2, v13  }
0x29e: {  	v7 =	vmul.f32 v7, v41;
	v8 =	vmul.f32 v8, v42  }
0x29f: {  	s11 =	spop (v2sf)  }
0x2a0: {  	s12 =	spop (v2sf);
	v7 =	vadd.f32 v8, v7  }
0x2a1: {  	s13 =	spop (v2sf)  }
0x2a2: {  	s16 =	spop (v2sf);
	[tilespmem:v44+s26+$0x0] =	vst.idx.msk $0xffff, v7  }
0x2a3: {  	s21 =	spop (v2sf);
	v7 =	vld [tilespmem:s16+$0x8E00]  }
0x2a4: {  	s14 =	spop (v2sf);
	v45 =	vld [tilespmem:s16+$0x8E10]  }
0x2a5: {  	v9 =	vld [tilespmem:s14+$0x200]  }
0x2a6: {  	v46 =	vld [tilespmem:s14+$0x210]  }
0x2a7: {  	v47 =	vld [tilespmem:s12+$0xE00];
	s16 =	sadd.s32 $0xFFFFFFF5, s30  }
0x2a8: {  	v48 =	vld [tilespmem:s12+$0xE10];
	v49 =	vmov s16  }
0x2a9: {  	v13 =	vand.u32 $0x74, v49  }
0x2aa: {  	v13 =	vbroadcast v13, $0x0  }
0x2ab: {  	v7 =	vsub.f32 v7, v9;
	v8 =	vsub.f32 v45, v46  }
0x2ac: {  	v50 =	vor.u32 v2, v13  }
0x2ad: {  	v7 =	vmul.f32 v7, v47;
	v8 =	vmul.f32 v8, v48  }
0x2ae: {  	(v2sf) =	vpush v4, $0x7  }
0x2af: {  	(v2sf) =	vpush v4, $0x6;
	v7 =	vadd.f32 v8, v7  }
0x2b0: {  	(v2sf) =	vpush v5, $0x7  }
0x2b1: {  	(v2sf) =	vpush v5, $0x6;
	[tilespmem:v50+s26+$0x0] =	vst.idx.msk $0xffff, v7  }
0x2b2: {  	(v2sf) =	vpush v6, $0x7;
	v7 =	vld [tilespmem:s13+$0x8E80]  }
0x2b3: {  	(v2sf) =	vpush v6, $0x6;
	v51 =	vld [tilespmem:s13+$0x8E90]  }
0x2b4: {  	v9 =	vld [tilespmem:s21+$0x280]  }
0x2b5: {  	v52 =	vld [tilespmem:s21+$0x290]  }
0x2b6: {  	s14 =	sadd.s32 $0xFFFFFFF6, s30;
	v53 =	vld [tilespmem:s11+$0xE80]  }
0x2b7: {  	v55 =	vmov s14;
	v54 =	vld [tilespmem:s11+$0xE90]  }
0x2b8: {  	v13 =	vand.u32 $0x75, v55  }
0x2b9: {  	v13 =	vbroadcast v13, $0x0  }
0x2ba: {  	v7 =	vsub.f32 v7, v9;
	v8 =	vsub.f32 v51, v52  }
0x2bb: {  	v56 =	vor.u32 v2, v13  }
0x2bc: {  	v7 =	vmul.f32 v7, v53;
	v8 =	vmul.f32 v8, v54  }
0x2bd: {  	s11 =	spop (v2sf)  }
0x2be: {  	s12 =	spop (v2sf);
	v7 =	vadd.f32 v8, v7  }
0x2bf: {  	s13 =	spop (v2sf)  }
0x2c0: {  	s16 =	spop (v2sf);
	[tilespmem:v56+s26+$0x0] =	vst.idx.msk $0xffff, v7  }
0x2c1: {  	s21 =	spop (v2sf);
	v7 =	vld [tilespmem:s16+$0x8F00]  }
0x2c2: {  	s14 =	spop (v2sf);
	v57 =	vld [tilespmem:s16+$0x8F10]  }
0x2c3: {  	v9 =	vld [tilespmem:s14+$0x300]  }
0x2c4: {  	v58 =	vld [tilespmem:s14+$0x310]  }
0x2c5: {  	v59 =	vld [tilespmem:s12+$0xF00];
	s16 =	sadd.s32 $0xFFFFFFF7, s30  }
0x2c6: {  	v60 =	vld [tilespmem:s12+$0xF10];
	v61 =	vmov s16  }
0x2c7: {  	v13 =	vand.u32 $0x76, v61  }
0x2c8: {  	v13 =	vbroadcast v13, $0x0  }
0x2c9: {  	v7 =	vsub.f32 v7, v9;
	v8 =	vsub.f32 v57, v58  }
0x2ca: {  	v62 =	vor.u32 v2, v13  }
0x2cb: {  	v7 =	vmul.f32 v7, v59;
	v8 =	vmul.f32 v8, v60  }
0x2cc: {  	(v2sf) =	vpush v4, $0x9  }
0x2cd: {  	(v2sf) =	vpush v4, $0x8;
	v7 =	vadd.f32 v8, v7  }
0x2ce: {  	(v2sf) =	vpush v5, $0x9  }
0x2cf: {  	(v2sf) =	vpush v5, $0x8;
	[tilespmem:v62+s26+$0x0] =	vst.idx.msk $0xffff, v7  }
0x2d0: {  	(v2sf) =	vpush v6, $0x9;
	v7 =	vld [tilespmem:s13+$0x8F80]  }
0x2d1: {  	(v2sf) =	vpush v6, $0x8;
	v63 =	vld [tilespmem:s13+$0x8F90]  }
0x2d2: {  	v9 =	vld [tilespmem:s21+$0x380]  }
0x2d3: {  	v16 =	vld [tilespmem:s21+$0x390]  }
0x2d4: {  	s14 =	sadd.s32 $0xFFFFFFF8, s30;
	v17 =	vld [tilespmem:s11+$0xF80]  }
0x2d5: {  	v19 =	vmov s14;
	v18 =	vld [tilespmem:s11+$0xF90]  }
0x2d6: {  	v13 =	vand.u32 $0x77, v19  }
0x2d7: {  	v13 =	vbroadcast v13, $0x0  }
0x2d8: {  	v7 =	vsub.f32 v7, v9;
	v8 =	vsub.f32 v63, v16  }
0x2d9: {  	v20 =	vor.u32 v2, v13  }
0x2da: {  	v7 =	vmul.f32 v7, v17;
	v8 =	vmul.f32 v8, v18  }
0x2db: {  	s11 =	spop (v2sf)  }
0x2dc: {  	s12 =	spop (v2sf);
	v7 =	vadd.f32 v8, v7  }
0x2dd: {  	s13 =	spop (v2sf)  }
0x2de: {  	s16 =	spop (v2sf);
	[tilespmem:v20+s26+$0x0] =	vst.idx.msk $0xffff, v7  }
0x2df: {  	s21 =	spop (v2sf);
	v7 =	vld [tilespmem:s16+$0x9000]  }
0x2e0: {  	s14 =	spop (v2sf);
	v21 =	vld [tilespmem:s16+$0x9010]  }
0x2e1: {  	v9 =	vld [tilespmem:s14+$0x400]  }
0x2e2: {  	v22 =	vld [tilespmem:s14+$0x410]  }
0x2e3: {  	v23 =	vld [tilespmem:s12+$0x1000];
	s16 =	sadd.s32 $0xFFFFFFF9, s30  }
0x2e4: {  	v24 =	vld [tilespmem:s12+$0x1010];
	v25 =	vmov s16  }
0x2e5: {  	v13 =	vand.u32 $0x78, v25  }
0x2e6: {  	v13 =	vbroadcast v13, $0x0  }
0x2e7: {  	v7 =	vsub.f32 v7, v9;
	v8 =	vsub.f32 v21, v22  }
0x2e8: {  	v26 =	vor.u32 v2, v13  }
0x2e9: {  	v7 =	vmul.f32 v7, v23;
	v8 =	vmul.f32 v8, v24  }
0x2ea: {  	(v2sf) =	vpush v4, $0xB  }
0x2eb: {  	(v2sf) =	vpush v4, $0xA;
	v7 =	vadd.f32 v8, v7  }
0x2ec: {  	(v2sf) =	vpush v5, $0xB  }
0x2ed: {  	(v2sf) =	vpush v5, $0xA;
	[tilespmem:v26+s26+$0x0] =	vst.idx.msk $0xffff, v7  }
0x2ee: {  	(v2sf) =	vpush v6, $0xB;
	v7 =	vld [tilespmem:s13+$0x9080]  }
0x2ef: {  	(v2sf) =	vpush v6, $0xA;
	v27 =	vld [tilespmem:s13+$0x9090]  }
0x2f0: {  	v9 =	vld [tilespmem:s21+$0x480]  }
0x2f1: {  	v28 =	vld [tilespmem:s21+$0x490]  }
0x2f2: {  	s14 =	sadd.s32 $0xFFFFFFFA, s30;
	v29 =	vld [tilespmem:s11+$0x1080]  }
0x2f3: {  	v31 =	vmov s14;
	v30 =	vld [tilespmem:s11+$0x1090]  }
0x2f4: {  	v13 =	vand.u32 $0x79, v31  }
0x2f5: {  	v13 =	vbroadcast v13, $0x0  }
0x2f6: {  	v7 =	vsub.f32 v7, v9;
	v8 =	vsub.f32 v27, v28  }
0x2f7: {  	v32 =	vor.u32 v2, v13  }
0x2f8: {  	v7 =	vmul.f32 v7, v29;
	v8 =	vmul.f32 v8, v30  }
0x2f9: {  	s11 =	spop (v2sf)  }
0x2fa: {  	s12 =	spop (v2sf);
	v7 =	vadd.f32 v8, v7  }
0x2fb: {  	s13 =	spop (v2sf)  }
0x2fc: {  	s16 =	spop (v2sf);
	[tilespmem:v32+s26+$0x0] =	vst.idx.msk $0xffff, v7  }
0x2fd: {  	s21 =	spop (v2sf);
	v7 =	vld [tilespmem:s16+$0x9100]  }
0x2fe: {  	s14 =	spop (v2sf);
	v33 =	vld [tilespmem:s16+$0x9110]  }
0x2ff: {  	v9 =	vld [tilespmem:s14+$0x500]  }
0x300: {  	v34 =	vld [tilespmem:s14+$0x510]  }
0x301: {  	v35 =	vld [tilespmem:s12+$0x1100];
	s16 =	sadd.s32 $0xFFFFFFFB, s30  }
0x302: {  	v36 =	vld [tilespmem:s12+$0x1110];
	v37 =	vmov s16  }
0x303: {  	v13 =	vand.u32 $0x7A, v37  }
0x304: {  	v13 =	vbroadcast v13, $0x0  }
0x305: {  	v7 =	vsub.f32 v7, v9;
	v8 =	vsub.f32 v33, v34  }
0x306: {  	v38 =	vor.u32 v2, v13  }
0x307: {  	v7 =	vmul.f32 v7, v35;
	v8 =	vmul.f32 v8, v36  }
0x308: {  	(v2sf) =	vpush v4, $0xD  }
0x309: {  	(v2sf) =	vpush v4, $0xC;
	v7 =	vadd.f32 v8, v7  }
0x30a: {  	(v2sf) =	vpush v5, $0xD  }
0x30b: {  	(v2sf) =	vpush v5, $0xC;
	[tilespmem:v38+s26+$0x0] =	vst.idx.msk $0xffff, v7  }
0x30c: {  	(v2sf) =	vpush v6, $0xD;
	v7 =	vld [tilespmem:s13+$0x9180]  }
0x30d: {  	(v2sf) =	vpush v6, $0xC;
	v39 =	vld [tilespmem:s13+$0x9190]  }
0x30e: {  	v9 =	vld [tilespmem:s21+$0x580]  }
0x30f: {  	v40 =	vld [tilespmem:s21+$0x590]  }
0x310: {  	s14 =	sadd.s32 $0xFFFFFFFC, s30;
	v41 =	vld [tilespmem:s11+$0x1180]  }
0x311: {  	v43 =	vmov s14;
	v42 =	vld [tilespmem:s11+$0x1190]  }
0x312: {  	v13 =	vand.u32 $0x7B, v43  }
0x313: {  	v13 =	vbroadcast v13, $0x0  }
0x314: {  	v7 =	vsub.f32 v7, v9;
	v8 =	vsub.f32 v39, v40  }
0x315: {  	v44 =	vor.u32 v2, v13  }
0x316: {  	v7 =	vmul.f32 v7, v41;
	v8 =	vmul.f32 v8, v42  }
0x317: {  	s11 =	spop (v2sf)  }
0x318: {  	s12 =	spop (v2sf);
	v7 =	vadd.f32 v8, v7  }
0x319: {  	s13 =	spop (v2sf)  }
0x31a: {  	s16 =	spop (v2sf);
	[tilespmem:v44+s26+$0x0] =	vst.idx.msk $0xffff, v7  }
0x31b: {  	s21 =	spop (v2sf);
	v7 =	vld [tilespmem:s16+$0x9200]  }
0x31c: {  	s14 =	spop (v2sf);
	v45 =	vld [tilespmem:s16+$0x9210]  }
0x31d: {  	v9 =	vld [tilespmem:s14+$0x600]  }
0x31e: {  	v46 =	vld [tilespmem:s14+$0x610]  }
0x31f: {  	v47 =	vld [tilespmem:s12+$0x1200];
	s16 =	sadd.s32 $0xFFFFFFFD, s30  }
0x320: {  	v48 =	vld [tilespmem:s12+$0x1210];
	v49 =	vmov s16  }
0x321: {  	v13 =	vand.u32 $0x7C, v49  }
0x322: {  	v13 =	vbroadcast v13, $0x0  }
0x323: {  	v7 =	vsub.f32 v7, v9;
	v8 =	vsub.f32 v45, v46  }
0x324: {  	v50 =	vor.u32 v2, v13  }
0x325: {  	v7 =	vmul.f32 v7, v47;
	v8 =	vmul.f32 v8, v48  }
0x326: {  	(v2sf) =	vpush v4, $0xF  }
0x327: {  	(v2sf) =	vpush v4, $0xE;
	v7 =	vadd.f32 v8, v7  }
0x328: {  	(v2sf) =	vpush v5, $0xF  }
0x329: {  	(v2sf) =	vpush v5, $0xE;
	[tilespmem:v50+s26+$0x0] =	vst.idx.msk $0xffff, v7  }
0x32a: {  	(v2sf) =	vpush v6, $0xF;
	v4 =	vld [tilespmem:s13+$0x9280]  }
0x32b: {  	(v2sf) =	vpush v6, $0xE;
	v5 =	vld [tilespmem:s13+$0x9290]  }
0x32c: {  	v51 =	vld [tilespmem:s21+$0x680]  }
0x32d: {  	v7 =	vld [tilespmem:s21+$0x690]  }
0x32e: {  	s14 =	sadd.s32 $0xFFFFFFFE, s30;
	v52 =	vld [tilespmem:s11+$0x1280]  }
0x32f: {  	v53 =	vmov s14;
	v9 =	vld [tilespmem:s11+$0x1290]  }
0x330: {  	v10 =	vand.u32 $0x7D, v53  }
0x331: {  	v10 =	vbroadcast v10, $0x0  }
0x332: {  	v4 =	vsub.f32 v4, v51;
	v5 =	vsub.f32 v5, v7  }
0x333: {  	v54 =	vor.u32 v2, v10  }
0x334: {  	v4 =	vmul.f32 v4, v52;
	v5 =	vmul.f32 v5, v9  }
0x335: {  	s11 =	spop (v2sf)  }
0x336: {  	s12 =	spop (v2sf);
	v4 =	vadd.f32 v5, v4  }
0x337: {  	s13 =	spop (v2sf)  }
0x338: {  	s16 =	spop (v2sf);
	[tilespmem:v54+s26+$0x0] =	vst.idx.msk $0xffff, v4  }
0x339: {  	s21 =	spop (v2sf);
	v4 =	vld [tilespmem:s16+$0x9300]  }
0x33a: {  	s14 =	spop (v2sf);
	v5 =	vld [tilespmem:s16+$0x9310]  }
0x33b: {  	v6 =	vld [tilespmem:s14+$0x700]  }
0x33c: {  	v55 =	vld [tilespmem:s14+$0x710]  }
0x33d: {  	v56 =	vld [tilespmem:s12+$0x1300];
	s16 =	sadd.s32 $0xFFFFFFFF, s30  }
0x33e: {  	v57 =	vld [tilespmem:s12+$0x1310];
	v58 =	vmov s16  }
0x33f: {  	v10 =	vand.u32 $0x7E, v58  }
0x340: {  	v10 =	vbroadcast v10, $0x0  }
0x341: {  	v4 =	vsub.f32 v4, v6;
	v5 =	vsub.f32 v5, v55  }
0x342: {  	v59 =	vor.u32 v2, v10  }
0x343: {  	v4 =	vmul.f32 v4, v56;
	v5 =	vmul.f32 v5, v57;
	_ =	sdelay $0x1  }
0x344: {  	v4 =	vadd.f32 v5, v4;
	_ =	sdelay $0x1  }
0x345: {  	[tilespmem:v59+s26+$0x0] =	vst.idx.msk $0xffff, v4  }
0x346: {  	v4 =	vld [tilespmem:s13+$0x9380]  }
0x347: {  	v5 =	vld [tilespmem:s13+$0x9390]  }
0x348: {  	v6 =	vld [tilespmem:s21+$0x780]  }
0x349: {  	v60 =	vld [tilespmem:s21+$0x790]  }
0x34a: {  	v61 =	vld [tilespmem:s11+$0x1380]  }
0x34b: {  	v62 =	vld [tilespmem:s11+$0x1390];
	_ =	sdelay $0x2  }
0x34c: {  	v4 =	vsub.f32 v4, v6;
	v5 =	vsub.f32 v5, v60  }
0x34d: {  	p0 =	sne.s32 s29, $0xE000;
	v63 =	vor.u32 s30, v0  }
.Ltmp3:
0x34e: {  	v4 =	vmul.f32 v4, v61;
	v5 =	vmul.f32 v5, v62;
	(pc) =	sbr.rel @p0 .LBB2_8-.Ltmp3, $4  }
0x34f: {  	_ = 	snop  }
0x350: {  	v4 =	vadd.f32 v5, v4  }
0x351: {  	s15 =	sadd.s32 $0x10, s15  }
0x352: {  	s17 =	sadd.s32 $0x10, s17;
	s29 =	sadd.s32 $0x2000, s29;
	s30 =	sadd.s32 $0x10, s30;
	[tilespmem:v63+s26+$0x0] =	vst.idx.msk $0xffff, v4  }
0x353: {  	_ =	swait.ge [sflag:s31], $0x4000  }
0x354: {  	[sflag:s31] =	ssyncset.done $0x0  }
0x355: {  	[sflag:s31] =	ssyncadd.s32 $0xFFFFC000  }
0x356: {  	_ =	swait.ge [sflag:s1], $0x4000  }
0x357: {  	[sflag:s1] =	ssyncset.done $0x0  }
0x358: {  	[sflag:s1] =	ssyncadd.s32 $0xFFFFC000  }
0x359: {  	s29 =	simm.s32 $0x0;
	_ =	swait.ge [sflag:s0], $0x4000  }
0x35a: {  	s30 =	simm.s32 $0x18F;
	s15 =	simm.s32 $0x580;
	[sflag:s0] =	ssyncset.done $0x0  }
0x35b: {  	s17 =	simm.s32 $0x180;
	s19 =	simm.s32 $0x0;
	[sflag:s0] =	ssyncadd.s32 $0xFFFFC000  }
.LBB2_10:
0x35c: {  	v4 =	vld [tilespmem:s17+$0x0];
	_ =	sdelay $0x1  }
0x35d: {  	v5 =	vld [tilespmem:s15+$0xFFFFFE00]  }
0x35e: {  	v6 =	vld [tilespmem:s15+$0x0];
	_ =	sdelay $0x1  }
0x35f: {  	v4 =	vshll.u32 v4, $0x5  }
0x360: {  	s11 =	sshra.s32 s19, $0x2;
	v4 =	vand.u32 $0x60, v4  }
0x361: {  	v5 =	vshll.u32 v5, $0x5;
	v4 =	vadd.s32 s11, v4  }
0x362: {  	v6 =	vshll.u32 v6, $0x5;
	v5 =	vand.u32 $0x60, v5;
	(v2sf) =	vpush v4, $0x1  }
0x363: {  	v6 =	vand.u32 $0x60, v6;
	v5 =	vadd.s32 s11, v5;
	(v2sf) =	vpush v4, $0x0  }
0x364: {  	v6 =	vadd.s32 s11, v6;
	(v2sf) =	vpush v5, $0x1  }
0x365: {  	v6 =	vadd.s32 $0x10C00, v6;
	(v2sf) =	vpush v5, $0x0  }
0x366: {  	(v2sf) =	vpush v6, $0x1  }
0x367: {  	(v2sf) =	vpush v6, $0x0;
	_ =	sdelay $0x9  }
0x368: {  	s11 =	spop (v2sf)  }
0x369: {  	s12 =	spop (v2sf)  }
0x36a: {  	s13 =	spop (v2sf)  }
0x36b: {  	s21 =	spop (v2sf)  }
0x36c: {  	v7 =	vld [tilespmem:s21+$0xCC00];
	s14 =	spop (v2sf)  }
0x36d: {  	v8 =	vld [tilespmem:s21+$0xCC10];
	s16 =	spop (v2sf)  }
0x36e: {  	v9 =	vld [tilespmem:s16+$0x4000]  }
0x36f: {  	v10 =	vld [tilespmem:s16+$0x4010]  }
0x370: {  	v11 =	vld [tilespmem:s12+$0x4C00];
	s16 =	sadd.s32 $0xFFFFFFF1, s30  }
0x371: {  	v12 =	vld [tilespmem:s12+$0x4C10];
	v13 =	vmov s16  }
0x372: {  	v13 =	vand.u32 $0x70, v13  }
0x373: {  	v13 =	vbroadcast v13, $0x0  }
0x374: {  	v7 =	vsub.f32 v7, v9;
	v8 =	vsub.f32 v8, v10  }
0x375: {  	v26 =	vor.u32 v3, v13  }
0x376: {  	v7 =	vmul.f32 v7, v11;
	v8 =	vmul.f32 v8, v12  }
0x377: {  	(v2sf) =	vpush v4, $0x3  }
0x378: {  	(v2sf) =	vpush v4, $0x2;
	v7 =	vadd.f32 v8, v7  }
0x379: {  	(v2sf) =	vpush v5, $0x3;
	s21 =	simm.s32 $0x18C00  }
0x37a: {  	(v2sf) =	vpush v5, $0x2;
	[tilespmem:v26+s21+$0x0] =	vst.idx.msk $0xffff, v7  }
0x37b: {  	(v2sf) =	vpush v6, $0x3;
	v7 =	vld [tilespmem:s13+$0xCC80]  }
0x37c: {  	(v2sf) =	vpush v6, $0x2;
	v27 =	vld [tilespmem:s13+$0xCC90]  }
0x37d: {  	v9 =	vld [tilespmem:s14+$0x4080]  }
0x37e: {  	v28 =	vld [tilespmem:s14+$0x4090]  }
0x37f: {  	s16 =	sadd.s32 $0xFFFFFFF2, s30;
	v29 =	vld [tilespmem:s11+$0x4C80]  }
0x380: {  	v31 =	vmov s16;
	v30 =	vld [tilespmem:s11+$0x4C90]  }
0x381: {  	v13 =	vand.u32 $0x71, v31  }
0x382: {  	v13 =	vbroadcast v13, $0x0  }
0x383: {  	v7 =	vsub.f32 v7, v9;
	v8 =	vsub.f32 v27, v28  }
0x384: {  	v32 =	vor.u32 v3, v13  }
0x385: {  	v7 =	vmul.f32 v7, v29;
	v8 =	vmul.f32 v8, v30  }
0x386: {  	s11 =	spop (v2sf)  }
0x387: {  	s12 =	spop (v2sf);
	v7 =	vadd.f32 v8, v7  }
0x388: {  	s13 =	spop (v2sf)  }
0x389: {  	s14 =	spop (v2sf);
	[tilespmem:v32+s21+$0x0] =	vst.idx.msk $0xffff, v7  }
0x38a: {  	s16 =	spop (v2sf);
	v7 =	vld [tilespmem:s14+$0xCD00]  }
0x38b: {  	v33 =	vld [tilespmem:s14+$0xCD10];
	s14 =	spop (v2sf)  }
0x38c: {  	v9 =	vld [tilespmem:s14+$0x4100]  }
0x38d: {  	v34 =	vld [tilespmem:s14+$0x4110]  }
0x38e: {  	v35 =	vld [tilespmem:s12+$0x4D00];
	s14 =	sadd.s32 $0xFFFFFFF3, s30  }
0x38f: {  	v36 =	vld [tilespmem:s12+$0x4D10];
	v37 =	vmov s14  }
0x390: {  	v13 =	vand.u32 $0x72, v37  }
0x391: {  	v13 =	vbroadcast v13, $0x0  }
0x392: {  	v7 =	vsub.f32 v7, v9;
	v8 =	vsub.f32 v33, v34  }
0x393: {  	v38 =	vor.u32 v3, v13  }
0x394: {  	v7 =	vmul.f32 v7, v35;
	v8 =	vmul.f32 v8, v36  }
0x395: {  	(v2sf) =	vpush v4, $0x5  }
0x396: {  	(v2sf) =	vpush v4, $0x4;
	v7 =	vadd.f32 v8, v7  }
0x397: {  	(v2sf) =	vpush v5, $0x5  }
0x398: {  	(v2sf) =	vpush v5, $0x4;
	[tilespmem:v38+s21+$0x0] =	vst.idx.msk $0xffff, v7  }
0x399: {  	(v2sf) =	vpush v6, $0x5;
	v7 =	vld [tilespmem:s13+$0xCD80]  }
0x39a: {  	(v2sf) =	vpush v6, $0x4;
	v39 =	vld [tilespmem:s13+$0xCD90]  }
0x39b: {  	v9 =	vld [tilespmem:s16+$0x4180]  }
0x39c: {  	v40 =	vld [tilespmem:s16+$0x4190]  }
0x39d: {  	v41 =	vld [tilespmem:s11+$0x4D80];
	s13 =	sadd.s32 $0xFFFFFFF4, s30  }
0x39e: {  	v42 =	vld [tilespmem:s11+$0x4D90];
	v43 =	vmov s13  }
0x39f: {  	v13 =	vand.u32 $0x73, v43  }
0x3a0: {  	v13 =	vbroadcast v13, $0x0  }
0x3a1: {  	v7 =	vsub.f32 v7, v9;
	v8 =	vsub.f32 v39, v40  }
0x3a2: {  	v44 =	vor.u32 v3, v13  }
0x3a3: {  	v7 =	vmul.f32 v7, v41;
	v8 =	vmul.f32 v8, v42  }
0x3a4: {  	s11 =	spop (v2sf)  }
0x3a5: {  	s12 =	spop (v2sf);
	v7 =	vadd.f32 v8, v7  }
0x3a6: {  	s13 =	spop (v2sf)  }
0x3a7: {  	s14 =	spop (v2sf);
	[tilespmem:v44+s21+$0x0] =	vst.idx.msk $0xffff, v7  }
0x3a8: {  	s16 =	spop (v2sf);
	v7 =	vld [tilespmem:s14+$0xCE00]  }
0x3a9: {  	v45 =	vld [tilespmem:s14+$0xCE10];
	s14 =	spop (v2sf)  }
0x3aa: {  	v9 =	vld [tilespmem:s14+$0x4200]  }
0x3ab: {  	v46 =	vld [tilespmem:s14+$0x4210]  }
0x3ac: {  	v47 =	vld [tilespmem:s12+$0x4E00];
	s14 =	sadd.s32 $0xFFFFFFF5, s30  }
0x3ad: {  	v48 =	vld [tilespmem:s12+$0x4E10];
	v49 =	vmov s14  }
0x3ae: {  	v13 =	vand.u32 $0x74, v49  }
0x3af: {  	v13 =	vbroadcast v13, $0x0  }
0x3b0: {  	v7 =	vsub.f32 v7, v9;
	v8 =	vsub.f32 v45, v46  }
0x3b1: {  	v50 =	vor.u32 v3, v13  }
0x3b2: {  	v7 =	vmul.f32 v7, v47;
	v8 =	vmul.f32 v8, v48  }
0x3b3: {  	(v2sf) =	vpush v4, $0x7  }
0x3b4: {  	(v2sf) =	vpush v4, $0x6;
	v7 =	vadd.f32 v8, v7  }
0x3b5: {  	(v2sf) =	vpush v5, $0x7  }
0x3b6: {  	(v2sf) =	vpush v5, $0x6;
	[tilespmem:v50+s21+$0x0] =	vst.idx.msk $0xffff, v7  }
0x3b7: {  	(v2sf) =	vpush v6, $0x7;
	v7 =	vld [tilespmem:s13+$0xCE80]  }
0x3b8: {  	(v2sf) =	vpush v6, $0x6;
	v51 =	vld [tilespmem:s13+$0xCE90]  }
0x3b9: {  	v9 =	vld [tilespmem:s16+$0x4280]  }
0x3ba: {  	v52 =	vld [tilespmem:s16+$0x4290]  }
0x3bb: {  	s14 =	sadd.s32 $0xFFFFFFF6, s30;
	v53 =	vld [tilespmem:s11+$0x4E80]  }
0x3bc: {  	v55 =	vmov s14;
	v54 =	vld [tilespmem:s11+$0x4E90]  }
0x3bd: {  	v13 =	vand.u32 $0x75, v55  }
0x3be: {  	v13 =	vbroadcast v13, $0x0  }
0x3bf: {  	v7 =	vsub.f32 v7, v9;
	v8 =	vsub.f32 v51, v52  }
0x3c0: {  	v56 =	vor.u32 v3, v13  }
0x3c1: {  	v7 =	vmul.f32 v7, v53;
	v8 =	vmul.f32 v8, v54  }
0x3c2: {  	s11 =	spop (v2sf)  }
0x3c3: {  	s12 =	spop (v2sf);
	v7 =	vadd.f32 v8, v7  }
0x3c4: {  	s13 =	spop (v2sf)  }
0x3c5: {  	s14 =	spop (v2sf);
	[tilespmem:v56+s21+$0x0] =	vst.idx.msk $0xffff, v7  }
0x3c6: {  	s16 =	spop (v2sf);
	v7 =	vld [tilespmem:s14+$0xCF00]  }
0x3c7: {  	v57 =	vld [tilespmem:s14+$0xCF10];
	s14 =	spop (v2sf)  }
0x3c8: {  	v9 =	vld [tilespmem:s14+$0x4300]  }
0x3c9: {  	v58 =	vld [tilespmem:s14+$0x4310]  }
0x3ca: {  	v59 =	vld [tilespmem:s12+$0x4F00];
	s14 =	sadd.s32 $0xFFFFFFF7, s30  }
0x3cb: {  	v60 =	vld [tilespmem:s12+$0x4F10];
	v61 =	vmov s14  }
0x3cc: {  	v13 =	vand.u32 $0x76, v61  }
0x3cd: {  	v13 =	vbroadcast v13, $0x0  }
0x3ce: {  	v7 =	vsub.f32 v7, v9;
	v8 =	vsub.f32 v57, v58  }
0x3cf: {  	v62 =	vor.u32 v3, v13  }
0x3d0: {  	v7 =	vmul.f32 v7, v59;
	v8 =	vmul.f32 v8, v60  }
0x3d1: {  	(v2sf) =	vpush v4, $0x9  }
0x3d2: {  	(v2sf) =	vpush v4, $0x8;
	v7 =	vadd.f32 v8, v7  }
0x3d3: {  	(v2sf) =	vpush v5, $0x9  }
0x3d4: {  	(v2sf) =	vpush v5, $0x8;
	[tilespmem:v62+s21+$0x0] =	vst.idx.msk $0xffff, v7  }
0x3d5: {  	(v2sf) =	vpush v6, $0x9;
	v7 =	vld [tilespmem:s13+$0xCF80]  }
0x3d6: {  	(v2sf) =	vpush v6, $0x8;
	v63 =	vld [tilespmem:s13+$0xCF90]  }
0x3d7: {  	v9 =	vld [tilespmem:s16+$0x4380]  }
0x3d8: {  	v16 =	vld [tilespmem:s16+$0x4390]  }
0x3d9: {  	v17 =	vld [tilespmem:s11+$0x4F80];
	s16 =	sadd.s32 $0xFFFFFFF8, s30  }
0x3da: {  	v18 =	vld [tilespmem:s11+$0x4F90];
	v19 =	vmov s16  }
0x3db: {  	v13 =	vand.u32 $0x77, v19  }
0x3dc: {  	v13 =	vbroadcast v13, $0x0  }
0x3dd: {  	v7 =	vsub.f32 v7, v9;
	v8 =	vsub.f32 v63, v16  }
0x3de: {  	v20 =	vor.u32 v3, v13  }
0x3df: {  	v7 =	vmul.f32 v7, v17;
	v8 =	vmul.f32 v8, v18  }
0x3e0: {  	s11 =	spop (v2sf)  }
0x3e1: {  	s12 =	spop (v2sf);
	v7 =	vadd.f32 v8, v7  }
0x3e2: {  	s13 =	spop (v2sf)  }
0x3e3: {  	s14 =	spop (v2sf);
	[tilespmem:v20+s21+$0x0] =	vst.idx.msk $0xffff, v7  }
0x3e4: {  	s16 =	spop (v2sf);
	v7 =	vld [tilespmem:s14+$0xD000]  }
0x3e5: {  	v21 =	vld [tilespmem:s14+$0xD010];
	s14 =	spop (v2sf)  }
0x3e6: {  	v9 =	vld [tilespmem:s14+$0x4400]  }
0x3e7: {  	v22 =	vld [tilespmem:s14+$0x4410]  }
0x3e8: {  	v23 =	vld [tilespmem:s12+$0x5000];
	s14 =	sadd.s32 $0xFFFFFFF9, s30  }
0x3e9: {  	v24 =	vld [tilespmem:s12+$0x5010];
	v25 =	vmov s14  }
0x3ea: {  	v13 =	vand.u32 $0x78, v25  }
0x3eb: {  	v13 =	vbroadcast v13, $0x0  }
0x3ec: {  	v7 =	vsub.f32 v7, v9;
	v8 =	vsub.f32 v21, v22  }
0x3ed: {  	v26 =	vor.u32 v3, v13  }
0x3ee: {  	v7 =	vmul.f32 v7, v23;
	v8 =	vmul.f32 v8, v24  }
0x3ef: {  	(v2sf) =	vpush v4, $0xB  }
0x3f0: {  	(v2sf) =	vpush v4, $0xA;
	v7 =	vadd.f32 v8, v7  }
0x3f1: {  	(v2sf) =	vpush v5, $0xB  }
0x3f2: {  	(v2sf) =	vpush v5, $0xA;
	[tilespmem:v26+s21+$0x0] =	vst.idx.msk $0xffff, v7  }
0x3f3: {  	(v2sf) =	vpush v6, $0xB;
	v7 =	vld [tilespmem:s13+$0xD080]  }
0x3f4: {  	(v2sf) =	vpush v6, $0xA;
	v27 =	vld [tilespmem:s13+$0xD090]  }
0x3f5: {  	v9 =	vld [tilespmem:s16+$0x4480]  }
0x3f6: {  	v28 =	vld [tilespmem:s16+$0x4490]  }
0x3f7: {  	v29 =	vld [tilespmem:s11+$0x5080];
	s13 =	sadd.s32 $0xFFFFFFFA, s30  }
0x3f8: {  	v30 =	vld [tilespmem:s11+$0x5090];
	v31 =	vmov s13  }
0x3f9: {  	v13 =	vand.u32 $0x79, v31  }
0x3fa: {  	v13 =	vbroadcast v13, $0x0  }
0x3fb: {  	v7 =	vsub.f32 v7, v9;
	v8 =	vsub.f32 v27, v28  }
0x3fc: {  	v32 =	vor.u32 v3, v13  }
0x3fd: {  	v7 =	vmul.f32 v7, v29;
	v8 =	vmul.f32 v8, v30  }
0x3fe: {  	s11 =	spop (v2sf)  }
0x3ff: {  	s12 =	spop (v2sf);
	v7 =	vadd.f32 v8, v7  }
0x400: {  	s13 =	spop (v2sf)  }
0x401: {  	s14 =	spop (v2sf);
	[tilespmem:v32+s21+$0x0] =	vst.idx.msk $0xffff, v7  }
0x402: {  	s16 =	spop (v2sf);
	v7 =	vld [tilespmem:s14+$0xD100]  }
0x403: {  	v33 =	vld [tilespmem:s14+$0xD110];
	s14 =	spop (v2sf)  }
0x404: {  	v9 =	vld [tilespmem:s14+$0x4500]  }
0x405: {  	v34 =	vld [tilespmem:s14+$0x4510]  }
0x406: {  	v35 =	vld [tilespmem:s12+$0x5100];
	s14 =	sadd.s32 $0xFFFFFFFB, s30  }
0x407: {  	v36 =	vld [tilespmem:s12+$0x5110];
	v37 =	vmov s14  }
0x408: {  	v13 =	vand.u32 $0x7A, v37  }
0x409: {  	v13 =	vbroadcast v13, $0x0  }
0x40a: {  	v7 =	vsub.f32 v7, v9;
	v8 =	vsub.f32 v33, v34  }
0x40b: {  	v38 =	vor.u32 v3, v13  }
0x40c: {  	v7 =	vmul.f32 v7, v35;
	v8 =	vmul.f32 v8, v36  }
0x40d: {  	(v2sf) =	vpush v4, $0xD  }
0x40e: {  	(v2sf) =	vpush v4, $0xC;
	v7 =	vadd.f32 v8, v7  }
0x40f: {  	(v2sf) =	vpush v5, $0xD  }
0x410: {  	(v2sf) =	vpush v5, $0xC;
	[tilespmem:v38+s21+$0x0] =	vst.idx.msk $0xffff, v7  }
0x411: {  	(v2sf) =	vpush v6, $0xD;
	v7 =	vld [tilespmem:s13+$0xD180]  }
0x412: {  	(v2sf) =	vpush v6, $0xC;
	v39 =	vld [tilespmem:s13+$0xD190]  }
0x413: {  	v9 =	vld [tilespmem:s16+$0x4580]  }
0x414: {  	v40 =	vld [tilespmem:s16+$0x4590]  }
0x415: {  	s14 =	sadd.s32 $0xFFFFFFFC, s30;
	v41 =	vld [tilespmem:s11+$0x5180]  }
0x416: {  	v43 =	vmov s14;
	v42 =	vld [tilespmem:s11+$0x5190]  }
0x417: {  	v13 =	vand.u32 $0x7B, v43  }
0x418: {  	v13 =	vbroadcast v13, $0x0  }
0x419: {  	v7 =	vsub.f32 v7, v9;
	v8 =	vsub.f32 v39, v40  }
0x41a: {  	v44 =	vor.u32 v3, v13  }
0x41b: {  	v7 =	vmul.f32 v7, v41;
	v8 =	vmul.f32 v8, v42  }
0x41c: {  	s11 =	spop (v2sf)  }
0x41d: {  	s12 =	spop (v2sf);
	v7 =	vadd.f32 v8, v7  }
0x41e: {  	s13 =	spop (v2sf)  }
0x41f: {  	s14 =	spop (v2sf);
	[tilespmem:v44+s21+$0x0] =	vst.idx.msk $0xffff, v7  }
0x420: {  	s16 =	spop (v2sf);
	v7 =	vld [tilespmem:s14+$0xD200]  }
0x421: {  	v45 =	vld [tilespmem:s14+$0xD210];
	s14 =	spop (v2sf)  }
0x422: {  	v9 =	vld [tilespmem:s14+$0x4600]  }
0x423: {  	v46 =	vld [tilespmem:s14+$0x4610]  }
0x424: {  	v47 =	vld [tilespmem:s12+$0x5200];
	s14 =	sadd.s32 $0xFFFFFFFD, s30  }
0x425: {  	v48 =	vld [tilespmem:s12+$0x5210];
	v49 =	vmov s14  }
0x426: {  	v13 =	vand.u32 $0x7C, v49  }
0x427: {  	v13 =	vbroadcast v13, $0x0  }
0x428: {  	v7 =	vsub.f32 v7, v9;
	v8 =	vsub.f32 v45, v46  }
0x429: {  	v50 =	vor.u32 v3, v13  }
0x42a: {  	v7 =	vmul.f32 v7, v47;
	v8 =	vmul.f32 v8, v48  }
0x42b: {  	(v2sf) =	vpush v4, $0xF  }
0x42c: {  	(v2sf) =	vpush v4, $0xE;
	v7 =	vadd.f32 v8, v7  }
0x42d: {  	(v2sf) =	vpush v5, $0xF  }
0x42e: {  	(v2sf) =	vpush v5, $0xE;
	[tilespmem:v50+s21+$0x0] =	vst.idx.msk $0xffff, v7  }
0x42f: {  	(v2sf) =	vpush v6, $0xF;
	v4 =	vld [tilespmem:s13+$0xD280]  }
0x430: {  	(v2sf) =	vpush v6, $0xE;
	v5 =	vld [tilespmem:s13+$0xD290]  }
0x431: {  	v51 =	vld [tilespmem:s16+$0x4680]  }
0x432: {  	v7 =	vld [tilespmem:s16+$0x4690]  }
0x433: {  	v52 =	vld [tilespmem:s11+$0x5280];
	s16 =	sadd.s32 $0xFFFFFFFE, s30  }
0x434: {  	v9 =	vld [tilespmem:s11+$0x5290];
	v53 =	vmov s16  }
0x435: {  	v10 =	vand.u32 $0x7D, v53  }
0x436: {  	v10 =	vbroadcast v10, $0x0  }
0x437: {  	v4 =	vsub.f32 v4, v51;
	v5 =	vsub.f32 v5, v7  }
0x438: {  	v54 =	vor.u32 v3, v10  }
0x439: {  	v4 =	vmul.f32 v4, v52;
	v5 =	vmul.f32 v5, v9  }
0x43a: {  	s11 =	spop (v2sf)  }
0x43b: {  	s12 =	spop (v2sf);
	v4 =	vadd.f32 v5, v4  }
0x43c: {  	s13 =	spop (v2sf)  }
0x43d: {  	s14 =	spop (v2sf);
	[tilespmem:v54+s21+$0x0] =	vst.idx.msk $0xffff, v4  }
0x43e: {  	s16 =	spop (v2sf);
	v4 =	vld [tilespmem:s14+$0xD300]  }
0x43f: {  	v5 =	vld [tilespmem:s14+$0xD310];
	s14 =	spop (v2sf)  }
0x440: {  	v6 =	vld [tilespmem:s14+$0x4700]  }
0x441: {  	v55 =	vld [tilespmem:s14+$0x4710]  }
0x442: {  	v56 =	vld [tilespmem:s12+$0x5300];
	s14 =	sadd.s32 $0xFFFFFFFF, s30  }
0x443: {  	v57 =	vld [tilespmem:s12+$0x5310];
	v58 =	vmov s14  }
0x444: {  	v10 =	vand.u32 $0x7E, v58  }
0x445: {  	v10 =	vbroadcast v10, $0x0  }
0x446: {  	v4 =	vsub.f32 v4, v6;
	v5 =	vsub.f32 v5, v55  }
0x447: {  	v59 =	vor.u32 v3, v10  }
0x448: {  	v4 =	vmul.f32 v4, v56;
	v5 =	vmul.f32 v5, v57;
	_ =	sdelay $0x1  }
0x449: {  	v4 =	vadd.f32 v5, v4;
	_ =	sdelay $0x1  }
0x44a: {  	[tilespmem:v59+s21+$0x0] =	vst.idx.msk $0xffff, v4  }
0x44b: {  	v4 =	vld [tilespmem:s13+$0xD380]  }
0x44c: {  	v5 =	vld [tilespmem:s13+$0xD390]  }
0x44d: {  	v6 =	vld [tilespmem:s16+$0x4780]  }
0x44e: {  	v60 =	vld [tilespmem:s16+$0x4790]  }
0x44f: {  	v61 =	vld [tilespmem:s11+$0x5380]  }
0x450: {  	v62 =	vld [tilespmem:s11+$0x5390];
	_ =	sdelay $0x2  }
0x451: {  	v4 =	vsub.f32 v4, v6;
	v5 =	vsub.f32 v5, v60  }
0x452: {  	p0 =	sne.s32 s19, $0xE000;
	v63 =	vor.u32 s30, v0  }
.Ltmp4:
0x453: {  	v4 =	vmul.f32 v4, v61;
	v5 =	vmul.f32 v5, v62;
	(pc) =	sbr.rel @p0 .LBB2_10-.Ltmp4, $4  }
0x454: {  	_ = 	snop  }
0x455: {  	v4 =	vadd.f32 v5, v4  }
0x456: {  	s15 =	sadd.s32 $0x10, s15  }
0x457: {  	s17 =	sadd.s32 $0x10, s17;
	s19 =	sadd.s32 $0x2000, s19;
	s30 =	sadd.s32 $0x10, s30;
	[tilespmem:v63+s21+$0x0] =	vst.idx.msk $0xffff, v4  }
0x458: {  	s11 =	sand.u32 $0x1F0, s29;
	v5 =	vld [tilespmem:s21+$0x0]  }
0x459: {  	v4 =	vld [tilespmem:s11+$0x18E00];
	_ =	sdelay $0x1  }
0x45a: {  	v6 =	vld [tilespmem:s11+$0x19000];
	_ =	sdelay $0x1  }
0x45b: {  	v7 =	vld [tilespmem:s11+$0x19200]  }
0x45c: {  	v4 =	vadd.f32 v4, v5  }
0x45d: {  	v5 =	vld [tilespmem:s11+$0x19400]  }
0x45e: {  	v4 =	vadd.f32 v6, v4  }
0x45f: {  	v6 =	vld [tilespmem:s11+$0x19600]  }
0x460: {  	v4 =	vadd.f32 v7, v4  }
0x461: {  	v7 =	vld [tilespmem:s11+$0x19800]  }
0x462: {  	v4 =	vadd.f32 v5, v4  }
0x463: {  	v5 =	vld [tilespmem:s11+$0x19A00]  }
0x464: {  	v4 =	vadd.f32 v6, v4  }
0x465: {  	v6 =	vld [tilespmem:s11+$0x19C00]  }
0x466: {  	v4 =	vadd.f32 v7, v4  }
0x467: {  	v7 =	vld [tilespmem:s11+$0x19E00]  }
0x468: {  	v4 =	vadd.f32 v5, v4  }
0x469: {  	v5 =	vld [tilespmem:s11+$0x1A000]  }
0x46a: {  	v4 =	vadd.f32 v6, v4  }
0x46b: {  	v6 =	vld [tilespmem:s11+$0x1A200]  }
0x46c: {  	v4 =	vadd.f32 v7, v4  }
0x46d: {  	v7 =	vld [tilespmem:s11+$0x1A400]  }
0x46e: {  	v4 =	vadd.f32 v5, v4  }
0x46f: {  	v5 =	vld [tilespmem:s11+$0x1A600]  }
0x470: {  	v4 =	vadd.f32 v6, v4  }
0x471: {  	v6 =	vld [tilespmem:s11+$0x1A800]  }
0x472: {  	v4 =	vadd.f32 v7, v4  }
0x473: {  	v7 =	vld [tilespmem:s11+$0x1AA00]  }
0x474: {  	v4 =	vadd.f32 v5, v4;
	_ =	sdelay $0x1  }
0x475: {  	v4 =	vadd.f32 v6, v4;
	_ =	sdelay $0x1  }
0x476: {  	v4 =	vadd.f32 v7, v4  }
0x477: {  	s15 =	simm.s32 $0x1AC00;
	s30 =	simm.s32 $0x10  }
0x478: {  	s17 =	sand.u32 $0x1F0, s30;
	[tilespmem:s15+$0x0] =	vst v4  }
0x479: {  	s21 =	simm.s32 $0x20;
	s19 =	simm.s32 $0x18C10;
	v4 =	vld [tilespmem:s17+$0x18E00]  }
.LBB2_12:
0x47a: {  	p0 =	sne.s32 s21, $0x1F0;
	v5 =	vld [tilespmem:s19+$0x0];
	_ =	sdelay $0x1  }
0x47b: {  	v6 =	vld [tilespmem:s17+$0x19000];
	_ =	sdelay $0x1  }
0x47c: {  	v7 =	vld [tilespmem:s17+$0x19200]  }
0x47d: {  	v4 =	vadd.f32 v4, v5  }
0x47e: {  	v5 =	vld [tilespmem:s17+$0x19400]  }
0x47f: {  	v4 =	vadd.f32 v6, v4  }
0x480: {  	v6 =	vld [tilespmem:s17+$0x19600]  }
0x481: {  	v4 =	vadd.f32 v7, v4  }
0x482: {  	v7 =	vld [tilespmem:s17+$0x19800]  }
0x483: {  	v4 =	vadd.f32 v5, v4  }
0x484: {  	v5 =	vld [tilespmem:s17+$0x19A00]  }
0x485: {  	v4 =	vadd.f32 v6, v4  }
0x486: {  	v6 =	vld [tilespmem:s17+$0x19C00]  }
0x487: {  	v4 =	vadd.f32 v7, v4  }
0x488: {  	v7 =	vld [tilespmem:s17+$0x19E00]  }
0x489: {  	v4 =	vadd.f32 v5, v4  }
0x48a: {  	v5 =	vld [tilespmem:s17+$0x1A000]  }
0x48b: {  	v4 =	vadd.f32 v6, v4  }
0x48c: {  	v6 =	vld [tilespmem:s17+$0x1A200]  }
0x48d: {  	v4 =	vadd.f32 v7, v4  }
0x48e: {  	v7 =	vld [tilespmem:s17+$0x1A400]  }
0x48f: {  	v4 =	vadd.f32 v5, v4  }
0x490: {  	v5 =	vld [tilespmem:s17+$0x1A600]  }
0x491: {  	v4 =	vadd.f32 v6, v4  }
0x492: {  	v6 =	vld [tilespmem:s17+$0x1A800]  }
0x493: {  	v4 =	vadd.f32 v7, v4  }
0x494: {  	v7 =	vld [tilespmem:s17+$0x1AA00]  }
0x495: {  	v4 =	vadd.f32 v5, v4;
	_ =	sdelay $0x1  }
0x496: {  	v4 =	vadd.f32 v6, v4  }
.Ltmp5:
0x497: {  	(pc) =	sbr.rel @p0 .LBB2_12-.Ltmp5, $4  }
0x498: {  	v4 =	vadd.f32 v7, v4  }
0x499: {  	s15 =	sadd.s32 $0x10, s15  }
0x49a: {  	s17 =	sand.u32 $0x1F0, s21;
	[tilespmem:s15+$0x0] =	vst v4  }
0x49b: {  	s19 =	sadd.s32 $0x10, s19;
	s21 =	sadd.s32 $0x10, s21;
	v4 =	vld [tilespmem:s17+$0x18E00]  }
0x49c: {  	v5 =	vld [tilespmem:s19+$0x0];
	_ =	sdelay $0x1  }
0x49d: {  	v6 =	vld [tilespmem:s17+$0x19000];
	_ =	sdelay $0x1  }
0x49e: {  	v7 =	vld [tilespmem:s17+$0x19200]  }
0x49f: {  	v4 =	vadd.f32 v4, v5  }
0x4a0: {  	v5 =	vld [tilespmem:s17+$0x19400]  }
0x4a1: {  	v4 =	vadd.f32 v6, v4  }
0x4a2: {  	v56 =	vld [tilespmem:s17+$0x19600]  }
0x4a3: {  	v4 =	vadd.f32 v7, v4  }
0x4a4: {  	v57 =	vld [tilespmem:s17+$0x19800]  }
0x4a5: {  	v4 =	vadd.f32 v5, v4  }
0x4a6: {  	v5 =	vld [tilespmem:s17+$0x19A00]  }
0x4a7: {  	v4 =	vadd.f32 v56, v4  }
0x4a8: {  	v58 =	vld [tilespmem:s17+$0x19C00]  }
0x4a9: {  	v4 =	vadd.f32 v57, v4  }
0x4aa: {  	v59 =	vld [tilespmem:s17+$0x19E00]  }
0x4ab: {  	v4 =	vadd.f32 v5, v4  }
0x4ac: {  	v5 =	vld [tilespmem:s17+$0x1A000]  }
0x4ad: {  	v4 =	vadd.f32 v58, v4  }
0x4ae: {  	v60 =	vld [tilespmem:s17+$0x1A200]  }
0x4af: {  	v4 =	vadd.f32 v59, v4  }
0x4b0: {  	v61 =	vld [tilespmem:s17+$0x1A400]  }
0x4b1: {  	v4 =	vadd.f32 v5, v4  }
0x4b2: {  	v5 =	vld [tilespmem:s17+$0x1A600]  }
0x4b3: {  	v4 =	vadd.f32 v60, v4  }
0x4b4: {  	v62 =	vld [tilespmem:s17+$0x1A800]  }
0x4b5: {  	v4 =	vadd.f32 v61, v4  }
0x4b6: {  	v63 =	vld [tilespmem:s17+$0x1AA00]  }
0x4b7: {  	v4 =	vadd.f32 v5, v4;
	_ =	sdelay $0x1  }
0x4b8: {  	v4 =	vadd.f32 v62, v4;
	_ =	sdelay $0x1  }
0x4b9: {  	s28 =	sadd.s32 $0x1, s28;
	v4 =	vadd.f32 v63, v4  }
0x4ba: {  	s11 =	sadd.s32 $0x10, s15;
	p0 =	sne.s32 s28, s8  }
.Ltmp6:
0x4bb: {  	s30 =	simm.s32 $0x1AC00;
	[tilespmem:s11+$0x0] =	vst v4;
	(pc) =	sbr.rel @p0 .LBB2_1-.Ltmp6, $4  }
0x4bc: {  	[hbm4b:s7+s2] =	stream.linear.scatter [tilespmem:s30], [sflag:$0x7], $0x200, $0x38;
	[tilespmem:$0x1AE00] =	vst v63  }
0x4bd: {  	_ =	swait.ge [sflag:s9], $0x200  }
0x4be: {  	s13 =	simm.s32 $0x600;
	[sflag:s9] =	ssyncset.done $0x0  }
0x4bf: {  	s14 =	simm.s32 $0xC00;
	s16 =	simm.s32 $0x800;
	[sflag:s9] =	ssyncadd.s32 $0xFFFFFE00  }
0x4c0: {  	_ =	sfence.sel $0x180000  }
0x4c1: {  	[bflag:$0x0] =	sbarrier.arrive $0xFFFF  }
0x4c2: {  	_ =	strace $0x90000047  }
0x4c3: {  	s0 =	stileid.u32;
	[bflag:$0x2] =	sbarrier.arrive $0xFFFF  }
0x4c4: {  	p0 =	sne.s32 s0, $0x0;
	s0 =	rddreg [dreg:$0x2]  }
0x4c5: {  	s0 =	sadd.s32 @!p0 $0x100000, s0  }
0x4c6: {  	[sflag:s0] =	ssyncadd.tile.s32 @!p0 $0x1;
	_ =	shalt  }
.Lfunc_end2:
_tile_overlayer_lowered:
.L_overlay_start_2:
0x4c7: {  	(tag) =	ssettag $0x2  }
0x4c8: {  	s0 =	rddreg [dreg:$0x0];
	s2 =	stileid.u32  }
0x4c9: {  	s1 =	rddreg [dreg:$0x1];
	p0 =	sne.s32 s2, $0x0  }
0x4ca: {  	s3 =	rddreg [dreg:$0x2];
	[bflag:$0x3] =	sbarrier.arrive $0xFFFF;
	s2 =	simm.s32 @!p0 $0x1C07  }
0x4cb: {  	[timem:s3], [sflag:s2] =	dma.local @!p0 [hbm:s0], s1  }
0x4cc: {  	s0 =	simm.s32 @!p0 $0x7  }
0x4cd: {  	_ =	swait.ge @!p0 [sflag:s0], s1  }
0x4ce: {  	s1 =	ssub.s32 @!p0 $0x0, s1;
	[sflag:s0] =	ssyncset.done @!p0 $0x0  }
0x4cf: {  	[sflag:s0] =	ssyncadd.s32 @!p0 s1  }
0x4d0: {  	[bflag:$0x3] =	sbarrier.arrive $0xFFFF  }
0x4d1: {  	_ =	shalt  }

</sc_bundles>
